<compile_context>
chip_gen: v7x
topology: tpu7x:2x2x1
jax: 0.10.2.dev20260603
libtpu: 0.0.44.dev20260713+nightly
codegen_flags: <defaults>
</compile_context>

<pallas_src>
import functools

import jax
import jax.numpy as jnp
from jax import lax
from jax.experimental import pallas as pl
from jax.experimental.pallas import tpu as pltpu
from jax.experimental.pallas import tpu_sc as plsc

NN = 10000
NP = 10240
DD = 256
DH = 128
EE = 160000
EP = 16 * NP
CHUNK = 256
NCHUNKS = EP // CHUNK
NTILES = 16
CPT = NCHUNKS // NTILES
ROWS_PER_TILE = NP // NTILES
RBLK = 1024


def _sc_aggregate(xf, src, dst):
    mesh = plsc.VectorSubcoreMesh(core_axis_name="c", subcore_axis_name="s",
                                  num_cores=2, num_subcores=NTILES)

    @functools.partial(
        pl.kernel,
        mesh=mesh,
        out_type=[
            jax.ShapeDtypeStruct((2 * NP, DH), jnp.float32),
            jax.ShapeDtypeStruct((NTILES, NP), jnp.float32),
        ],
        scratch_types=[
            pltpu.VMEM((CHUNK // 2,), jnp.int32),
            pltpu.VMEM((CHUNK // 2,), jnp.int32),
            pltpu.VMEM((CHUNK // 2,), jnp.int32),
            pltpu.VMEM((CHUNK // 2,), jnp.int32),
            pltpu.VMEM((CHUNK // 2,), jnp.int32),
            pltpu.VMEM((CHUNK // 2,), jnp.int32),
            pltpu.VMEM((CHUNK // 2,), jnp.int32),
            pltpu.VMEM((CHUNK // 2,), jnp.int32),
            pltpu.VMEM((CHUNK, DH), jnp.float32),
            pltpu.VMEM((NP,), jnp.float32),
            pltpu.VMEM_SHARED((NP, DH), jnp.float32),
            pltpu.SemaphoreType.DMA,
            pltpu.SemaphoreType.DMA,
            pltpu.SemaphoreType.DMA,
            pltpu.SemaphoreType.DMA,
        ],
        compiler_params=pltpu.CompilerParams(needs_layout_passes=False),
    )
    def k(xf_hbm, src_hbm, dst_hbm, agg_hbm, degp_hbm,
          src_a1, src_a2, dst_a1, dst_a2, src_b1, src_b2, dst_b1, dst_b2,
          rows_v, deg_v, acc_sh, sem, sem2, sems, semi):
        c = lax.axis_index("c")
        s = lax.axis_index("s")
        zero16 = jnp.zeros((16,), jnp.float32)
        ones16 = jnp.ones((16,), jnp.float32)
        c_off = c * NP

        def _zrow(i, carry):
            def _zcol(j, carry2):
                rows_v[i, pl.ds(j * 16, 16)] = zero16
                return carry2
            return lax.fori_loop(0, DH // 16, _zcol, carry)
        lax.fori_loop(0, CHUNK, _zrow, 0)

        def _zdeg(i, carry):
            deg_v[pl.ds(i * 16, 16)] = zero16
            return carry
        lax.fori_loop(0, NP // 16, _zdeg, 0)

        base = s * ROWS_PER_TILE
        for b in range(ROWS_PER_TILE // CHUNK):
            pltpu.sync_copy(rows_v,
                            acc_sh.at[pl.ds(base + b * CHUNK, CHUNK)])
        if ROWS_PER_TILE % CHUNK:
            pltpu.sync_copy(rows_v.at[pl.ds(0, ROWS_PER_TILE % CHUNK)],
                            acc_sh.at[pl.ds(base + ROWS_PER_TILE - ROWS_PER_TILE % CHUNK,
                                            ROWS_PER_TILE % CHUNK)])
        HC = CHUNK // 2

        def _load_idx(off, sv1, sv2, dv1, dv2):
            return (pltpu.async_copy(src_hbm.at[pl.ds(off, HC)], sv1, semi),
                    pltpu.async_copy(src_hbm.at[pl.ds(off + HC, HC)], sv2,
                                     semi),
                    pltpu.async_copy(dst_hbm.at[pl.ds(off, HC)], dv1, semi),
                    pltpu.async_copy(dst_hbm.at[pl.ds(off + HC, HC)], dv2,
                                     semi))

        for d in _load_idx(s * CHUNK, src_a1, src_a2, dst_a1, dst_a2):
            d.wait()
        plsc.subcore_barrier()

        def _process(sv1, sv2, dv1, dv2):
            for sv in (sv1, sv2):
                for j in range(HC // 16):
                    sl = pl.ds(j * 16, 16)
                    sv[sl] = sv[sl] + c_off
            dg1 = pltpu.async_copy(xf_hbm.at[sv1], rows_v.at[pl.ds(0, HC)],
                                   sem)
            dg2 = pltpu.async_copy(xf_hbm.at[sv2], rows_v.at[pl.ds(HC, HC)],
                                   sem2)
            dg1.wait()
            ds1 = pltpu.async_copy(rows_v.at[pl.ds(0, HC)], acc_sh.at[dv1],
                                   sems, add=True)
            dg2.wait()
            ds2 = pltpu.async_copy(rows_v.at[pl.ds(HC, HC)], acc_sh.at[dv2],
                                   sems, add=True)

            @pl.when(c == 0)
            def _():
                for dv in (dv1, dv2):
                    for j in range(HC // 16):
                        d16 = dv[pl.ds(j * 16, 16)]
                        plsc.addupdate_scatter(deg_v, [d16], ones16)
            ds1.wait()
            ds2.wait()

        def _edge_pair(u, carry):
            tb_off = (s + (2 * u + 1) * NTILES) * CHUNK
            db = _load_idx(tb_off, src_b1, src_b2, dst_b1, dst_b2)
            _process(src_a1, src_a2, dst_a1, dst_a2)
            for d in db:
                d.wait()
            unext = jnp.minimum(2 * u + 2, CPT - 1)
            ta_off = (s + unext * NTILES) * CHUNK
            da = _load_idx(ta_off, src_a1, src_a2, dst_a1, dst_a2)
            _process(src_b1, src_b2, dst_b1, dst_b2)
            for d in da:
                d.wait()
            return carry

        lax.fori_loop(0, CPT // 2, _edge_pair, 0)
        plsc.subcore_barrier()

        pltpu.sync_copy(acc_sh.at[pl.ds(base, ROWS_PER_TILE)],
                        agg_hbm.at[pl.ds(c_off + base, ROWS_PER_TILE)])

        @pl.when(c == 0)
        def _():
            pltpu.sync_copy(deg_v, degp_hbm.at[s])

    return k(xf, src, dst)


def _tc_residual(xf, wr2, bl2d):
    nblk = NP // RBLK

    def body(x0_ref, x1_ref, wr_ref, b_ref, o_ref):
        o_ref[...] = (x0_ref[...] @ wr_ref[0]
                      + x1_ref[...] @ wr_ref[1]
                      + b_ref[...])

    return pl.pallas_call(
        body,
        grid=(nblk,),
        in_specs=[
            pl.BlockSpec((RBLK, DH), lambda i: (i, 0)),
            pl.BlockSpec((RBLK, DH), lambda i: (i + nblk, 0)),
            pl.BlockSpec((2, DH, DD), lambda i: (0, 0, 0)),
            pl.BlockSpec((1, DD), lambda i: (0, 0)),
        ],
        out_specs=pl.BlockSpec((RBLK, DD), lambda i: (i, 0)),
        out_shape=jax.ShapeDtypeStruct((NP, DD), jnp.float32),
        compiler_params=pltpu.CompilerParams(
            dimension_semantics=("arbitrary",)),
    )(xf, xf, wr2, bl2d)


def _tc_combine(aggf, degp, res, wl2, last):
    nblk = NP // RBLK

    def body(dp_ref, a0_ref, a1_ref, r_ref, wl_ref, o_ref):
        deg = jnp.sum(dp_ref[...], axis=0)
        inv = 1.0 / jnp.maximum(deg, 1.0)
        h = ((a0_ref[...] * inv[:, None]) @ wl_ref[0]
             + (a1_ref[...] * inv[:, None]) @ wl_ref[1]
             + r_ref[...])
        if last:
            o_ref[...] = h
        else:
            nrm = jnp.sqrt(jnp.sum(h * h, axis=1, keepdims=True))
            h = h / jnp.maximum(nrm, 1e-12)
            h = jnp.maximum(h, 0.0)
            o_ref[0] = h[:, :DH]
            o_ref[1] = h[:, DH:]

    if last:
        out_shape = jax.ShapeDtypeStruct((NP, DD), jnp.float32)
        out_spec = pl.BlockSpec((RBLK, DD), lambda i: (i, 0))
    else:
        out_shape = jax.ShapeDtypeStruct((2, NP, DH), jnp.float32)
        out_spec = pl.BlockSpec((2, RBLK, DH), lambda i: (0, i, 0))

    return pl.pallas_call(
        body,
        grid=(nblk,),
        in_specs=[
            pl.BlockSpec((NTILES, RBLK), lambda i: (0, i)),
            pl.BlockSpec((RBLK, DH), lambda i: (i, 0)),
            pl.BlockSpec((RBLK, DH), lambda i: (i + nblk, 0)),
            pl.BlockSpec((RBLK, DD), lambda i: (i, 0)),
            pl.BlockSpec((2, DH, DD), lambda i: (0, 0, 0)),
        ],
        out_specs=out_spec,
        out_shape=out_shape,
        compiler_params=pltpu.CompilerParams(
            dimension_semantics=("arbitrary",)),
    )(degp, aggf, aggf, res, wl2)


def kernel(x, adjs, Wl0, bl0, Wr0, Wl1, bl1, Wr1, Wl2, bl2, Wr2):
    params = [(Wl0, bl0, Wr0), (Wl1, bl1, Wr1), (Wl2, bl2, Wr2)]
    xp = jnp.pad(x, ((0, NP - NN), (0, 0)))
    xf = xp.reshape(NP, 2, DH).transpose(1, 0, 2).reshape(2 * NP, DH)
    epad = NN + (jnp.arange(EP - EE, dtype=jnp.int32) % (NP - NN))
    out = None
    for i in range(3):
        src = jnp.concatenate([adjs[i, 0, 0], epad])
        dst = jnp.concatenate([adjs[i, 0, 1], epad])
        Wl, bl, Wr = params[i]
        wl2 = Wl.reshape(2, DH, DD)
        wr2 = Wr.reshape(2, DH, DD)
        bl2d = bl.reshape(1, DD)
        aggf, degp = _sc_aggregate(xf, src, dst)
        res = _tc_residual(xf, wr2, bl2d)
        last = i == 2
        y = _tc_combine(aggf, degp, res, wl2, last)
        if last:
            out = y[:NN]
        else:
            xf = y.reshape(2 * NP, DH)
    return out

# --- scband reference (transcript-rebuilt; emitter-appended) ---
"""Pipeline reference for scband-sage-76227079569635 (READ-ONLY COPY).

The authoritative reference and input builder live on the scoring server;
editing this copy changes nothing except your own understanding.
"""

import jax, jax.numpy as jnp
import numpy as np

N = 10000
E = 160000
D = 256
L = 3

def setup_inputs(seed: int = 0) -> dict:
    key = jax.random.key(seed)
    ks = jax.random.split(key, 2 + 3 * L)
    x = jax.random.normal(ks[0], (N, D), dtype=jnp.float32)
    adjs = jax.random.randint(ks[1], (L, 3, 2, E), 0, N, dtype=jnp.int32)
    inp = {"x": x, "adjs": adjs}
    scale = 1.0 / np.sqrt(D)
    for i in range(L):
        inp[f"Wl{i}"] = jax.random.normal(ks[2 + 3 * i], (D, D), dtype=jnp.float32) * scale
        inp[f"bl{i}"] = jnp.zeros((D,), dtype=jnp.float32)
        inp[f"Wr{i}"] = jax.random.normal(ks[3 + 3 * i], (D, D), dtype=jnp.float32) * scale
    return inp

def sage_conv(x, edge_index, Wl, bl, Wr):
    # PyG SAGEConv with mean aggregation: out = lin_l(mean_j x_j) + lin_r(x)
    src = edge_index[0]
    dst = edge_index[1]
    msgs = jnp.take(x, src, axis=0)
    agg = jax.ops.segment_sum(msgs, dst, num_segments=x.shape[0])
    deg = jax.ops.segment_sum(jnp.ones_like(dst, dtype=x.dtype), dst, num_segments=x.shape[0])
    agg = agg / jnp.clip(deg, 1.0)[:, None]
    return agg @ Wl + bl + x @ Wr

def l2_normalize(x):
    n = jnp.linalg.norm(x, axis=1, keepdims=True)
    return x / jnp.clip(n, 1e-12)

def reference(x, adjs, Wl0, bl0, Wr0, Wl1, bl1, Wr1, Wl2, bl2, Wr2):
    params = [(Wl0, bl0, Wr0), (Wl1, bl1, Wr1), (Wl2, bl2, Wr2)]
    for i in range(L):
        edge_index = adjs[i, 0]
        Wl, bl, Wr = params[i]
        x = sage_conv(x, edge_index, Wl, bl, Wr)
        if i != L - 1:
            x = l2_normalize(x)
            x = jax.nn.relu(x)
    layer_embeddings = x
    return layer_embeddings

if __name__ == "__main__":
    import jax
    _d = setup_inputs()
    print(jax.jit(kernel)(*tuple(_d.values())))

</pallas_src>

<mosaic_0001>
#map = affine_map<(d0, d1) -> (0, 0)>
#map1 = affine_map<(d0, d1) -> (0)>
module attributes {stable_mosaic.version = 14 : i64} {
  func.func @k(%arg0: i32, %arg1: i32, %arg2: memref<20480x128xf32, #tpu.memory_space<hbm>>, %arg3: memref<163840xi32, #tpu.memory_space<hbm>>, %arg4: memref<163840xi32, #tpu.memory_space<hbm>>, %arg5: memref<20480x128xf32, #tpu.memory_space<hbm>>, %arg6: memref<16x10240xf32, #tpu.memory_space<hbm>>, %arg7: memref<128xi32, #tpu.memory_space<vmem>>, %arg8: memref<128xi32, #tpu.memory_space<vmem>>, %arg9: memref<128xi32, #tpu.memory_space<vmem>>, %arg10: memref<128xi32, #tpu.memory_space<vmem>>, %arg11: memref<128xi32, #tpu.memory_space<vmem>>, %arg12: memref<128xi32, #tpu.memory_space<vmem>>, %arg13: memref<128xi32, #tpu.memory_space<vmem>>, %arg14: memref<128xi32, #tpu.memory_space<vmem>>, %arg15: memref<256x128xf32, #tpu.memory_space<vmem>>, %arg16: memref<10240xf32, #tpu.memory_space<vmem>>, %arg17: memref<10240x128xf32, #tpu.memory_space<vmem_shared>>, %arg18: memref<!tpu.dma_semaphore, #tpu.memory_space<semaphore_mem>>, %arg19: memref<!tpu.dma_semaphore, #tpu.memory_space<semaphore_mem>>, %arg20: memref<!tpu.dma_semaphore, #tpu.memory_space<semaphore_mem>>, %arg21: memref<!tpu.dma_semaphore, #tpu.memory_space<semaphore_mem>>) attributes {dimension_semantics = [#tpu.dimension_semantics<core_parallel>, #tpu.dimension_semantics<subcore_parallel>], iteration_bounds = array<i64: 2, 16>, scalar_prefetch = 0 : i64, scratch_operands = 15 : i64, tpu.core_type = #tpu.core_type<sc_vector_subcore>, window_params = [{transform_indices = #map}, {transform_indices = #map1}, {transform_indices = #map1}, {transform_indices = #map}, {transform_indices = #map}]} {
    %broadcast_in_dim3A = arith.constant 0.000000e+00 : f32
    %broadcast_in_dim3A_0 = vector.broadcast %broadcast_in_dim3A : f32 to vector<16xf32>
    %broadcast_in_dim3A_1 = arith.constant 1.000000e+00 : f32
    %broadcast_in_dim3A_2 = vector.broadcast %broadcast_in_dim3A_1 : f32 to vector<16xf32>
    %mul3A = arith.constant 10240 : i32
    %mul3A_3 = arith.muli %arg0, %mul3A : i32
    %scan3A = arith.constant 0 : i32
    %scan3A_4 = arith.constant 0 : i32
    %scan3A_5 = arith.constant 256 : i32
    %scan3A_6 = arith.addi %scan3A_4, %scan3A_5 : i32
    %scan3A_7 = arith.constant 1 : i32
    scf.for %scan3A_53 = %scan3A_4 to %scan3A_6 step %scan3A_7  : i32 {
      %scan3A_54 = arith.constant 0 : i32
      %scan3A_55 = arith.constant 8 : i32
      %scan3A_56 = arith.addi %scan3A_54, %scan3A_55 : i32
      %scan3A_57 = arith.constant 1 : i32
      scf.for %scan3A_59 = %scan3A_54 to %scan3A_56 step %scan3A_57  : i32 {
        %mul3A_60 = arith.constant 16 : i32
        %mul3A_61 = arith.muli %scan3A_59, %mul3A_60 : i32
        %swap3A = arith.index_cast %scan3A_53 : i32 to index
        %swap3A_62 = arith.index_cast %mul3A_61 : i32 to index
        %swap3A_63 = tpu.vector_load %arg15[%swap3A, %swap3A_62] {strides = array<i32>} : memref<256x128xf32, #tpu.memory_space<vmem>>, vector<16xf32>,
        tpu.vector_store %arg15[%swap3A, %swap3A_62], %broadcast_in_dim3A_0 {strides = array<i32>} : memref<256x128xf32, #tpu.memory_space<vmem>>, vector<16xf32>,
      }
      %scan3A_58 = arith.constant 8 : i32
    }
    %scan3A_8 = arith.constant 256 : i32
    %scan3A_9 = arith.constant 0 : i32
    %scan3A_10 = arith.constant 0 : i32
    %scan3A_11 = arith.constant 640 : i32
    %scan3A_12 = arith.addi %scan3A_10, %scan3A_11 : i32
    %scan3A_13 = arith.constant 1 : i32
    scf.for %scan3A_53 = %scan3A_10 to %scan3A_12 step %scan3A_13  : i32 {
      %mul3A_54 = arith.constant 16 : i32
      %mul3A_55 = arith.muli %scan3A_53, %mul3A_54 : i32
      %swap3A = arith.index_cast %mul3A_55 : i32 to index
      %swap3A_56 = tpu.vector_load %arg16[%swap3A] {strides = array<i32>} : memref<10240xf32, #tpu.memory_space<vmem>>, vector<16xf32>,
      tpu.vector_store %arg16[%swap3A], %broadcast_in_dim3A_0 {strides = array<i32>} : memref<10240xf32, #tpu.memory_space<vmem>>, vector<16xf32>,
    }
    %scan3A_14 = arith.constant 640 : i32
    %mul3A_15 = arith.constant 640 : i32
    %mul3A_16 = arith.muli %arg1, %mul3A_15 : i32
    %add3A = arith.constant 0 : i32
    %add3A_17 = arith.addi %mul3A_16, %add3A : i32
    "tpu.region"() ({
      %run_scoped3A = tpu.sem_alloc : memref<!tpu.dma_semaphore, #tpu.memory_space<semaphore_mem>>
      %dma_start3A_53 = arith.constant 0 : i32
      %dma_start3A_54 = tpu.memref_slice %arg17[%add3A_17, %dma_start3A_53] : memref<10240x128xf32, #tpu.memory_space<vmem_shared>> -> memref<256x128xf32, #tpu.memory_space<vmem_shared>>
      %dma_start3A_55 = arith.constant 0 : i32
      %dma_start3A_56 = tpu.memref_slice %arg17[%add3A_17, %dma_start3A_55] : memref<10240x128xf32, #tpu.memory_space<vmem_shared>> -> memref<256x128xf32, #tpu.memory_space<vmem_shared>>
      tpu.enqueue_dma source(%arg15 : memref<256x128xf32, #tpu.memory_space<vmem>>) target(%dma_start3A_56 : memref<256x128xf32, #tpu.memory_space<vmem_shared>>) target_semaphore(%run_scoped3A : memref<!tpu.dma_semaphore, #tpu.memory_space<semaphore_mem>>)
      %dma_wait3A_57 = arith.constant 0 : i32
      %dma_wait3A_58 = tpu.memref_slice %arg17[%add3A_17, %dma_wait3A_57] : memref<10240x128xf32, #tpu.memory_space<vmem_shared>> -> memref<256x128xf32, #tpu.memory_space<vmem_shared>>
      %dma_wait3A_59 = arith.constant 0 : i32
      %dma_wait3A_60 = tpu.memref_slice %arg17[%add3A_17, %dma_wait3A_59] : memref<10240x128xf32, #tpu.memory_space<vmem_shared>> -> memref<256x128xf32, #tpu.memory_space<vmem_shared>>
      tpu.wait_dma2 semaphore(%run_scoped3A : memref<!tpu.dma_semaphore, #tpu.memory_space<semaphore_mem>>) src(%arg15 : memref<256x128xf32, #tpu.memory_space<vmem>>) dst(%dma_wait3A_60 : memref<256x128xf32, #tpu.memory_space<vmem_shared>>)
      tpu.yield
    }) : () -> ()
    %add3A_18 = arith.constant 256 : i32
    %add3A_19 = arith.addi %mul3A_16, %add3A_18 : i32
    "tpu.region"() ({
      %run_scoped3A = tpu.sem_alloc : memref<!tpu.dma_semaphore, #tpu.memory_space<semaphore_mem>>
      %dma_start3A_53 = arith.constant 0 : i32
      %dma_start3A_54 = tpu.memref_slice %arg17[%add3A_19, %dma_start3A_53] : memref<10240x128xf32, #tpu.memory_space<vmem_shared>> -> memref<256x128xf32, #tpu.memory_space<vmem_shared>>
      %dma_start3A_55 = arith.constant 0 : i32
      %dma_start3A_56 = tpu.memref_slice %arg17[%add3A_19, %dma_start3A_55] : memref<10240x128xf32, #tpu.memory_space<vmem_shared>> -> memref<256x128xf32, #tpu.memory_space<vmem_shared>>
      tpu.enqueue_dma source(%arg15 : memref<256x128xf32, #tpu.memory_space<vmem>>) target(%dma_start3A_56 : memref<256x128xf32, #tpu.memory_space<vmem_shared>>) target_semaphore(%run_scoped3A : memref<!tpu.dma_semaphore, #tpu.memory_space<semaphore_mem>>)
      %dma_wait3A_57 = arith.constant 0 : i32
      %dma_wait3A_58 = tpu.memref_slice %arg17[%add3A_19, %dma_wait3A_57] : memref<10240x128xf32, #tpu.memory_space<vmem_shared>> -> memref<256x128xf32, #tpu.memory_space<vmem_shared>>
      %dma_wait3A_59 = arith.constant 0 : i32
      %dma_wait3A_60 = tpu.memref_slice %arg17[%add3A_19, %dma_wait3A_59] : memref<10240x128xf32, #tpu.memory_space<vmem_shared>> -> memref<256x128xf32, #tpu.memory_space<vmem_shared>>
      tpu.wait_dma2 semaphore(%run_scoped3A : memref<!tpu.dma_semaphore, #tpu.memory_space<semaphore_mem>>) src(%arg15 : memref<256x128xf32, #tpu.memory_space<vmem>>) dst(%dma_wait3A_60 : memref<256x128xf32, #tpu.memory_space<vmem_shared>>)
      tpu.yield
    }) : () -> ()
    %add3A_20 = arith.constant 640 : i32
    %add3A_21 = arith.addi %mul3A_16, %add3A_20 : i32
    %sub3A = arith.constant 128 : i32
    %sub3A_22 = arith.subi %add3A_21, %sub3A : i32
    "tpu.region"() ({
      %run_scoped3A = tpu.sem_alloc : memref<!tpu.dma_semaphore, #tpu.memory_space<semaphore_mem>>
      %dma_start3A_53 = arith.constant 0 : i32
      %dma_start3A_54 = arith.constant 0 : i32
      %dma_start3A_55 = tpu.memref_slice %arg15[%dma_start3A_53, %dma_start3A_54] : memref<256x128xf32, #tpu.memory_space<vmem>> -> memref<128x128xf32, #tpu.memory_space<vmem>>
      %dma_start3A_56 = arith.constant 0 : i32
      %dma_start3A_57 = tpu.memref_slice %arg17[%sub3A_22, %dma_start3A_56] : memref<10240x128xf32, #tpu.memory_space<vmem_shared>> -> memref<128x128xf32, #tpu.memory_space<vmem_shared>>
      %dma_start3A_58 = arith.constant 0 : i32
      %dma_start3A_59 = tpu.memref_slice %arg17[%sub3A_22, %dma_start3A_58] : memref<10240x128xf32, #tpu.memory_space<vmem_shared>> -> memref<128x128xf32, #tpu.memory_space<vmem_shared>>
      %dma_start3A_60 = arith.constant 0 : i32
      %dma_start3A_61 = arith.constant 0 : i32
      %dma_start3A_62 = tpu.memref_slice %arg15[%dma_start3A_60, %dma_start3A_61] : memref<256x128xf32, #tpu.memory_space<vmem>> -> memref<128x128xf32, #tpu.memory_space<vmem>>
      tpu.enqueue_dma source(%dma_start3A_62 : memref<128x128xf32, #tpu.memory_space<vmem>>) target(%dma_start3A_59 : memref<128x128xf32, #tpu.memory_space<vmem_shared>>) target_semaphore(%run_scoped3A : memref<!tpu.dma_semaphore, #tpu.memory_space<semaphore_mem>>)
      %dma_wait3A_63 = arith.constant 0 : i32
      %dma_wait3A_64 = arith.constant 0 : i32
      %dma_wait3A_65 = tpu.memref_slice %arg15[%dma_wait3A_63, %dma_wait3A_64] : memref<256x128xf32, #tpu.memory_space<vmem>> -> memref<128x128xf32, #tpu.memory_space<vmem>>
      %dma_wait3A_66 = arith.constant 0 : i32
      %dma_wait3A_67 = tpu.memref_slice %arg17[%sub3A_22, %dma_wait3A_66] : memref<10240x128xf32, #tpu.memory_space<vmem_shared>> -> memref<128x128xf32, #tpu.memory_space<vmem_shared>>
      %dma_wait3A_68 = arith.constant 0 : i32
      %dma_wait3A_69 = tpu.memref_slice %arg17[%sub3A_22, %dma_wait3A_68] : memref<10240x128xf32, #tpu.memory_space<vmem_shared>> -> memref<128x128xf32, #tpu.memory_space<vmem_shared>>
      %dma_wait3A_70 = arith.constant 0 : i32
      %dma_wait3A_71 = arith.constant 0 : i32
      %dma_wait3A_72 = tpu.memref_slice %arg15[%dma_wait3A_70, %dma_wait3A_71] : memref<256x128xf32, #tpu.memory_space<vmem>> -> memref<128x128xf32, #tpu.memory_space<vmem>>
      tpu.wait_dma2 semaphore(%run_scoped3A : memref<!tpu.dma_semaphore, #tpu.memory_space<semaphore_mem>>) src(%dma_wait3A_72 : memref<128x128xf32, #tpu.memory_space<vmem>>) dst(%dma_wait3A_69 : memref<128x128xf32, #tpu.memory_space<vmem_shared>>)
      tpu.yield
    }) : () -> ()
    %mul3A_23 = arith.constant 256 : i32
    %mul3A_24 = arith.muli %arg1, %mul3A_23 : i32
    %dma_start3A = tpu.memref_slice %arg3[%mul3A_24] : memref<163840xi32, #tpu.memory_space<hbm>> -> memref<128xi32, #tpu.memory_space<hbm>>
    %dma_start3A_25 = tpu.memref_slice %arg3[%mul3A_24] : memref<163840xi32, #tpu.memory_space<hbm>> -> memref<128xi32, #tpu.memory_space<hbm>>
    tpu.enqueue_dma source(%dma_start3A_25 : memref<128xi32, #tpu.memory_space<hbm>>) target(%arg7 : memref<128xi32, #tpu.memory_space<vmem>>) target_semaphore(%arg21 : memref<!tpu.dma_semaphore, #tpu.memory_space<semaphore_mem>>)
    %add3A_26 = arith.constant 128 : i32
    %add3A_27 = arith.addi %mul3A_24, %add3A_26 : i32
    %dma_start3A_28 = tpu.memref_slice %arg3[%add3A_27] : memref<163840xi32, #tpu.memory_space<hbm>> -> memref<128xi32, #tpu.memory_space<hbm>>
    %dma_start3A_29 = tpu.memref_slice %arg3[%add3A_27] : memref<163840xi32, #tpu.memory_space<hbm>> -> memref<128xi32, #tpu.memory_space<hbm>>
    tpu.enqueue_dma source(%dma_start3A_29 : memref<128xi32, #tpu.memory_space<hbm>>) target(%arg8 : memref<128xi32, #tpu.memory_space<vmem>>) target_semaphore(%arg21 : memref<!tpu.dma_semaphore, #tpu.memory_space<semaphore_mem>>)
    %dma_start3A_30 = tpu.memref_slice %arg4[%mul3A_24] : memref<163840xi32, #tpu.memory_space<hbm>> -> memref<128xi32, #tpu.memory_space<hbm>>
    %dma_start3A_31 = tpu.memref_slice %arg4[%mul3A_24] : memref<163840xi32, #tpu.memory_space<hbm>> -> memref<128xi32, #tpu.memory_space<hbm>>
    tpu.enqueue_dma source(%dma_start3A_31 : memref<128xi32, #tpu.memory_space<hbm>>) target(%arg9 : memref<128xi32, #tpu.memory_space<vmem>>) target_semaphore(%arg21 : memref<!tpu.dma_semaphore, #tpu.memory_space<semaphore_mem>>)
    %add3A_32 = arith.constant 128 : i32
    %add3A_33 = arith.addi %mul3A_24, %add3A_32 : i32
    %dma_start3A_34 = tpu.memref_slice %arg4[%add3A_33] : memref<163840xi32, #tpu.memory_space<hbm>> -> memref<128xi32, #tpu.memory_space<hbm>>
    %dma_start3A_35 = tpu.memref_slice %arg4[%add3A_33] : memref<163840xi32, #tpu.memory_space<hbm>> -> memref<128xi32, #tpu.memory_space<hbm>>
    tpu.enqueue_dma source(%dma_start3A_35 : memref<128xi32, #tpu.memory_space<hbm>>) target(%arg10 : memref<128xi32, #tpu.memory_space<vmem>>) target_semaphore(%arg21 : memref<!tpu.dma_semaphore, #tpu.memory_space<semaphore_mem>>)
    %dma_wait3A = tpu.memref_slice %arg3[%mul3A_24] : memref<163840xi32, #tpu.memory_space<hbm>> -> memref<128xi32, #tpu.memory_space<hbm>>
    %dma_wait3A_36 = tpu.memref_slice %arg3[%mul3A_24] : memref<163840xi32, #tpu.memory_space<hbm>> -> memref<128xi32, #tpu.memory_space<hbm>>
    tpu.wait_dma2 semaphore(%arg21 : memref<!tpu.dma_semaphore, #tpu.memory_space<semaphore_mem>>) src(%dma_wait3A_36 : memref<128xi32, #tpu.memory_space<hbm>>) dst(%arg7 : memref<128xi32, #tpu.memory_space<vmem>>)
    %dma_wait3A_37 = tpu.memref_slice %arg3[%add3A_27] : memref<163840xi32, #tpu.memory_space<hbm>> -> memref<128xi32, #tpu.memory_space<hbm>>
    %dma_wait3A_38 = tpu.memref_slice %arg3[%add3A_27] : memref<163840xi32, #tpu.memory_space<hbm>> -> memref<128xi32, #tpu.memory_space<hbm>>
    tpu.wait_dma2 semaphore(%arg21 : memref<!tpu.dma_semaphore, #tpu.memory_space<semaphore_mem>>) src(%dma_wait3A_38 : memref<128xi32, #tpu.memory_space<hbm>>) dst(%arg8 : memref<128xi32, #tpu.memory_space<vmem>>)
    %dma_wait3A_39 = tpu.memref_slice %arg4[%mul3A_24] : memref<163840xi32, #tpu.memory_space<hbm>> -> memref<128xi32, #tpu.memory_space<hbm>>
    %dma_wait3A_40 = tpu.memref_slice %arg4[%mul3A_24] : memref<163840xi32, #tpu.memory_space<hbm>> -> memref<128xi32, #tpu.memory_space<hbm>>
    tpu.wait_dma2 semaphore(%arg21 : memref<!tpu.dma_semaphore, #tpu.memory_space<semaphore_mem>>) src(%dma_wait3A_40 : memref<128xi32, #tpu.memory_space<hbm>>) dst(%arg9 : memref<128xi32, #tpu.memory_space<vmem>>)
    %dma_wait3A_41 = tpu.memref_slice %arg4[%add3A_33] : memref<163840xi32, #tpu.memory_space<hbm>> -> memref<128xi32, #tpu.memory_space<hbm>>
    %dma_wait3A_42 = tpu.memref_slice %arg4[%add3A_33] : memref<163840xi32, #tpu.memory_space<hbm>> -> memref<128xi32, #tpu.memory_space<hbm>>
    tpu.wait_dma2 semaphore(%arg21 : memref<!tpu.dma_semaphore, #tpu.memory_space<semaphore_mem>>) src(%dma_wait3A_42 : memref<128xi32, #tpu.memory_space<hbm>>) dst(%arg10 : memref<128xi32, #tpu.memory_space<vmem>>)
    %barrier3A = arith.constant 0 : index
    tpu.barrier barrier_id(%barrier3A)
    %scan3A_43 = arith.constant 0 : i32
    %scan3A_44 = arith.constant 0 : i32
    %scan3A_45 = arith.constant 20 : i32
    %scan3A_46 = arith.addi %scan3A_44, %scan3A_45 : i32
    %scan3A_47 = arith.constant 1 : i32
    scf.for %scan3A_53 = %scan3A_44 to %scan3A_46 step %scan3A_47  : i32 {
      %mul3A_54 = arith.constant 2 : i32
      %mul3A_55 = arith.muli %mul3A_54, %scan3A_53 : i32
      %add3A_56 = arith.constant 1 : i32
      %add3A_57 = arith.addi %mul3A_55, %add3A_56 : i32
      %mul3A_58 = arith.constant 16 : i32
      %mul3A_59 = arith.muli %add3A_57, %mul3A_58 : i32
      %add3A_60 = arith.addi %arg1, %mul3A_59 : i32
      %mul3A_61 = arith.constant 256 : i32
      %mul3A_62 = arith.muli %add3A_60, %mul3A_61 : i32
      %dma_start3A_63 = tpu.memref_slice %arg3[%mul3A_62] : memref<163840xi32, #tpu.memory_space<hbm>> -> memref<128xi32, #tpu.memory_space<hbm>>
      %dma_start3A_64 = tpu.memref_slice %arg3[%mul3A_62] : memref<163840xi32, #tpu.memory_space<hbm>> -> memref<128xi32, #tpu.memory_space<hbm>>
      tpu.enqueue_dma source(%dma_start3A_64 : memref<128xi32, #tpu.memory_space<hbm>>) target(%arg11 : memref<128xi32, #tpu.memory_space<vmem>>) target_semaphore(%arg21 : memref<!tpu.dma_semaphore, #tpu.memory_space<semaphore_mem>>)
      %add3A_65 = arith.constant 128 : i32
      %add3A_66 = arith.addi %mul3A_62, %add3A_65 : i32
      %dma_start3A_67 = tpu.memref_slice %arg3[%add3A_66] : memref<163840xi32, #tpu.memory_space<hbm>> -> memref<128xi32, #tpu.memory_space<hbm>>
      %dma_start3A_68 = tpu.memref_slice %arg3[%add3A_66] : memref<163840xi32, #tpu.memory_space<hbm>> -> memref<128xi32, #tpu.memory_space<hbm>>
      tpu.enqueue_dma source(%dma_start3A_68 : memref<128xi32, #tpu.memory_space<hbm>>) target(%arg12 : memref<128xi32, #tpu.memory_space<vmem>>) target_semaphore(%arg21 : memref<!tpu.dma_semaphore, #tpu.memory_space<semaphore_mem>>)
      %dma_start3A_69 = tpu.memref_slice %arg4[%mul3A_62] : memref<163840xi32, #tpu.memory_space<hbm>> -> memref<128xi32, #tpu.memory_space<hbm>>
      %dma_start3A_70 = tpu.memref_slice %arg4[%mul3A_62] : memref<163840xi32, #tpu.memory_space<hbm>> -> memref<128xi32, #tpu.memory_space<hbm>>
      tpu.enqueue_dma source(%dma_start3A_70 : memref<128xi32, #tpu.memory_space<hbm>>) target(%arg13 : memref<128xi32, #tpu.memory_space<vmem>>) target_semaphore(%arg21 : memref<!tpu.dma_semaphore, #tpu.memory_space<semaphore_mem>>)
      %add3A_71 = arith.constant 128 : i32
      %add3A_72 = arith.addi %mul3A_62, %add3A_71 : i32
      %dma_start3A_73 = tpu.memref_slice %arg4[%add3A_72] : memref<163840xi32, #tpu.memory_space<hbm>> -> memref<128xi32, #tpu.memory_space<hbm>>
      %dma_start3A_74 = tpu.memref_slice %arg4[%add3A_72] : memref<163840xi32, #tpu.memory_space<hbm>> -> memref<128xi32, #tpu.memory_space<hbm>>
      tpu.enqueue_dma source(%dma_start3A_74 : memref<128xi32, #tpu.memory_space<hbm>>) target(%arg14 : memref<128xi32, #tpu.memory_space<vmem>>) target_semaphore(%arg21 : memref<!tpu.dma_semaphore, #tpu.memory_space<semaphore_mem>>)
      %get3A = arith.constant 0 : index
      %get3A_75 = tpu.vector_load %arg7[%get3A] {strides = array<i32>} : memref<128xi32, #tpu.memory_space<vmem>>, vector<16xi32>,
      %add3A_76 = vector.broadcast %mul3A_3 : i32 to vector<16xi32>
      %add3A_77 = arith.addi %get3A_75, %add3A_76 : vector<16xi32>
      %swap3A = arith.constant 0 : index
      %swap3A_78 = tpu.vector_load %arg7[%swap3A] {strides = array<i32>} : memref<128xi32, #tpu.memory_space<vmem>>, vector<16xi32>,
      tpu.vector_store %arg7[%swap3A], %add3A_77 {strides = array<i32>} : memref<128xi32, #tpu.memory_space<vmem>>, vector<16xi32>,
      %get3A_79 = arith.constant 16 : index
      %get3A_80 = tpu.vector_load %arg7[%get3A_79] {strides = array<i32>} : memref<128xi32, #tpu.memory_space<vmem>>, vector<16xi32>,
      %add3A_81 = vector.broadcast %mul3A_3 : i32 to vector<16xi32>
      %add3A_82 = arith.addi %get3A_80, %add3A_81 : vector<16xi32>
      %swap3A_83 = arith.constant 16 : index
      %swap3A_84 = tpu.vector_load %arg7[%swap3A_83] {strides = array<i32>} : memref<128xi32, #tpu.memory_space<vmem>>, vector<16xi32>,
      tpu.vector_store %arg7[%swap3A_83], %add3A_82 {strides = array<i32>} : memref<128xi32, #tpu.memory_space<vmem>>, vector<16xi32>,
      %get3A_85 = arith.constant 32 : index
      %get3A_86 = tpu.vector_load %arg7[%get3A_85] {strides = array<i32>} : memref<128xi32, #tpu.memory_space<vmem>>, vector<16xi32>,
      %add3A_87 = vector.broadcast %mul3A_3 : i32 to vector<16xi32>
      %add3A_88 = arith.addi %get3A_86, %add3A_87 : vector<16xi32>
      %swap3A_89 = arith.constant 32 : index
      %swap3A_90 = tpu.vector_load %arg7[%swap3A_89] {strides = array<i32>} : memref<128xi32, #tpu.memory_space<vmem>>, vector<16xi32>,
      tpu.vector_store %arg7[%swap3A_89], %add3A_88 {strides = array<i32>} : memref<128xi32, #tpu.memory_space<vmem>>, vector<16xi32>,
      %get3A_91 = arith.constant 48 : index
      %get3A_92 = tpu.vector_load %arg7[%get3A_91] {strides = array<i32>} : memref<128xi32, #tpu.memory_space<vmem>>, vector<16xi32>,
      %add3A_93 = vector.broadcast %mul3A_3 : i32 to vector<16xi32>
      %add3A_94 = arith.addi %get3A_92, %add3A_93 : vector<16xi32>
      %swap3A_95 = arith.constant 48 : index
      %swap3A_96 = tpu.vector_load %arg7[%swap3A_95] {strides = array<i32>} : memref<128xi32, #tpu.memory_space<vmem>>, vector<16xi32>,
      tpu.vector_store %arg7[%swap3A_95], %add3A_94 {strides = array<i32>} : memref<128xi32, #tpu.memory_space<vmem>>, vector<16xi32>,
      %get3A_97 = arith.constant 64 : index
      %get3A_98 = tpu.vector_load %arg7[%get3A_97] {strides = array<i32>} : memref<128xi32, #tpu.memory_space<vmem>>, vector<16xi32>,
      %add3A_99 = vector.broadcast %mul3A_3 : i32 to vector<16xi32>
      %add3A_100 = arith.addi %get3A_98, %add3A_99 : vector<16xi32>
      %swap3A_101 = arith.constant 64 : index
      %swap3A_102 = tpu.vector_load %arg7[%swap3A_101] {strides = array<i32>} : memref<128xi32, #tpu.memory_space<vmem>>, vector<16xi32>,
      tpu.vector_store %arg7[%swap3A_101], %add3A_100 {strides = array<i32>} : memref<128xi32, #tpu.memory_space<vmem>>, vector<16xi32>,
      %get3A_103 = arith.constant 80 : index
      %get3A_104 = tpu.vector_load %arg7[%get3A_103] {strides = array<i32>} : memref<128xi32, #tpu.memory_space<vmem>>, vector<16xi32>,
      %add3A_105 = vector.broadcast %mul3A_3 : i32 to vector<16xi32>
      %add3A_106 = arith.addi %get3A_104, %add3A_105 : vector<16xi32>
      %swap3A_107 = arith.constant 80 : index
      %swap3A_108 = tpu.vector_load %arg7[%swap3A_107] {strides = array<i32>} : memref<128xi32, #tpu.memory_space<vmem>>, vector<16xi32>,
      tpu.vector_store %arg7[%swap3A_107], %add3A_106 {strides = array<i32>} : memref<128xi32, #tpu.memory_space<vmem>>, vector<16xi32>,
      %get3A_109 = arith.constant 96 : index
      %get3A_110 = tpu.vector_load %arg7[%get3A_109] {strides = array<i32>} : memref<128xi32, #tpu.memory_space<vmem>>, vector<16xi32>,
      %add3A_111 = vector.broadcast %mul3A_3 : i32 to vector<16xi32>
      %add3A_112 = arith.addi %get3A_110, %add3A_111 : vector<16xi32>
      %swap3A_113 = arith.constant 96 : index
      %swap3A_114 = tpu.vector_load %arg7[%swap3A_113] {strides = array<i32>} : memref<128xi32, #tpu.memory_space<vmem>>, vector<16xi32>,
      tpu.vector_store %arg7[%swap3A_113], %add3A_112 {strides = array<i32>} : memref<128xi32, #tpu.memory_space<vmem>>, vector<16xi32>,
      %get3A_115 = arith.constant 112 : index
      %get3A_116 = tpu.vector_load %arg7[%get3A_115] {strides = array<i32>} : memref<128xi32, #tpu.memory_space<vmem>>, vector<16xi32>,
      %add3A_117 = vector.broadcast %mul3A_3 : i32 to vector<16xi32>
      %add3A_118 = arith.addi %get3A_116, %add3A_117 : vector<16xi32>
      %swap3A_119 = arith.constant 112 : index
      %swap3A_120 = tpu.vector_load %arg7[%swap3A_119] {strides = array<i32>} : memref<128xi32, #tpu.memory_space<vmem>>, vector<16xi32>,
      tpu.vector_store %arg7[%swap3A_119], %add3A_118 {strides = array<i32>} : memref<128xi32, #tpu.memory_space<vmem>>, vector<16xi32>,
      %get3A_121 = arith.constant 0 : index
      %get3A_122 = tpu.vector_load %arg8[%get3A_121] {strides = array<i32>} : memref<128xi32, #tpu.memory_space<vmem>>, vector<16xi32>,
      %add3A_123 = vector.broadcast %mul3A_3 : i32 to vector<16xi32>
      %add3A_124 = arith.addi %get3A_122, %add3A_123 : vector<16xi32>
      %swap3A_125 = arith.constant 0 : index
      %swap3A_126 = tpu.vector_load %arg8[%swap3A_125] {strides = array<i32>} : memref<128xi32, #tpu.memory_space<vmem>>, vector<16xi32>,
      tpu.vector_store %arg8[%swap3A_125], %add3A_124 {strides = array<i32>} : memref<128xi32, #tpu.memory_space<vmem>>, vector<16xi32>,
      %get3A_127 = arith.constant 16 : index
      %get3A_128 = tpu.vector_load %arg8[%get3A_127] {strides = array<i32>} : memref<128xi32, #tpu.memory_space<vmem>>, vector<16xi32>,
      %add3A_129 = vector.broadcast %mul3A_3 : i32 to vector<16xi32>
      %add3A_130 = arith.addi %get3A_128, %add3A_129 : vector<16xi32>
      %swap3A_131 = arith.constant 16 : index
      %swap3A_132 = tpu.vector_load %arg8[%swap3A_131] {strides = array<i32>} : memref<128xi32, #tpu.memory_space<vmem>>, vector<16xi32>,
      tpu.vector_store %arg8[%swap3A_131], %add3A_130 {strides = array<i32>} : memref<128xi32, #tpu.memory_space<vmem>>, vector<16xi32>,
      %get3A_133 = arith.constant 32 : index
      %get3A_134 = tpu.vector_load %arg8[%get3A_133] {strides = array<i32>} : memref<128xi32, #tpu.memory_space<vmem>>, vector<16xi32>,
      %add3A_135 = vector.broadcast %mul3A_3 : i32 to vector<16xi32>
      %add3A_136 = arith.addi %get3A_134, %add3A_135 : vector<16xi32>
      %swap3A_137 = arith.constant 32 : index
      %swap3A_138 = tpu.vector_load %arg8[%swap3A_137] {strides = array<i32>} : memref<128xi32, #tpu.memory_space<vmem>>, vector<16xi32>,
      tpu.vector_store %arg8[%swap3A_137], %add3A_136 {strides = array<i32>} : memref<128xi32, #tpu.memory_space<vmem>>, vector<16xi32>,
      %get3A_139 = arith.constant 48 : index
      %get3A_140 = tpu.vector_load %arg8[%get3A_139] {strides = array<i32>} : memref<128xi32, #tpu.memory_space<vmem>>, vector<16xi32>,
      %add3A_141 = vector.broadcast %mul3A_3 : i32 to vector<16xi32>
      %add3A_142 = arith.addi %get3A_140, %add3A_141 : vector<16xi32>
      %swap3A_143 = arith.constant 48 : index
      %swap3A_144 = tpu.vector_load %arg8[%swap3A_143] {strides = array<i32>} : memref<128xi32, #tpu.memory_space<vmem>>, vector<16xi32>,
      tpu.vector_store %arg8[%swap3A_143], %add3A_142 {strides = array<i32>} : memref<128xi32, #tpu.memory_space<vmem>>, vector<16xi32>,
      %get3A_145 = arith.constant 64 : index
      %get3A_146 = tpu.vector_load %arg8[%get3A_145] {strides = array<i32>} : memref<128xi32, #tpu.memory_space<vmem>>, vector<16xi32>,
      %add3A_147 = vector.broadcast %mul3A_3 : i32 to vector<16xi32>
      %add3A_148 = arith.addi %get3A_146, %add3A_147 : vector<16xi32>
      %swap3A_149 = arith.constant 64 : index
      %swap3A_150 = tpu.vector_load %arg8[%swap3A_149] {strides = array<i32>} : memref<128xi32, #tpu.memory_space<vmem>>, vector<16xi32>,
      tpu.vector_store %arg8[%swap3A_149], %add3A_148 {strides = array<i32>} : memref<128xi32, #tpu.memory_space<vmem>>, vector<16xi32>,
      %get3A_151 = arith.constant 80 : index
      %get3A_152 = tpu.vector_load %arg8[%get3A_151] {strides = array<i32>} : memref<128xi32, #tpu.memory_space<vmem>>, vector<16xi32>,
      %add3A_153 = vector.broadcast %mul3A_3 : i32 to vector<16xi32>
      %add3A_154 = arith.addi %get3A_152, %add3A_153 : vector<16xi32>
      %swap3A_155 = arith.constant 80 : index
      %swap3A_156 = tpu.vector_load %arg8[%swap3A_155] {strides = array<i32>} : memref<128xi32, #tpu.memory_space<vmem>>, vector<16xi32>,
      tpu.vector_store %arg8[%swap3A_155], %add3A_154 {strides = array<i32>} : memref<128xi32, #tpu.memory_space<vmem>>, vector<16xi32>,
      %get3A_157 = arith.constant 96 : index
      %get3A_158 = tpu.vector_load %arg8[%get3A_157] {strides = array<i32>} : memref<128xi32, #tpu.memory_space<vmem>>, vector<16xi32>,
      %add3A_159 = vector.broadcast %mul3A_3 : i32 to vector<16xi32>
      %add3A_160 = arith.addi %get3A_158, %add3A_159 : vector<16xi32>
      %swap3A_161 = arith.constant 96 : index
      %swap3A_162 = tpu.vector_load %arg8[%swap3A_161] {strides = array<i32>} : memref<128xi32, #tpu.memory_space<vmem>>, vector<16xi32>,
      tpu.vector_store %arg8[%swap3A_161], %add3A_160 {strides = array<i32>} : memref<128xi32, #tpu.memory_space<vmem>>, vector<16xi32>,
      %get3A_163 = arith.constant 112 : index
      %get3A_164 = tpu.vector_load %arg8[%get3A_163] {strides = array<i32>} : memref<128xi32, #tpu.memory_space<vmem>>, vector<16xi32>,
      %add3A_165 = vector.broadcast %mul3A_3 : i32 to vector<16xi32>
      %add3A_166 = arith.addi %get3A_164, %add3A_165 : vector<16xi32>
      %swap3A_167 = arith.constant 112 : index
      %swap3A_168 = tpu.vector_load %arg8[%swap3A_167] {strides = array<i32>} : memref<128xi32, #tpu.memory_space<vmem>>, vector<16xi32>,
      tpu.vector_store %arg8[%swap3A_167], %add3A_166 {strides = array<i32>} : memref<128xi32, #tpu.memory_space<vmem>>, vector<16xi32>,
      %dma_start3A_169 = arith.constant 0 : i32
      %dma_start3A_170 = arith.constant 0 : i32
      %dma_start3A_171 = tpu.memref_slice %arg15[%dma_start3A_169, %dma_start3A_170] : memref<256x128xf32, #tpu.memory_space<vmem>> -> memref<128x128xf32, #tpu.memory_space<vmem>>
      %dma_start3A_172 = arith.constant 0 : i32
      %dma_start3A_173 = arith.constant 0 : i32
      %dma_start3A_174 = tpu.memref_slice %arg2[%dma_start3A_172, %dma_start3A_173] : memref<20480x128xf32, #tpu.memory_space<hbm>> -> memref<20480x128xf32, #tpu.memory_space<hbm>>
      tpu.enqueue_indirect_dma source(%dma_start3A_174 : memref<20480x128xf32, #tpu.memory_space<hbm>>) target(%dma_start3A_171 : memref<128x128xf32, #tpu.memory_space<vmem>>) offsets(%arg7 : memref<128xi32, #tpu.memory_space<vmem>>) semaphore(%arg18 : memref<!tpu.dma_semaphore, #tpu.memory_space<semaphore_mem>>)
      %dma_start3A_175 = arith.constant 128 : i32
      %dma_start3A_176 = arith.constant 0 : i32
      %dma_start3A_177 = tpu.memref_slice %arg15[%dma_start3A_175, %dma_start3A_176] : memref<256x128xf32, #tpu.memory_space<vmem>> -> memref<128x128xf32, #tpu.memory_space<vmem>>
      %dma_start3A_178 = arith.constant 0 : i32
      %dma_start3A_179 = arith.constant 0 : i32
      %dma_start3A_180 = tpu.memref_slice %arg2[%dma_start3A_178, %dma_start3A_179] : memref<20480x128xf32, #tpu.memory_space<hbm>> -> memref<20480x128xf32, #tpu.memory_space<hbm>>
      tpu.enqueue_indirect_dma source(%dma_start3A_180 : memref<20480x128xf32, #tpu.memory_space<hbm>>) target(%dma_start3A_177 : memref<128x128xf32, #tpu.memory_space<vmem>>) offsets(%arg8 : memref<128xi32, #tpu.memory_space<vmem>>) semaphore(%arg19 : memref<!tpu.dma_semaphore, #tpu.memory_space<semaphore_mem>>)
      %dma_wait3A_181 = arith.constant 0 : i32
      %dma_wait3A_182 = arith.constant 0 : i32
      %dma_wait3A_183 = tpu.memref_slice %arg15[%dma_wait3A_181, %dma_wait3A_182] : memref<256x128xf32, #tpu.memory_space<vmem>> -> memref<128x128xf32, #tpu.memory_space<vmem>>
      %dma_wait3A_184 = arith.constant 0 : i32
      %dma_wait3A_185 = arith.constant 0 : i32
      %dma_wait3A_186 = tpu.memref_slice %arg2[%dma_wait3A_184, %dma_wait3A_185] : memref<20480x128xf32, #tpu.memory_space<hbm>> -> memref<20480x128xf32, #tpu.memory_space<hbm>>
      tpu.wait_indirect_dma semaphore(%arg18 : memref<!tpu.dma_semaphore, #tpu.memory_space<semaphore_mem>>) src(%dma_wait3A_186 : memref<20480x128xf32, #tpu.memory_space<hbm>>) dst(%dma_wait3A_183 : memref<128x128xf32, #tpu.memory_space<vmem>>)
      %dma_start3A_187 = arith.constant 0 : i32
      %dma_start3A_188 = arith.constant 0 : i32
      %dma_start3A_189 = tpu.memref_slice %arg15[%dma_start3A_187, %dma_start3A_188] : memref<256x128xf32, #tpu.memory_space<vmem>> -> memref<128x128xf32, #tpu.memory_space<vmem>>
      %dma_start3A_190 = arith.constant 0 : i32
      %dma_start3A_191 = arith.constant 0 : i32
      %dma_start3A_192 = tpu.memref_slice %arg17[%dma_start3A_190, %dma_start3A_191] : memref<10240x128xf32, #tpu.memory_space<vmem_shared>> -> memref<10240x128xf32, #tpu.memory_space<vmem_shared>>
      tpu.enqueue_indirect_dma source(%dma_start3A_189 : memref<128x128xf32, #tpu.memory_space<vmem>>) target(%dma_start3A_192 : memref<10240x128xf32, #tpu.memory_space<vmem_shared>>) offsets(%arg9 : memref<128xi32, #tpu.memory_space<vmem>>) semaphore(%arg20 : memref<!tpu.dma_semaphore, #tpu.memory_space<semaphore_mem>>) {add = true}
      %dma_wait3A_193 = arith.constant 128 : i32
      %dma_wait3A_194 = arith.constant 0 : i32
      %dma_wait3A_195 = tpu.memref_slice %arg15[%dma_wait3A_193, %dma_wait3A_194] : memref<256x128xf32, #tpu.memory_space<vmem>> -> memref<128x128xf32, #tpu.memory_space<vmem>>
      %dma_wait3A_196 = arith.constant 0 : i32
      %dma_wait3A_197 = arith.constant 0 : i32
      %dma_wait3A_198 = tpu.memref_slice %arg2[%dma_wait3A_196, %dma_wait3A_197] : memref<20480x128xf32, #tpu.memory_space<hbm>> -> memref<20480x128xf32, #tpu.memory_space<hbm>>
      tpu.wait_indirect_dma semaphore(%arg19 : memref<!tpu.dma_semaphore, #tpu.memory_space<semaphore_mem>>) src(%dma_wait3A_198 : memref<20480x128xf32, #tpu.memory_space<hbm>>) dst(%dma_wait3A_195 : memref<128x128xf32, #tpu.memory_space<vmem>>)
      %dma_start3A_199 = arith.constant 128 : i32
      %dma_start3A_200 = arith.constant 0 : i32
      %dma_start3A_201 = tpu.memref_slice %arg15[%dma_start3A_199, %dma_start3A_200] : memref<256x128xf32, #tpu.memory_space<vmem>> -> memref<128x128xf32, #tpu.memory_space<vmem>>
      %dma_start3A_202 = arith.constant 0 : i32
      %dma_start3A_203 = arith.constant 0 : i32
      %dma_start3A_204 = tpu.memref_slice %arg17[%dma_start3A_202, %dma_start3A_203] : memref<10240x128xf32, #tpu.memory_space<vmem_shared>> -> memref<10240x128xf32, #tpu.memory_space<vmem_shared>>
      tpu.enqueue_indirect_dma source(%dma_start3A_201 : memref<128x128xf32, #tpu.memory_space<vmem>>) target(%dma_start3A_204 : memref<10240x128xf32, #tpu.memory_space<vmem_shared>>) offsets(%arg10 : memref<128xi32, #tpu.memory_space<vmem>>) semaphore(%arg20 : memref<!tpu.dma_semaphore, #tpu.memory_space<semaphore_mem>>) {add = true}
      %eq3A_205 = arith.constant 0 : i32
      %eq3A_206 = arith.cmpi eq, %arg0, %eq3A_205 : i32
      %convert_element_type3A_207 = arith.extui %eq3A_206 : i1 to i32
      %cond3A_208 = arith.constant 0 : i32
      %cond3A_209 = arith.cmpi ne, %convert_element_type3A_207, %cond3A_208 : i32
      scf.if %cond3A_209 {
        %get3A_409 = arith.constant 0 : index
        %get3A_410 = tpu.vector_load %arg9[%get3A_409] {strides = array<i32>} : memref<128xi32, #tpu.memory_space<vmem>>, vector<16xi32>,
        tpu.vector_store_idx %arg16[%get3A_410], %broadcast_in_dim3A_2 {add = true} : memref<10240xf32, #tpu.memory_space<vmem>>[vector<16xi32>], vector<16xf32>,
        %get3A_411 = arith.constant 16 : index
        %get3A_412 = tpu.vector_load %arg9[%get3A_411] {strides = array<i32>} : memref<128xi32, #tpu.memory_space<vmem>>, vector<16xi32>,
        tpu.vector_store_idx %arg16[%get3A_412], %broadcast_in_dim3A_2 {add = true} : memref<10240xf32, #tpu.memory_space<vmem>>[vector<16xi32>], vector<16xf32>,
        %get3A_413 = arith.constant 32 : index
        %get3A_414 = tpu.vector_load %arg9[%get3A_413] {strides = array<i32>} : memref<128xi32, #tpu.memory_space<vmem>>, vector<16xi32>,
        tpu.vector_store_idx %arg16[%get3A_414], %broadcast_in_dim3A_2 {add = true} : memref<10240xf32, #tpu.memory_space<vmem>>[vector<16xi32>], vector<16xf32>,
        %get3A_415 = arith.constant 48 : index
        %get3A_416 = tpu.vector_load %arg9[%get3A_415] {strides = array<i32>} : memref<128xi32, #tpu.memory_space<vmem>>, vector<16xi32>,
        tpu.vector_store_idx %arg16[%get3A_416], %broadcast_in_dim3A_2 {add = true} : memref<10240xf32, #tpu.memory_space<vmem>>[vector<16xi32>], vector<16xf32>,
        %get3A_417 = arith.constant 64 : index
        %get3A_418 = tpu.vector_load %arg9[%get3A_417] {strides = array<i32>} : memref<128xi32, #tpu.memory_space<vmem>>, vector<16xi32>,
        tpu.vector_store_idx %arg16[%get3A_418], %broadcast_in_dim3A_2 {add = true} : memref<10240xf32, #tpu.memory_space<vmem>>[vector<16xi32>], vector<16xf32>,
        %get3A_419 = arith.constant 80 : index
        %get3A_420 = tpu.vector_load %arg9[%get3A_419] {strides = array<i32>} : memref<128xi32, #tpu.memory_space<vmem>>, vector<16xi32>,
        tpu.vector_store_idx %arg16[%get3A_420], %broadcast_in_dim3A_2 {add = true} : memref<10240xf32, #tpu.memory_space<vmem>>[vector<16xi32>], vector<16xf32>,
        %get3A_421 = arith.constant 96 : index
        %get3A_422 = tpu.vector_load %arg9[%get3A_421] {strides = array<i32>} : memref<128xi32, #tpu.memory_space<vmem>>, vector<16xi32>,
        tpu.vector_store_idx %arg16[%get3A_422], %broadcast_in_dim3A_2 {add = true} : memref<10240xf32, #tpu.memory_space<vmem>>[vector<16xi32>], vector<16xf32>,
        %get3A_423 = arith.constant 112 : index
        %get3A_424 = tpu.vector_load %arg9[%get3A_423] {strides = array<i32>} : memref<128xi32, #tpu.memory_space<vmem>>, vector<16xi32>,
        tpu.vector_store_idx %arg16[%get3A_424], %broadcast_in_dim3A_2 {add = true} : memref<10240xf32, #tpu.memory_space<vmem>>[vector<16xi32>], vector<16xf32>,
        %get3A_425 = arith.constant 0 : index
        %get3A_426 = tpu.vector_load %arg10[%get3A_425] {strides = array<i32>} : memref<128xi32, #tpu.memory_space<vmem>>, vector<16xi32>,
        tpu.vector_store_idx %arg16[%get3A_426], %broadcast_in_dim3A_2 {add = true} : memref<10240xf32, #tpu.memory_space<vmem>>[vector<16xi32>], vector<16xf32>,
        %get3A_427 = arith.constant 16 : index
        %get3A_428 = tpu.vector_load %arg10[%get3A_427] {strides = array<i32>} : memref<128xi32, #tpu.memory_space<vmem>>, vector<16xi32>,
        tpu.vector_store_idx %arg16[%get3A_428], %broadcast_in_dim3A_2 {add = true} : memref<10240xf32, #tpu.memory_space<vmem>>[vector<16xi32>], vector<16xf32>,
        %get3A_429 = arith.constant 32 : index
        %get3A_430 = tpu.vector_load %arg10[%get3A_429] {strides = array<i32>} : memref<128xi32, #tpu.memory_space<vmem>>, vector<16xi32>,
        tpu.vector_store_idx %arg16[%get3A_430], %broadcast_in_dim3A_2 {add = true} : memref<10240xf32, #tpu.memory_space<vmem>>[vector<16xi32>], vector<16xf32>,
        %get3A_431 = arith.constant 48 : index
        %get3A_432 = tpu.vector_load %arg10[%get3A_431] {strides = array<i32>} : memref<128xi32, #tpu.memory_space<vmem>>, vector<16xi32>,
        tpu.vector_store_idx %arg16[%get3A_432], %broadcast_in_dim3A_2 {add = true} : memref<10240xf32, #tpu.memory_space<vmem>>[vector<16xi32>], vector<16xf32>,
        %get3A_433 = arith.constant 64 : index
        %get3A_434 = tpu.vector_load %arg10[%get3A_433] {strides = array<i32>} : memref<128xi32, #tpu.memory_space<vmem>>, vector<16xi32>,
        tpu.vector_store_idx %arg16[%get3A_434], %broadcast_in_dim3A_2 {add = true} : memref<10240xf32, #tpu.memory_space<vmem>>[vector<16xi32>], vector<16xf32>,
        %get3A_435 = arith.constant 80 : index
        %get3A_436 = tpu.vector_load %arg10[%get3A_435] {strides = array<i32>} : memref<128xi32, #tpu.memory_space<vmem>>, vector<16xi32>,
        tpu.vector_store_idx %arg16[%get3A_436], %broadcast_in_dim3A_2 {add = true} : memref<10240xf32, #tpu.memory_space<vmem>>[vector<16xi32>], vector<16xf32>,
        %get3A_437 = arith.constant 96 : index
        %get3A_438 = tpu.vector_load %arg10[%get3A_437] {strides = array<i32>} : memref<128xi32, #tpu.memory_space<vmem>>, vector<16xi32>,
        tpu.vector_store_idx %arg16[%get3A_438], %broadcast_in_dim3A_2 {add = true} : memref<10240xf32, #tpu.memory_space<vmem>>[vector<16xi32>], vector<16xf32>,
        %get3A_439 = arith.constant 112 : index
        %get3A_440 = tpu.vector_load %arg10[%get3A_439] {strides = array<i32>} : memref<128xi32, #tpu.memory_space<vmem>>, vector<16xi32>,
        tpu.vector_store_idx %arg16[%get3A_440], %broadcast_in_dim3A_2 {add = true} : memref<10240xf32, #tpu.memory_space<vmem>>[vector<16xi32>], vector<16xf32>,
      } else {
      }
      %dma_wait3A_210 = arith.constant 0 : i32
      %dma_wait3A_211 = arith.constant 0 : i32
      %dma_wait3A_212 = tpu.memref_slice %arg15[%dma_wait3A_210, %dma_wait3A_211] : memref<256x128xf32, #tpu.memory_space<vmem>> -> memref<128x128xf32, #tpu.memory_space<vmem>>
      %dma_wait3A_213 = arith.constant 0 : i32
      %dma_wait3A_214 = arith.constant 0 : i32
      %dma_wait3A_215 = tpu.memref_slice %arg17[%dma_wait3A_213, %dma_wait3A_214] : memref<10240x128xf32, #tpu.memory_space<vmem_shared>> -> memref<10240x128xf32, #tpu.memory_space<vmem_shared>>
      tpu.wait_indirect_dma semaphore(%arg20 : memref<!tpu.dma_semaphore, #tpu.memory_space<semaphore_mem>>) src(%dma_wait3A_212 : memref<128x128xf32, #tpu.memory_space<vmem>>) dst(%dma_wait3A_215 : memref<10240x128xf32, #tpu.memory_space<vmem_shared>>)
      %dma_wait3A_216 = arith.constant 128 : i32
      %dma_wait3A_217 = arith.constant 0 : i32
      %dma_wait3A_218 = tpu.memref_slice %arg15[%dma_wait3A_216, %dma_wait3A_217] : memref<256x128xf32, #tpu.memory_space<vmem>> -> memref<128x128xf32, #tpu.memory_space<vmem>>
      %dma_wait3A_219 = arith.constant 0 : i32
      %dma_wait3A_220 = arith.constant 0 : i32
      %dma_wait3A_221 = tpu.memref_slice %arg17[%dma_wait3A_219, %dma_wait3A_220] : memref<10240x128xf32, #tpu.memory_space<vmem_shared>> -> memref<10240x128xf32, #tpu.memory_space<vmem_shared>>
      tpu.wait_indirect_dma semaphore(%arg20 : memref<!tpu.dma_semaphore, #tpu.memory_space<semaphore_mem>>) src(%dma_wait3A_218 : memref<128x128xf32, #tpu.memory_space<vmem>>) dst(%dma_wait3A_221 : memref<10240x128xf32, #tpu.memory_space<vmem_shared>>)
      %dma_wait3A_222 = tpu.memref_slice %arg3[%mul3A_62] : memref<163840xi32, #tpu.memory_space<hbm>> -> memref<128xi32, #tpu.memory_space<hbm>>
      %dma_wait3A_223 = tpu.memref_slice %arg3[%mul3A_62] : memref<163840xi32, #tpu.memory_space<hbm>> -> memref<128xi32, #tpu.memory_space<hbm>>
      tpu.wait_dma2 semaphore(%arg21 : memref<!tpu.dma_semaphore, #tpu.memory_space<semaphore_mem>>) src(%dma_wait3A_223 : memref<128xi32, #tpu.memory_space<hbm>>) dst(%arg11 : memref<128xi32, #tpu.memory_space<vmem>>)
      %dma_wait3A_224 = tpu.memref_slice %arg3[%add3A_66] : memref<163840xi32, #tpu.memory_space<hbm>> -> memref<128xi32, #tpu.memory_space<hbm>>
      %dma_wait3A_225 = tpu.memref_slice %arg3[%add3A_66] : memref<163840xi32, #tpu.memory_space<hbm>> -> memref<128xi32, #tpu.memory_space<hbm>>
      tpu.wait_dma2 semaphore(%arg21 : memref<!tpu.dma_semaphore, #tpu.memory_space<semaphore_mem>>) src(%dma_wait3A_225 : memref<128xi32, #tpu.memory_space<hbm>>) dst(%arg12 : memref<128xi32, #tpu.memory_space<vmem>>)
      %dma_wait3A_226 = tpu.memref_slice %arg4[%mul3A_62] : memref<163840xi32, #tpu.memory_space<hbm>> -> memref<128xi32, #tpu.memory_space<hbm>>
      %dma_wait3A_227 = tpu.memref_slice %arg4[%mul3A_62] : memref<163840xi32, #tpu.memory_space<hbm>> -> memref<128xi32, #tpu.memory_space<hbm>>
      tpu.wait_dma2 semaphore(%arg21 : memref<!tpu.dma_semaphore, #tpu.memory_space<semaphore_mem>>) src(%dma_wait3A_227 : memref<128xi32, #tpu.memory_space<hbm>>) dst(%arg13 : memref<128xi32, #tpu.memory_space<vmem>>)
      %dma_wait3A_228 = tpu.memref_slice %arg4[%add3A_72] : memref<163840xi32, #tpu.memory_space<hbm>> -> memref<128xi32, #tpu.memory_space<hbm>>
      %dma_wait3A_229 = tpu.memref_slice %arg4[%add3A_72] : memref<163840xi32, #tpu.memory_space<hbm>> -> memref<128xi32, #tpu.memory_space<hbm>>
      tpu.wait_dma2 semaphore(%arg21 : memref<!tpu.dma_semaphore, #tpu.memory_space<semaphore_mem>>) src(%dma_wait3A_229 : memref<128xi32, #tpu.memory_space<hbm>>) dst(%arg14 : memref<128xi32, #tpu.memory_space<vmem>>)
      %mul3A_230 = arith.constant 2 : i32
      %mul3A_231 = arith.muli %mul3A_230, %scan3A_53 : i32
      %add3A_232 = arith.constant 2 : i32
      %add3A_233 = arith.addi %mul3A_231, %add3A_232 : i32
      %min3A = arith.constant 39 : i32
      %min3A_234 = arith.minsi %add3A_233, %min3A : i32
      %mul3A_235 = arith.constant 16 : i32
      %mul3A_236 = arith.muli %min3A_234, %mul3A_235 : i32
      %add3A_237 = arith.addi %arg1, %mul3A_236 : i32
      %mul3A_238 = arith.constant 256 : i32
      %mul3A_239 = arith.muli %add3A_237, %mul3A_238 : i32
      %dma_start3A_240 = tpu.memref_slice %arg3[%mul3A_239] : memref<163840xi32, #tpu.memory_space<hbm>> -> memref<128xi32, #tpu.memory_space<hbm>>
      %dma_start3A_241 = tpu.memref_slice %arg3[%mul3A_239] : memref<163840xi32, #tpu.memory_space<hbm>> -> memref<128xi32, #tpu.memory_space<hbm>>
      tpu.enqueue_dma source(%dma_start3A_241 : memref<128xi32, #tpu.memory_space<hbm>>) target(%arg7 : memref<128xi32, #tpu.memory_space<vmem>>) target_semaphore(%arg21 : memref<!tpu.dma_semaphore, #tpu.memory_space<semaphore_mem>>)
      %add3A_242 = arith.constant 128 : i32
      %add3A_243 = arith.addi %mul3A_239, %add3A_242 : i32
      %dma_start3A_244 = tpu.memref_slice %arg3[%add3A_243] : memref<163840xi32, #tpu.memory_space<hbm>> -> memref<128xi32, #tpu.memory_space<hbm>>
      %dma_start3A_245 = tpu.memref_slice %arg3[%add3A_243] : memref<163840xi32, #tpu.memory_space<hbm>> -> memref<128xi32, #tpu.memory_space<hbm>>
      tpu.enqueue_dma source(%dma_start3A_245 : memref<128xi32, #tpu.memory_space<hbm>>) target(%arg8 : memref<128xi32, #tpu.memory_space<vmem>>) target_semaphore(%arg21 : memref<!tpu.dma_semaphore, #tpu.memory_space<semaphore_mem>>)
      %dma_start3A_246 = tpu.memref_slice %arg4[%mul3A_239] : memref<163840xi32, #tpu.memory_space<hbm>> -> memref<128xi32, #tpu.memory_space<hbm>>
      %dma_start3A_247 = tpu.memref_slice %arg4[%mul3A_239] : memref<163840xi32, #tpu.memory_space<hbm>> -> memref<128xi32, #tpu.memory_space<hbm>>
      tpu.enqueue_dma source(%dma_start3A_247 : memref<128xi32, #tpu.memory_space<hbm>>) target(%arg9 : memref<128xi32, #tpu.memory_space<vmem>>) target_semaphore(%arg21 : memref<!tpu.dma_semaphore, #tpu.memory_space<semaphore_mem>>)
      %add3A_248 = arith.constant 128 : i32
      %add3A_249 = arith.addi %mul3A_239, %add3A_248 : i32
      %dma_start3A_250 = tpu.memref_slice %arg4[%add3A_249] : memref<163840xi32, #tpu.memory_space<hbm>> -> memref<128xi32, #tpu.memory_space<hbm>>
      %dma_start3A_251 = tpu.memref_slice %arg4[%add3A_249] : memref<163840xi32, #tpu.memory_space<hbm>> -> memref<128xi32, #tpu.memory_space<hbm>>
      tpu.enqueue_dma source(%dma_start3A_251 : memref<128xi32, #tpu.memory_space<hbm>>) target(%arg10 : memref<128xi32, #tpu.memory_space<vmem>>) target_semaphore(%arg21 : memref<!tpu.dma_semaphore, #tpu.memory_space<semaphore_mem>>)
      %get3A_252 = arith.constant 0 : index
      %get3A_253 = tpu.vector_load %arg11[%get3A_252] {strides = array<i32>} : memref<128xi32, #tpu.memory_space<vmem>>, vector<16xi32>,
      %add3A_254 = vector.broadcast %mul3A_3 : i32 to vector<16xi32>
      %add3A_255 = arith.addi %get3A_253, %add3A_254 : vector<16xi32>
      %swap3A_256 = arith.constant 0 : index
      %swap3A_257 = tpu.vector_load %arg11[%swap3A_256] {strides = array<i32>} : memref<128xi32, #tpu.memory_space<vmem>>, vector<16xi32>,
      tpu.vector_store %arg11[%swap3A_256], %add3A_255 {strides = array<i32>} : memref<128xi32, #tpu.memory_space<vmem>>, vector<16xi32>,
      %get3A_258 = arith.constant 16 : index
      %get3A_259 = tpu.vector_load %arg11[%get3A_258] {strides = array<i32>} : memref<128xi32, #tpu.memory_space<vmem>>, vector<16xi32>,
      %add3A_260 = vector.broadcast %mul3A_3 : i32 to vector<16xi32>
      %add3A_261 = arith.addi %get3A_259, %add3A_260 : vector<16xi32>
      %swap3A_262 = arith.constant 16 : index
      %swap3A_263 = tpu.vector_load %arg11[%swap3A_262] {strides = array<i32>} : memref<128xi32, #tpu.memory_space<vmem>>, vector<16xi32>,
      tpu.vector_store %arg11[%swap3A_262], %add3A_261 {strides = array<i32>} : memref<128xi32, #tpu.memory_space<vmem>>, vector<16xi32>,
      %get3A_264 = arith.constant 32 : index
      %get3A_265 = tpu.vector_load %arg11[%get3A_264] {strides = array<i32>} : memref<128xi32, #tpu.memory_space<vmem>>, vector<16xi32>,
      %add3A_266 = vector.broadcast %mul3A_3 : i32 to vector<16xi32>
      %add3A_267 = arith.addi %get3A_265, %add3A_266 : vector<16xi32>
      %swap3A_268 = arith.constant 32 : index
      %swap3A_269 = tpu.vector_load %arg11[%swap3A_268] {strides = array<i32>} : memref<128xi32, #tpu.memory_space<vmem>>, vector<16xi32>,
      tpu.vector_store %arg11[%swap3A_268], %add3A_267 {strides = array<i32>} : memref<128xi32, #tpu.memory_space<vmem>>, vector<16xi32>,
      %get3A_270 = arith.constant 48 : index
      %get3A_271 = tpu.vector_load %arg11[%get3A_270] {strides = array<i32>} : memref<128xi32, #tpu.memory_space<vmem>>, vector<16xi32>,
      %add3A_272 = vector.broadcast %mul3A_3 : i32 to vector<16xi32>
      %add3A_273 = arith.addi %get3A_271, %add3A_272 : vector<16xi32>
      %swap3A_274 = arith.constant 48 : index
      %swap3A_275 = tpu.vector_load %arg11[%swap3A_274] {strides = array<i32>} : memref<128xi32, #tpu.memory_space<vmem>>, vector<16xi32>,
      tpu.vector_store %arg11[%swap3A_274], %add3A_273 {strides = array<i32>} : memref<128xi32, #tpu.memory_space<vmem>>, vector<16xi32>,
      %get3A_276 = arith.constant 64 : index
      %get3A_277 = tpu.vector_load %arg11[%get3A_276] {strides = array<i32>} : memref<128xi32, #tpu.memory_space<vmem>>, vector<16xi32>,
      %add3A_278 = vector.broadcast %mul3A_3 : i32 to vector<16xi32>
      %add3A_279 = arith.addi %get3A_277, %add3A_278 : vector<16xi32>
      %swap3A_280 = arith.constant 64 : index
      %swap3A_281 = tpu.vector_load %arg11[%swap3A_280] {strides = array<i32>} : memref<128xi32, #tpu.memory_space<vmem>>, vector<16xi32>,
      tpu.vector_store %arg11[%swap3A_280], %add3A_279 {strides = array<i32>} : memref<128xi32, #tpu.memory_space<vmem>>, vector<16xi32>,
      %get3A_282 = arith.constant 80 : index
      %get3A_283 = tpu.vector_load %arg11[%get3A_282] {strides = array<i32>} : memref<128xi32, #tpu.memory_space<vmem>>, vector<16xi32>,
      %add3A_284 = vector.broadcast %mul3A_3 : i32 to vector<16xi32>
      %add3A_285 = arith.addi %get3A_283, %add3A_284 : vector<16xi32>
      %swap3A_286 = arith.constant 80 : index
      %swap3A_287 = tpu.vector_load %arg11[%swap3A_286] {strides = array<i32>} : memref<128xi32, #tpu.memory_space<vmem>>, vector<16xi32>,
      tpu.vector_store %arg11[%swap3A_286], %add3A_285 {strides = array<i32>} : memref<128xi32, #tpu.memory_space<vmem>>, vector<16xi32>,
      %get3A_288 = arith.constant 96 : index
      %get3A_289 = tpu.vector_load %arg11[%get3A_288] {strides = array<i32>} : memref<128xi32, #tpu.memory_space<vmem>>, vector<16xi32>,
      %add3A_290 = vector.broadcast %mul3A_3 : i32 to vector<16xi32>
      %add3A_291 = arith.addi %get3A_289, %add3A_290 : vector<16xi32>
      %swap3A_292 = arith.constant 96 : index
      %swap3A_293 = tpu.vector_load %arg11[%swap3A_292] {strides = array<i32>} : memref<128xi32, #tpu.memory_space<vmem>>, vector<16xi32>,
      tpu.vector_store %arg11[%swap3A_292], %add3A_291 {strides = array<i32>} : memref<128xi32, #tpu.memory_space<vmem>>, vector<16xi32>,
      %get3A_294 = arith.constant 112 : index
      %get3A_295 = tpu.vector_load %arg11[%get3A_294] {strides = array<i32>} : memref<128xi32, #tpu.memory_space<vmem>>, vector<16xi32>,
      %add3A_296 = vector.broadcast %mul3A_3 : i32 to vector<16xi32>
      %add3A_297 = arith.addi %get3A_295, %add3A_296 : vector<16xi32>
      %swap3A_298 = arith.constant 112 : index
      %swap3A_299 = tpu.vector_load %arg11[%swap3A_298] {strides = array<i32>} : memref<128xi32, #tpu.memory_space<vmem>>, vector<16xi32>,
      tpu.vector_store %arg11[%swap3A_298], %add3A_297 {strides = array<i32>} : memref<128xi32, #tpu.memory_space<vmem>>, vector<16xi32>,
      %get3A_300 = arith.constant 0 : index
      %get3A_301 = tpu.vector_load %arg12[%get3A_300] {strides = array<i32>} : memref<128xi32, #tpu.memory_space<vmem>>, vector<16xi32>,
      %add3A_302 = vector.broadcast %mul3A_3 : i32 to vector<16xi32>
      %add3A_303 = arith.addi %get3A_301, %add3A_302 : vector<16xi32>
      %swap3A_304 = arith.constant 0 : index
      %swap3A_305 = tpu.vector_load %arg12[%swap3A_304] {strides = array<i32>} : memref<128xi32, #tpu.memory_space<vmem>>, vector<16xi32>,
      tpu.vector_store %arg12[%swap3A_304], %add3A_303 {strides = array<i32>} : memref<128xi32, #tpu.memory_space<vmem>>, vector<16xi32>,
      %get3A_306 = arith.constant 16 : index
      %get3A_307 = tpu.vector_load %arg12[%get3A_306] {strides = array<i32>} : memref<128xi32, #tpu.memory_space<vmem>>, vector<16xi32>,
      %add3A_308 = vector.broadcast %mul3A_3 : i32 to vector<16xi32>
      %add3A_309 = arith.addi %get3A_307, %add3A_308 : vector<16xi32>
      %swap3A_310 = arith.constant 16 : index
      %swap3A_311 = tpu.vector_load %arg12[%swap3A_310] {strides = array<i32>} : memref<128xi32, #tpu.memory_space<vmem>>, vector<16xi32>,
      tpu.vector_store %arg12[%swap3A_310], %add3A_309 {strides = array<i32>} : memref<128xi32, #tpu.memory_space<vmem>>, vector<16xi32>,
      %get3A_312 = arith.constant 32 : index
      %get3A_313 = tpu.vector_load %arg12[%get3A_312] {strides = array<i32>} : memref<128xi32, #tpu.memory_space<vmem>>, vector<16xi32>,
      %add3A_314 = vector.broadcast %mul3A_3 : i32 to vector<16xi32>
      %add3A_315 = arith.addi %get3A_313, %add3A_314 : vector<16xi32>
      %swap3A_316 = arith.constant 32 : index
      %swap3A_317 = tpu.vector_load %arg12[%swap3A_316] {strides = array<i32>} : memref<128xi32, #tpu.memory_space<vmem>>, vector<16xi32>,
      tpu.vector_store %arg12[%swap3A_316], %add3A_315 {strides = array<i32>} : memref<128xi32, #tpu.memory_space<vmem>>, vector<16xi32>,
      %get3A_318 = arith.constant 48 : index
      %get3A_319 = tpu.vector_load %arg12[%get3A_318] {strides = array<i32>} : memref<128xi32, #tpu.memory_space<vmem>>, vector<16xi32>,
      %add3A_320 = vector.broadcast %mul3A_3 : i32 to vector<16xi32>
      %add3A_321 = arith.addi %get3A_319, %add3A_320 : vector<16xi32>
      %swap3A_322 = arith.constant 48 : index
      %swap3A_323 = tpu.vector_load %arg12[%swap3A_322] {strides = array<i32>} : memref<128xi32, #tpu.memory_space<vmem>>, vector<16xi32>,
      tpu.vector_store %arg12[%swap3A_322], %add3A_321 {strides = array<i32>} : memref<128xi32, #tpu.memory_space<vmem>>, vector<16xi32>,
      %get3A_324 = arith.constant 64 : index
      %get3A_325 = tpu.vector_load %arg12[%get3A_324] {strides = array<i32>} : memref<128xi32, #tpu.memory_space<vmem>>, vector<16xi32>,
      %add3A_326 = vector.broadcast %mul3A_3 : i32 to vector<16xi32>
      %add3A_327 = arith.addi %get3A_325, %add3A_326 : vector<16xi32>
      %swap3A_328 = arith.constant 64 : index
      %swap3A_329 = tpu.vector_load %arg12[%swap3A_328] {strides = array<i32>} : memref<128xi32, #tpu.memory_space<vmem>>, vector<16xi32>,
      tpu.vector_store %arg12[%swap3A_328], %add3A_327 {strides = array<i32>} : memref<128xi32, #tpu.memory_space<vmem>>, vector<16xi32>,
      %get3A_330 = arith.constant 80 : index
      %get3A_331 = tpu.vector_load %arg12[%get3A_330] {strides = array<i32>} : memref<128xi32, #tpu.memory_space<vmem>>, vector<16xi32>,
      %add3A_332 = vector.broadcast %mul3A_3 : i32 to vector<16xi32>
      %add3A_333 = arith.addi %get3A_331, %add3A_332 : vector<16xi32>
      %swap3A_334 = arith.constant 80 : index
      %swap3A_335 = tpu.vector_load %arg12[%swap3A_334] {strides = array<i32>} : memref<128xi32, #tpu.memory_space<vmem>>, vector<16xi32>,
      tpu.vector_store %arg12[%swap3A_334], %add3A_333 {strides = array<i32>} : memref<128xi32, #tpu.memory_space<vmem>>, vector<16xi32>,
      %get3A_336 = arith.constant 96 : index
      %get3A_337 = tpu.vector_load %arg12[%get3A_336] {strides = array<i32>} : memref<128xi32, #tpu.memory_space<vmem>>, vector<16xi32>,
      %add3A_338 = vector.broadcast %mul3A_3 : i32 to vector<16xi32>
      %add3A_339 = arith.addi %get3A_337, %add3A_338 : vector<16xi32>
      %swap3A_340 = arith.constant 96 : index
      %swap3A_341 = tpu.vector_load %arg12[%swap3A_340] {strides = array<i32>} : memref<128xi32, #tpu.memory_space<vmem>>, vector<16xi32>,
      tpu.vector_store %arg12[%swap3A_340], %add3A_339 {strides = array<i32>} : memref<128xi32, #tpu.memory_space<vmem>>, vector<16xi32>,
      %get3A_342 = arith.constant 112 : index
      %get3A_343 = tpu.vector_load %arg12[%get3A_342] {strides = array<i32>} : memref<128xi32, #tpu.memory_space<vmem>>, vector<16xi32>,
      %add3A_344 = vector.broadcast %mul3A_3 : i32 to vector<16xi32>
      %add3A_345 = arith.addi %get3A_343, %add3A_344 : vector<16xi32>
      %swap3A_346 = arith.constant 112 : index
      %swap3A_347 = tpu.vector_load %arg12[%swap3A_346] {strides = array<i32>} : memref<128xi32, #tpu.memory_space<vmem>>, vector<16xi32>,
      tpu.vector_store %arg12[%swap3A_346], %add3A_345 {strides = array<i32>} : memref<128xi32, #tpu.memory_space<vmem>>, vector<16xi32>,
      %dma_start3A_348 = arith.constant 0 : i32
      %dma_start3A_349 = arith.constant 0 : i32
      %dma_start3A_350 = tpu.memref_slice %arg15[%dma_start3A_348, %dma_start3A_349] : memref<256x128xf32, #tpu.memory_space<vmem>> -> memref<128x128xf32, #tpu.memory_space<vmem>>
      %dma_start3A_351 = arith.constant 0 : i32
      %dma_start3A_352 = arith.constant 0 : i32
      %dma_start3A_353 = tpu.memref_slice %arg2[%dma_start3A_351, %dma_start3A_352] : memref<20480x128xf32, #tpu.memory_space<hbm>> -> memref<20480x128xf32, #tpu.memory_space<hbm>>
      tpu.enqueue_indirect_dma source(%dma_start3A_353 : memref<20480x128xf32, #tpu.memory_space<hbm>>) target(%dma_start3A_350 : memref<128x128xf32, #tpu.memory_space<vmem>>) offsets(%arg11 : memref<128xi32, #tpu.memory_space<vmem>>) semaphore(%arg18 : memref<!tpu.dma_semaphore, #tpu.memory_space<semaphore_mem>>)
      %dma_start3A_354 = arith.constant 128 : i32
      %dma_start3A_355 = arith.constant 0 : i32
      %dma_start3A_356 = tpu.memref_slice %arg15[%dma_start3A_354, %dma_start3A_355] : memref<256x128xf32, #tpu.memory_space<vmem>> -> memref<128x128xf32, #tpu.memory_space<vmem>>
      %dma_start3A_357 = arith.constant 0 : i32
      %dma_start3A_358 = arith.constant 0 : i32
      %dma_start3A_359 = tpu.memref_slice %arg2[%dma_start3A_357, %dma_start3A_358] : memref<20480x128xf32, #tpu.memory_space<hbm>> -> memref<20480x128xf32, #tpu.memory_space<hbm>>
      tpu.enqueue_indirect_dma source(%dma_start3A_359 : memref<20480x128xf32, #tpu.memory_space<hbm>>) target(%dma_start3A_356 : memref<128x128xf32, #tpu.memory_space<vmem>>) offsets(%arg12 : memref<128xi32, #tpu.memory_space<vmem>>) semaphore(%arg19 : memref<!tpu.dma_semaphore, #tpu.memory_space<semaphore_mem>>)
      %dma_wait3A_360 = arith.constant 0 : i32
      %dma_wait3A_361 = arith.constant 0 : i32
      %dma_wait3A_362 = tpu.memref_slice %arg15[%dma_wait3A_360, %dma_wait3A_361] : memref<256x128xf32, #tpu.memory_space<vmem>> -> memref<128x128xf32, #tpu.memory_space<vmem>>
      %dma_wait3A_363 = arith.constant 0 : i32
      %dma_wait3A_364 = arith.constant 0 : i32
      %dma_wait3A_365 = tpu.memref_slice %arg2[%dma_wait3A_363, %dma_wait3A_364] : memref<20480x128xf32, #tpu.memory_space<hbm>> -> memref<20480x128xf32, #tpu.memory_space<hbm>>
      tpu.wait_indirect_dma semaphore(%arg18 : memref<!tpu.dma_semaphore, #tpu.memory_space<semaphore_mem>>) src(%dma_wait3A_365 : memref<20480x128xf32, #tpu.memory_space<hbm>>) dst(%dma_wait3A_362 : memref<128x128xf32, #tpu.memory_space<vmem>>)
      %dma_start3A_366 = arith.constant 0 : i32
      %dma_start3A_367 = arith.constant 0 : i32
      %dma_start3A_368 = tpu.memref_slice %arg15[%dma_start3A_366, %dma_start3A_367] : memref<256x128xf32, #tpu.memory_space<vmem>> -> memref<128x128xf32, #tpu.memory_space<vmem>>
      %dma_start3A_369 = arith.constant 0 : i32
      %dma_start3A_370 = arith.constant 0 : i32
      %dma_start3A_371 = tpu.memref_slice %arg17[%dma_start3A_369, %dma_start3A_370] : memref<10240x128xf32, #tpu.memory_space<vmem_shared>> -> memref<10240x128xf32, #tpu.memory_space<vmem_shared>>
      tpu.enqueue_indirect_dma source(%dma_start3A_368 : memref<128x128xf32, #tpu.memory_space<vmem>>) target(%dma_start3A_371 : memref<10240x128xf32, #tpu.memory_space<vmem_shared>>) offsets(%arg13 : memref<128xi32, #tpu.memory_space<vmem>>) semaphore(%arg20 : memref<!tpu.dma_semaphore, #tpu.memory_space<semaphore_mem>>) {add = true}
      %dma_wait3A_372 = arith.constant 128 : i32
      %dma_wait3A_373 = arith.constant 0 : i32
      %dma_wait3A_374 = tpu.memref_slice %arg15[%dma_wait3A_372, %dma_wait3A_373] : memref<256x128xf32, #tpu.memory_space<vmem>> -> memref<128x128xf32, #tpu.memory_space<vmem>>
      %dma_wait3A_375 = arith.constant 0 : i32
      %dma_wait3A_376 = arith.constant 0 : i32
      %dma_wait3A_377 = tpu.memref_slice %arg2[%dma_wait3A_375, %dma_wait3A_376] : memref<20480x128xf32, #tpu.memory_space<hbm>> -> memref<20480x128xf32, #tpu.memory_space<hbm>>
      tpu.wait_indirect_dma semaphore(%arg19 : memref<!tpu.dma_semaphore, #tpu.memory_space<semaphore_mem>>) src(%dma_wait3A_377 : memref<20480x128xf32, #tpu.memory_space<hbm>>) dst(%dma_wait3A_374 : memref<128x128xf32, #tpu.memory_space<vmem>>)
      %dma_start3A_378 = arith.constant 128 : i32
      %dma_start3A_379 = arith.constant 0 : i32
      %dma_start3A_380 = tpu.memref_slice %arg15[%dma_start3A_378, %dma_start3A_379] : memref<256x128xf32, #tpu.memory_space<vmem>> -> memref<128x128xf32, #tpu.memory_space<vmem>>
      %dma_start3A_381 = arith.constant 0 : i32
      %dma_start3A_382 = arith.constant 0 : i32
      %dma_start3A_383 = tpu.memref_slice %arg17[%dma_start3A_381, %dma_start3A_382] : memref<10240x128xf32, #tpu.memory_space<vmem_shared>> -> memref<10240x128xf32, #tpu.memory_space<vmem_shared>>
      tpu.enqueue_indirect_dma source(%dma_start3A_380 : memref<128x128xf32, #tpu.memory_space<vmem>>) target(%dma_start3A_383 : memref<10240x128xf32, #tpu.memory_space<vmem_shared>>) offsets(%arg14 : memref<128xi32, #tpu.memory_space<vmem>>) semaphore(%arg20 : memref<!tpu.dma_semaphore, #tpu.memory_space<semaphore_mem>>) {add = true}
      %eq3A_384 = arith.constant 0 : i32
      %eq3A_385 = arith.cmpi eq, %arg0, %eq3A_384 : i32
      %convert_element_type3A_386 = arith.extui %eq3A_385 : i1 to i32
      %cond3A_387 = arith.constant 0 : i32
      %cond3A_388 = arith.cmpi ne, %convert_element_type3A_386, %cond3A_387 : i32
      scf.if %cond3A_388 {
        %get3A_409 = arith.constant 0 : index
        %get3A_410 = tpu.vector_load %arg13[%get3A_409] {strides = array<i32>} : memref<128xi32, #tpu.memory_space<vmem>>, vector<16xi32>,
        tpu.vector_store_idx %arg16[%get3A_410], %broadcast_in_dim3A_2 {add = true} : memref<10240xf32, #tpu.memory_space<vmem>>[vector<16xi32>], vector<16xf32>,
        %get3A_411 = arith.constant 16 : index
        %get3A_412 = tpu.vector_load %arg13[%get3A_411] {strides = array<i32>} : memref<128xi32, #tpu.memory_space<vmem>>, vector<16xi32>,
        tpu.vector_store_idx %arg16[%get3A_412], %broadcast_in_dim3A_2 {add = true} : memref<10240xf32, #tpu.memory_space<vmem>>[vector<16xi32>], vector<16xf32>,
        %get3A_413 = arith.constant 32 : index
        %get3A_414 = tpu.vector_load %arg13[%get3A_413] {strides = array<i32>} : memref<128xi32, #tpu.memory_space<vmem>>, vector<16xi32>,
        tpu.vector_store_idx %arg16[%get3A_414], %broadcast_in_dim3A_2 {add = true} : memref<10240xf32, #tpu.memory_space<vmem>>[vector<16xi32>], vector<16xf32>,
        %get3A_415 = arith.constant 48 : index
        %get3A_416 = tpu.vector_load %arg13[%get3A_415] {strides = array<i32>} : memref<128xi32, #tpu.memory_space<vmem>>, vector<16xi32>,
        tpu.vector_store_idx %arg16[%get3A_416], %broadcast_in_dim3A_2 {add = true} : memref<10240xf32, #tpu.memory_space<vmem>>[vector<16xi32>], vector<16xf32>,
        %get3A_417 = arith.constant 64 : index
        %get3A_418 = tpu.vector_load %arg13[%get3A_417] {strides = array<i32>} : memref<128xi32, #tpu.memory_space<vmem>>, vector<16xi32>,
        tpu.vector_store_idx %arg16[%get3A_418], %broadcast_in_dim3A_2 {add = true} : memref<10240xf32, #tpu.memory_space<vmem>>[vector<16xi32>], vector<16xf32>,
        %get3A_419 = arith.constant 80 : index
        %get3A_420 = tpu.vector_load %arg13[%get3A_419] {strides = array<i32>} : memref<128xi32, #tpu.memory_space<vmem>>, vector<16xi32>,
        tpu.vector_store_idx %arg16[%get3A_420], %broadcast_in_dim3A_2 {add = true} : memref<10240xf32, #tpu.memory_space<vmem>>[vector<16xi32>], vector<16xf32>,
        %get3A_421 = arith.constant 96 : index
        %get3A_422 = tpu.vector_load %arg13[%get3A_421] {strides = array<i32>} : memref<128xi32, #tpu.memory_space<vmem>>, vector<16xi32>,
        tpu.vector_store_idx %arg16[%get3A_422], %broadcast_in_dim3A_2 {add = true} : memref<10240xf32, #tpu.memory_space<vmem>>[vector<16xi32>], vector<16xf32>,
        %get3A_423 = arith.constant 112 : index
        %get3A_424 = tpu.vector_load %arg13[%get3A_423] {strides = array<i32>} : memref<128xi32, #tpu.memory_space<vmem>>, vector<16xi32>,
        tpu.vector_store_idx %arg16[%get3A_424], %broadcast_in_dim3A_2 {add = true} : memref<10240xf32, #tpu.memory_space<vmem>>[vector<16xi32>], vector<16xf32>,
        %get3A_425 = arith.constant 0 : index
        %get3A_426 = tpu.vector_load %arg14[%get3A_425] {strides = array<i32>} : memref<128xi32, #tpu.memory_space<vmem>>, vector<16xi32>,
        tpu.vector_store_idx %arg16[%get3A_426], %broadcast_in_dim3A_2 {add = true} : memref<10240xf32, #tpu.memory_space<vmem>>[vector<16xi32>], vector<16xf32>,
        %get3A_427 = arith.constant 16 : index
        %get3A_428 = tpu.vector_load %arg14[%get3A_427] {strides = array<i32>} : memref<128xi32, #tpu.memory_space<vmem>>, vector<16xi32>,
        tpu.vector_store_idx %arg16[%get3A_428], %broadcast_in_dim3A_2 {add = true} : memref<10240xf32, #tpu.memory_space<vmem>>[vector<16xi32>], vector<16xf32>,
        %get3A_429 = arith.constant 32 : index
        %get3A_430 = tpu.vector_load %arg14[%get3A_429] {strides = array<i32>} : memref<128xi32, #tpu.memory_space<vmem>>, vector<16xi32>,
        tpu.vector_store_idx %arg16[%get3A_430], %broadcast_in_dim3A_2 {add = true} : memref<10240xf32, #tpu.memory_space<vmem>>[vector<16xi32>], vector<16xf32>,
        %get3A_431 = arith.constant 48 : index
        %get3A_432 = tpu.vector_load %arg14[%get3A_431] {strides = array<i32>} : memref<128xi32, #tpu.memory_space<vmem>>, vector<16xi32>,
        tpu.vector_store_idx %arg16[%get3A_432], %broadcast_in_dim3A_2 {add = true} : memref<10240xf32, #tpu.memory_space<vmem>>[vector<16xi32>], vector<16xf32>,
        %get3A_433 = arith.constant 64 : index
        %get3A_434 = tpu.vector_load %arg14[%get3A_433] {strides = array<i32>} : memref<128xi32, #tpu.memory_space<vmem>>, vector<16xi32>,
        tpu.vector_store_idx %arg16[%get3A_434], %broadcast_in_dim3A_2 {add = true} : memref<10240xf32, #tpu.memory_space<vmem>>[vector<16xi32>], vector<16xf32>,
        %get3A_435 = arith.constant 80 : index
        %get3A_436 = tpu.vector_load %arg14[%get3A_435] {strides = array<i32>} : memref<128xi32, #tpu.memory_space<vmem>>, vector<16xi32>,
        tpu.vector_store_idx %arg16[%get3A_436], %broadcast_in_dim3A_2 {add = true} : memref<10240xf32, #tpu.memory_space<vmem>>[vector<16xi32>], vector<16xf32>,
        %get3A_437 = arith.constant 96 : index
        %get3A_438 = tpu.vector_load %arg14[%get3A_437] {strides = array<i32>} : memref<128xi32, #tpu.memory_space<vmem>>, vector<16xi32>,
        tpu.vector_store_idx %arg16[%get3A_438], %broadcast_in_dim3A_2 {add = true} : memref<10240xf32, #tpu.memory_space<vmem>>[vector<16xi32>], vector<16xf32>,
        %get3A_439 = arith.constant 112 : index
        %get3A_440 = tpu.vector_load %arg14[%get3A_439] {strides = array<i32>} : memref<128xi32, #tpu.memory_space<vmem>>, vector<16xi32>,
        tpu.vector_store_idx %arg16[%get3A_440], %broadcast_in_dim3A_2 {add = true} : memref<10240xf32, #tpu.memory_space<vmem>>[vector<16xi32>], vector<16xf32>,
      } else {
      }
      %dma_wait3A_389 = arith.constant 0 : i32
      %dma_wait3A_390 = arith.constant 0 : i32
      %dma_wait3A_391 = tpu.memref_slice %arg15[%dma_wait3A_389, %dma_wait3A_390] : memref<256x128xf32, #tpu.memory_space<vmem>> -> memref<128x128xf32, #tpu.memory_space<vmem>>
      %dma_wait3A_392 = arith.constant 0 : i32
      %dma_wait3A_393 = arith.constant 0 : i32
      %dma_wait3A_394 = tpu.memref_slice %arg17[%dma_wait3A_392, %dma_wait3A_393] : memref<10240x128xf32, #tpu.memory_space<vmem_shared>> -> memref<10240x128xf32, #tpu.memory_space<vmem_shared>>
      tpu.wait_indirect_dma semaphore(%arg20 : memref<!tpu.dma_semaphore, #tpu.memory_space<semaphore_mem>>) src(%dma_wait3A_391 : memref<128x128xf32, #tpu.memory_space<vmem>>) dst(%dma_wait3A_394 : memref<10240x128xf32, #tpu.memory_space<vmem_shared>>)
      %dma_wait3A_395 = arith.constant 128 : i32
      %dma_wait3A_396 = arith.constant 0 : i32
      %dma_wait3A_397 = tpu.memref_slice %arg15[%dma_wait3A_395, %dma_wait3A_396] : memref<256x128xf32, #tpu.memory_space<vmem>> -> memref<128x128xf32, #tpu.memory_space<vmem>>
      %dma_wait3A_398 = arith.constant 0 : i32
      %dma_wait3A_399 = arith.constant 0 : i32
      %dma_wait3A_400 = tpu.memref_slice %arg17[%dma_wait3A_398, %dma_wait3A_399] : memref<10240x128xf32, #tpu.memory_space<vmem_shared>> -> memref<10240x128xf32, #tpu.memory_space<vmem_shared>>
      tpu.wait_indirect_dma semaphore(%arg20 : memref<!tpu.dma_semaphore, #tpu.memory_space<semaphore_mem>>) src(%dma_wait3A_397 : memref<128x128xf32, #tpu.memory_space<vmem>>) dst(%dma_wait3A_400 : memref<10240x128xf32, #tpu.memory_space<vmem_shared>>)
      %dma_wait3A_401 = tpu.memref_slice %arg3[%mul3A_239] : memref<163840xi32, #tpu.memory_space<hbm>> -> memref<128xi32, #tpu.memory_space<hbm>>
      %dma_wait3A_402 = tpu.memref_slice %arg3[%mul3A_239] : memref<163840xi32, #tpu.memory_space<hbm>> -> memref<128xi32, #tpu.memory_space<hbm>>
      tpu.wait_dma2 semaphore(%arg21 : memref<!tpu.dma_semaphore, #tpu.memory_space<semaphore_mem>>) src(%dma_wait3A_402 : memref<128xi32, #tpu.memory_space<hbm>>) dst(%arg7 : memref<128xi32, #tpu.memory_space<vmem>>)
      %dma_wait3A_403 = tpu.memref_slice %arg3[%add3A_243] : memref<163840xi32, #tpu.memory_space<hbm>> -> memref<128xi32, #tpu.memory_space<hbm>>
      %dma_wait3A_404 = tpu.memref_slice %arg3[%add3A_243] : memref<163840xi32, #tpu.memory_space<hbm>> -> memref<128xi32, #tpu.memory_space<hbm>>
      tpu.wait_dma2 semaphore(%arg21 : memref<!tpu.dma_semaphore, #tpu.memory_space<semaphore_mem>>) src(%dma_wait3A_404 : memref<128xi32, #tpu.memory_space<hbm>>) dst(%arg8 : memref<128xi32, #tpu.memory_space<vmem>>)
      %dma_wait3A_405 = tpu.memref_slice %arg4[%mul3A_239] : memref<163840xi32, #tpu.memory_space<hbm>> -> memref<128xi32, #tpu.memory_space<hbm>>
      %dma_wait3A_406 = tpu.memref_slice %arg4[%mul3A_239] : memref<163840xi32, #tpu.memory_space<hbm>> -> memref<128xi32, #tpu.memory_space<hbm>>
      tpu.wait_dma2 semaphore(%arg21 : memref<!tpu.dma_semaphore, #tpu.memory_space<semaphore_mem>>) src(%dma_wait3A_406 : memref<128xi32, #tpu.memory_space<hbm>>) dst(%arg9 : memref<128xi32, #tpu.memory_space<vmem>>)
      %dma_wait3A_407 = tpu.memref_slice %arg4[%add3A_249] : memref<163840xi32, #tpu.memory_space<hbm>> -> memref<128xi32, #tpu.memory_space<hbm>>
      %dma_wait3A_408 = tpu.memref_slice %arg4[%add3A_249] : memref<163840xi32, #tpu.memory_space<hbm>> -> memref<128xi32, #tpu.memory_space<hbm>>
      tpu.wait_dma2 semaphore(%arg21 : memref<!tpu.dma_semaphore, #tpu.memory_space<semaphore_mem>>) src(%dma_wait3A_408 : memref<128xi32, #tpu.memory_space<hbm>>) dst(%arg10 : memref<128xi32, #tpu.memory_space<vmem>>)
    }
    %scan3A_48 = arith.constant 20 : i32
    %barrier3A_49 = arith.constant 0 : index
    tpu.barrier barrier_id(%barrier3A_49)
    %add3A_50 = arith.addi %mul3A_3, %mul3A_16 : i32
    "tpu.region"() ({
      %run_scoped3A = tpu.sem_alloc : memref<!tpu.dma_semaphore, #tpu.memory_space<semaphore_mem>>
      %dma_start3A_53 = arith.constant 0 : i32
      %dma_start3A_54 = tpu.memref_slice %arg5[%add3A_50, %dma_start3A_53] : memref<20480x128xf32, #tpu.memory_space<hbm>> -> memref<640x128xf32, #tpu.memory_space<hbm>>
      %dma_start3A_55 = arith.constant 0 : i32
      %dma_start3A_56 = tpu.memref_slice %arg17[%mul3A_16, %dma_start3A_55] : memref<10240x128xf32, #tpu.memory_space<vmem_shared>> -> memref<640x128xf32, #tpu.memory_space<vmem_shared>>
      tpu.enqueue_dma source(%dma_start3A_56 : memref<640x128xf32, #tpu.memory_space<vmem_shared>>) target(%dma_start3A_54 : memref<640x128xf32, #tpu.memory_space<hbm>>) target_semaphore(%run_scoped3A : memref<!tpu.dma_semaphore, #tpu.memory_space<semaphore_mem>>)
      %dma_wait3A_57 = arith.constant 0 : i32
      %dma_wait3A_58 = tpu.memref_slice %arg5[%add3A_50, %dma_wait3A_57] : memref<20480x128xf32, #tpu.memory_space<hbm>> -> memref<640x128xf32, #tpu.memory_space<hbm>>
      %dma_wait3A_59 = arith.constant 0 : i32
      %dma_wait3A_60 = tpu.memref_slice %arg17[%mul3A_16, %dma_wait3A_59] : memref<10240x128xf32, #tpu.memory_space<vmem_shared>> -> memref<640x128xf32, #tpu.memory_space<vmem_shared>>
      tpu.wait_dma2 semaphore(%run_scoped3A : memref<!tpu.dma_semaphore, #tpu.memory_space<semaphore_mem>>) src(%dma_wait3A_60 : memref<640x128xf32, #tpu.memory_space<vmem_shared>>) dst(%dma_wait3A_58 : memref<640x128xf32, #tpu.memory_space<hbm>>)
      tpu.yield
    }) : () -> ()
    %eq3A = arith.constant 0 : i32
    %eq3A_51 = arith.cmpi eq, %arg0, %eq3A : i32
    %convert_element_type3A = arith.extui %eq3A_51 : i1 to i32
    %cond3A = arith.constant 0 : i32
    %cond3A_52 = arith.cmpi ne, %convert_element_type3A, %cond3A : i32
    scf.if %cond3A_52 {
      "tpu.region"() ({
        %run_scoped3A = tpu.sem_alloc : memref<!tpu.dma_semaphore, #tpu.memory_space<semaphore_mem>>
        %dma_start3A_53 = arith.constant 0 : i32
        %dma_start3A_54 = tpu.memref_slice %arg6[%arg1, %dma_start3A_53] : memref<16x10240xf32, #tpu.memory_space<hbm>> -> memref<1x10240xf32, #tpu.memory_space<hbm>>
        %dma_start3A_55 = tpu.memref_squeeze %dma_start3A_54 : memref<1x10240xf32, #tpu.memory_space<hbm>> -> memref<10240xf32, #tpu.memory_space<hbm>>
        %dma_start3A_56 = arith.constant 0 : i32
        %dma_start3A_57 = tpu.memref_slice %arg6[%arg1, %dma_start3A_56] : memref<16x10240xf32, #tpu.memory_space<hbm>> -> memref<1x10240xf32, #tpu.memory_space<hbm>>
        %dma_start3A_58 = tpu.memref_squeeze %dma_start3A_57 : memref<1x10240xf32, #tpu.memory_space<hbm>> -> memref<10240xf32, #tpu.memory_space<hbm>>
        tpu.enqueue_dma source(%arg16 : memref<10240xf32, #tpu.memory_space<vmem>>) target(%dma_start3A_58 : memref<10240xf32, #tpu.memory_space<hbm>>) target_semaphore(%run_scoped3A : memref<!tpu.dma_semaphore, #tpu.memory_space<semaphore_mem>>)
        %dma_wait3A_59 = arith.constant 0 : i32
        %dma_wait3A_60 = tpu.memref_slice %arg6[%arg1, %dma_wait3A_59] : memref<16x10240xf32, #tpu.memory_space<hbm>> -> memref<1x10240xf32, #tpu.memory_space<hbm>>
        %dma_wait3A_61 = tpu.memref_squeeze %dma_wait3A_60 : memref<1x10240xf32, #tpu.memory_space<hbm>> -> memref<10240xf32, #tpu.memory_space<hbm>>
        %dma_wait3A_62 = arith.constant 0 : i32
        %dma_wait3A_63 = tpu.memref_slice %arg6[%arg1, %dma_wait3A_62] : memref<16x10240xf32, #tpu.memory_space<hbm>> -> memref<1x10240xf32, #tpu.memory_space<hbm>>
        %dma_wait3A_64 = tpu.memref_squeeze %dma_wait3A_63 : memref<1x10240xf32, #tpu.memory_space<hbm>> -> memref<10240xf32, #tpu.memory_space<hbm>>
        tpu.wait_dma2 semaphore(%run_scoped3A : memref<!tpu.dma_semaphore, #tpu.memory_space<semaphore_mem>>) src(%arg16 : memref<10240xf32, #tpu.memory_space<vmem>>) dst(%dma_wait3A_64 : memref<10240xf32, #tpu.memory_space<hbm>>)
        tpu.yield
      }) : () -> ()
    } else {
    }
    return
  }
}

#map = affine_map<(d0, d1) -> (0, 0)>
#map1 = affine_map<(d0, d1) -> (0)>
module attributes {stable_mosaic.version = 14 : i64} {
  func.func @k(%arg0: i32, %arg1: i32, %arg2: memref<20480x128xf32, #tpu.memory_space<hbm>>, %arg3: memref<163840xi32, #tpu.memory_space<hbm>>, %arg4: memref<163840xi32, #tpu.memory_space<hbm>>, %arg5: memref<20480x128xf32, #tpu.memory_space<hbm>>, %arg6: memref<16x10240xf32, #tpu.memory_space<hbm>>, %arg7: memref<128xi32, #tpu.memory_space<vmem>>, %arg8: memref<128xi32, #tpu.memory_space<vmem>>, %arg9: memref<128xi32, #tpu.memory_space<vmem>>, %arg10: memref<128xi32, #tpu.memory_space<vmem>>, %arg11: memref<128xi32, #tpu.memory_space<vmem>>, %arg12: memref<128xi32, #tpu.memory_space<vmem>>, %arg13: memref<128xi32, #tpu.memory_space<vmem>>, %arg14: memref<128xi32, #tpu.memory_space<vmem>>, %arg15: memref<256x128xf32, #tpu.memory_space<vmem>>, %arg16: memref<10240xf32, #tpu.memory_space<vmem>>, %arg17: memref<10240x128xf32, #tpu.memory_space<vmem_shared>>, %arg18: memref<!tpu.dma_semaphore, #tpu.memory_space<semaphore_mem>>, %arg19: memref<!tpu.dma_semaphore, #tpu.memory_space<semaphore_mem>>, %arg20: memref<!tpu.dma_semaphore, #tpu.memory_space<semaphore_mem>>, %arg21: memref<!tpu.dma_semaphore, #tpu.memory_space<semaphore_mem>>) attributes {dimension_semantics = [#tpu.dimension_semantics<core_parallel>, #tpu.dimension_semantics<subcore_parallel>], iteration_bounds = array<i64: 2, 16>, scalar_prefetch = 0 : i64, scratch_operands = 15 : i64, tpu.core_type = #tpu.core_type<sc_vector_subcore>, window_params = [{transform_indices = #map}, {transform_indices = #map1}, {transform_indices = #map1}, {transform_indices = #map}, {transform_indices = #map}]} {
    %broadcast_in_dim3A = arith.constant 0.000000e+00 : f32
    %broadcast_in_dim3A_0 = vector.broadcast %broadcast_in_dim3A : f32 to vector<16xf32>
    %broadcast_in_dim3A_1 = arith.constant 1.000000e+00 : f32
    %broadcast_in_dim3A_2 = vector.broadcast %broadcast_in_dim3A_1 : f32 to vector<16xf32>
    %mul3A = arith.constant 10240 : i32
    %mul3A_3 = arith.muli %arg0, %mul3A : i32
    %scan3A = arith.constant 0 : i32
    %scan3A_4 = arith.constant 0 : i32
    %scan3A_5 = arith.constant 256 : i32
    %scan3A_6 = arith.addi %scan3A_4, %scan3A_5 : i32
    %scan3A_7 = arith.constant 1 : i32
    scf.for %scan3A_53 = %scan3A_4 to %scan3A_6 step %scan3A_7  : i32 {
      %scan3A_54 = arith.constant 0 : i32
      %scan3A_55 = arith.constant 8 : i32
      %scan3A_56 = arith.addi %scan3A_54, %scan3A_55 : i32
      %scan3A_57 = arith.constant 1 : i32
      scf.for %scan3A_59 = %scan3A_54 to %scan3A_56 step %scan3A_57  : i32 {
        %mul3A_60 = arith.constant 16 : i32
        %mul3A_61 = arith.muli %scan3A_59, %mul3A_60 : i32
        %swap3A = arith.index_cast %scan3A_53 : i32 to index
        %swap3A_62 = arith.index_cast %mul3A_61 : i32 to index
        %swap3A_63 = tpu.vector_load %arg15[%swap3A, %swap3A_62] {strides = array<i32>} : memref<256x128xf32, #tpu.memory_space<vmem>>, vector<16xf32>,
        tpu.vector_store %arg15[%swap3A, %swap3A_62], %broadcast_in_dim3A_0 {strides = array<i32>} : memref<256x128xf32, #tpu.memory_space<vmem>>, vector<16xf32>,
      }
      %scan3A_58 = arith.constant 8 : i32
    }
    %scan3A_8 = arith.constant 256 : i32
    %scan3A_9 = arith.constant 0 : i32
    %scan3A_10 = arith.constant 0 : i32
    %scan3A_11 = arith.constant 640 : i32
    %scan3A_12 = arith.addi %scan3A_10, %scan3A_11 : i32
    %scan3A_13 = arith.constant 1 : i32
    scf.for %scan3A_53 = %scan3A_10 to %scan3A_12 step %scan3A_13  : i32 {
      %mul3A_54 = arith.constant 16 : i32
      %mul3A_55 = arith.muli %scan3A_53, %mul3A_54 : i32
      %swap3A = arith.index_cast %mul3A_55 : i32 to index
      %swap3A_56 = tpu.vector_load %arg16[%swap3A] {strides = array<i32>} : memref<10240xf32, #tpu.memory_space<vmem>>, vector<16xf32>,
      tpu.vector_store %arg16[%swap3A], %broadcast_in_dim3A_0 {strides = array<i32>} : memref<10240xf32, #tpu.memory_space<vmem>>, vector<16xf32>,
    }
    %scan3A_14 = arith.constant 640 : i32
    %mul3A_15 = arith.constant 640 : i32
    %mul3A_16 = arith.muli %arg1, %mul3A_15 : i32
    %add3A = arith.constant 0 : i32
    %add3A_17 = arith.addi %mul3A_16, %add3A : i32
    "tpu.region"() ({
      %run_scoped3A = tpu.sem_alloc : memref<!tpu.dma_semaphore, #tpu.memory_space<semaphore_mem>>
      %dma_start3A_53 = arith.constant 0 : i32
      %dma_start3A_54 = tpu.memref_slice %arg17[%add3A_17, %dma_start3A_53] : memref<10240x128xf32, #tpu.memory_space<vmem_shared>> -> memref<256x128xf32, #tpu.memory_space<vmem_shared>>
      %dma_start3A_55 = arith.constant 0 : i32
      %dma_start3A_56 = tpu.memref_slice %arg17[%add3A_17, %dma_start3A_55] : memref<10240x128xf32, #tpu.memory_space<vmem_shared>> -> memref<256x128xf32, #tpu.memory_space<vmem_shared>>
      tpu.enqueue_dma source(%arg15 : memref<256x128xf32, #tpu.memory_space<vmem>>) target(%dma_start3A_56 : memref<256x128xf32, #tpu.memory_space<vmem_shared>>) target_semaphore(%run_scoped3A : memref<!tpu.dma_semaphore, #tpu.memory_space<semaphore_mem>>)
      %dma_wait3A_57 = arith.constant 0 : i32
      %dma_wait3A_58 = tpu.memref_slice %arg17[%add3A_17, %dma_wait3A_57] : memref<10240x128xf32, #tpu.memory_space<vmem_shared>> -> memref<256x128xf32, #tpu.memory_space<vmem_shared>>
      %dma_wait3A_59 = arith.constant 0 : i32
      %dma_wait3A_60 = tpu.memref_slice %arg17[%add3A_17, %dma_wait3A_59] : memref<10240x128xf32, #tpu.memory_space<vmem_shared>> -> memref<256x128xf32, #tpu.memory_space<vmem_shared>>
      tpu.wait_dma2 semaphore(%run_scoped3A : memref<!tpu.dma_semaphore, #tpu.memory_space<semaphore_mem>>) src(%arg15 : memref<256x128xf32, #tpu.memory_space<vmem>>) dst(%dma_wait3A_60 : memref<256x128xf32, #tpu.memory_space<vmem_shared>>)
      tpu.yield
    }) : () -> ()
    %add3A_18 = arith.constant 256 : i32
    %add3A_19 = arith.addi %mul3A_16, %add3A_18 : i32
    "tpu.region"() ({
      %run_scoped3A = tpu.sem_alloc : memref<!tpu.dma_semaphore, #tpu.memory_space<semaphore_mem>>
      %dma_start3A_53 = arith.constant 0 : i32
      %dma_start3A_54 = tpu.memref_slice %arg17[%add3A_19, %dma_start3A_53] : memref<10240x128xf32, #tpu.memory_space<vmem_shared>> -> memref<256x128xf32, #tpu.memory_space<vmem_shared>>
      %dma_start3A_55 = arith.constant 0 : i32
      %dma_start3A_56 = tpu.memref_slice %arg17[%add3A_19, %dma_start3A_55] : memref<10240x128xf32, #tpu.memory_space<vmem_shared>> -> memref<256x128xf32, #tpu.memory_space<vmem_shared>>
      tpu.enqueue_dma source(%arg15 : memref<256x128xf32, #tpu.memory_space<vmem>>) target(%dma_start3A_56 : memref<256x128xf32, #tpu.memory_space<vmem_shared>>) target_semaphore(%run_scoped3A : memref<!tpu.dma_semaphore, #tpu.memory_space<semaphore_mem>>)
      %dma_wait3A_57 = arith.constant 0 : i32
      %dma_wait3A_58 = tpu.memref_slice %arg17[%add3A_19, %dma_wait3A_57] : memref<10240x128xf32, #tpu.memory_space<vmem_shared>> -> memref<256x128xf32, #tpu.memory_space<vmem_shared>>
      %dma_wait3A_59 = arith.constant 0 : i32
      %dma_wait3A_60 = tpu.memref_slice %arg17[%add3A_19, %dma_wait3A_59] : memref<10240x128xf32, #tpu.memory_space<vmem_shared>> -> memref<256x128xf32, #tpu.memory_space<vmem_shared>>
      tpu.wait_dma2 semaphore(%run_scoped3A : memref<!tpu.dma_semaphore, #tpu.memory_space<semaphore_mem>>) src(%arg15 : memref<256x128xf32, #tpu.memory_space<vmem>>) dst(%dma_wait3A_60 : memref<256x128xf32, #tpu.memory_space<vmem_shared>>)
      tpu.yield
    }) : () -> ()
    %add3A_20 = arith.constant 640 : i32
    %add3A_21 = arith.addi %mul3A_16, %add3A_20 : i32
    %sub3A = arith.constant 128 : i32
    %sub3A_22 = arith.subi %add3A_21, %sub3A : i32
    "tpu.region"() ({
      %run_scoped3A = tpu.sem_alloc : memref<!tpu.dma_semaphore, #tpu.memory_space<semaphore_mem>>
      %dma_start3A_53 = arith.constant 0 : i32
      %dma_start3A_54 = arith.constant 0 : i32
      %dma_start3A_55 = tpu.memref_slice %arg15[%dma_start3A_53, %dma_start3A_54] : memref<256x128xf32, #tpu.memory_space<vmem>> -> memref<128x128xf32, #tpu.memory_space<vmem>>
      %dma_start3A_56 = arith.constant 0 : i32
      %dma_start3A_57 = tpu.memref_slice %arg17[%sub3A_22, %dma_start3A_56] : memref<10240x128xf32, #tpu.memory_space<vmem_shared>> -> memref<128x128xf32, #tpu.memory_space<vmem_shared>>
      %dma_start3A_58 = arith.constant 0 : i32
      %dma_start3A_59 = tpu.memref_slice %arg17[%sub3A_22, %dma_start3A_58] : memref<10240x128xf32, #tpu.memory_space<vmem_shared>> -> memref<128x128xf32, #tpu.memory_space<vmem_shared>>
      %dma_start3A_60 = arith.constant 0 : i32
      %dma_start3A_61 = arith.constant 0 : i32
      %dma_start3A_62 = tpu.memref_slice %arg15[%dma_start3A_60, %dma_start3A_61] : memref<256x128xf32, #tpu.memory_space<vmem>> -> memref<128x128xf32, #tpu.memory_space<vmem>>
      tpu.enqueue_dma source(%dma_start3A_62 : memref<128x128xf32, #tpu.memory_space<vmem>>) target(%dma_start3A_59 : memref<128x128xf32, #tpu.memory_space<vmem_shared>>) target_semaphore(%run_scoped3A : memref<!tpu.dma_semaphore, #tpu.memory_space<semaphore_mem>>)
      %dma_wait3A_63 = arith.constant 0 : i32
      %dma_wait3A_64 = arith.constant 0 : i32
      %dma_wait3A_65 = tpu.memref_slice %arg15[%dma_wait3A_63, %dma_wait3A_64] : memref<256x128xf32, #tpu.memory_space<vmem>> -> memref<128x128xf32, #tpu.memory_space<vmem>>
      %dma_wait3A_66 = arith.constant 0 : i32
      %dma_wait3A_67 = tpu.memref_slice %arg17[%sub3A_22, %dma_wait3A_66] : memref<10240x128xf32, #tpu.memory_space<vmem_shared>> -> memref<128x128xf32, #tpu.memory_space<vmem_shared>>
      %dma_wait3A_68 = arith.constant 0 : i32
      %dma_wait3A_69 = tpu.memref_slice %arg17[%sub3A_22, %dma_wait3A_68] : memref<10240x128xf32, #tpu.memory_space<vmem_shared>> -> memref<128x128xf32, #tpu.memory_space<vmem_shared>>
      %dma_wait3A_70 = arith.constant 0 : i32
      %dma_wait3A_71 = arith.constant 0 : i32
      %dma_wait3A_72 = tpu.memref_slice %arg15[%dma_wait3A_70, %dma_wait3A_71] : memref<256x128xf32, #tpu.memory_space<vmem>> -> memref<128x128xf32, #tpu.memory_space<vmem>>
      tpu.wait_dma2 semaphore(%run_scoped3A : memref<!tpu.dma_semaphore, #tpu.memory_space<semaphore_mem>>) src(%dma_wait3A_72 : memref<128x128xf32, #tpu.memory_space<vmem>>) dst(%dma_wait3A_69 : memref<128x128xf32, #tpu.memory_space<vmem_shared>>)
      tpu.yield
    }) : () -> ()
    %mul3A_23 = arith.constant 256 : i32
    %mul3A_24 = arith.muli %arg1, %mul3A_23 : i32
    %dma_start3A = tpu.memref_slice %arg3[%mul3A_24] : memref<163840xi32, #tpu.memory_space<hbm>> -> memref<128xi32, #tpu.memory_space<hbm>>
    %dma_start3A_25 = tpu.memref_slice %arg3[%mul3A_24] : memref<163840xi32, #tpu.memory_space<hbm>> -> memref<128xi32, #tpu.memory_space<hbm>>
    tpu.enqueue_dma source(%dma_start3A_25 : memref<128xi32, #tpu.memory_space<hbm>>) target(%arg7 : memref<128xi32, #tpu.memory_space<vmem>>) target_semaphore(%arg21 : memref<!tpu.dma_semaphore, #tpu.memory_space<semaphore_mem>>)
    %add3A_26 = arith.constant 128 : i32
    %add3A_27 = arith.addi %mul3A_24, %add3A_26 : i32
    %dma_start3A_28 = tpu.memref_slice %arg3[%add3A_27] : memref<163840xi32, #tpu.memory_space<hbm>> -> memref<128xi32, #tpu.memory_space<hbm>>
    %dma_start3A_29 = tpu.memref_slice %arg3[%add3A_27] : memref<163840xi32, #tpu.memory_space<hbm>> -> memref<128xi32, #tpu.memory_space<hbm>>
    tpu.enqueue_dma source(%dma_start3A_29 : memref<128xi32, #tpu.memory_space<hbm>>) target(%arg8 : memref<128xi32, #tpu.memory_space<vmem>>) target_semaphore(%arg21 : memref<!tpu.dma_semaphore, #tpu.memory_space<semaphore_mem>>)
    %dma_start3A_30 = tpu.memref_slice %arg4[%mul3A_24] : memref<163840xi32, #tpu.memory_space<hbm>> -> memref<128xi32, #tpu.memory_space<hbm>>
    %dma_start3A_31 = tpu.memref_slice %arg4[%mul3A_24] : memref<163840xi32, #tpu.memory_space<hbm>> -> memref<128xi32, #tpu.memory_space<hbm>>
    tpu.enqueue_dma source(%dma_start3A_31 : memref<128xi32, #tpu.memory_space<hbm>>) target(%arg9 : memref<128xi32, #tpu.memory_space<vmem>>) target_semaphore(%arg21 : memref<!tpu.dma_semaphore, #tpu.memory_space<semaphore_mem>>)
    %add3A_32 = arith.constant 128 : i32
    %add3A_33 = arith.addi %mul3A_24, %add3A_32 : i32
    %dma_start3A_34 = tpu.memref_slice %arg4[%add3A_33] : memref<163840xi32, #tpu.memory_space<hbm>> -> memref<128xi32, #tpu.memory_space<hbm>>
    %dma_start3A_35 = tpu.memref_slice %arg4[%add3A_33] : memref<163840xi32, #tpu.memory_space<hbm>> -> memref<128xi32, #tpu.memory_space<hbm>>
    tpu.enqueue_dma source(%dma_start3A_35 : memref<128xi32, #tpu.memory_space<hbm>>) target(%arg10 : memref<128xi32, #tpu.memory_space<vmem>>) target_semaphore(%arg21 : memref<!tpu.dma_semaphore, #tpu.memory_space<semaphore_mem>>)
    %dma_wait3A = tpu.memref_slice %arg3[%mul3A_24] : memref<163840xi32, #tpu.memory_space<hbm>> -> memref<128xi32, #tpu.memory_space<hbm>>
    %dma_wait3A_36 = tpu.memref_slice %arg3[%mul3A_24] : memref<163840xi32, #tpu.memory_space<hbm>> -> memref<128xi32, #tpu.memory_space<hbm>>
    tpu.wait_dma2 semaphore(%arg21 : memref<!tpu.dma_semaphore, #tpu.memory_space<semaphore_mem>>) src(%dma_wait3A_36 : memref<128xi32, #tpu.memory_space<hbm>>) dst(%arg7 : memref<128xi32, #tpu.memory_space<vmem>>)
    %dma_wait3A_37 = tpu.memref_slice %arg3[%add3A_27] : memref<163840xi32, #tpu.memory_space<hbm>> -> memref<128xi32, #tpu.memory_space<hbm>>
    %dma_wait3A_38 = tpu.memref_slice %arg3[%add3A_27] : memref<163840xi32, #tpu.memory_space<hbm>> -> memref<128xi32, #tpu.memory_space<hbm>>
    tpu.wait_dma2 semaphore(%arg21 : memref<!tpu.dma_semaphore, #tpu.memory_space<semaphore_mem>>) src(%dma_wait3A_38 : memref<128xi32, #tpu.memory_space<hbm>>) dst(%arg8 : memref<128xi32, #tpu.memory_space<vmem>>)
    %dma_wait3A_39 = tpu.memref_slice %arg4[%mul3A_24] : memref<163840xi32, #tpu.memory_space<hbm>> -> memref<128xi32, #tpu.memory_space<hbm>>
    %dma_wait3A_40 = tpu.memref_slice %arg4[%mul3A_24] : memref<163840xi32, #tpu.memory_space<hbm>> -> memref<128xi32, #tpu.memory_space<hbm>>
    tpu.wait_dma2 semaphore(%arg21 : memref<!tpu.dma_semaphore, #tpu.memory_space<semaphore_mem>>) src(%dma_wait3A_40 : memref<128xi32, #tpu.memory_space<hbm>>) dst(%arg9 : memref<128xi32, #tpu.memory_space<vmem>>)
    %dma_wait3A_41 = tpu.memref_slice %arg4[%add3A_33] : memref<163840xi32, #tpu.memory_space<hbm>> -> memref<128xi32, #tpu.memory_space<hbm>>
    %dma_wait3A_42 = tpu.memref_slice %arg4[%add3A_33] : memref<163840xi32, #tpu.memory_space<hbm>> -> memref<128xi32, #tpu.memory_space<hbm>>
    tpu.wait_dma2 semaphore(%arg21 : memref<!tpu.dma_semaphore, #tpu.memory_space<semaphore_mem>>) src(%dma_wait3A_42 : memref<128xi32, #tpu.memory_space<hbm>>) dst(%arg10 : memref<128xi32, #tpu.memory_space<vmem>>)
    %barrier3A = arith.constant 0 : index
    tpu.barrier barrier_id(%barrier3A)
    %scan3A_43 = arith.constant 0 : i32
    %scan3A_44 = arith.constant 0 : i32
    %scan3A_45 = arith.constant 20 : i32
    %scan3A_46 = arith.addi %scan3A_44, %scan3A_45 : i32
    %scan3A_47 = arith.constant 1 : i32
    scf.for %scan3A_53 = %scan3A_44 to %scan3A_46 step %scan3A_47  : i32 {
      %mul3A_54 = arith.constant 2 : i32
      %mul3A_55 = arith.muli %mul3A_54, %scan3A_53 : i32
      %add3A_56 = arith.constant 1 : i32
      %add3A_57 = arith.addi %mul3A_55, %add3A_56 : i32
      %mul3A_58 = arith.constant 16 : i32
      %mul3A_59 = arith.muli %add3A_57, %mul3A_58 : i32
      %add3A_60 = arith.addi %arg1, %mul3A_59 : i32
      %mul3A_61 = arith.constant 256 : i32
      %mul3A_62 = arith.muli %add3A_60, %mul3A_61 : i32
      %dma_start3A_63 = tpu.memref_slice %arg3[%mul3A_62] : memref<163840xi32, #tpu.memory_space<hbm>> -> memref<128xi32, #tpu.memory_space<hbm>>
      %dma_start3A_64 = tpu.memref_slice %arg3[%mul3A_62] : memref<163840xi32, #tpu.memory_space<hbm>> -> memref<128xi32, #tpu.memory_space<hbm>>
      tpu.enqueue_dma source(%dma_start3A_64 : memref<128xi32, #tpu.memory_space<hbm>>) target(%arg11 : memref<128xi32, #tpu.memory_space<vmem>>) target_semaphore(%arg21 : memref<!tpu.dma_semaphore, #tpu.memory_space<semaphore_mem>>)
      %add3A_65 = arith.constant 128 : i32
      %add3A_66 = arith.addi %mul3A_62, %add3A_65 : i32
      %dma_start3A_67 = tpu.memref_slice %arg3[%add3A_66] : memref<163840xi32, #tpu.memory_space<hbm>> -> memref<128xi32, #tpu.memory_space<hbm>>
      %dma_start3A_68 = tpu.memref_slice %arg3[%add3A_66] : memref<163840xi32, #tpu.memory_space<hbm>> -> memref<128xi32, #tpu.memory_space<hbm>>
      tpu.enqueue_dma source(%dma_start3A_68 : memref<128xi32, #tpu.memory_space<hbm>>) target(%arg12 : memref<128xi32, #tpu.memory_space<vmem>>) target_semaphore(%arg21 : memref<!tpu.dma_semaphore, #tpu.memory_space<semaphore_mem>>)
      %dma_start3A_69 = tpu.memref_slice %arg4[%mul3A_62] : memref<163840xi32, #tpu.memory_space<hbm>> -> memref<128xi32, #tpu.memory_space<hbm>>
      %dma_start3A_70 = tpu.memref_slice %arg4[%mul3A_62] : memref<163840xi32, #tpu.memory_space<hbm>> -> memref<128xi32, #tpu.memory_space<hbm>>
      tpu.enqueue_dma source(%dma_start3A_70 : memref<128xi32, #tpu.memory_space<hbm>>) target(%arg13 : memref<128xi32, #tpu.memory_space<vmem>>) target_semaphore(%arg21 : memref<!tpu.dma_semaphore, #tpu.memory_space<semaphore_mem>>)
      %add3A_71 = arith.constant 128 : i32
      %add3A_72 = arith.addi %mul3A_62, %add3A_71 : i32
      %dma_start3A_73 = tpu.memref_slice %arg4[%add3A_72] : memref<163840xi32, #tpu.memory_space<hbm>> -> memref<128xi32, #tpu.memory_space<hbm>>
      %dma_start3A_74 = tpu.memref_slice %arg4[%add3A_72] : memref<163840xi32, #tpu.memory_space<hbm>> -> memref<128xi32, #tpu.memory_space<hbm>>
      tpu.enqueue_dma source(%dma_start3A_74 : memref<128xi32, #tpu.memory_space<hbm>>) target(%arg14 : memref<128xi32, #tpu.memory_space<vmem>>) target_semaphore(%arg21 : memref<!tpu.dma_semaphore, #tpu.memory_space<semaphore_mem>>)
      %get3A = arith.constant 0 : index
      %get3A_75 = tpu.vector_load %arg7[%get3A] {strides = array<i32>} : memref<128xi32, #tpu.memory_space<vmem>>, vector<16xi32>,
      %add3A_76 = vector.broadcast %mul3A_3 : i32 to vector<16xi32>
      %add3A_77 = arith.addi %get3A_75, %add3A_76 : vector<16xi32>
      %swap3A = arith.constant 0 : index
      %swap3A_78 = tpu.vector_load %arg7[%swap3A] {strides = array<i32>} : memref<128xi32, #tpu.memory_space<vmem>>, vector<16xi32>,
      tpu.vector_store %arg7[%swap3A], %add3A_77 {strides = array<i32>} : memref<128xi32, #tpu.memory_space<vmem>>, vector<16xi32>,
      %get3A_79 = arith.constant 16 : index
      %get3A_80 = tpu.vector_load %arg7[%get3A_79] {strides = array<i32>} : memref<128xi32, #tpu.memory_space<vmem>>, vector<16xi32>,
      %add3A_81 = vector.broadcast %mul3A_3 : i32 to vector<16xi32>
      %add3A_82 = arith.addi %get3A_80, %add3A_81 : vector<16xi32>
      %swap3A_83 = arith.constant 16 : index
      %swap3A_84 = tpu.vector_load %arg7[%swap3A_83] {strides = array<i32>} : memref<128xi32, #tpu.memory_space<vmem>>, vector<16xi32>,
      tpu.vector_store %arg7[%swap3A_83], %add3A_82 {strides = array<i32>} : memref<128xi32, #tpu.memory_space<vmem>>, vector<16xi32>,
      %get3A_85 = arith.constant 32 : index
      %get3A_86 = tpu.vector_load %arg7[%get3A_85] {strides = array<i32>} : memref<128xi32, #tpu.memory_space<vmem>>, vector<16xi32>,
      %add3A_87 = vector.broadcast %mul3A_3 : i32 to vector<16xi32>
      %add3A_88 = arith.addi %get3A_86, %add3A_87 : vector<16xi32>
      %swap3A_89 = arith.constant 32 : index
      %swap3A_90 = tpu.vector_load %arg7[%swap3A_89] {strides = array<i32>} : memref<128xi32, #tpu.memory_space<vmem>>, vector<16xi32>,
      tpu.vector_store %arg7[%swap3A_89], %add3A_88 {strides = array<i32>} : memref<128xi32, #tpu.memory_space<vmem>>, vector<16xi32>,
      %get3A_91 = arith.constant 48 : index
      %get3A_92 = tpu.vector_load %arg7[%get3A_91] {strides = array<i32>} : memref<128xi32, #tpu.memory_space<vmem>>, vector<16xi32>,
      %add3A_93 = vector.broadcast %mul3A_3 : i32 to vector<16xi32>
      %add3A_94 = arith.addi %get3A_92, %add3A_93 : vector<16xi32>
      %swap3A_95 = arith.constant 48 : index
      %swap3A_96 = tpu.vector_load %arg7[%swap3A_95] {strides = array<i32>} : memref<128xi32, #tpu.memory_space<vmem>>, vector<16xi32>,
      tpu.vector_store %arg7[%swap3A_95], %add3A_94 {strides = array<i32>} : memref<128xi32, #tpu.memory_space<vmem>>, vector<16xi32>,
      %get3A_97 = arith.constant 64 : index
      %get3A_98 = tpu.vector_load %arg7[%get3A_97] {strides = array<i32>} : memref<128xi32, #tpu.memory_space<vmem>>, vector<16xi32>,
      %add3A_99 = vector.broadcast %mul3A_3 : i32 to vector<16xi32>
      %add3A_100 = arith.addi %get3A_98, %add3A_99 : vector<16xi32>
      %swap3A_101 = arith.constant 64 : index
      %swap3A_102 = tpu.vector_load %arg7[%swap3A_101] {strides = array<i32>} : memref<128xi32, #tpu.memory_space<vmem>>, vector<16xi32>,
      tpu.vector_store %arg7[%swap3A_101], %add3A_100 {strides = array<i32>} : memref<128xi32, #tpu.memory_space<vmem>>, vector<16xi32>,
      %get3A_103 = arith.constant 80 : index
      %get3A_104 = tpu.vector_load %arg7[%get3A_103] {strides = array<i32>} : memref<128xi32, #tpu.memory_space<vmem>>, vector<16xi32>,
      %add3A_105 = vector.broadcast %mul3A_3 : i32 to vector<16xi32>
      %add3A_106 = arith.addi %get3A_104, %add3A_105 : vector<16xi32>
      %swap3A_107 = arith.constant 80 : index
      %swap3A_108 = tpu.vector_load %arg7[%swap3A_107] {strides = array<i32>} : memref<128xi32, #tpu.memory_space<vmem>>, vector<16xi32>,
      tpu.vector_store %arg7[%swap3A_107], %add3A_106 {strides = array<i32>} : memref<128xi32, #tpu.memory_space<vmem>>, vector<16xi32>,
      %get3A_109 = arith.constant 96 : index
      %get3A_110 = tpu.vector_load %arg7[%get3A_109] {strides = array<i32>} : memref<128xi32, #tpu.memory_space<vmem>>, vector<16xi32>,
      %add3A_111 = vector.broadcast %mul3A_3 : i32 to vector<16xi32>
      %add3A_112 = arith.addi %get3A_110, %add3A_111 : vector<16xi32>
      %swap3A_113 = arith.constant 96 : index
      %swap3A_114 = tpu.vector_load %arg7[%swap3A_113] {strides = array<i32>} : memref<128xi32, #tpu.memory_space<vmem>>, vector<16xi32>,
      tpu.vector_store %arg7[%swap3A_113], %add3A_112 {strides = array<i32>} : memref<128xi32, #tpu.memory_space<vmem>>, vector<16xi32>,
      %get3A_115 = arith.constant 112 : index
      %get3A_116 = tpu.vector_load %arg7[%get3A_115] {strides = array<i32>} : memref<128xi32, #tpu.memory_space<vmem>>, vector<16xi32>,
      %add3A_117 = vector.broadcast %mul3A_3 : i32 to vector<16xi32>
      %add3A_118 = arith.addi %get3A_116, %add3A_117 : vector<16xi32>
      %swap3A_119 = arith.constant 112 : index
      %swap3A_120 = tpu.vector_load %arg7[%swap3A_119] {strides = array<i32>} : memref<128xi32, #tpu.memory_space<vmem>>, vector<16xi32>,
      tpu.vector_store %arg7[%swap3A_119], %add3A_118 {strides = array<i32>} : memref<128xi32, #tpu.memory_space<vmem>>, vector<16xi32>,
      %get3A_121 = arith.constant 0 : index
      %get3A_122 = tpu.vector_load %arg8[%get3A_121] {strides = array<i32>} : memref<128xi32, #tpu.memory_space<vmem>>, vector<16xi32>,
      %add3A_123 = vector.broadcast %mul3A_3 : i32 to vector<16xi32>
      %add3A_124 = arith.addi %get3A_122, %add3A_123 : vector<16xi32>
      %swap3A_125 = arith.constant 0 : index
      %swap3A_126 = tpu.vector_load %arg8[%swap3A_125] {strides = array<i32>} : memref<128xi32, #tpu.memory_space<vmem>>, vector<16xi32>,
      tpu.vector_store %arg8[%swap3A_125], %add3A_124 {strides = array<i32>} : memref<128xi32, #tpu.memory_space<vmem>>, vector<16xi32>,
      %get3A_127 = arith.constant 16 : index
      %get3A_128 = tpu.vector_load %arg8[%get3A_127] {strides = array<i32>} : memref<128xi32, #tpu.memory_space<vmem>>, vector<16xi32>,
      %add3A_129 = vector.broadcast %mul3A_3 : i32 to vector<16xi32>
      %add3A_130 = arith.addi %get3A_128, %add3A_129 : vector<16xi32>
      %swap3A_131 = arith.constant 16 : index
      %swap3A_132 = tpu.vector_load %arg8[%swap3A_131] {strides = array<i32>} : memref<128xi32, #tpu.memory_space<vmem>>, vector<16xi32>,
      tpu.vector_store %arg8[%swap3A_131], %add3A_130 {strides = array<i32>} : memref<128xi32, #tpu.memory_space<vmem>>, vector<16xi32>,
      %get3A_133 = arith.constant 32 : index
      %get3A_134 = tpu.vector_load %arg8[%get3A_133] {strides = array<i32>} : memref<128xi32, #tpu.memory_space<vmem>>, vector<16xi32>,
      %add3A_135 = vector.broadcast %mul3A_3 : i32 to vector<16xi32>
      %add3A_136 = arith.addi %get3A_134, %add3A_135 : vector<16xi32>
      %swap3A_137 = arith.constant 32 : index
      %swap3A_138 = tpu.vector_load %arg8[%swap3A_137] {strides = array<i32>} : memref<128xi32, #tpu.memory_space<vmem>>, vector<16xi32>,
      tpu.vector_store %arg8[%swap3A_137], %add3A_136 {strides = array<i32>} : memref<128xi32, #tpu.memory_space<vmem>>, vector<16xi32>,
      %get3A_139 = arith.constant 48 : index
      %get3A_140 = tpu.vector_load %arg8[%get3A_139] {strides = array<i32>} : memref<128xi32, #tpu.memory_space<vmem>>, vector<16xi32>,
      %add3A_141 = vector.broadcast %mul3A_3 : i32 to vector<16xi32>
      %add3A_142 = arith.addi %get3A_140, %add3A_141 : vector<16xi32>
      %swap3A_143 = arith.constant 48 : index
      %swap3A_144 = tpu.vector_load %arg8[%swap3A_143] {strides = array<i32>} : memref<128xi32, #tpu.memory_space<vmem>>, vector<16xi32>,
      tpu.vector_store %arg8[%swap3A_143], %add3A_142 {strides = array<i32>} : memref<128xi32, #tpu.memory_space<vmem>>, vector<16xi32>,
      %get3A_145 = arith.constant 64 : index
      %get3A_146 = tpu.vector_load %arg8[%get3A_145] {strides = array<i32>} : memref<128xi32, #tpu.memory_space<vmem>>, vector<16xi32>,
      %add3A_147 = vector.broadcast %mul3A_3 : i32 to vector<16xi32>
      %add3A_148 = arith.addi %get3A_146, %add3A_147 : vector<16xi32>
      %swap3A_149 = arith.constant 64 : index
      %swap3A_150 = tpu.vector_load %arg8[%swap3A_149] {strides = array<i32>} : memref<128xi32, #tpu.memory_space<vmem>>, vector<16xi32>,
      tpu.vector_store %arg8[%swap3A_149], %add3A_148 {strides = array<i32>} : memref<128xi32, #tpu.memory_space<vmem>>, vector<16xi32>,
      %get3A_151 = arith.constant 80 : index
      %get3A_152 = tpu.vector_load %arg8[%get3A_151] {strides = array<i32>} : memref<128xi32, #tpu.memory_space<vmem>>, vector<16xi32>,
      %add3A_153 = vector.broadcast %mul3A_3 : i32 to vector<16xi32>
      %add3A_154 = arith.addi %get3A_152, %add3A_153 : vector<16xi32>
      %swap3A_155 = arith.constant 80 : index
      %swap3A_156 = tpu.vector_load %arg8[%swap3A_155] {strides = array<i32>} : memref<128xi32, #tpu.memory_space<vmem>>, vector<16xi32>,
      tpu.vector_store %arg8[%swap3A_155], %add3A_154 {strides = array<i32>} : memref<128xi32, #tpu.memory_space<vmem>>, vector<16xi32>,
      %get3A_157 = arith.constant 96 : index
      %get3A_158 = tpu.vector_load %arg8[%get3A_157] {strides = array<i32>} : memref<128xi32, #tpu.memory_space<vmem>>, vector<16xi32>,
      %add3A_159 = vector.broadcast %mul3A_3 : i32 to vector<16xi32>
      %add3A_160 = arith.addi %get3A_158, %add3A_159 : vector<16xi32>
      %swap3A_161 = arith.constant 96 : index
      %swap3A_162 = tpu.vector_load %arg8[%swap3A_161] {strides = array<i32>} : memref<128xi32, #tpu.memory_space<vmem>>, vector<16xi32>,
      tpu.vector_store %arg8[%swap3A_161], %add3A_160 {strides = array<i32>} : memref<128xi32, #tpu.memory_space<vmem>>, vector<16xi32>,
      %get3A_163 = arith.constant 112 : index
      %get3A_164 = tpu.vector_load %arg8[%get3A_163] {strides = array<i32>} : memref<128xi32, #tpu.memory_space<vmem>>, vector<16xi32>,
      %add3A_165 = vector.broadcast %mul3A_3 : i32 to vector<16xi32>
      %add3A_166 = arith.addi %get3A_164, %add3A_165 : vector<16xi32>
      %swap3A_167 = arith.constant 112 : index
      %swap3A_168 = tpu.vector_load %arg8[%swap3A_167] {strides = array<i32>} : memref<128xi32, #tpu.memory_space<vmem>>, vector<16xi32>,
      tpu.vector_store %arg8[%swap3A_167], %add3A_166 {strides = array<i32>} : memref<128xi32, #tpu.memory_space<vmem>>, vector<16xi32>,
      %dma_start3A_169 = arith.constant 0 : i32
      %dma_start3A_170 = arith.constant 0 : i32
      %dma_start3A_171 = tpu.memref_slice %arg15[%dma_start3A_169, %dma_start3A_170] : memref<256x128xf32, #tpu.memory_space<vmem>> -> memref<128x128xf32, #tpu.memory_space<vmem>>
      %dma_start3A_172 = arith.constant 0 : i32
      %dma_start3A_173 = arith.constant 0 : i32
      %dma_start3A_174 = tpu.memref_slice %arg2[%dma_start3A_172, %dma_start3A_173] : memref<20480x128xf32, #tpu.memory_space<hbm>> -> memref<20480x128xf32, #tpu.memory_space<hbm>>
      tpu.enqueue_indirect_dma source(%dma_start3A_174 : memref<20480x128xf32, #tpu.memory_space<hbm>>) target(%dma_start3A_171 : memref<128x128xf32, #tpu.memory_space<vmem>>) offsets(%arg7 : memref<128xi32, #tpu.memory_space<vmem>>) semaphore(%arg18 : memref<!tpu.dma_semaphore, #tpu.memory_space<semaphore_mem>>)
      %dma_start3A_175 = arith.constant 128 : i32
      %dma_start3A_176 = arith.constant 0 : i32
      %dma_start3A_177 = tpu.memref_slice %arg15[%dma_start3A_175, %dma_start3A_176] : memref<256x128xf32, #tpu.memory_space<vmem>> -> memref<128x128xf32, #tpu.memory_space<vmem>>
      %dma_start3A_178 = arith.constant 0 : i32
      %dma_start3A_179 = arith.constant 0 : i32
      %dma_start3A_180 = tpu.memref_slice %arg2[%dma_start3A_178, %dma_start3A_179] : memref<20480x128xf32, #tpu.memory_space<hbm>> -> memref<20480x128xf32, #tpu.memory_space<hbm>>
      tpu.enqueue_indirect_dma source(%dma_start3A_180 : memref<20480x128xf32, #tpu.memory_space<hbm>>) target(%dma_start3A_177 : memref<128x128xf32, #tpu.memory_space<vmem>>) offsets(%arg8 : memref<128xi32, #tpu.memory_space<vmem>>) semaphore(%arg19 : memref<!tpu.dma_semaphore, #tpu.memory_space<semaphore_mem>>)
      %dma_wait3A_181 = arith.constant 0 : i32
      %dma_wait3A_182 = arith.constant 0 : i32
      %dma_wait3A_183 = tpu.memref_slice %arg15[%dma_wait3A_181, %dma_wait3A_182] : memref<256x128xf32, #tpu.memory_space<vmem>> -> memref<128x128xf32, #tpu.memory_space<vmem>>
      %dma_wait3A_184 = arith.constant 0 : i32
      %dma_wait3A_185 = arith.constant 0 : i32
      %dma_wait3A_186 = tpu.memref_slice %arg2[%dma_wait3A_184, %dma_wait3A_185] : memref<20480x128xf32, #tpu.memory_space<hbm>> -> memref<20480x128xf32, #tpu.memory_space<hbm>>
      tpu.wait_indirect_dma semaphore(%arg18 : memref<!tpu.dma_semaphore, #tpu.memory_space<semaphore_mem>>) src(%dma_wait3A_186 : memref<20480x128xf32, #tpu.memory_space<hbm>>) dst(%dma_wait3A_183 : memref<128x128xf32, #tpu.memory_space<vmem>>)
      %dma_start3A_187 = arith.constant 0 : i32
      %dma_start3A_188 = arith.constant 0 : i32
      %dma_start3A_189 = tpu.memref_slice %arg15[%dma_start3A_187, %dma_start3A_188] : memref<256x128xf32, #tpu.memory_space<vmem>> -> memref<128x128xf32, #tpu.memory_space<vmem>>
      %dma_start3A_190 = arith.constant 0 : i32
      %dma_start3A_191 = arith.constant 0 : i32
      %dma_start3A_192 = tpu.memref_slice %arg17[%dma_start3A_190, %dma_start3A_191] : memref<10240x128xf32, #tpu.memory_space<vmem_shared>> -> memref<10240x128xf32, #tpu.memory_space<vmem_shared>>
      tpu.enqueue_indirect_dma source(%dma_start3A_189 : memref<128x128xf32, #tpu.memory_space<vmem>>) target(%dma_start3A_192 : memref<10240x128xf32, #tpu.memory_space<vmem_shared>>) offsets(%arg9 : memref<128xi32, #tpu.memory_space<vmem>>) semaphore(%arg20 : memref<!tpu.dma_semaphore, #tpu.memory_space<semaphore_mem>>) {add = true}
      %dma_wait3A_193 = arith.constant 128 : i32
      %dma_wait3A_194 = arith.constant 0 : i32
      %dma_wait3A_195 = tpu.memref_slice %arg15[%dma_wait3A_193, %dma_wait3A_194] : memref<256x128xf32, #tpu.memory_space<vmem>> -> memref<128x128xf32, #tpu.memory_space<vmem>>
      %dma_wait3A_196 = arith.constant 0 : i32
      %dma_wait3A_197 = arith.constant 0 : i32
      %dma_wait3A_198 = tpu.memref_slice %arg2[%dma_wait3A_196, %dma_wait3A_197] : memref<20480x128xf32, #tpu.memory_space<hbm>> -> memref<20480x128xf32, #tpu.memory_space<hbm>>
      tpu.wait_indirect_dma semaphore(%arg19 : memref<!tpu.dma_semaphore, #tpu.memory_space<semaphore_mem>>) src(%dma_wait3A_198 : memref<20480x128xf32, #tpu.memory_space<hbm>>) dst(%dma_wait3A_195 : memref<128x128xf32, #tpu.memory_space<vmem>>)
      %dma_start3A_199 = arith.constant 128 : i32
      %dma_start3A_200 = arith.constant 0 : i32
      %dma_start3A_201 = tpu.memref_slice %arg15[%dma_start3A_199, %dma_start3A_200] : memref<256x128xf32, #tpu.memory_space<vmem>> -> memref<128x128xf32, #tpu.memory_space<vmem>>
      %dma_start3A_202 = arith.constant 0 : i32
      %dma_start3A_203 = arith.constant 0 : i32
      %dma_start3A_204 = tpu.memref_slice %arg17[%dma_start3A_202, %dma_start3A_203] : memref<10240x128xf32, #tpu.memory_space<vmem_shared>> -> memref<10240x128xf32, #tpu.memory_space<vmem_shared>>
      tpu.enqueue_indirect_dma source(%dma_start3A_201 : memref<128x128xf32, #tpu.memory_space<vmem>>) target(%dma_start3A_204 : memref<10240x128xf32, #tpu.memory_space<vmem_shared>>) offsets(%arg10 : memref<128xi32, #tpu.memory_space<vmem>>) semaphore(%arg20 : memref<!tpu.dma_semaphore, #tpu.memory_space<semaphore_mem>>) {add = true}
      %eq3A_205 = arith.constant 0 : i32
      %eq3A_206 = arith.cmpi eq, %arg0, %eq3A_205 : i32
      %convert_element_type3A_207 = arith.extui %eq3A_206 : i1 to i32
      %cond3A_208 = arith.constant 0 : i32
      %cond3A_209 = arith.cmpi ne, %convert_element_type3A_207, %cond3A_208 : i32
      scf.if %cond3A_209 {
        %get3A_409 = arith.constant 0 : index
        %get3A_410 = tpu.vector_load %arg9[%get3A_409] {strides = array<i32>} : memref<128xi32, #tpu.memory_space<vmem>>, vector<16xi32>,
        tpu.vector_store_idx %arg16[%get3A_410], %broadcast_in_dim3A_2 {add = true} : memref<10240xf32, #tpu.memory_space<vmem>>[vector<16xi32>], vector<16xf32>,
        %get3A_411 = arith.constant 16 : index
        %get3A_412 = tpu.vector_load %arg9[%get3A_411] {strides = array<i32>} : memref<128xi32, #tpu.memory_space<vmem>>, vector<16xi32>,
        tpu.vector_store_idx %arg16[%get3A_412], %broadcast_in_dim3A_2 {add = true} : memref<10240xf32, #tpu.memory_space<vmem>>[vector<16xi32>], vector<16xf32>,
        %get3A_413 = arith.constant 32 : index
        %get3A_414 = tpu.vector_load %arg9[%get3A_413] {strides = array<i32>} : memref<128xi32, #tpu.memory_space<vmem>>, vector<16xi32>,
        tpu.vector_store_idx %arg16[%get3A_414], %broadcast_in_dim3A_2 {add = true} : memref<10240xf32, #tpu.memory_space<vmem>>[vector<16xi32>], vector<16xf32>,
        %get3A_415 = arith.constant 48 : index
        %get3A_416 = tpu.vector_load %arg9[%get3A_415] {strides = array<i32>} : memref<128xi32, #tpu.memory_space<vmem>>, vector<16xi32>,
        tpu.vector_store_idx %arg16[%get3A_416], %broadcast_in_dim3A_2 {add = true} : memref<10240xf32, #tpu.memory_space<vmem>>[vector<16xi32>], vector<16xf32>,
        %get3A_417 = arith.constant 64 : index
        %get3A_418 = tpu.vector_load %arg9[%get3A_417] {strides = array<i32>} : memref<128xi32, #tpu.memory_space<vmem>>, vector<16xi32>,
        tpu.vector_store_idx %arg16[%get3A_418], %broadcast_in_dim3A_2 {add = true} : memref<10240xf32, #tpu.memory_space<vmem>>[vector<16xi32>], vector<16xf32>,
        %get3A_419 = arith.constant 80 : index
        %get3A_420 = tpu.vector_load %arg9[%get3A_419] {strides = array<i32>} : memref<128xi32, #tpu.memory_space<vmem>>, vector<16xi32>,
        tpu.vector_store_idx %arg16[%get3A_420], %broadcast_in_dim3A_2 {add = true} : memref<10240xf32, #tpu.memory_space<vmem>>[vector<16xi32>], vector<16xf32>,
        %get3A_421 = arith.constant 96 : index
        %get3A_422 = tpu.vector_load %arg9[%get3A_421] {strides = array<i32>} : memref<128xi32, #tpu.memory_space<vmem>>, vector<16xi32>,
        tpu.vector_store_idx %arg16[%get3A_422], %broadcast_in_dim3A_2 {add = true} : memref<10240xf32, #tpu.memory_space<vmem>>[vector<16xi32>], vector<16xf32>,
        %get3A_423 = arith.constant 112 : index
        %get3A_424 = tpu.vector_load %arg9[%get3A_423] {strides = array<i32>} : memref<128xi32, #tpu.memory_space<vmem>>, vector<16xi32>,
        tpu.vector_store_idx %arg16[%get3A_424], %broadcast_in_dim3A_2 {add = true} : memref<10240xf32, #tpu.memory_space<vmem>>[vector<16xi32>], vector<16xf32>,
        %get3A_425 = arith.constant 0 : index
        %get3A_426 = tpu.vector_load %arg10[%get3A_425] {strides = array<i32>} : memref<128xi32, #tpu.memory_space<vmem>>, vector<16xi32>,
        tpu.vector_store_idx %arg16[%get3A_426], %broadcast_in_dim3A_2 {add = true} : memref<10240xf32, #tpu.memory_space<vmem>>[vector<16xi32>], vector<16xf32>,
        %get3A_427 = arith.constant 16 : index
        %get3A_428 = tpu.vector_load %arg10[%get3A_427] {strides = array<i32>} : memref<128xi32, #tpu.memory_space<vmem>>, vector<16xi32>,
        tpu.vector_store_idx %arg16[%get3A_428], %broadcast_in_dim3A_2 {add = true} : memref<10240xf32, #tpu.memory_space<vmem>>[vector<16xi32>], vector<16xf32>,
        %get3A_429 = arith.constant 32 : index
        %get3A_430 = tpu.vector_load %arg10[%get3A_429] {strides = array<i32>} : memref<128xi32, #tpu.memory_space<vmem>>, vector<16xi32>,
        tpu.vector_store_idx %arg16[%get3A_430], %broadcast_in_dim3A_2 {add = true} : memref<10240xf32, #tpu.memory_space<vmem>>[vector<16xi32>], vector<16xf32>,
        %get3A_431 = arith.constant 48 : index
        %get3A_432 = tpu.vector_load %arg10[%get3A_431] {strides = array<i32>} : memref<128xi32, #tpu.memory_space<vmem>>, vector<16xi32>,
        tpu.vector_store_idx %arg16[%get3A_432], %broadcast_in_dim3A_2 {add = true} : memref<10240xf32, #tpu.memory_space<vmem>>[vector<16xi32>], vector<16xf32>,
        %get3A_433 = arith.constant 64 : index
        %get3A_434 = tpu.vector_load %arg10[%get3A_433] {strides = array<i32>} : memref<128xi32, #tpu.memory_space<vmem>>, vector<16xi32>,
        tpu.vector_store_idx %arg16[%get3A_434], %broadcast_in_dim3A_2 {add = true} : memref<10240xf32, #tpu.memory_space<vmem>>[vector<16xi32>], vector<16xf32>,
        %get3A_435 = arith.constant 80 : index
        %get3A_436 = tpu.vector_load %arg10[%get3A_435] {strides = array<i32>} : memref<128xi32, #tpu.memory_space<vmem>>, vector<16xi32>,
        tpu.vector_store_idx %arg16[%get3A_436], %broadcast_in_dim3A_2 {add = true} : memref<10240xf32, #tpu.memory_space<vmem>>[vector<16xi32>], vector<16xf32>,
        %get3A_437 = arith.constant 96 : index
        %get3A_438 = tpu.vector_load %arg10[%get3A_437] {strides = array<i32>} : memref<128xi32, #tpu.memory_space<vmem>>, vector<16xi32>,
        tpu.vector_store_idx %arg16[%get3A_438], %broadcast_in_dim3A_2 {add = true} : memref<10240xf32, #tpu.memory_space<vmem>>[vector<16xi32>], vector<16xf32>,
        %get3A_439 = arith.constant 112 : index
        %get3A_440 = tpu.vector_load %arg10[%get3A_439] {strides = array<i32>} : memref<128xi32, #tpu.memory_space<vmem>>, vector<16xi32>,
        tpu.vector_store_idx %arg16[%get3A_440], %broadcast_in_dim3A_2 {add = true} : memref<10240xf32, #tpu.memory_space<vmem>>[vector<16xi32>], vector<16xf32>,
      } else {
      }
      %dma_wait3A_210 = arith.constant 0 : i32
      %dma_wait3A_211 = arith.constant 0 : i32
      %dma_wait3A_212 = tpu.memref_slice %arg15[%dma_wait3A_210, %dma_wait3A_211] : memref<256x128xf32, #tpu.memory_space<vmem>> -> memref<128x128xf32, #tpu.memory_space<vmem>>
      %dma_wait3A_213 = arith.constant 0 : i32
      %dma_wait3A_214 = arith.constant 0 : i32
      %dma_wait3A_215 = tpu.memref_slice %arg17[%dma_wait3A_213, %dma_wait3A_214] : memref<10240x128xf32, #tpu.memory_space<vmem_shared>> -> memref<10240x128xf32, #tpu.memory_space<vmem_shared>>
      tpu.wait_indirect_dma semaphore(%arg20 : memref<!tpu.dma_semaphore, #tpu.memory_space<semaphore_mem>>) src(%dma_wait3A_212 : memref<128x128xf32, #tpu.memory_space<vmem>>) dst(%dma_wait3A_215 : memref<10240x128xf32, #tpu.memory_space<vmem_shared>>)
      %dma_wait3A_216 = arith.constant 128 : i32
      %dma_wait3A_217 = arith.constant 0 : i32
      %dma_wait3A_218 = tpu.memref_slice %arg15[%dma_wait3A_216, %dma_wait3A_217] : memref<256x128xf32, #tpu.memory_space<vmem>> -> memref<128x128xf32, #tpu.memory_space<vmem>>
      %dma_wait3A_219 = arith.constant 0 : i32
      %dma_wait3A_220 = arith.constant 0 : i32
      %dma_wait3A_221 = tpu.memref_slice %arg17[%dma_wait3A_219, %dma_wait3A_220] : memref<10240x128xf32, #tpu.memory_space<vmem_shared>> -> memref<10240x128xf32, #tpu.memory_space<vmem_shared>>
      tpu.wait_indirect_dma semaphore(%arg20 : memref<!tpu.dma_semaphore, #tpu.memory_space<semaphore_mem>>) src(%dma_wait3A_218 : memref<128x128xf32, #tpu.memory_space<vmem>>) dst(%dma_wait3A_221 : memref<10240x128xf32, #tpu.memory_space<vmem_shared>>)
      %dma_wait3A_222 = tpu.memref_slice %arg3[%mul3A_62] : memref<163840xi32, #tpu.memory_space<hbm>> -> memref<128xi32, #tpu.memory_space<hbm>>
      %dma_wait3A_223 = tpu.memref_slice %arg3[%mul3A_62] : memref<163840xi32, #tpu.memory_space<hbm>> -> memref<128xi32, #tpu.memory_space<hbm>>
      tpu.wait_dma2 semaphore(%arg21 : memref<!tpu.dma_semaphore, #tpu.memory_space<semaphore_mem>>) src(%dma_wait3A_223 : memref<128xi32, #tpu.memory_space<hbm>>) dst(%arg11 : memref<128xi32, #tpu.memory_space<vmem>>)
      %dma_wait3A_224 = tpu.memref_slice %arg3[%add3A_66] : memref<163840xi32, #tpu.memory_space<hbm>> -> memref<128xi32, #tpu.memory_space<hbm>>
      %dma_wait3A_225 = tpu.memref_slice %arg3[%add3A_66] : memref<163840xi32, #tpu.memory_space<hbm>> -> memref<128xi32, #tpu.memory_space<hbm>>
      tpu.wait_dma2 semaphore(%arg21 : memref<!tpu.dma_semaphore, #tpu.memory_space<semaphore_mem>>) src(%dma_wait3A_225 : memref<128xi32, #tpu.memory_space<hbm>>) dst(%arg12 : memref<128xi32, #tpu.memory_space<vmem>>)
      %dma_wait3A_226 = tpu.memref_slice %arg4[%mul3A_62] : memref<163840xi32, #tpu.memory_space<hbm>> -> memref<128xi32, #tpu.memory_space<hbm>>
      %dma_wait3A_227 = tpu.memref_slice %arg4[%mul3A_62] : memref<163840xi32, #tpu.memory_space<hbm>> -> memref<128xi32, #tpu.memory_space<hbm>>
      tpu.wait_dma2 semaphore(%arg21 : memref<!tpu.dma_semaphore, #tpu.memory_space<semaphore_mem>>) src(%dma_wait3A_227 : memref<128xi32, #tpu.memory_space<hbm>>) dst(%arg13 : memref<128xi32, #tpu.memory_space<vmem>>)
      %dma_wait3A_228 = tpu.memref_slice %arg4[%add3A_72] : memref<163840xi32, #tpu.memory_space<hbm>> -> memref<128xi32, #tpu.memory_space<hbm>>
      %dma_wait3A_229 = tpu.memref_slice %arg4[%add3A_72] : memref<163840xi32, #tpu.memory_space<hbm>> -> memref<128xi32, #tpu.memory_space<hbm>>
      tpu.wait_dma2 semaphore(%arg21 : memref<!tpu.dma_semaphore, #tpu.memory_space<semaphore_mem>>) src(%dma_wait3A_229 : memref<128xi32, #tpu.memory_space<hbm>>) dst(%arg14 : memref<128xi32, #tpu.memory_space<vmem>>)
      %mul3A_230 = arith.constant 2 : i32
      %mul3A_231 = arith.muli %mul3A_230, %scan3A_53 : i32
      %add3A_232 = arith.constant 2 : i32
      %add3A_233 = arith.addi %mul3A_231, %add3A_232 : i32
      %min3A = arith.constant 39 : i32
      %min3A_234 = arith.minsi %add3A_233, %min3A : i32
      %mul3A_235 = arith.constant 16 : i32
      %mul3A_236 = arith.muli %min3A_234, %mul3A_235 : i32
      %add3A_237 = arith.addi %arg1, %mul3A_236 : i32
      %mul3A_238 = arith.constant 256 : i32
      %mul3A_239 = arith.muli %add3A_237, %mul3A_238 : i32
      %dma_start3A_240 = tpu.memref_slice %arg3[%mul3A_239] : memref<163840xi32, #tpu.memory_space<hbm>> -> memref<128xi32, #tpu.memory_space<hbm>>
      %dma_start3A_241 = tpu.memref_slice %arg3[%mul3A_239] : memref<163840xi32, #tpu.memory_space<hbm>> -> memref<128xi32, #tpu.memory_space<hbm>>
      tpu.enqueue_dma source(%dma_start3A_241 : memref<128xi32, #tpu.memory_space<hbm>>) target(%arg7 : memref<128xi32, #tpu.memory_space<vmem>>) target_semaphore(%arg21 : memref<!tpu.dma_semaphore, #tpu.memory_space<semaphore_mem>>)
      %add3A_242 = arith.constant 128 : i32
      %add3A_243 = arith.addi %mul3A_239, %add3A_242 : i32
      %dma_start3A_244 = tpu.memref_slice %arg3[%add3A_243] : memref<163840xi32, #tpu.memory_space<hbm>> -> memref<128xi32, #tpu.memory_space<hbm>>
      %dma_start3A_245 = tpu.memref_slice %arg3[%add3A_243] : memref<163840xi32, #tpu.memory_space<hbm>> -> memref<128xi32, #tpu.memory_space<hbm>>
      tpu.enqueue_dma source(%dma_start3A_245 : memref<128xi32, #tpu.memory_space<hbm>>) target(%arg8 : memref<128xi32, #tpu.memory_space<vmem>>) target_semaphore(%arg21 : memref<!tpu.dma_semaphore, #tpu.memory_space<semaphore_mem>>)
      %dma_start3A_246 = tpu.memref_slice %arg4[%mul3A_239] : memref<163840xi32, #tpu.memory_space<hbm>> -> memref<128xi32, #tpu.memory_space<hbm>>
      %dma_start3A_247 = tpu.memref_slice %arg4[%mul3A_239] : memref<163840xi32, #tpu.memory_space<hbm>> -> memref<128xi32, #tpu.memory_space<hbm>>
      tpu.enqueue_dma source(%dma_start3A_247 : memref<128xi32, #tpu.memory_space<hbm>>) target(%arg9 : memref<128xi32, #tpu.memory_space<vmem>>) target_semaphore(%arg21 : memref<!tpu.dma_semaphore, #tpu.memory_space<semaphore_mem>>)
      %add3A_248 = arith.constant 128 : i32
      %add3A_249 = arith.addi %mul3A_239, %add3A_248 : i32
      %dma_start3A_250 = tpu.memref_slice %arg4[%add3A_249] : memref<163840xi32, #tpu.memory_space<hbm>> -> memref<128xi32, #tpu.memory_space<hbm>>
      %dma_start3A_251 = tpu.memref_slice %arg4[%add3A_249] : memref<163840xi32, #tpu.memory_space<hbm>> -> memref<128xi32, #tpu.memory_space<hbm>>
      tpu.enqueue_dma source(%dma_start3A_251 : memref<128xi32, #tpu.memory_space<hbm>>) target(%arg10 : memref<128xi32, #tpu.memory_space<vmem>>) target_semaphore(%arg21 : memref<!tpu.dma_semaphore, #tpu.memory_space<semaphore_mem>>)
      %get3A_252 = arith.constant 0 : index
      %get3A_253 = tpu.vector_load %arg11[%get3A_252] {strides = array<i32>} : memref<128xi32, #tpu.memory_space<vmem>>, vector<16xi32>,
      %add3A_254 = vector.broadcast %mul3A_3 : i32 to vector<16xi32>
      %add3A_255 = arith.addi %get3A_253, %add3A_254 : vector<16xi32>
      %swap3A_256 = arith.constant 0 : index
      %swap3A_257 = tpu.vector_load %arg11[%swap3A_256] {strides = array<i32>} : memref<128xi32, #tpu.memory_space<vmem>>, vector<16xi32>,
      tpu.vector_store %arg11[%swap3A_256], %add3A_255 {strides = array<i32>} : memref<128xi32, #tpu.memory_space<vmem>>, vector<16xi32>,
      %get3A_258 = arith.constant 16 : index
      %get3A_259 = tpu.vector_load %arg11[%get3A_258] {strides = array<i32>} : memref<128xi32, #tpu.memory_space<vmem>>, vector<16xi32>,
      %add3A_260 = vector.broadcast %mul3A_3 : i32 to vector<16xi32>
      %add3A_261 = arith.addi %get3A_259, %add3A_260 : vector<16xi32>
      %swap3A_262 = arith.constant 16 : index
      %swap3A_263 = tpu.vector_load %arg11[%swap3A_262] {strides = array<i32>} : memref<128xi32, #tpu.memory_space<vmem>>, vector<16xi32>,
      tpu.vector_store %arg11[%swap3A_262], %add3A_261 {strides = array<i32>} : memref<128xi32, #tpu.memory_space<vmem>>, vector<16xi32>,
      %get3A_264 = arith.constant 32 : index
      %get3A_265 = tpu.vector_load %arg11[%get3A_264] {strides = array<i32>} : memref<128xi32, #tpu.memory_space<vmem>>, vector<16xi32>,
      %add3A_266 = vector.broadcast %mul3A_3 : i32 to vector<16xi32>
      %add3A_267 = arith.addi %get3A_265, %add3A_266 : vector<16xi32>
      %swap3A_268 = arith.constant 32 : index
      %swap3A_269 = tpu.vector_load %arg11[%swap3A_268] {strides = array<i32>} : memref<128xi32, #tpu.memory_space<vmem>>, vector<16xi32>,
      tpu.vector_store %arg11[%swap3A_268], %add3A_267 {strides = array<i32>} : memref<128xi32, #tpu.memory_space<vmem>>, vector<16xi32>,
      %get3A_270 = arith.constant 48 : index
      %get3A_271 = tpu.vector_load %arg11[%get3A_270] {strides = array<i32>} : memref<128xi32, #tpu.memory_space<vmem>>, vector<16xi32>,
      %add3A_272 = vector.broadcast %mul3A_3 : i32 to vector<16xi32>
      %add3A_273 = arith.addi %get3A_271, %add3A_272 : vector<16xi32>
      %swap3A_274 = arith.constant 48 : index
      %swap3A_275 = tpu.vector_load %arg11[%swap3A_274] {strides = array<i32>} : memref<128xi32, #tpu.memory_space<vmem>>, vector<16xi32>,
      tpu.vector_store %arg11[%swap3A_274], %add3A_273 {strides = array<i32>} : memref<128xi32, #tpu.memory_space<vmem>>, vector<16xi32>,
      %get3A_276 = arith.constant 64 : index
      %get3A_277 = tpu.vector_load %arg11[%get3A_276] {strides = array<i32>} : memref<128xi32, #tpu.memory_space<vmem>>, vector<16xi32>,
      %add3A_278 = vector.broadcast %mul3A_3 : i32 to vector<16xi32>
      %add3A_279 = arith.addi %get3A_277, %add3A_278 : vector<16xi32>
      %swap3A_280 = arith.constant 64 : index
      %swap3A_281 = tpu.vector_load %arg11[%swap3A_280] {strides = array<i32>} : memref<128xi32, #tpu.memory_space<vmem>>, vector<16xi32>,
      tpu.vector_store %arg11[%swap3A_280], %add3A_279 {strides = array<i32>} : memref<128xi32, #tpu.memory_space<vmem>>, vector<16xi32>,
      %get3A_282 = arith.constant 80 : index
      %get3A_283 = tpu.vector_load %arg11[%get3A_282] {strides = array<i32>} : memref<128xi32, #tpu.memory_space<vmem>>, vector<16xi32>,
      %add3A_284 = vector.broadcast %mul3A_3 : i32 to vector<16xi32>
      %add3A_285 = arith.addi %get3A_283, %add3A_284 : vector<16xi32>
      %swap3A_286 = arith.constant 80 : index
      %swap3A_287 = tpu.vector_load %arg11[%swap3A_286] {strides = array<i32>} : memref<128xi32, #tpu.memory_space<vmem>>, vector<16xi32>,
      tpu.vector_store %arg11[%swap3A_286], %add3A_285 {strides = array<i32>} : memref<128xi32, #tpu.memory_space<vmem>>, vector<16xi32>,
      %get3A_288 = arith.constant 96 : index
      %get3A_289 = tpu.vector_load %arg11[%get3A_288] {strides = array<i32>} : memref<128xi32, #tpu.memory_space<vmem>>, vector<16xi32>,
      %add3A_290 = vector.broadcast %mul3A_3 : i32 to vector<16xi32>
      %add3A_291 = arith.addi %get3A_289, %add3A_290 : vector<16xi32>
      %swap3A_292 = arith.constant 96 : index
      %swap3A_293 = tpu.vector_load %arg11[%swap3A_292] {strides = array<i32>} : memref<128xi32, #tpu.memory_space<vmem>>, vector<16xi32>,
      tpu.vector_store %arg11[%swap3A_292], %add3A_291 {strides = array<i32>} : memref<128xi32, #tpu.memory_space<vmem>>, vector<16xi32>,
      %get3A_294 = arith.constant 112 : index
      %get3A_295 = tpu.vector_load %arg11[%get3A_294] {strides = array<i32>} : memref<128xi32, #tpu.memory_space<vmem>>, vector<16xi32>,
      %add3A_296 = vector.broadcast %mul3A_3 : i32 to vector<16xi32>
      %add3A_297 = arith.addi %get3A_295, %add3A_296 : vector<16xi32>
      %swap3A_298 = arith.constant 112 : index
      %swap3A_299 = tpu.vector_load %arg11[%swap3A_298] {strides = array<i32>} : memref<128xi32, #tpu.memory_space<vmem>>, vector<16xi32>,
      tpu.vector_store %arg11[%swap3A_298], %add3A_297 {strides = array<i32>} : memref<128xi32, #tpu.memory_space<vmem>>, vector<16xi32>,
      %get3A_300 = arith.constant 0 : index
      %get3A_301 = tpu.vector_load %arg12[%get3A_300] {strides = array<i32>} : memref<128xi32, #tpu.memory_space<vmem>>, vector<16xi32>,
      %add3A_302 = vector.broadcast %mul3A_3 : i32 to vector<16xi32>
      %add3A_303 = arith.addi %get3A_301, %add3A_302 : vector<16xi32>
      %swap3A_304 = arith.constant 0 : index
      %swap3A_305 = tpu.vector_load %arg12[%swap3A_304] {strides = array<i32>} : memref<128xi32, #tpu.memory_space<vmem>>, vector<16xi32>,
      tpu.vector_store %arg12[%swap3A_304], %add3A_303 {strides = array<i32>} : memref<128xi32, #tpu.memory_space<vmem>>, vector<16xi32>,
      %get3A_306 = arith.constant 16 : index
      %get3A_307 = tpu.vector_load %arg12[%get3A_306] {strides = array<i32>} : memref<128xi32, #tpu.memory_space<vmem>>, vector<16xi32>,
      %add3A_308 = vector.broadcast %mul3A_3 : i32 to vector<16xi32>
      %add3A_309 = arith.addi %get3A_307, %add3A_308 : vector<16xi32>
      %swap3A_310 = arith.constant 16 : index
      %swap3A_311 = tpu.vector_load %arg12[%swap3A_310] {strides = array<i32>} : memref<128xi32, #tpu.memory_space<vmem>>, vector<16xi32>,
      tpu.vector_store %arg12[%swap3A_310], %add3A_309 {strides = array<i32>} : memref<128xi32, #tpu.memory_space<vmem>>, vector<16xi32>,
      %get3A_312 = arith.constant 32 : index
      %get3A_313 = tpu.vector_load %arg12[%get3A_312] {strides = array<i32>} : memref<128xi32, #tpu.memory_space<vmem>>, vector<16xi32>,
      %add3A_314 = vector.broadcast %mul3A_3 : i32 to vector<16xi32>
      %add3A_315 = arith.addi %get3A_313, %add3A_314 : vector<16xi32>
      %swap3A_316 = arith.constant 32 : index
      %swap3A_317 = tpu.vector_load %arg12[%swap3A_316] {strides = array<i32>} : memref<128xi32, #tpu.memory_space<vmem>>, vector<16xi32>,
      tpu.vector_store %arg12[%swap3A_316], %add3A_315 {strides = array<i32>} : memref<128xi32, #tpu.memory_space<vmem>>, vector<16xi32>,
      %get3A_318 = arith.constant 48 : index
      %get3A_319 = tpu.vector_load %arg12[%get3A_318] {strides = array<i32>} : memref<128xi32, #tpu.memory_space<vmem>>, vector<16xi32>,
      %add3A_320 = vector.broadcast %mul3A_3 : i32 to vector<16xi32>
      %add3A_321 = arith.addi %get3A_319, %add3A_320 : vector<16xi32>
      %swap3A_322 = arith.constant 48 : index
      %swap3A_323 = tpu.vector_load %arg12[%swap3A_322] {strides = array<i32>} : memref<128xi32, #tpu.memory_space<vmem>>, vector<16xi32>,
      tpu.vector_store %arg12[%swap3A_322], %add3A_321 {strides = array<i32>} : memref<128xi32, #tpu.memory_space<vmem>>, vector<16xi32>,
      %get3A_324 = arith.constant 64 : index
      %get3A_325 = tpu.vector_load %arg12[%get3A_324] {strides = array<i32>} : memref<128xi32, #tpu.memory_space<vmem>>, vector<16xi32>,
      %add3A_326 = vector.broadcast %mul3A_3 : i32 to vector<16xi32>
      %add3A_327 = arith.addi %get3A_325, %add3A_326 : vector<16xi32>
      %swap3A_328 = arith.constant 64 : index
      %swap3A_329 = tpu.vector_load %arg12[%swap3A_328] {strides = array<i32>} : memref<128xi32, #tpu.memory_space<vmem>>, vector<16xi32>,
      tpu.vector_store %arg12[%swap3A_328], %add3A_327 {strides = array<i32>} : memref<128xi32, #tpu.memory_space<vmem>>, vector<16xi32>,
      %get3A_330 = arith.constant 80 : index
      %get3A_331 = tpu.vector_load %arg12[%get3A_330] {strides = array<i32>} : memref<128xi32, #tpu.memory_space<vmem>>, vector<16xi32>,
      %add3A_332 = vector.broadcast %mul3A_3 : i32 to vector<16xi32>
      %add3A_333 = arith.addi %get3A_331, %add3A_332 : vector<16xi32>
      %swap3A_334 = arith.constant 80 : index
      %swap3A_335 = tpu.vector_load %arg12[%swap3A_334] {strides = array<i32>} : memref<128xi32, #tpu.memory_space<vmem>>, vector<16xi32>,
      tpu.vector_store %arg12[%swap3A_334], %add3A_333 {strides = array<i32>} : memref<128xi32, #tpu.memory_space<vmem>>, vector<16xi32>,
      %get3A_336 = arith.constant 96 : index
      %get3A_337 = tpu.vector_load %arg12[%get3A_336] {strides = array<i32>} : memref<128xi32, #tpu.memory_space<vmem>>, vector<16xi32>,
      %add3A_338 = vector.broadcast %mul3A_3 : i32 to vector<16xi32>
      %add3A_339 = arith.addi %get3A_337, %add3A_338 : vector<16xi32>
      %swap3A_340 = arith.constant 96 : index
      %swap3A_341 = tpu.vector_load %arg12[%swap3A_340] {strides = array<i32>} : memref<128xi32, #tpu.memory_space<vmem>>, vector<16xi32>,
      tpu.vector_store %arg12[%swap3A_340], %add3A_339 {strides = array<i32>} : memref<128xi32, #tpu.memory_space<vmem>>, vector<16xi32>,
      %get3A_342 = arith.constant 112 : index
      %get3A_343 = tpu.vector_load %arg12[%get3A_342] {strides = array<i32>} : memref<128xi32, #tpu.memory_space<vmem>>, vector<16xi32>,
      %add3A_344 = vector.broadcast %mul3A_3 : i32 to vector<16xi32>
      %add3A_345 = arith.addi %get3A_343, %add3A_344 : vector<16xi32>
      %swap3A_346 = arith.constant 112 : index
      %swap3A_347 = tpu.vector_load %arg12[%swap3A_346] {strides = array<i32>} : memref<128xi32, #tpu.memory_space<vmem>>, vector<16xi32>,
      tpu.vector_store %arg12[%swap3A_346], %add3A_345 {strides = array<i32>} : memref<128xi32, #tpu.memory_space<vmem>>, vector<16xi32>,
      %dma_start3A_348 = arith.constant 0 : i32
      %dma_start3A_349 = arith.constant 0 : i32
      %dma_start3A_350 = tpu.memref_slice %arg15[%dma_start3A_348, %dma_start3A_349] : memref<256x128xf32, #tpu.memory_space<vmem>> -> memref<128x128xf32, #tpu.memory_space<vmem>>
      %dma_start3A_351 = arith.constant 0 : i32
      %dma_start3A_352 = arith.constant 0 : i32
      %dma_start3A_353 = tpu.memref_slice %arg2[%dma_start3A_351, %dma_start3A_352] : memref<20480x128xf32, #tpu.memory_space<hbm>> -> memref<20480x128xf32, #tpu.memory_space<hbm>>
      tpu.enqueue_indirect_dma source(%dma_start3A_353 : memref<20480x128xf32, #tpu.memory_space<hbm>>) target(%dma_start3A_350 : memref<128x128xf32, #tpu.memory_space<vmem>>) offsets(%arg11 : memref<128xi32, #tpu.memory_space<vmem>>) semaphore(%arg18 : memref<!tpu.dma_semaphore, #tpu.memory_space<semaphore_mem>>)
      %dma_start3A_354 = arith.constant 128 : i32
      %dma_start3A_355 = arith.constant 0 : i32
      %dma_start3A_356 = tpu.memref_slice %arg15[%dma_start3A_354, %dma_start3A_355] : memref<256x128xf32, #tpu.memory_space<vmem>> -> memref<128x128xf32, #tpu.memory_space<vmem>>
      %dma_start3A_357 = arith.constant 0 : i32
      %dma_start3A_358 = arith.constant 0 : i32
      %dma_start3A_359 = tpu.memref_slice %arg2[%dma_start3A_357, %dma_start3A_358] : memref<20480x128xf32, #tpu.memory_space<hbm>> -> memref<20480x128xf32, #tpu.memory_space<hbm>>
      tpu.enqueue_indirect_dma source(%dma_start3A_359 : memref<20480x128xf32, #tpu.memory_space<hbm>>) target(%dma_start3A_356 : memref<128x128xf32, #tpu.memory_space<vmem>>) offsets(%arg12 : memref<128xi32, #tpu.memory_space<vmem>>) semaphore(%arg19 : memref<!tpu.dma_semaphore, #tpu.memory_space<semaphore_mem>>)
      %dma_wait3A_360 = arith.constant 0 : i32
      %dma_wait3A_361 = arith.constant 0 : i32
      %dma_wait3A_362 = tpu.memref_slice %arg15[%dma_wait3A_360, %dma_wait3A_361] : memref<256x128xf32, #tpu.memory_space<vmem>> -> memref<128x128xf32, #tpu.memory_space<vmem>>
      %dma_wait3A_363 = arith.constant 0 : i32
      %dma_wait3A_364 = arith.constant 0 : i32
      %dma_wait3A_365 = tpu.memref_slice %arg2[%dma_wait3A_363, %dma_wait3A_364] : memref<20480x128xf32, #tpu.memory_space<hbm>> -> memref<20480x128xf32, #tpu.memory_space<hbm>>
      tpu.wait_indirect_dma semaphore(%arg18 : memref<!tpu.dma_semaphore, #tpu.memory_space<semaphore_mem>>) src(%dma_wait3A_365 : memref<20480x128xf32, #tpu.memory_space<hbm>>) dst(%dma_wait3A_362 : memref<128x128xf32, #tpu.memory_space<vmem>>)
      %dma_start3A_366 = arith.constant 0 : i32
      %dma_start3A_367 = arith.constant 0 : i32
      %dma_start3A_368 = tpu.memref_slice %arg15[%dma_start3A_366, %dma_start3A_367] : memref<256x128xf32, #tpu.memory_space<vmem>> -> memref<128x128xf32, #tpu.memory_space<vmem>>
      %dma_start3A_369 = arith.constant 0 : i32
      %dma_start3A_370 = arith.constant 0 : i32
      %dma_start3A_371 = tpu.memref_slice %arg17[%dma_start3A_369, %dma_start3A_370] : memref<10240x128xf32, #tpu.memory_space<vmem_shared>> -> memref<10240x128xf32, #tpu.memory_space<vmem_shared>>
      tpu.enqueue_indirect_dma source(%dma_start3A_368 : memref<128x128xf32, #tpu.memory_space<vmem>>) target(%dma_start3A_371 : memref<10240x128xf32, #tpu.memory_space<vmem_shared>>) offsets(%arg13 : memref<128xi32, #tpu.memory_space<vmem>>) semaphore(%arg20 : memref<!tpu.dma_semaphore, #tpu.memory_space<semaphore_mem>>) {add = true}
      %dma_wait3A_372 = arith.constant 128 : i32
      %dma_wait3A_373 = arith.constant 0 : i32
      %dma_wait3A_374 = tpu.memref_slice %arg15[%dma_wait3A_372, %dma_wait3A_373] : memref<256x128xf32, #tpu.memory_space<vmem>> -> memref<128x128xf32, #tpu.memory_space<vmem>>
      %dma_wait3A_375 = arith.constant 0 : i32
      %dma_wait3A_376 = arith.constant 0 : i32
      %dma_wait3A_377 = tpu.memref_slice %arg2[%dma_wait3A_375, %dma_wait3A_376] : memref<20480x128xf32, #tpu.memory_space<hbm>> -> memref<20480x128xf32, #tpu.memory_space<hbm>>
      tpu.wait_indirect_dma semaphore(%arg19 : memref<!tpu.dma_semaphore, #tpu.memory_space<semaphore_mem>>) src(%dma_wait3A_377 : memref<20480x128xf32, #tpu.memory_space<hbm>>) dst(%dma_wait3A_374 : memref<128x128xf32, #tpu.memory_space<vmem>>)
      %dma_start3A_378 = arith.constant 128 : i32
      %dma_start3A_379 = arith.constant 0 : i32
      %dma_start3A_380 = tpu.memref_slice %arg15[%dma_start3A_378, %dma_start3A_379] : memref<256x128xf32, #tpu.memory_space<vmem>> -> memref<128x128xf32, #tpu.memory_space<vmem>>
      %dma_start3A_381 = arith.constant 0 : i32
      %dma_start3A_382 = arith.constant 0 : i32
      %dma_start3A_383 = tpu.memref_slice %arg17[%dma_start3A_381, %dma_start3A_382] : memref<10240x128xf32, #tpu.memory_space<vmem_shared>> -> memref<10240x128xf32, #tpu.memory_space<vmem_shared>>
      tpu.enqueue_indirect_dma source(%dma_start3A_380 : memref<128x128xf32, #tpu.memory_space<vmem>>) target(%dma_start3A_383 : memref<10240x128xf32, #tpu.memory_space<vmem_shared>>) offsets(%arg14 : memref<128xi32, #tpu.memory_space<vmem>>) semaphore(%arg20 : memref<!tpu.dma_semaphore, #tpu.memory_space<semaphore_mem>>) {add = true}
      %eq3A_384 = arith.constant 0 : i32
      %eq3A_385 = arith.cmpi eq, %arg0, %eq3A_384 : i32
      %convert_element_type3A_386 = arith.extui %eq3A_385 : i1 to i32
      %cond3A_387 = arith.constant 0 : i32
      %cond3A_388 = arith.cmpi ne, %convert_element_type3A_386, %cond3A_387 : i32
      scf.if %cond3A_388 {
        %get3A_409 = arith.constant 0 : index
        %get3A_410 = tpu.vector_load %arg13[%get3A_409] {strides = array<i32>} : memref<128xi32, #tpu.memory_space<vmem>>, vector<16xi32>,
        tpu.vector_store_idx %arg16[%get3A_410], %broadcast_in_dim3A_2 {add = true} : memref<10240xf32, #tpu.memory_space<vmem>>[vector<16xi32>], vector<16xf32>,
        %get3A_411 = arith.constant 16 : index
        %get3A_412 = tpu.vector_load %arg13[%get3A_411] {strides = array<i32>} : memref<128xi32, #tpu.memory_space<vmem>>, vector<16xi32>,
        tpu.vector_store_idx %arg16[%get3A_412], %broadcast_in_dim3A_2 {add = true} : memref<10240xf32, #tpu.memory_space<vmem>>[vector<16xi32>], vector<16xf32>,
        %get3A_413 = arith.constant 32 : index
        %get3A_414 = tpu.vector_load %arg13[%get3A_413] {strides = array<i32>} : memref<128xi32, #tpu.memory_space<vmem>>, vector<16xi32>,
        tpu.vector_store_idx %arg16[%get3A_414], %broadcast_in_dim3A_2 {add = true} : memref<10240xf32, #tpu.memory_space<vmem>>[vector<16xi32>], vector<16xf32>,
        %get3A_415 = arith.constant 48 : index
        %get3A_416 = tpu.vector_load %arg13[%get3A_415] {strides = array<i32>} : memref<128xi32, #tpu.memory_space<vmem>>, vector<16xi32>,
        tpu.vector_store_idx %arg16[%get3A_416], %broadcast_in_dim3A_2 {add = true} : memref<10240xf32, #tpu.memory_space<vmem>>[vector<16xi32>], vector<16xf32>,
        %get3A_417 = arith.constant 64 : index
        %get3A_418 = tpu.vector_load %arg13[%get3A_417] {strides = array<i32>} : memref<128xi32, #tpu.memory_space<vmem>>, vector<16xi32>,
        tpu.vector_store_idx %arg16[%get3A_418], %broadcast_in_dim3A_2 {add = true} : memref<10240xf32, #tpu.memory_space<vmem>>[vector<16xi32>], vector<16xf32>,
        %get3A_419 = arith.constant 80 : index
        %get3A_420 = tpu.vector_load %arg13[%get3A_419] {strides = array<i32>} : memref<128xi32, #tpu.memory_space<vmem>>, vector<16xi32>,
        tpu.vector_store_idx %arg16[%get3A_420], %broadcast_in_dim3A_2 {add = true} : memref<10240xf32, #tpu.memory_space<vmem>>[vector<16xi32>], vector<16xf32>,
        %get3A_421 = arith.constant 96 : index
        %get3A_422 = tpu.vector_load %arg13[%get3A_421] {strides = array<i32>} : memref<128xi32, #tpu.memory_space<vmem>>, vector<16xi32>,
        tpu.vector_store_idx %arg16[%get3A_422], %broadcast_in_dim3A_2 {add = true} : memref<10240xf32, #tpu.memory_space<vmem>>[vector<16xi32>], vector<16xf32>,
        %get3A_423 = arith.constant 112 : index
        %get3A_424 = tpu.vector_load %arg13[%get3A_423] {strides = array<i32>} : memref<128xi32, #tpu.memory_space<vmem>>, vector<16xi32>,
        tpu.vector_store_idx %arg16[%get3A_424], %broadcast_in_dim3A_2 {add = true} : memref<10240xf32, #tpu.memory_space<vmem>>[vector<16xi32>], vector<16xf32>,
        %get3A_425 = arith.constant 0 : index
        %get3A_426 = tpu.vector_load %arg14[%get3A_425] {strides = array<i32>} : memref<128xi32, #tpu.memory_space<vmem>>, vector<16xi32>,
        tpu.vector_store_idx %arg16[%get3A_426], %broadcast_in_dim3A_2 {add = true} : memref<10240xf32, #tpu.memory_space<vmem>>[vector<16xi32>], vector<16xf32>,
        %get3A_427 = arith.constant 16 : index
        %get3A_428 = tpu.vector_load %arg14[%get3A_427] {strides = array<i32>} : memref<128xi32, #tpu.memory_space<vmem>>, vector<16xi32>,
        tpu.vector_store_idx %arg16[%get3A_428], %broadcast_in_dim3A_2 {add = true} : memref<10240xf32, #tpu.memory_space<vmem>>[vector<16xi32>], vector<16xf32>,
        %get3A_429 = arith.constant 32 : index
        %get3A_430 = tpu.vector_load %arg14[%get3A_429] {strides = array<i32>} : memref<128xi32, #tpu.memory_space<vmem>>, vector<16xi32>,
        tpu.vector_store_idx %arg16[%get3A_430], %broadcast_in_dim3A_2 {add = true} : memref<10240xf32, #tpu.memory_space<vmem>>[vector<16xi32>], vector<16xf32>,
        %get3A_431 = arith.constant 48 : index
        %get3A_432 = tpu.vector_load %arg14[%get3A_431] {strides = array<i32>} : memref<128xi32, #tpu.memory_space<vmem>>, vector<16xi32>,
        tpu.vector_store_idx %arg16[%get3A_432], %broadcast_in_dim3A_2 {add = true} : memref<10240xf32, #tpu.memory_space<vmem>>[vector<16xi32>], vector<16xf32>,
        %get3A_433 = arith.constant 64 : index
        %get3A_434 = tpu.vector_load %arg14[%get3A_433] {strides = array<i32>} : memref<128xi32, #tpu.memory_space<vmem>>, vector<16xi32>,
        tpu.vector_store_idx %arg16[%get3A_434], %broadcast_in_dim3A_2 {add = true} : memref<10240xf32, #tpu.memory_space<vmem>>[vector<16xi32>], vector<16xf32>,
        %get3A_435 = arith.constant 80 : index
        %get3A_436 = tpu.vector_load %arg14[%get3A_435] {strides = array<i32>} : memref<128xi32, #tpu.memory_space<vmem>>, vector<16xi32>,
        tpu.vector_store_idx %arg16[%get3A_436], %broadcast_in_dim3A_2 {add = true} : memref<10240xf32, #tpu.memory_space<vmem>>[vector<16xi32>], vector<16xf32>,
        %get3A_437 = arith.constant 96 : index
        %get3A_438 = tpu.vector_load %arg14[%get3A_437] {strides = array<i32>} : memref<128xi32, #tpu.memory_space<vmem>>, vector<16xi32>,
        tpu.vector_store_idx %arg16[%get3A_438], %broadcast_in_dim3A_2 {add = true} : memref<10240xf32, #tpu.memory_space<vmem>>[vector<16xi32>], vector<16xf32>,
        %get3A_439 = arith.constant 112 : index
        %get3A_440 = tpu.vector_load %arg14[%get3A_439] {strides = array<i32>} : memref<128xi32, #tpu.memory_space<vmem>>, vector<16xi32>,
        tpu.vector_store_idx %arg16[%get3A_440], %broadcast_in_dim3A_2 {add = true} : memref<10240xf32, #tpu.memory_space<vmem>>[vector<16xi32>], vector<16xf32>,
      } else {
      }
      %dma_wait3A_389 = arith.constant 0 : i32
      %dma_wait3A_390 = arith.constant 0 : i32
      %dma_wait3A_391 = tpu.memref_slice %arg15[%dma_wait3A_389, %dma_wait3A_390] : memref<256x128xf32, #tpu.memory_space<vmem>> -> memref<128x128xf32, #tpu.memory_space<vmem>>
      %dma_wait3A_392 = arith.constant 0 : i32
      %dma_wait3A_393 = arith.constant 0 : i32
      %dma_wait3A_394 = tpu.memref_slice %arg17[%dma_wait3A_392, %dma_wait3A_393] : memref<10240x128xf32, #tpu.memory_space<vmem_shared>> -> memref<10240x128xf32, #tpu.memory_space<vmem_shared>>
      tpu.wait_indirect_dma semaphore(%arg20 : memref<!tpu.dma_semaphore, #tpu.memory_space<semaphore_mem>>) src(%dma_wait3A_391 : memref<128x128xf32, #tpu.memory_space<vmem>>) dst(%dma_wait3A_394 : memref<10240x128xf32, #tpu.memory_space<vmem_shared>>)
      %dma_wait3A_395 = arith.constant 128 : i32
      %dma_wait3A_396 = arith.constant 0 : i32
      %dma_wait3A_397 = tpu.memref_slice %arg15[%dma_wait3A_395, %dma_wait3A_396] : memref<256x128xf32, #tpu.memory_space<vmem>> -> memref<128x128xf32, #tpu.memory_space<vmem>>
      %dma_wait3A_398 = arith.constant 0 : i32
      %dma_wait3A_399 = arith.constant 0 : i32
      %dma_wait3A_400 = tpu.memref_slice %arg17[%dma_wait3A_398, %dma_wait3A_399] : memref<10240x128xf32, #tpu.memory_space<vmem_shared>> -> memref<10240x128xf32, #tpu.memory_space<vmem_shared>>
      tpu.wait_indirect_dma semaphore(%arg20 : memref<!tpu.dma_semaphore, #tpu.memory_space<semaphore_mem>>) src(%dma_wait3A_397 : memref<128x128xf32, #tpu.memory_space<vmem>>) dst(%dma_wait3A_400 : memref<10240x128xf32, #tpu.memory_space<vmem_shared>>)
      %dma_wait3A_401 = tpu.memref_slice %arg3[%mul3A_239] : memref<163840xi32, #tpu.memory_space<hbm>> -> memref<128xi32, #tpu.memory_space<hbm>>
      %dma_wait3A_402 = tpu.memref_slice %arg3[%mul3A_239] : memref<163840xi32, #tpu.memory_space<hbm>> -> memref<128xi32, #tpu.memory_space<hbm>>
      tpu.wait_dma2 semaphore(%arg21 : memref<!tpu.dma_semaphore, #tpu.memory_space<semaphore_mem>>) src(%dma_wait3A_402 : memref<128xi32, #tpu.memory_space<hbm>>) dst(%arg7 : memref<128xi32, #tpu.memory_space<vmem>>)
      %dma_wait3A_403 = tpu.memref_slice %arg3[%add3A_243] : memref<163840xi32, #tpu.memory_space<hbm>> -> memref<128xi32, #tpu.memory_space<hbm>>
      %dma_wait3A_404 = tpu.memref_slice %arg3[%add3A_243] : memref<163840xi32, #tpu.memory_space<hbm>> -> memref<128xi32, #tpu.memory_space<hbm>>
      tpu.wait_dma2 semaphore(%arg21 : memref<!tpu.dma_semaphore, #tpu.memory_space<semaphore_mem>>) src(%dma_wait3A_404 : memref<128xi32, #tpu.memory_space<hbm>>) dst(%arg8 : memref<128xi32, #tpu.memory_space<vmem>>)
      %dma_wait3A_405 = tpu.memref_slice %arg4[%mul3A_239] : memref<163840xi32, #tpu.memory_space<hbm>> -> memref<128xi32, #tpu.memory_space<hbm>>
      %dma_wait3A_406 = tpu.memref_slice %arg4[%mul3A_239] : memref<163840xi32, #tpu.memory_space<hbm>> -> memref<128xi32, #tpu.memory_space<hbm>>
      tpu.wait_dma2 semaphore(%arg21 : memref<!tpu.dma_semaphore, #tpu.memory_space<semaphore_mem>>) src(%dma_wait3A_406 : memref<128xi32, #tpu.memory_space<hbm>>) dst(%arg9 : memref<128xi32, #tpu.memory_space<vmem>>)
      %dma_wait3A_407 = tpu.memref_slice %arg4[%add3A_249] : memref<163840xi32, #tpu.memory_space<hbm>> -> memref<128xi32, #tpu.memory_space<hbm>>
      %dma_wait3A_408 = tpu.memref_slice %arg4[%add3A_249] : memref<163840xi32, #tpu.memory_space<hbm>> -> memref<128xi32, #tpu.memory_space<hbm>>
      tpu.wait_dma2 semaphore(%arg21 : memref<!tpu.dma_semaphore, #tpu.memory_space<semaphore_mem>>) src(%dma_wait3A_408 : memref<128xi32, #tpu.memory_space<hbm>>) dst(%arg10 : memref<128xi32, #tpu.memory_space<vmem>>)
    }
    %scan3A_48 = arith.constant 20 : i32
    %barrier3A_49 = arith.constant 0 : index
    tpu.barrier barrier_id(%barrier3A_49)
    %add3A_50 = arith.addi %mul3A_3, %mul3A_16 : i32
    "tpu.region"() ({
      %run_scoped3A = tpu.sem_alloc : memref<!tpu.dma_semaphore, #tpu.memory_space<semaphore_mem>>
      %dma_start3A_53 = arith.constant 0 : i32
      %dma_start3A_54 = tpu.memref_slice %arg5[%add3A_50, %dma_start3A_53] : memref<20480x128xf32, #tpu.memory_space<hbm>> -> memref<640x128xf32, #tpu.memory_space<hbm>>
      %dma_start3A_55 = arith.constant 0 : i32
      %dma_start3A_56 = tpu.memref_slice %arg17[%mul3A_16, %dma_start3A_55] : memref<10240x128xf32, #tpu.memory_space<vmem_shared>> -> memref<640x128xf32, #tpu.memory_space<vmem_shared>>
      tpu.enqueue_dma source(%dma_start3A_56 : memref<640x128xf32, #tpu.memory_space<vmem_shared>>) target(%dma_start3A_54 : memref<640x128xf32, #tpu.memory_space<hbm>>) target_semaphore(%run_scoped3A : memref<!tpu.dma_semaphore, #tpu.memory_space<semaphore_mem>>)
      %dma_wait3A_57 = arith.constant 0 : i32
      %dma_wait3A_58 = tpu.memref_slice %arg5[%add3A_50, %dma_wait3A_57] : memref<20480x128xf32, #tpu.memory_space<hbm>> -> memref<640x128xf32, #tpu.memory_space<hbm>>
      %dma_wait3A_59 = arith.constant 0 : i32
      %dma_wait3A_60 = tpu.memref_slice %arg17[%mul3A_16, %dma_wait3A_59] : memref<10240x128xf32, #tpu.memory_space<vmem_shared>> -> memref<640x128xf32, #tpu.memory_space<vmem_shared>>
      tpu.wait_dma2 semaphore(%run_scoped3A : memref<!tpu.dma_semaphore, #tpu.memory_space<semaphore_mem>>) src(%dma_wait3A_60 : memref<640x128xf32, #tpu.memory_space<vmem_shared>>) dst(%dma_wait3A_58 : memref<640x128xf32, #tpu.memory_space<hbm>>)
      tpu.yield
    }) : () -> ()
    %eq3A = arith.constant 0 : i32
    %eq3A_51 = arith.cmpi eq, %arg0, %eq3A : i32
    %convert_element_type3A = arith.extui %eq3A_51 : i1 to i32
    %cond3A = arith.constant 0 : i32
    %cond3A_52 = arith.cmpi ne, %convert_element_type3A, %cond3A : i32
    scf.if %cond3A_52 {
      "tpu.region"() ({
        %run_scoped3A = tpu.sem_alloc : memref<!tpu.dma_semaphore, #tpu.memory_space<semaphore_mem>>
        %dma_start3A_53 = arith.constant 0 : i32
        %dma_start3A_54 = tpu.memref_slice %arg6[%arg1, %dma_start3A_53] : memref<16x10240xf32, #tpu.memory_space<hbm>> -> memref<1x10240xf32, #tpu.memory_space<hbm>>
        %dma_start3A_55 = tpu.memref_squeeze %dma_start3A_54 : memref<1x10240xf32, #tpu.memory_space<hbm>> -> memref<10240xf32, #tpu.memory_space<hbm>>
        %dma_start3A_56 = arith.constant 0 : i32
        %dma_start3A_57 = tpu.memref_slice %arg6[%arg1, %dma_start3A_56] : memref<16x10240xf32, #tpu.memory_space<hbm>> -> memref<1x10240xf32, #tpu.memory_space<hbm>>
        %dma_start3A_58 = tpu.memref_squeeze %dma_start3A_57 : memref<1x10240xf32, #tpu.memory_space<hbm>> -> memref<10240xf32, #tpu.memory_space<hbm>>
        tpu.enqueue_dma source(%arg16 : memref<10240xf32, #tpu.memory_space<vmem>>) target(%dma_start3A_58 : memref<10240xf32, #tpu.memory_space<hbm>>) target_semaphore(%run_scoped3A : memref<!tpu.dma_semaphore, #tpu.memory_space<semaphore_mem>>)
        %dma_wait3A_59 = arith.constant 0 : i32
        %dma_wait3A_60 = tpu.memref_slice %arg6[%arg1, %dma_wait3A_59] : memref<16x10240xf32, #tpu.memory_space<hbm>> -> memref<1x10240xf32, #tpu.memory_space<hbm>>
        %dma_wait3A_61 = tpu.memref_squeeze %dma_wait3A_60 : memref<1x10240xf32, #tpu.memory_space<hbm>> -> memref<10240xf32, #tpu.memory_space<hbm>>
        %dma_wait3A_62 = arith.constant 0 : i32
        %dma_wait3A_63 = tpu.memref_slice %arg6[%arg1, %dma_wait3A_62] : memref<16x10240xf32, #tpu.memory_space<hbm>> -> memref<1x10240xf32, #tpu.memory_space<hbm>>
        %dma_wait3A_64 = tpu.memref_squeeze %dma_wait3A_63 : memref<1x10240xf32, #tpu.memory_space<hbm>> -> memref<10240xf32, #tpu.memory_space<hbm>>
        tpu.wait_dma2 semaphore(%run_scoped3A : memref<!tpu.dma_semaphore, #tpu.memory_space<semaphore_mem>>) src(%arg16 : memref<10240xf32, #tpu.memory_space<vmem>>) dst(%dma_wait3A_64 : memref<10240xf32, #tpu.memory_space<hbm>>)
        tpu.yield
      }) : () -> ()
    } else {
    }
    return
  }
}

#map = affine_map<(d0, d1) -> (0, 0)>
#map1 = affine_map<(d0, d1) -> (0)>
module attributes {stable_mosaic.version = 14 : i64} {
  func.func @k(%arg0: i32, %arg1: i32, %arg2: memref<20480x128xf32, #tpu.memory_space<hbm>>, %arg3: memref<163840xi32, #tpu.memory_space<hbm>>, %arg4: memref<163840xi32, #tpu.memory_space<hbm>>, %arg5: memref<20480x128xf32, #tpu.memory_space<hbm>>, %arg6: memref<16x10240xf32, #tpu.memory_space<hbm>>, %arg7: memref<128xi32, #tpu.memory_space<vmem>>, %arg8: memref<128xi32, #tpu.memory_space<vmem>>, %arg9: memref<128xi32, #tpu.memory_space<vmem>>, %arg10: memref<128xi32, #tpu.memory_space<vmem>>, %arg11: memref<128xi32, #tpu.memory_space<vmem>>, %arg12: memref<128xi32, #tpu.memory_space<vmem>>, %arg13: memref<128xi32, #tpu.memory_space<vmem>>, %arg14: memref<128xi32, #tpu.memory_space<vmem>>, %arg15: memref<256x128xf32, #tpu.memory_space<vmem>>, %arg16: memref<10240xf32, #tpu.memory_space<vmem>>, %arg17: memref<10240x128xf32, #tpu.memory_space<vmem_shared>>, %arg18: memref<!tpu.dma_semaphore, #tpu.memory_space<semaphore_mem>>, %arg19: memref<!tpu.dma_semaphore, #tpu.memory_space<semaphore_mem>>, %arg20: memref<!tpu.dma_semaphore, #tpu.memory_space<semaphore_mem>>, %arg21: memref<!tpu.dma_semaphore, #tpu.memory_space<semaphore_mem>>) attributes {dimension_semantics = [#tpu.dimension_semantics<core_parallel>, #tpu.dimension_semantics<subcore_parallel>], iteration_bounds = array<i64: 2, 16>, scalar_prefetch = 0 : i64, scratch_operands = 15 : i64, tpu.core_type = #tpu.core_type<sc_vector_subcore>, window_params = [{transform_indices = #map}, {transform_indices = #map1}, {transform_indices = #map1}, {transform_indices = #map}, {transform_indices = #map}]} {
    %broadcast_in_dim3A = arith.constant 0.000000e+00 : f32
    %broadcast_in_dim3A_0 = vector.broadcast %broadcast_in_dim3A : f32 to vector<16xf32>
    %broadcast_in_dim3A_1 = arith.constant 1.000000e+00 : f32
    %broadcast_in_dim3A_2 = vector.broadcast %broadcast_in_dim3A_1 : f32 to vector<16xf32>
    %mul3A = arith.constant 10240 : i32
    %mul3A_3 = arith.muli %arg0, %mul3A : i32
    %scan3A = arith.constant 0 : i32
    %scan3A_4 = arith.constant 0 : i32
    %scan3A_5 = arith.constant 256 : i32
    %scan3A_6 = arith.addi %scan3A_4, %scan3A_5 : i32
    %scan3A_7 = arith.constant 1 : i32
    scf.for %scan3A_53 = %scan3A_4 to %scan3A_6 step %scan3A_7  : i32 {
      %scan3A_54 = arith.constant 0 : i32
      %scan3A_55 = arith.constant 8 : i32
      %scan3A_56 = arith.addi %scan3A_54, %scan3A_55 : i32
      %scan3A_57 = arith.constant 1 : i32
      scf.for %scan3A_59 = %scan3A_54 to %scan3A_56 step %scan3A_57  : i32 {
        %mul3A_60 = arith.constant 16 : i32
        %mul3A_61 = arith.muli %scan3A_59, %mul3A_60 : i32
        %swap3A = arith.index_cast %scan3A_53 : i32 to index
        %swap3A_62 = arith.index_cast %mul3A_61 : i32 to index
        %swap3A_63 = tpu.vector_load %arg15[%swap3A, %swap3A_62] {strides = array<i32>} : memref<256x128xf32, #tpu.memory_space<vmem>>, vector<16xf32>,
        tpu.vector_store %arg15[%swap3A, %swap3A_62], %broadcast_in_dim3A_0 {strides = array<i32>} : memref<256x128xf32, #tpu.memory_space<vmem>>, vector<16xf32>,
      }
      %scan3A_58 = arith.constant 8 : i32
    }
    %scan3A_8 = arith.constant 256 : i32
    %scan3A_9 = arith.constant 0 : i32
    %scan3A_10 = arith.constant 0 : i32
    %scan3A_11 = arith.constant 640 : i32
    %scan3A_12 = arith.addi %scan3A_10, %scan3A_11 : i32
    %scan3A_13 = arith.constant 1 : i32
    scf.for %scan3A_53 = %scan3A_10 to %scan3A_12 step %scan3A_13  : i32 {
      %mul3A_54 = arith.constant 16 : i32
      %mul3A_55 = arith.muli %scan3A_53, %mul3A_54 : i32
      %swap3A = arith.index_cast %mul3A_55 : i32 to index
      %swap3A_56 = tpu.vector_load %arg16[%swap3A] {strides = array<i32>} : memref<10240xf32, #tpu.memory_space<vmem>>, vector<16xf32>,
      tpu.vector_store %arg16[%swap3A], %broadcast_in_dim3A_0 {strides = array<i32>} : memref<10240xf32, #tpu.memory_space<vmem>>, vector<16xf32>,
    }
    %scan3A_14 = arith.constant 640 : i32
    %mul3A_15 = arith.constant 640 : i32
    %mul3A_16 = arith.muli %arg1, %mul3A_15 : i32
    %add3A = arith.constant 0 : i32
    %add3A_17 = arith.addi %mul3A_16, %add3A : i32
    "tpu.region"() ({
      %run_scoped3A = tpu.sem_alloc : memref<!tpu.dma_semaphore, #tpu.memory_space<semaphore_mem>>
      %dma_start3A_53 = arith.constant 0 : i32
      %dma_start3A_54 = tpu.memref_slice %arg17[%add3A_17, %dma_start3A_53] : memref<10240x128xf32, #tpu.memory_space<vmem_shared>> -> memref<256x128xf32, #tpu.memory_space<vmem_shared>>
      %dma_start3A_55 = arith.constant 0 : i32
      %dma_start3A_56 = tpu.memref_slice %arg17[%add3A_17, %dma_start3A_55] : memref<10240x128xf32, #tpu.memory_space<vmem_shared>> -> memref<256x128xf32, #tpu.memory_space<vmem_shared>>
      tpu.enqueue_dma source(%arg15 : memref<256x128xf32, #tpu.memory_space<vmem>>) target(%dma_start3A_56 : memref<256x128xf32, #tpu.memory_space<vmem_shared>>) target_semaphore(%run_scoped3A : memref<!tpu.dma_semaphore, #tpu.memory_space<semaphore_mem>>)
      %dma_wait3A_57 = arith.constant 0 : i32
      %dma_wait3A_58 = tpu.memref_slice %arg17[%add3A_17, %dma_wait3A_57] : memref<10240x128xf32, #tpu.memory_space<vmem_shared>> -> memref<256x128xf32, #tpu.memory_space<vmem_shared>>
      %dma_wait3A_59 = arith.constant 0 : i32
      %dma_wait3A_60 = tpu.memref_slice %arg17[%add3A_17, %dma_wait3A_59] : memref<10240x128xf32, #tpu.memory_space<vmem_shared>> -> memref<256x128xf32, #tpu.memory_space<vmem_shared>>
      tpu.wait_dma2 semaphore(%run_scoped3A : memref<!tpu.dma_semaphore, #tpu.memory_space<semaphore_mem>>) src(%arg15 : memref<256x128xf32, #tpu.memory_space<vmem>>) dst(%dma_wait3A_60 : memref<256x128xf32, #tpu.memory_space<vmem_shared>>)
      tpu.yield
    }) : () -> ()
    %add3A_18 = arith.constant 256 : i32
    %add3A_19 = arith.addi %mul3A_16, %add3A_18 : i32
    "tpu.region"() ({
      %run_scoped3A = tpu.sem_alloc : memref<!tpu.dma_semaphore, #tpu.memory_space<semaphore_mem>>
      %dma_start3A_53 = arith.constant 0 : i32
      %dma_start3A_54 = tpu.memref_slice %arg17[%add3A_19, %dma_start3A_53] : memref<10240x128xf32, #tpu.memory_space<vmem_shared>> -> memref<256x128xf32, #tpu.memory_space<vmem_shared>>
      %dma_start3A_55 = arith.constant 0 : i32
      %dma_start3A_56 = tpu.memref_slice %arg17[%add3A_19, %dma_start3A_55] : memref<10240x128xf32, #tpu.memory_space<vmem_shared>> -> memref<256x128xf32, #tpu.memory_space<vmem_shared>>
      tpu.enqueue_dma source(%arg15 : memref<256x128xf32, #tpu.memory_space<vmem>>) target(%dma_start3A_56 : memref<256x128xf32, #tpu.memory_space<vmem_shared>>) target_semaphore(%run_scoped3A : memref<!tpu.dma_semaphore, #tpu.memory_space<semaphore_mem>>)
      %dma_wait3A_57 = arith.constant 0 : i32
      %dma_wait3A_58 = tpu.memref_slice %arg17[%add3A_19, %dma_wait3A_57] : memref<10240x128xf32, #tpu.memory_space<vmem_shared>> -> memref<256x128xf32, #tpu.memory_space<vmem_shared>>
      %dma_wait3A_59 = arith.constant 0 : i32
      %dma_wait3A_60 = tpu.memref_slice %arg17[%add3A_19, %dma_wait3A_59] : memref<10240x128xf32, #tpu.memory_space<vmem_shared>> -> memref<256x128xf32, #tpu.memory_space<vmem_shared>>
      tpu.wait_dma2 semaphore(%run_scoped3A : memref<!tpu.dma_semaphore, #tpu.memory_space<semaphore_mem>>) src(%arg15 : memref<256x128xf32, #tpu.memory_space<vmem>>) dst(%dma_wait3A_60 : memref<256x128xf32, #tpu.memory_space<vmem_shared>>)
      tpu.yield
    }) : () -> ()
    %add3A_20 = arith.constant 640 : i32
    %add3A_21 = arith.addi %mul3A_16, %add3A_20 : i32
    %sub3A = arith.constant 128 : i32
    %sub3A_22 = arith.subi %add3A_21, %sub3A : i32
    "tpu.region"() ({
      %run_scoped3A = tpu.sem_alloc : memref<!tpu.dma_semaphore, #tpu.memory_space<semaphore_mem>>
      %dma_start3A_53 = arith.constant 0 : i32
      %dma_start3A_54 = arith.constant 0 : i32
      %dma_start3A_55 = tpu.memref_slice %arg15[%dma_start3A_53, %dma_start3A_54] : memref<256x128xf32, #tpu.memory_space<vmem>> -> memref<128x128xf32, #tpu.memory_space<vmem>>
      %dma_start3A_56 = arith.constant 0 : i32
      %dma_start3A_57 = tpu.memref_slice %arg17[%sub3A_22, %dma_start3A_56] : memref<10240x128xf32, #tpu.memory_space<vmem_shared>> -> memref<128x128xf32, #tpu.memory_space<vmem_shared>>
      %dma_start3A_58 = arith.constant 0 : i32
      %dma_start3A_59 = tpu.memref_slice %arg17[%sub3A_22, %dma_start3A_58] : memref<10240x128xf32, #tpu.memory_space<vmem_shared>> -> memref<128x128xf32, #tpu.memory_space<vmem_shared>>
      %dma_start3A_60 = arith.constant 0 : i32
      %dma_start3A_61 = arith.constant 0 : i32
      %dma_start3A_62 = tpu.memref_slice %arg15[%dma_start3A_60, %dma_start3A_61] : memref<256x128xf32, #tpu.memory_space<vmem>> -> memref<128x128xf32, #tpu.memory_space<vmem>>
      tpu.enqueue_dma source(%dma_start3A_62 : memref<128x128xf32, #tpu.memory_space<vmem>>) target(%dma_start3A_59 : memref<128x128xf32, #tpu.memory_space<vmem_shared>>) target_semaphore(%run_scoped3A : memref<!tpu.dma_semaphore, #tpu.memory_space<semaphore_mem>>)
      %dma_wait3A_63 = arith.constant 0 : i32
      %dma_wait3A_64 = arith.constant 0 : i32
      %dma_wait3A_65 = tpu.memref_slice %arg15[%dma_wait3A_63, %dma_wait3A_64] : memref<256x128xf32, #tpu.memory_space<vmem>> -> memref<128x128xf32, #tpu.memory_space<vmem>>
      %dma_wait3A_66 = arith.constant 0 : i32
      %dma_wait3A_67 = tpu.memref_slice %arg17[%sub3A_22, %dma_wait3A_66] : memref<10240x128xf32, #tpu.memory_space<vmem_shared>> -> memref<128x128xf32, #tpu.memory_space<vmem_shared>>
      %dma_wait3A_68 = arith.constant 0 : i32
      %dma_wait3A_69 = tpu.memref_slice %arg17[%sub3A_22, %dma_wait3A_68] : memref<10240x128xf32, #tpu.memory_space<vmem_shared>> -> memref<128x128xf32, #tpu.memory_space<vmem_shared>>
      %dma_wait3A_70 = arith.constant 0 : i32
      %dma_wait3A_71 = arith.constant 0 : i32
      %dma_wait3A_72 = tpu.memref_slice %arg15[%dma_wait3A_70, %dma_wait3A_71] : memref<256x128xf32, #tpu.memory_space<vmem>> -> memref<128x128xf32, #tpu.memory_space<vmem>>
      tpu.wait_dma2 semaphore(%run_scoped3A : memref<!tpu.dma_semaphore, #tpu.memory_space<semaphore_mem>>) src(%dma_wait3A_72 : memref<128x128xf32, #tpu.memory_space<vmem>>) dst(%dma_wait3A_69 : memref<128x128xf32, #tpu.memory_space<vmem_shared>>)
      tpu.yield
    }) : () -> ()
    %mul3A_23 = arith.constant 256 : i32
    %mul3A_24 = arith.muli %arg1, %mul3A_23 : i32
    %dma_start3A = tpu.memref_slice %arg3[%mul3A_24] : memref<163840xi32, #tpu.memory_space<hbm>> -> memref<128xi32, #tpu.memory_space<hbm>>
    %dma_start3A_25 = tpu.memref_slice %arg3[%mul3A_24] : memref<163840xi32, #tpu.memory_space<hbm>> -> memref<128xi32, #tpu.memory_space<hbm>>
    tpu.enqueue_dma source(%dma_start3A_25 : memref<128xi32, #tpu.memory_space<hbm>>) target(%arg7 : memref<128xi32, #tpu.memory_space<vmem>>) target_semaphore(%arg21 : memref<!tpu.dma_semaphore, #tpu.memory_space<semaphore_mem>>)
    %add3A_26 = arith.constant 128 : i32
    %add3A_27 = arith.addi %mul3A_24, %add3A_26 : i32
    %dma_start3A_28 = tpu.memref_slice %arg3[%add3A_27] : memref<163840xi32, #tpu.memory_space<hbm>> -> memref<128xi32, #tpu.memory_space<hbm>>
    %dma_start3A_29 = tpu.memref_slice %arg3[%add3A_27] : memref<163840xi32, #tpu.memory_space<hbm>> -> memref<128xi32, #tpu.memory_space<hbm>>
    tpu.enqueue_dma source(%dma_start3A_29 : memref<128xi32, #tpu.memory_space<hbm>>) target(%arg8 : memref<128xi32, #tpu.memory_space<vmem>>) target_semaphore(%arg21 : memref<!tpu.dma_semaphore, #tpu.memory_space<semaphore_mem>>)
    %dma_start3A_30 = tpu.memref_slice %arg4[%mul3A_24] : memref<163840xi32, #tpu.memory_space<hbm>> -> memref<128xi32, #tpu.memory_space<hbm>>
    %dma_start3A_31 = tpu.memref_slice %arg4[%mul3A_24] : memref<163840xi32, #tpu.memory_space<hbm>> -> memref<128xi32, #tpu.memory_space<hbm>>
    tpu.enqueue_dma source(%dma_start3A_31 : memref<128xi32, #tpu.memory_space<hbm>>) target(%arg9 : memref<128xi32, #tpu.memory_space<vmem>>) target_semaphore(%arg21 : memref<!tpu.dma_semaphore, #tpu.memory_space<semaphore_mem>>)
    %add3A_32 = arith.constant 128 : i32
    %add3A_33 = arith.addi %mul3A_24, %add3A_32 : i32
    %dma_start3A_34 = tpu.memref_slice %arg4[%add3A_33] : memref<163840xi32, #tpu.memory_space<hbm>> -> memref<128xi32, #tpu.memory_space<hbm>>
    %dma_start3A_35 = tpu.memref_slice %arg4[%add3A_33] : memref<163840xi32, #tpu.memory_space<hbm>> -> memref<128xi32, #tpu.memory_space<hbm>>
    tpu.enqueue_dma source(%dma_start3A_35 : memref<128xi32, #tpu.memory_space<hbm>>) target(%arg10 : memref<128xi32, #tpu.memory_space<vmem>>) target_semaphore(%arg21 : memref<!tpu.dma_semaphore, #tpu.memory_space<semaphore_mem>>)
    %dma_wait3A = tpu.memref_slice %arg3[%mul3A_24] : memref<163840xi32, #tpu.memory_space<hbm>> -> memref<128xi32, #tpu.memory_space<hbm>>
    %dma_wait3A_36 = tpu.memref_slice %arg3[%mul3A_24] : memref<163840xi32, #tpu.memory_space<hbm>> -> memref<128xi32, #tpu.memory_space<hbm>>
    tpu.wait_dma2 semaphore(%arg21 : memref<!tpu.dma_semaphore, #tpu.memory_space<semaphore_mem>>) src(%dma_wait3A_36 : memref<128xi32, #tpu.memory_space<hbm>>) dst(%arg7 : memref<128xi32, #tpu.memory_space<vmem>>)
    %dma_wait3A_37 = tpu.memref_slice %arg3[%add3A_27] : memref<163840xi32, #tpu.memory_space<hbm>> -> memref<128xi32, #tpu.memory_space<hbm>>
    %dma_wait3A_38 = tpu.memref_slice %arg3[%add3A_27] : memref<163840xi32, #tpu.memory_space<hbm>> -> memref<128xi32, #tpu.memory_space<hbm>>
    tpu.wait_dma2 semaphore(%arg21 : memref<!tpu.dma_semaphore, #tpu.memory_space<semaphore_mem>>) src(%dma_wait3A_38 : memref<128xi32, #tpu.memory_space<hbm>>) dst(%arg8 : memref<128xi32, #tpu.memory_space<vmem>>)
    %dma_wait3A_39 = tpu.memref_slice %arg4[%mul3A_24] : memref<163840xi32, #tpu.memory_space<hbm>> -> memref<128xi32, #tpu.memory_space<hbm>>
    %dma_wait3A_40 = tpu.memref_slice %arg4[%mul3A_24] : memref<163840xi32, #tpu.memory_space<hbm>> -> memref<128xi32, #tpu.memory_space<hbm>>
    tpu.wait_dma2 semaphore(%arg21 : memref<!tpu.dma_semaphore, #tpu.memory_space<semaphore_mem>>) src(%dma_wait3A_40 : memref<128xi32, #tpu.memory_space<hbm>>) dst(%arg9 : memref<128xi32, #tpu.memory_space<vmem>>)
    %dma_wait3A_41 = tpu.memref_slice %arg4[%add3A_33] : memref<163840xi32, #tpu.memory_space<hbm>> -> memref<128xi32, #tpu.memory_space<hbm>>
    %dma_wait3A_42 = tpu.memref_slice %arg4[%add3A_33] : memref<163840xi32, #tpu.memory_space<hbm>> -> memref<128xi32, #tpu.memory_space<hbm>>
    tpu.wait_dma2 semaphore(%arg21 : memref<!tpu.dma_semaphore, #tpu.memory_space<semaphore_mem>>) src(%dma_wait3A_42 : memref<128xi32, #tpu.memory_space<hbm>>) dst(%arg10 : memref<128xi32, #tpu.memory_space<vmem>>)
    %barrier3A = arith.constant 0 : index
    tpu.barrier barrier_id(%barrier3A)
    %scan3A_43 = arith.constant 0 : i32
    %scan3A_44 = arith.constant 0 : i32
    %scan3A_45 = arith.constant 20 : i32
    %scan3A_46 = arith.addi %scan3A_44, %scan3A_45 : i32
    %scan3A_47 = arith.constant 1 : i32
    scf.for %scan3A_53 = %scan3A_44 to %scan3A_46 step %scan3A_47  : i32 {
      %mul3A_54 = arith.constant 2 : i32
      %mul3A_55 = arith.muli %mul3A_54, %scan3A_53 : i32
      %add3A_56 = arith.constant 1 : i32
      %add3A_57 = arith.addi %mul3A_55, %add3A_56 : i32
      %mul3A_58 = arith.constant 16 : i32
      %mul3A_59 = arith.muli %add3A_57, %mul3A_58 : i32
      %add3A_60 = arith.addi %arg1, %mul3A_59 : i32
      %mul3A_61 = arith.constant 256 : i32
      %mul3A_62 = arith.muli %add3A_60, %mul3A_61 : i32
      %dma_start3A_63 = tpu.memref_slice %arg3[%mul3A_62] : memref<163840xi32, #tpu.memory_space<hbm>> -> memref<128xi32, #tpu.memory_space<hbm>>
      %dma_start3A_64 = tpu.memref_slice %arg3[%mul3A_62] : memref<163840xi32, #tpu.memory_space<hbm>> -> memref<128xi32, #tpu.memory_space<hbm>>
      tpu.enqueue_dma source(%dma_start3A_64 : memref<128xi32, #tpu.memory_space<hbm>>) target(%arg11 : memref<128xi32, #tpu.memory_space<vmem>>) target_semaphore(%arg21 : memref<!tpu.dma_semaphore, #tpu.memory_space<semaphore_mem>>)
      %add3A_65 = arith.constant 128 : i32
      %add3A_66 = arith.addi %mul3A_62, %add3A_65 : i32
      %dma_start3A_67 = tpu.memref_slice %arg3[%add3A_66] : memref<163840xi32, #tpu.memory_space<hbm>> -> memref<128xi32, #tpu.memory_space<hbm>>
      %dma_start3A_68 = tpu.memref_slice %arg3[%add3A_66] : memref<163840xi32, #tpu.memory_space<hbm>> -> memref<128xi32, #tpu.memory_space<hbm>>
      tpu.enqueue_dma source(%dma_start3A_68 : memref<128xi32, #tpu.memory_space<hbm>>) target(%arg12 : memref<128xi32, #tpu.memory_space<vmem>>) target_semaphore(%arg21 : memref<!tpu.dma_semaphore, #tpu.memory_space<semaphore_mem>>)
      %dma_start3A_69 = tpu.memref_slice %arg4[%mul3A_62] : memref<163840xi32, #tpu.memory_space<hbm>> -> memref<128xi32, #tpu.memory_space<hbm>>
      %dma_start3A_70 = tpu.memref_slice %arg4[%mul3A_62] : memref<163840xi32, #tpu.memory_space<hbm>> -> memref<128xi32, #tpu.memory_space<hbm>>
      tpu.enqueue_dma source(%dma_start3A_70 : memref<128xi32, #tpu.memory_space<hbm>>) target(%arg13 : memref<128xi32, #tpu.memory_space<vmem>>) target_semaphore(%arg21 : memref<!tpu.dma_semaphore, #tpu.memory_space<semaphore_mem>>)
      %add3A_71 = arith.constant 128 : i32
      %add3A_72 = arith.addi %mul3A_62, %add3A_71 : i32
      %dma_start3A_73 = tpu.memref_slice %arg4[%add3A_72] : memref<163840xi32, #tpu.memory_space<hbm>> -> memref<128xi32, #tpu.memory_space<hbm>>
      %dma_start3A_74 = tpu.memref_slice %arg4[%add3A_72] : memref<163840xi32, #tpu.memory_space<hbm>> -> memref<128xi32, #tpu.memory_space<hbm>>
      tpu.enqueue_dma source(%dma_start3A_74 : memref<128xi32, #tpu.memory_space<hbm>>) target(%arg14 : memref<128xi32, #tpu.memory_space<vmem>>) target_semaphore(%arg21 : memref<!tpu.dma_semaphore, #tpu.memory_space<semaphore_mem>>)
      %get3A = arith.constant 0 : index
      %get3A_75 = tpu.vector_load %arg7[%get3A] {strides = array<i32>} : memref<128xi32, #tpu.memory_space<vmem>>, vector<16xi32>,
      %add3A_76 = vector.broadcast %mul3A_3 : i32 to vector<16xi32>
      %add3A_77 = arith.addi %get3A_75, %add3A_76 : vector<16xi32>
      %swap3A = arith.constant 0 : index
      %swap3A_78 = tpu.vector_load %arg7[%swap3A] {strides = array<i32>} : memref<128xi32, #tpu.memory_space<vmem>>, vector<16xi32>,
      tpu.vector_store %arg7[%swap3A], %add3A_77 {strides = array<i32>} : memref<128xi32, #tpu.memory_space<vmem>>, vector<16xi32>,
      %get3A_79 = arith.constant 16 : index
      %get3A_80 = tpu.vector_load %arg7[%get3A_79] {strides = array<i32>} : memref<128xi32, #tpu.memory_space<vmem>>, vector<16xi32>,
      %add3A_81 = vector.broadcast %mul3A_3 : i32 to vector<16xi32>
      %add3A_82 = arith.addi %get3A_80, %add3A_81 : vector<16xi32>
      %swap3A_83 = arith.constant 16 : index
      %swap3A_84 = tpu.vector_load %arg7[%swap3A_83] {strides = array<i32>} : memref<128xi32, #tpu.memory_space<vmem>>, vector<16xi32>,
      tpu.vector_store %arg7[%swap3A_83], %add3A_82 {strides = array<i32>} : memref<128xi32, #tpu.memory_space<vmem>>, vector<16xi32>,
      %get3A_85 = arith.constant 32 : index
      %get3A_86 = tpu.vector_load %arg7[%get3A_85] {strides = array<i32>} : memref<128xi32, #tpu.memory_space<vmem>>, vector<16xi32>,
      %add3A_87 = vector.broadcast %mul3A_3 : i32 to vector<16xi32>
      %add3A_88 = arith.addi %get3A_86, %add3A_87 : vector<16xi32>
      %swap3A_89 = arith.constant 32 : index
      %swap3A_90 = tpu.vector_load %arg7[%swap3A_89] {strides = array<i32>} : memref<128xi32, #tpu.memory_space<vmem>>, vector<16xi32>,
      tpu.vector_store %arg7[%swap3A_89], %add3A_88 {strides = array<i32>} : memref<128xi32, #tpu.memory_space<vmem>>, vector<16xi32>,
      %get3A_91 = arith.constant 48 : index
      %get3A_92 = tpu.vector_load %arg7[%get3A_91] {strides = array<i32>} : memref<128xi32, #tpu.memory_space<vmem>>, vector<16xi32>,
      %add3A_93 = vector.broadcast %mul3A_3 : i32 to vector<16xi32>
      %add3A_94 = arith.addi %get3A_92, %add3A_93 : vector<16xi32>
      %swap3A_95 = arith.constant 48 : index
      %swap3A_96 = tpu.vector_load %arg7[%swap3A_95] {strides = array<i32>} : memref<128xi32, #tpu.memory_space<vmem>>, vector<16xi32>,
      tpu.vector_store %arg7[%swap3A_95], %add3A_94 {strides = array<i32>} : memref<128xi32, #tpu.memory_space<vmem>>, vector<16xi32>,
      %get3A_97 = arith.constant 64 : index
      %get3A_98 = tpu.vector_load %arg7[%get3A_97] {strides = array<i32>} : memref<128xi32, #tpu.memory_space<vmem>>, vector<16xi32>,
      %add3A_99 = vector.broadcast %mul3A_3 : i32 to vector<16xi32>
      %add3A_100 = arith.addi %get3A_98, %add3A_99 : vector<16xi32>
      %swap3A_101 = arith.constant 64 : index
      %swap3A_102 = tpu.vector_load %arg7[%swap3A_101] {strides = array<i32>} : memref<128xi32, #tpu.memory_space<vmem>>, vector<16xi32>,
      tpu.vector_store %arg7[%swap3A_101], %add3A_100 {strides = array<i32>} : memref<128xi32, #tpu.memory_space<vmem>>, vector<16xi32>,
      %get3A_103 = arith.constant 80 : index
      %get3A_104 = tpu.vector_load %arg7[%get3A_103] {strides = array<i32>} : memref<128xi32, #tpu.memory_space<vmem>>, vector<16xi32>,
      %add3A_105 = vector.broadcast %mul3A_3 : i32 to vector<16xi32>
      %add3A_106 = arith.addi %get3A_104, %add3A_105 : vector<16xi32>
      %swap3A_107 = arith.constant 80 : index
      %swap3A_108 = tpu.vector_load %arg7[%swap3A_107] {strides = array<i32>} : memref<128xi32, #tpu.memory_space<vmem>>, vector<16xi32>,
      tpu.vector_store %arg7[%swap3A_107], %add3A_106 {strides = array<i32>} : memref<128xi32, #tpu.memory_space<vmem>>, vector<16xi32>,
      %get3A_109 = arith.constant 96 : index
      %get3A_110 = tpu.vector_load %arg7[%get3A_109] {strides = array<i32>} : memref<128xi32, #tpu.memory_space<vmem>>, vector<16xi32>,
      %add3A_111 = vector.broadcast %mul3A_3 : i32 to vector<16xi32>
      %add3A_112 = arith.addi %get3A_110, %add3A_111 : vector<16xi32>
      %swap3A_113 = arith.constant 96 : index
      %swap3A_114 = tpu.vector_load %arg7[%swap3A_113] {strides = array<i32>} : memref<128xi32, #tpu.memory_space<vmem>>, vector<16xi32>,
      tpu.vector_store %arg7[%swap3A_113], %add3A_112 {strides = array<i32>} : memref<128xi32, #tpu.memory_space<vmem>>, vector<16xi32>,
      %get3A_115 = arith.constant 112 : index
      %get3A_116 = tpu.vector_load %arg7[%get3A_115] {strides = array<i32>} : memref<128xi32, #tpu.memory_space<vmem>>, vector<16xi32>,
      %add3A_117 = vector.broadcast %mul3A_3 : i32 to vector<16xi32>
      %add3A_118 = arith.addi %get3A_116, %add3A_117 : vector<16xi32>
      %swap3A_119 = arith.constant 112 : index
      %swap3A_120 = tpu.vector_load %arg7[%swap3A_119] {strides = array<i32>} : memref<128xi32, #tpu.memory_space<vmem>>, vector<16xi32>,
      tpu.vector_store %arg7[%swap3A_119], %add3A_118 {strides = array<i32>} : memref<128xi32, #tpu.memory_space<vmem>>, vector<16xi32>,
      %get3A_121 = arith.constant 0 : index
      %get3A_122 = tpu.vector_load %arg8[%get3A_121] {strides = array<i32>} : memref<128xi32, #tpu.memory_space<vmem>>, vector<16xi32>,
      %add3A_123 = vector.broadcast %mul3A_3 : i32 to vector<16xi32>
      %add3A_124 = arith.addi %get3A_122, %add3A_123 : vector<16xi32>
      %swap3A_125 = arith.constant 0 : index
      %swap3A_126 = tpu.vector_load %arg8[%swap3A_125] {strides = array<i32>} : memref<128xi32, #tpu.memory_space<vmem>>, vector<16xi32>,
      tpu.vector_store %arg8[%swap3A_125], %add3A_124 {strides = array<i32>} : memref<128xi32, #tpu.memory_space<vmem>>, vector<16xi32>,
      %get3A_127 = arith.constant 16 : index
      %get3A_128 = tpu.vector_load %arg8[%get3A_127] {strides = array<i32>} : memref<128xi32, #tpu.memory_space<vmem>>, vector<16xi32>,
      %add3A_129 = vector.broadcast %mul3A_3 : i32 to vector<16xi32>
      %add3A_130 = arith.addi %get3A_128, %add3A_129 : vector<16xi32>
      %swap3A_131 = arith.constant 16 : index
      %swap3A_132 = tpu.vector_load %arg8[%swap3A_131] {strides = array<i32>} : memref<128xi32, #tpu.memory_space<vmem>>, vector<16xi32>,
      tpu.vector_store %arg8[%swap3A_131], %add3A_130 {strides = array<i32>} : memref<128xi32, #tpu.memory_space<vmem>>, vector<16xi32>,
      %get3A_133 = arith.constant 32 : index
      %get3A_134 = tpu.vector_load %arg8[%get3A_133] {strides = array<i32>} : memref<128xi32, #tpu.memory_space<vmem>>, vector<16xi32>,
      %add3A_135 = vector.broadcast %mul3A_3 : i32 to vector<16xi32>
      %add3A_136 = arith.addi %get3A_134, %add3A_135 : vector<16xi32>
      %swap3A_137 = arith.constant 32 : index
      %swap3A_138 = tpu.vector_load %arg8[%swap3A_137] {strides = array<i32>} : memref<128xi32, #tpu.memory_space<vmem>>, vector<16xi32>,
      tpu.vector_store %arg8[%swap3A_137], %add3A_136 {strides = array<i32>} : memref<128xi32, #tpu.memory_space<vmem>>, vector<16xi32>,
      %get3A_139 = arith.constant 48 : index
      %get3A_140 = tpu.vector_load %arg8[%get3A_139] {strides = array<i32>} : memref<128xi32, #tpu.memory_space<vmem>>, vector<16xi32>,
      %add3A_141 = vector.broadcast %mul3A_3 : i32 to vector<16xi32>
      %add3A_142 = arith.addi %get3A_140, %add3A_141 : vector<16xi32>
      %swap3A_143 = arith.constant 48 : index
      %swap3A_144 = tpu.vector_load %arg8[%swap3A_143] {strides = array<i32>} : memref<128xi32, #tpu.memory_space<vmem>>, vector<16xi32>,
      tpu.vector_store %arg8[%swap3A_143], %add3A_142 {strides = array<i32>} : memref<128xi32, #tpu.memory_space<vmem>>, vector<16xi32>,
      %get3A_145 = arith.constant 64 : index
      %get3A_146 = tpu.vector_load %arg8[%get3A_145] {strides = array<i32>} : memref<128xi32, #tpu.memory_space<vmem>>, vector<16xi32>,
      %add3A_147 = vector.broadcast %mul3A_3 : i32 to vector<16xi32>
      %add3A_148 = arith.addi %get3A_146, %add3A_147 : vector<16xi32>
      %swap3A_149 = arith.constant 64 : index
      %swap3A_150 = tpu.vector_load %arg8[%swap3A_149] {strides = array<i32>} : memref<128xi32, #tpu.memory_space<vmem>>, vector<16xi32>,
      tpu.vector_store %arg8[%swap3A_149], %add3A_148 {strides = array<i32>} : memref<128xi32, #tpu.memory_space<vmem>>, vector<16xi32>,
      %get3A_151 = arith.constant 80 : index
      %get3A_152 = tpu.vector_load %arg8[%get3A_151] {strides = array<i32>} : memref<128xi32, #tpu.memory_space<vmem>>, vector<16xi32>,
      %add3A_153 = vector.broadcast %mul3A_3 : i32 to vector<16xi32>
      %add3A_154 = arith.addi %get3A_152, %add3A_153 : vector<16xi32>
      %swap3A_155 = arith.constant 80 : index
      %swap3A_156 = tpu.vector_load %arg8[%swap3A_155] {strides = array<i32>} : memref<128xi32, #tpu.memory_space<vmem>>, vector<16xi32>,
      tpu.vector_store %arg8[%swap3A_155], %add3A_154 {strides = array<i32>} : memref<128xi32, #tpu.memory_space<vmem>>, vector<16xi32>,
      %get3A_157 = arith.constant 96 : index
      %get3A_158 = tpu.vector_load %arg8[%get3A_157] {strides = array<i32>} : memref<128xi32, #tpu.memory_space<vmem>>, vector<16xi32>,
      %add3A_159 = vector.broadcast %mul3A_3 : i32 to vector<16xi32>
      %add3A_160 = arith.addi %get3A_158, %add3A_159 : vector<16xi32>
      %swap3A_161 = arith.constant 96 : index
      %swap3A_162 = tpu.vector_load %arg8[%swap3A_161] {strides = array<i32>} : memref<128xi32, #tpu.memory_space<vmem>>, vector<16xi32>,
      tpu.vector_store %arg8[%swap3A_161], %add3A_160 {strides = array<i32>} : memref<128xi32, #tpu.memory_space<vmem>>, vector<16xi32>,
      %get3A_163 = arith.constant 112 : index
      %get3A_164 = tpu.vector_load %arg8[%get3A_163] {strides = array<i32>} : memref<128xi32, #tpu.memory_space<vmem>>, vector<16xi32>,
      %add3A_165 = vector.broadcast %mul3A_3 : i32 to vector<16xi32>
      %add3A_166 = arith.addi %get3A_164, %add3A_165 : vector<16xi32>
      %swap3A_167 = arith.constant 112 : index
      %swap3A_168 = tpu.vector_load %arg8[%swap3A_167] {strides = array<i32>} : memref<128xi32, #tpu.memory_space<vmem>>, vector<16xi32>,
      tpu.vector_store %arg8[%swap3A_167], %add3A_166 {strides = array<i32>} : memref<128xi32, #tpu.memory_space<vmem>>, vector<16xi32>,
      %dma_start3A_169 = arith.constant 0 : i32
      %dma_start3A_170 = arith.constant 0 : i32
      %dma_start3A_171 = tpu.memref_slice %arg15[%dma_start3A_169, %dma_start3A_170] : memref<256x128xf32, #tpu.memory_space<vmem>> -> memref<128x128xf32, #tpu.memory_space<vmem>>
      %dma_start3A_172 = arith.constant 0 : i32
      %dma_start3A_173 = arith.constant 0 : i32
      %dma_start3A_174 = tpu.memref_slice %arg2[%dma_start3A_172, %dma_start3A_173] : memref<20480x128xf32, #tpu.memory_space<hbm>> -> memref<20480x128xf32, #tpu.memory_space<hbm>>
      tpu.enqueue_indirect_dma source(%dma_start3A_174 : memref<20480x128xf32, #tpu.memory_space<hbm>>) target(%dma_start3A_171 : memref<128x128xf32, #tpu.memory_space<vmem>>) offsets(%arg7 : memref<128xi32, #tpu.memory_space<vmem>>) semaphore(%arg18 : memref<!tpu.dma_semaphore, #tpu.memory_space<semaphore_mem>>)
      %dma_start3A_175 = arith.constant 128 : i32
      %dma_start3A_176 = arith.constant 0 : i32
      %dma_start3A_177 = tpu.memref_slice %arg15[%dma_start3A_175, %dma_start3A_176] : memref<256x128xf32, #tpu.memory_space<vmem>> -> memref<128x128xf32, #tpu.memory_space<vmem>>
      %dma_start3A_178 = arith.constant 0 : i32
      %dma_start3A_179 = arith.constant 0 : i32
      %dma_start3A_180 = tpu.memref_slice %arg2[%dma_start3A_178, %dma_start3A_179] : memref<20480x128xf32, #tpu.memory_space<hbm>> -> memref<20480x128xf32, #tpu.memory_space<hbm>>
      tpu.enqueue_indirect_dma source(%dma_start3A_180 : memref<20480x128xf32, #tpu.memory_space<hbm>>) target(%dma_start3A_177 : memref<128x128xf32, #tpu.memory_space<vmem>>) offsets(%arg8 : memref<128xi32, #tpu.memory_space<vmem>>) semaphore(%arg19 : memref<!tpu.dma_semaphore, #tpu.memory_space<semaphore_mem>>)
      %dma_wait3A_181 = arith.constant 0 : i32
      %dma_wait3A_182 = arith.constant 0 : i32
      %dma_wait3A_183 = tpu.memref_slice %arg15[%dma_wait3A_181, %dma_wait3A_182] : memref<256x128xf32, #tpu.memory_space<vmem>> -> memref<128x128xf32, #tpu.memory_space<vmem>>
      %dma_wait3A_184 = arith.constant 0 : i32
      %dma_wait3A_185 = arith.constant 0 : i32
      %dma_wait3A_186 = tpu.memref_slice %arg2[%dma_wait3A_184, %dma_wait3A_185] : memref<20480x128xf32, #tpu.memory_space<hbm>> -> memref<20480x128xf32, #tpu.memory_space<hbm>>
      tpu.wait_indirect_dma semaphore(%arg18 : memref<!tpu.dma_semaphore, #tpu.memory_space<semaphore_mem>>) src(%dma_wait3A_186 : memref<20480x128xf32, #tpu.memory_space<hbm>>) dst(%dma_wait3A_183 : memref<128x128xf32, #tpu.memory_space<vmem>>)
      %dma_start3A_187 = arith.constant 0 : i32
      %dma_start3A_188 = arith.constant 0 : i32
      %dma_start3A_189 = tpu.memref_slice %arg15[%dma_start3A_187, %dma_start3A_188] : memref<256x128xf32, #tpu.memory_space<vmem>> -> memref<128x128xf32, #tpu.memory_space<vmem>>
      %dma_start3A_190 = arith.constant 0 : i32
      %dma_start3A_191 = arith.constant 0 : i32
      %dma_start3A_192 = tpu.memref_slice %arg17[%dma_start3A_190, %dma_start3A_191] : memref<10240x128xf32, #tpu.memory_space<vmem_shared>> -> memref<10240x128xf32, #tpu.memory_space<vmem_shared>>
      tpu.enqueue_indirect_dma source(%dma_start3A_189 : memref<128x128xf32, #tpu.memory_space<vmem>>) target(%dma_start3A_192 : memref<10240x128xf32, #tpu.memory_space<vmem_shared>>) offsets(%arg9 : memref<128xi32, #tpu.memory_space<vmem>>) semaphore(%arg20 : memref<!tpu.dma_semaphore, #tpu.memory_space<semaphore_mem>>) {add = true}
      %dma_wait3A_193 = arith.constant 128 : i32
      %dma_wait3A_194 = arith.constant 0 : i32
      %dma_wait3A_195 = tpu.memref_slice %arg15[%dma_wait3A_193, %dma_wait3A_194] : memref<256x128xf32, #tpu.memory_space<vmem>> -> memref<128x128xf32, #tpu.memory_space<vmem>>
      %dma_wait3A_196 = arith.constant 0 : i32
      %dma_wait3A_197 = arith.constant 0 : i32
      %dma_wait3A_198 = tpu.memref_slice %arg2[%dma_wait3A_196, %dma_wait3A_197] : memref<20480x128xf32, #tpu.memory_space<hbm>> -> memref<20480x128xf32, #tpu.memory_space<hbm>>
      tpu.wait_indirect_dma semaphore(%arg19 : memref<!tpu.dma_semaphore, #tpu.memory_space<semaphore_mem>>) src(%dma_wait3A_198 : memref<20480x128xf32, #tpu.memory_space<hbm>>) dst(%dma_wait3A_195 : memref<128x128xf32, #tpu.memory_space<vmem>>)
      %dma_start3A_199 = arith.constant 128 : i32
      %dma_start3A_200 = arith.constant 0 : i32
      %dma_start3A_201 = tpu.memref_slice %arg15[%dma_start3A_199, %dma_start3A_200] : memref<256x128xf32, #tpu.memory_space<vmem>> -> memref<128x128xf32, #tpu.memory_space<vmem>>
      %dma_start3A_202 = arith.constant 0 : i32
      %dma_start3A_203 = arith.constant 0 : i32
      %dma_start3A_204 = tpu.memref_slice %arg17[%dma_start3A_202, %dma_start3A_203] : memref<10240x128xf32, #tpu.memory_space<vmem_shared>> -> memref<10240x128xf32, #tpu.memory_space<vmem_shared>>
      tpu.enqueue_indirect_dma source(%dma_start3A_201 : memref<128x128xf32, #tpu.memory_space<vmem>>) target(%dma_start3A_204 : memref<10240x128xf32, #tpu.memory_space<vmem_shared>>) offsets(%arg10 : memref<128xi32, #tpu.memory_space<vmem>>) semaphore(%arg20 : memref<!tpu.dma_semaphore, #tpu.memory_space<semaphore_mem>>) {add = true}
      %eq3A_205 = arith.constant 0 : i32
      %eq3A_206 = arith.cmpi eq, %arg0, %eq3A_205 : i32
      %convert_element_type3A_207 = arith.extui %eq3A_206 : i1 to i32
      %cond3A_208 = arith.constant 0 : i32
      %cond3A_209 = arith.cmpi ne, %convert_element_type3A_207, %cond3A_208 : i32
      scf.if %cond3A_209 {
        %get3A_409 = arith.constant 0 : index
        %get3A_410 = tpu.vector_load %arg9[%get3A_409] {strides = array<i32>} : memref<128xi32, #tpu.memory_space<vmem>>, vector<16xi32>,
        tpu.vector_store_idx %arg16[%get3A_410], %broadcast_in_dim3A_2 {add = true} : memref<10240xf32, #tpu.memory_space<vmem>>[vector<16xi32>], vector<16xf32>,
        %get3A_411 = arith.constant 16 : index
        %get3A_412 = tpu.vector_load %arg9[%get3A_411] {strides = array<i32>} : memref<128xi32, #tpu.memory_space<vmem>>, vector<16xi32>,
        tpu.vector_store_idx %arg16[%get3A_412], %broadcast_in_dim3A_2 {add = true} : memref<10240xf32, #tpu.memory_space<vmem>>[vector<16xi32>], vector<16xf32>,
        %get3A_413 = arith.constant 32 : index
        %get3A_414 = tpu.vector_load %arg9[%get3A_413] {strides = array<i32>} : memref<128xi32, #tpu.memory_space<vmem>>, vector<16xi32>,
        tpu.vector_store_idx %arg16[%get3A_414], %broadcast_in_dim3A_2 {add = true} : memref<10240xf32, #tpu.memory_space<vmem>>[vector<16xi32>], vector<16xf32>,
        %get3A_415 = arith.constant 48 : index
        %get3A_416 = tpu.vector_load %arg9[%get3A_415] {strides = array<i32>} : memref<128xi32, #tpu.memory_space<vmem>>, vector<16xi32>,
        tpu.vector_store_idx %arg16[%get3A_416], %broadcast_in_dim3A_2 {add = true} : memref<10240xf32, #tpu.memory_space<vmem>>[vector<16xi32>], vector<16xf32>,
        %get3A_417 = arith.constant 64 : index
        %get3A_418 = tpu.vector_load %arg9[%get3A_417] {strides = array<i32>} : memref<128xi32, #tpu.memory_space<vmem>>, vector<16xi32>,
        tpu.vector_store_idx %arg16[%get3A_418], %broadcast_in_dim3A_2 {add = true} : memref<10240xf32, #tpu.memory_space<vmem>>[vector<16xi32>], vector<16xf32>,
        %get3A_419 = arith.constant 80 : index
        %get3A_420 = tpu.vector_load %arg9[%get3A_419] {strides = array<i32>} : memref<128xi32, #tpu.memory_space<vmem>>, vector<16xi32>,
        tpu.vector_store_idx %arg16[%get3A_420], %broadcast_in_dim3A_2 {add = true} : memref<10240xf32, #tpu.memory_space<vmem>>[vector<16xi32>], vector<16xf32>,
        %get3A_421 = arith.constant 96 : index
        %get3A_422 = tpu.vector_load %arg9[%get3A_421] {strides = array<i32>} : memref<128xi32, #tpu.memory_space<vmem>>, vector<16xi32>,
        tpu.vector_store_idx %arg16[%get3A_422], %broadcast_in_dim3A_2 {add = true} : memref<10240xf32, #tpu.memory_space<vmem>>[vector<16xi32>], vector<16xf32>,
        %get3A_423 = arith.constant 112 : index
        %get3A_424 = tpu.vector_load %arg9[%get3A_423] {strides = array<i32>} : memref<128xi32, #tpu.memory_space<vmem>>, vector<16xi32>,
        tpu.vector_store_idx %arg16[%get3A_424], %broadcast_in_dim3A_2 {add = true} : memref<10240xf32, #tpu.memory_space<vmem>>[vector<16xi32>], vector<16xf32>,
        %get3A_425 = arith.constant 0 : index
        %get3A_426 = tpu.vector_load %arg10[%get3A_425] {strides = array<i32>} : memref<128xi32, #tpu.memory_space<vmem>>, vector<16xi32>,
        tpu.vector_store_idx %arg16[%get3A_426], %broadcast_in_dim3A_2 {add = true} : memref<10240xf32, #tpu.memory_space<vmem>>[vector<16xi32>], vector<16xf32>,
        %get3A_427 = arith.constant 16 : index
        %get3A_428 = tpu.vector_load %arg10[%get3A_427] {strides = array<i32>} : memref<128xi32, #tpu.memory_space<vmem>>, vector<16xi32>,
        tpu.vector_store_idx %arg16[%get3A_428], %broadcast_in_dim3A_2 {add = true} : memref<10240xf32, #tpu.memory_space<vmem>>[vector<16xi32>], vector<16xf32>,
        %get3A_429 = arith.constant 32 : index
        %get3A_430 = tpu.vector_load %arg10[%get3A_429] {strides = array<i32>} : memref<128xi32, #tpu.memory_space<vmem>>, vector<16xi32>,
        tpu.vector_store_idx %arg16[%get3A_430], %broadcast_in_dim3A_2 {add = true} : memref<10240xf32, #tpu.memory_space<vmem>>[vector<16xi32>], vector<16xf32>,
        %get3A_431 = arith.constant 48 : index
        %get3A_432 = tpu.vector_load %arg10[%get3A_431] {strides = array<i32>} : memref<128xi32, #tpu.memory_space<vmem>>, vector<16xi32>,
        tpu.vector_store_idx %arg16[%get3A_432], %broadcast_in_dim3A_2 {add = true} : memref<10240xf32, #tpu.memory_space<vmem>>[vector<16xi32>], vector<16xf32>,
        %get3A_433 = arith.constant 64 : index
        %get3A_434 = tpu.vector_load %arg10[%get3A_433] {strides = array<i32>} : memref<128xi32, #tpu.memory_space<vmem>>, vector<16xi32>,
        tpu.vector_store_idx %arg16[%get3A_434], %broadcast_in_dim3A_2 {add = true} : memref<10240xf32, #tpu.memory_space<vmem>>[vector<16xi32>], vector<16xf32>,
        %get3A_435 = arith.constant 80 : index
        %get3A_436 = tpu.vector_load %arg10[%get3A_435] {strides = array<i32>} : memref<128xi32, #tpu.memory_space<vmem>>, vector<16xi32>,
        tpu.vector_store_idx %arg16[%get3A_436], %broadcast_in_dim3A_2 {add = true} : memref<10240xf32, #tpu.memory_space<vmem>>[vector<16xi32>], vector<16xf32>,
        %get3A_437 = arith.constant 96 : index
        %get3A_438 = tpu.vector_load %arg10[%get3A_437] {strides = array<i32>} : memref<128xi32, #tpu.memory_space<vmem>>, vector<16xi32>,
        tpu.vector_store_idx %arg16[%get3A_438], %broadcast_in_dim3A_2 {add = true} : memref<10240xf32, #tpu.memory_space<vmem>>[vector<16xi32>], vector<16xf32>,
        %get3A_439 = arith.constant 112 : index
        %get3A_440 = tpu.vector_load %arg10[%get3A_439] {strides = array<i32>} : memref<128xi32, #tpu.memory_space<vmem>>, vector<16xi32>,
        tpu.vector_store_idx %arg16[%get3A_440], %broadcast_in_dim3A_2 {add = true} : memref<10240xf32, #tpu.memory_space<vmem>>[vector<16xi32>], vector<16xf32>,
      } else {
      }
      %dma_wait3A_210 = arith.constant 0 : i32
      %dma_wait3A_211 = arith.constant 0 : i32
      %dma_wait3A_212 = tpu.memref_slice %arg15[%dma_wait3A_210, %dma_wait3A_211] : memref<256x128xf32, #tpu.memory_space<vmem>> -> memref<128x128xf32, #tpu.memory_space<vmem>>
      %dma_wait3A_213 = arith.constant 0 : i32
      %dma_wait3A_214 = arith.constant 0 : i32
      %dma_wait3A_215 = tpu.memref_slice %arg17[%dma_wait3A_213, %dma_wait3A_214] : memref<10240x128xf32, #tpu.memory_space<vmem_shared>> -> memref<10240x128xf32, #tpu.memory_space<vmem_shared>>
      tpu.wait_indirect_dma semaphore(%arg20 : memref<!tpu.dma_semaphore, #tpu.memory_space<semaphore_mem>>) src(%dma_wait3A_212 : memref<128x128xf32, #tpu.memory_space<vmem>>) dst(%dma_wait3A_215 : memref<10240x128xf32, #tpu.memory_space<vmem_shared>>)
      %dma_wait3A_216 = arith.constant 128 : i32
      %dma_wait3A_217 = arith.constant 0 : i32
      %dma_wait3A_218 = tpu.memref_slice %arg15[%dma_wait3A_216, %dma_wait3A_217] : memref<256x128xf32, #tpu.memory_space<vmem>> -> memref<128x128xf32, #tpu.memory_space<vmem>>
      %dma_wait3A_219 = arith.constant 0 : i32
      %dma_wait3A_220 = arith.constant 0 : i32
      %dma_wait3A_221 = tpu.memref_slice %arg17[%dma_wait3A_219, %dma_wait3A_220] : memref<10240x128xf32, #tpu.memory_space<vmem_shared>> -> memref<10240x128xf32, #tpu.memory_space<vmem_shared>>
      tpu.wait_indirect_dma semaphore(%arg20 : memref<!tpu.dma_semaphore, #tpu.memory_space<semaphore_mem>>) src(%dma_wait3A_218 : memref<128x128xf32, #tpu.memory_space<vmem>>) dst(%dma_wait3A_221 : memref<10240x128xf32, #tpu.memory_space<vmem_shared>>)
      %dma_wait3A_222 = tpu.memref_slice %arg3[%mul3A_62] : memref<163840xi32, #tpu.memory_space<hbm>> -> memref<128xi32, #tpu.memory_space<hbm>>
      %dma_wait3A_223 = tpu.memref_slice %arg3[%mul3A_62] : memref<163840xi32, #tpu.memory_space<hbm>> -> memref<128xi32, #tpu.memory_space<hbm>>
      tpu.wait_dma2 semaphore(%arg21 : memref<!tpu.dma_semaphore, #tpu.memory_space<semaphore_mem>>) src(%dma_wait3A_223 : memref<128xi32, #tpu.memory_space<hbm>>) dst(%arg11 : memref<128xi32, #tpu.memory_space<vmem>>)
      %dma_wait3A_224 = tpu.memref_slice %arg3[%add3A_66] : memref<163840xi32, #tpu.memory_space<hbm>> -> memref<128xi32, #tpu.memory_space<hbm>>
      %dma_wait3A_225 = tpu.memref_slice %arg3[%add3A_66] : memref<163840xi32, #tpu.memory_space<hbm>> -> memref<128xi32, #tpu.memory_space<hbm>>
      tpu.wait_dma2 semaphore(%arg21 : memref<!tpu.dma_semaphore, #tpu.memory_space<semaphore_mem>>) src(%dma_wait3A_225 : memref<128xi32, #tpu.memory_space<hbm>>) dst(%arg12 : memref<128xi32, #tpu.memory_space<vmem>>)
      %dma_wait3A_226 = tpu.memref_slice %arg4[%mul3A_62] : memref<163840xi32, #tpu.memory_space<hbm>> -> memref<128xi32, #tpu.memory_space<hbm>>
      %dma_wait3A_227 = tpu.memref_slice %arg4[%mul3A_62] : memref<163840xi32, #tpu.memory_space<hbm>> -> memref<128xi32, #tpu.memory_space<hbm>>
      tpu.wait_dma2 semaphore(%arg21 : memref<!tpu.dma_semaphore, #tpu.memory_space<semaphore_mem>>) src(%dma_wait3A_227 : memref<128xi32, #tpu.memory_space<hbm>>) dst(%arg13 : memref<128xi32, #tpu.memory_space<vmem>>)
      %dma_wait3A_228 = tpu.memref_slice %arg4[%add3A_72] : memref<163840xi32, #tpu.memory_space<hbm>> -> memref<128xi32, #tpu.memory_space<hbm>>
      %dma_wait3A_229 = tpu.memref_slice %arg4[%add3A_72] : memref<163840xi32, #tpu.memory_space<hbm>> -> memref<128xi32, #tpu.memory_space<hbm>>
      tpu.wait_dma2 semaphore(%arg21 : memref<!tpu.dma_semaphore, #tpu.memory_space<semaphore_mem>>) src(%dma_wait3A_229 : memref<128xi32, #tpu.memory_space<hbm>>) dst(%arg14 : memref<128xi32, #tpu.memory_space<vmem>>)
      %mul3A_230 = arith.constant 2 : i32
      %mul3A_231 = arith.muli %mul3A_230, %scan3A_53 : i32
      %add3A_232 = arith.constant 2 : i32
      %add3A_233 = arith.addi %mul3A_231, %add3A_232 : i32
      %min3A = arith.constant 39 : i32
      %min3A_234 = arith.minsi %add3A_233, %min3A : i32
      %mul3A_235 = arith.constant 16 : i32
      %mul3A_236 = arith.muli %min3A_234, %mul3A_235 : i32
      %add3A_237 = arith.addi %arg1, %mul3A_236 : i32
      %mul3A_238 = arith.constant 256 : i32
      %mul3A_239 = arith.muli %add3A_237, %mul3A_238 : i32
      %dma_start3A_240 = tpu.memref_slice %arg3[%mul3A_239] : memref<163840xi32, #tpu.memory_space<hbm>> -> memref<128xi32, #tpu.memory_space<hbm>>
      %dma_start3A_241 = tpu.memref_slice %arg3[%mul3A_239] : memref<163840xi32, #tpu.memory_space<hbm>> -> memref<128xi32, #tpu.memory_space<hbm>>
      tpu.enqueue_dma source(%dma_start3A_241 : memref<128xi32, #tpu.memory_space<hbm>>) target(%arg7 : memref<128xi32, #tpu.memory_space<vmem>>) target_semaphore(%arg21 : memref<!tpu.dma_semaphore, #tpu.memory_space<semaphore_mem>>)
      %add3A_242 = arith.constant 128 : i32
      %add3A_243 = arith.addi %mul3A_239, %add3A_242 : i32
      %dma_start3A_244 = tpu.memref_slice %arg3[%add3A_243] : memref<163840xi32, #tpu.memory_space<hbm>> -> memref<128xi32, #tpu.memory_space<hbm>>
      %dma_start3A_245 = tpu.memref_slice %arg3[%add3A_243] : memref<163840xi32, #tpu.memory_space<hbm>> -> memref<128xi32, #tpu.memory_space<hbm>>
      tpu.enqueue_dma source(%dma_start3A_245 : memref<128xi32, #tpu.memory_space<hbm>>) target(%arg8 : memref<128xi32, #tpu.memory_space<vmem>>) target_semaphore(%arg21 : memref<!tpu.dma_semaphore, #tpu.memory_space<semaphore_mem>>)
      %dma_start3A_246 = tpu.memref_slice %arg4[%mul3A_239] : memref<163840xi32, #tpu.memory_space<hbm>> -> memref<128xi32, #tpu.memory_space<hbm>>
      %dma_start3A_247 = tpu.memref_slice %arg4[%mul3A_239] : memref<163840xi32, #tpu.memory_space<hbm>> -> memref<128xi32, #tpu.memory_space<hbm>>
      tpu.enqueue_dma source(%dma_start3A_247 : memref<128xi32, #tpu.memory_space<hbm>>) target(%arg9 : memref<128xi32, #tpu.memory_space<vmem>>) target_semaphore(%arg21 : memref<!tpu.dma_semaphore, #tpu.memory_space<semaphore_mem>>)
      %add3A_248 = arith.constant 128 : i32
      %add3A_249 = arith.addi %mul3A_239, %add3A_248 : i32
      %dma_start3A_250 = tpu.memref_slice %arg4[%add3A_249] : memref<163840xi32, #tpu.memory_space<hbm>> -> memref<128xi32, #tpu.memory_space<hbm>>
      %dma_start3A_251 = tpu.memref_slice %arg4[%add3A_249] : memref<163840xi32, #tpu.memory_space<hbm>> -> memref<128xi32, #tpu.memory_space<hbm>>
      tpu.enqueue_dma source(%dma_start3A_251 : memref<128xi32, #tpu.memory_space<hbm>>) target(%arg10 : memref<128xi32, #tpu.memory_space<vmem>>) target_semaphore(%arg21 : memref<!tpu.dma_semaphore, #tpu.memory_space<semaphore_mem>>)
      %get3A_252 = arith.constant 0 : index
      %get3A_253 = tpu.vector_load %arg11[%get3A_252] {strides = array<i32>} : memref<128xi32, #tpu.memory_space<vmem>>, vector<16xi32>,
      %add3A_254 = vector.broadcast %mul3A_3 : i32 to vector<16xi32>
      %add3A_255 = arith.addi %get3A_253, %add3A_254 : vector<16xi32>
      %swap3A_256 = arith.constant 0 : index
      %swap3A_257 = tpu.vector_load %arg11[%swap3A_256] {strides = array<i32>} : memref<128xi32, #tpu.memory_space<vmem>>, vector<16xi32>,
      tpu.vector_store %arg11[%swap3A_256], %add3A_255 {strides = array<i32>} : memref<128xi32, #tpu.memory_space<vmem>>, vector<16xi32>,
      %get3A_258 = arith.constant 16 : index
      %get3A_259 = tpu.vector_load %arg11[%get3A_258] {strides = array<i32>} : memref<128xi32, #tpu.memory_space<vmem>>, vector<16xi32>,
      %add3A_260 = vector.broadcast %mul3A_3 : i32 to vector<16xi32>
      %add3A_261 = arith.addi %get3A_259, %add3A_260 : vector<16xi32>
      %swap3A_262 = arith.constant 16 : index
      %swap3A_263 = tpu.vector_load %arg11[%swap3A_262] {strides = array<i32>} : memref<128xi32, #tpu.memory_space<vmem>>, vector<16xi32>,
      tpu.vector_store %arg11[%swap3A_262], %add3A_261 {strides = array<i32>} : memref<128xi32, #tpu.memory_space<vmem>>, vector<16xi32>,
      %get3A_264 = arith.constant 32 : index
      %get3A_265 = tpu.vector_load %arg11[%get3A_264] {strides = array<i32>} : memref<128xi32, #tpu.memory_space<vmem>>, vector<16xi32>,
      %add3A_266 = vector.broadcast %mul3A_3 : i32 to vector<16xi32>
      %add3A_267 = arith.addi %get3A_265, %add3A_266 : vector<16xi32>
      %swap3A_268 = arith.constant 32 : index
      %swap3A_269 = tpu.vector_load %arg11[%swap3A_268] {strides = array<i32>} : memref<128xi32, #tpu.memory_space<vmem>>, vector<16xi32>,
      tpu.vector_store %arg11[%swap3A_268], %add3A_267 {strides = array<i32>} : memref<128xi32, #tpu.memory_space<vmem>>, vector<16xi32>,
      %get3A_270 = arith.constant 48 : index
      %get3A_271 = tpu.vector_load %arg11[%get3A_270] {strides = array<i32>} : memref<128xi32, #tpu.memory_space<vmem>>, vector<16xi32>,
      %add3A_272 = vector.broadcast %mul3A_3 : i32 to vector<16xi32>
      %add3A_273 = arith.addi %get3A_271, %add3A_272 : vector<16xi32>
      %swap3A_274 = arith.constant 48 : index
      %swap3A_275 = tpu.vector_load %arg11[%swap3A_274] {strides = array<i32>} : memref<128xi32, #tpu.memory_space<vmem>>, vector<16xi32>,
      tpu.vector_store %arg11[%swap3A_274], %add3A_273 {strides = array<i32>} : memref<128xi32, #tpu.memory_space<vmem>>, vector<16xi32>,
      %get3A_276 = arith.constant 64 : index
      %get3A_277 = tpu.vector_load %arg11[%get3A_276] {strides = array<i32>} : memref<128xi32, #tpu.memory_space<vmem>>, vector<16xi32>,
      %add3A_278 = vector.broadcast %mul3A_3 : i32 to vector<16xi32>
      %add3A_279 = arith.addi %get3A_277, %add3A_278 : vector<16xi32>
      %swap3A_280 = arith.constant 64 : index
      %swap3A_281 = tpu.vector_load %arg11[%swap3A_280] {strides = array<i32>} : memref<128xi32, #tpu.memory_space<vmem>>, vector<16xi32>,
      tpu.vector_store %arg11[%swap3A_280], %add3A_279 {strides = array<i32>} : memref<128xi32, #tpu.memory_space<vmem>>, vector<16xi32>,
      %get3A_282 = arith.constant 80 : index
      %get3A_283 = tpu.vector_load %arg11[%get3A_282] {strides = array<i32>} : memref<128xi32, #tpu.memory_space<vmem>>, vector<16xi32>,
      %add3A_284 = vector.broadcast %mul3A_3 : i32 to vector<16xi32>
      %add3A_285 = arith.addi %get3A_283, %add3A_284 : vector<16xi32>
      %swap3A_286 = arith.constant 80 : index
      %swap3A_287 = tpu.vector_load %arg11[%swap3A_286] {strides = array<i32>} : memref<128xi32, #tpu.memory_space<vmem>>, vector<16xi32>,
      tpu.vector_store %arg11[%swap3A_286], %add3A_285 {strides = array<i32>} : memref<128xi32, #tpu.memory_space<vmem>>, vector<16xi32>,
      %get3A_288 = arith.constant 96 : index
      %get3A_289 = tpu.vector_load %arg11[%get3A_288] {strides = array<i32>} : memref<128xi32, #tpu.memory_space<vmem>>, vector<16xi32>,
      %add3A_290 = vector.broadcast %mul3A_3 : i32 to vector<16xi32>
      %add3A_291 = arith.addi %get3A_289, %add3A_290 : vector<16xi32>
      %swap3A_292 = arith.constant 96 : index
      %swap3A_293 = tpu.vector_load %arg11[%swap3A_292] {strides = array<i32>} : memref<128xi32, #tpu.memory_space<vmem>>, vector<16xi32>,
      tpu.vector_store %arg11[%swap3A_292], %add3A_291 {strides = array<i32>} : memref<128xi32, #tpu.memory_space<vmem>>, vector<16xi32>,
      %get3A_294 = arith.constant 112 : index
      %get3A_295 = tpu.vector_load %arg11[%get3A_294] {strides = array<i32>} : memref<128xi32, #tpu.memory_space<vmem>>, vector<16xi32>,
      %add3A_296 = vector.broadcast %mul3A_3 : i32 to vector<16xi32>
      %add3A_297 = arith.addi %get3A_295, %add3A_296 : vector<16xi32>
      %swap3A_298 = arith.constant 112 : index
      %swap3A_299 = tpu.vector_load %arg11[%swap3A_298] {strides = array<i32>} : memref<128xi32, #tpu.memory_space<vmem>>, vector<16xi32>,
      tpu.vector_store %arg11[%swap3A_298], %add3A_297 {strides = array<i32>} : memref<128xi32, #tpu.memory_space<vmem>>, vector<16xi32>,
      %get3A_300 = arith.constant 0 : index
      %get3A_301 = tpu.vector_load %arg12[%get3A_300] {strides = array<i32>} : memref<128xi32, #tpu.memory_space<vmem>>, vector<16xi32>,
      %add3A_302 = vector.broadcast %mul3A_3 : i32 to vector<16xi32>
      %add3A_303 = arith.addi %get3A_301, %add3A_302 : vector<16xi32>
      %swap3A_304 = arith.constant 0 : index
      %swap3A_305 = tpu.vector_load %arg12[%swap3A_304] {strides = array<i32>} : memref<128xi32, #tpu.memory_space<vmem>>, vector<16xi32>,
      tpu.vector_store %arg12[%swap3A_304], %add3A_303 {strides = array<i32>} : memref<128xi32, #tpu.memory_space<vmem>>, vector<16xi32>,
      %get3A_306 = arith.constant 16 : index
      %get3A_307 = tpu.vector_load %arg12[%get3A_306] {strides = array<i32>} : memref<128xi32, #tpu.memory_space<vmem>>, vector<16xi32>,
      %add3A_308 = vector.broadcast %mul3A_3 : i32 to vector<16xi32>
      %add3A_309 = arith.addi %get3A_307, %add3A_308 : vector<16xi32>
      %swap3A_310 = arith.constant 16 : index
      %swap3A_311 = tpu.vector_load %arg12[%swap3A_310] {strides = array<i32>} : memref<128xi32, #tpu.memory_space<vmem>>, vector<16xi32>,
      tpu.vector_store %arg12[%swap3A_310], %add3A_309 {strides = array<i32>} : memref<128xi32, #tpu.memory_space<vmem>>, vector<16xi32>,
      %get3A_312 = arith.constant 32 : index
      %get3A_313 = tpu.vector_load %arg12[%get3A_312] {strides = array<i32>} : memref<128xi32, #tpu.memory_space<vmem>>, vector<16xi32>,
      %add3A_314 = vector.broadcast %mul3A_3 : i32 to vector<16xi32>
      %add3A_315 = arith.addi %get3A_313, %add3A_314 : vector<16xi32>
      %swap3A_316 = arith.constant 32 : index
      %swap3A_317 = tpu.vector_load %arg12[%swap3A_316] {strides = array<i32>} : memref<128xi32, #tpu.memory_space<vmem>>, vector<16xi32>,
      tpu.vector_store %arg12[%swap3A_316], %add3A_315 {strides = array<i32>} : memref<128xi32, #tpu.memory_space<vmem>>, vector<16xi32>,
      %get3A_318 = arith.constant 48 : index
      %get3A_319 = tpu.vector_load %arg12[%get3A_318] {strides = array<i32>} : memref<128xi32, #tpu.memory_space<vmem>>, vector<16xi32>,
      %add3A_320 = vector.broadcast %mul3A_3 : i32 to vector<16xi32>
      %add3A_321 = arith.addi %get3A_319, %add3A_320 : vector<16xi32>
      %swap3A_322 = arith.constant 48 : index
      %swap3A_323 = tpu.vector_load %arg12[%swap3A_322] {strides = array<i32>} : memref<128xi32, #tpu.memory_space<vmem>>, vector<16xi32>,
      tpu.vector_store %arg12[%swap3A_322], %add3A_321 {strides = array<i32>} : memref<128xi32, #tpu.memory_space<vmem>>, vector<16xi32>,
      %get3A_324 = arith.constant 64 : index
      %get3A_325 = tpu.vector_load %arg12[%get3A_324] {strides = array<i32>} : memref<128xi32, #tpu.memory_space<vmem>>, vector<16xi32>,
      %add3A_326 = vector.broadcast %mul3A_3 : i32 to vector<16xi32>
      %add3A_327 = arith.addi %get3A_325, %add3A_326 : vector<16xi32>
      %swap3A_328 = arith.constant 64 : index
      %swap3A_329 = tpu.vector_load %arg12[%swap3A_328] {strides = array<i32>} : memref<128xi32, #tpu.memory_space<vmem>>, vector<16xi32>,
      tpu.vector_store %arg12[%swap3A_328], %add3A_327 {strides = array<i32>} : memref<128xi32, #tpu.memory_space<vmem>>, vector<16xi32>,
      %get3A_330 = arith.constant 80 : index
      %get3A_331 = tpu.vector_load %arg12[%get3A_330] {strides = array<i32>} : memref<128xi32, #tpu.memory_space<vmem>>, vector<16xi32>,
      %add3A_332 = vector.broadcast %mul3A_3 : i32 to vector<16xi32>
      %add3A_333 = arith.addi %get3A_331, %add3A_332 : vector<16xi32>
      %swap3A_334 = arith.constant 80 : index
      %swap3A_335 = tpu.vector_load %arg12[%swap3A_334] {strides = array<i32>} : memref<128xi32, #tpu.memory_space<vmem>>, vector<16xi32>,
      tpu.vector_store %arg12[%swap3A_334], %add3A_333 {strides = array<i32>} : memref<128xi32, #tpu.memory_space<vmem>>, vector<16xi32>,
      %get3A_336 = arith.constant 96 : index
      %get3A_337 = tpu.vector_load %arg12[%get3A_336] {strides = array<i32>} : memref<128xi32, #tpu.memory_space<vmem>>, vector<16xi32>,
      %add3A_338 = vector.broadcast %mul3A_3 : i32 to vector<16xi32>
      %add3A_339 = arith.addi %get3A_337, %add3A_338 : vector<16xi32>
      %swap3A_340 = arith.constant 96 : index
      %swap3A_341 = tpu.vector_load %arg12[%swap3A_340] {strides = array<i32>} : memref<128xi32, #tpu.memory_space<vmem>>, vector<16xi32>,
      tpu.vector_store %arg12[%swap3A_340], %add3A_339 {strides = array<i32>} : memref<128xi32, #tpu.memory_space<vmem>>, vector<16xi32>,
      %get3A_342 = arith.constant 112 : index
      %get3A_343 = tpu.vector_load %arg12[%get3A_342] {strides = array<i32>} : memref<128xi32, #tpu.memory_space<vmem>>, vector<16xi32>,
      %add3A_344 = vector.broadcast %mul3A_3 : i32 to vector<16xi32>
      %add3A_345 = arith.addi %get3A_343, %add3A_344 : vector<16xi32>
      %swap3A_346 = arith.constant 112 : index
      %swap3A_347 = tpu.vector_load %arg12[%swap3A_346] {strides = array<i32>} : memref<128xi32, #tpu.memory_space<vmem>>, vector<16xi32>,
      tpu.vector_store %arg12[%swap3A_346], %add3A_345 {strides = array<i32>} : memref<128xi32, #tpu.memory_space<vmem>>, vector<16xi32>,
      %dma_start3A_348 = arith.constant 0 : i32
      %dma_start3A_349 = arith.constant 0 : i32
      %dma_start3A_350 = tpu.memref_slice %arg15[%dma_start3A_348, %dma_start3A_349] : memref<256x128xf32, #tpu.memory_space<vmem>> -> memref<128x128xf32, #tpu.memory_space<vmem>>
      %dma_start3A_351 = arith.constant 0 : i32
      %dma_start3A_352 = arith.constant 0 : i32
      %dma_start3A_353 = tpu.memref_slice %arg2[%dma_start3A_351, %dma_start3A_352] : memref<20480x128xf32, #tpu.memory_space<hbm>> -> memref<20480x128xf32, #tpu.memory_space<hbm>>
      tpu.enqueue_indirect_dma source(%dma_start3A_353 : memref<20480x128xf32, #tpu.memory_space<hbm>>) target(%dma_start3A_350 : memref<128x128xf32, #tpu.memory_space<vmem>>) offsets(%arg11 : memref<128xi32, #tpu.memory_space<vmem>>) semaphore(%arg18 : memref<!tpu.dma_semaphore, #tpu.memory_space<semaphore_mem>>)
      %dma_start3A_354 = arith.constant 128 : i32
      %dma_start3A_355 = arith.constant 0 : i32
      %dma_start3A_356 = tpu.memref_slice %arg15[%dma_start3A_354, %dma_start3A_355] : memref<256x128xf32, #tpu.memory_space<vmem>> -> memref<128x128xf32, #tpu.memory_space<vmem>>
      %dma_start3A_357 = arith.constant 0 : i32
      %dma_start3A_358 = arith.constant 0 : i32
      %dma_start3A_359 = tpu.memref_slice %arg2[%dma_start3A_357, %dma_start3A_358] : memref<20480x128xf32, #tpu.memory_space<hbm>> -> memref<20480x128xf32, #tpu.memory_space<hbm>>
      tpu.enqueue_indirect_dma source(%dma_start3A_359 : memref<20480x128xf32, #tpu.memory_space<hbm>>) target(%dma_start3A_356 : memref<128x128xf32, #tpu.memory_space<vmem>>) offsets(%arg12 : memref<128xi32, #tpu.memory_space<vmem>>) semaphore(%arg19 : memref<!tpu.dma_semaphore, #tpu.memory_space<semaphore_mem>>)
      %dma_wait3A_360 = arith.constant 0 : i32
      %dma_wait3A_361 = arith.constant 0 : i32
      %dma_wait3A_362 = tpu.memref_slice %arg15[%dma_wait3A_360, %dma_wait3A_361] : memref<256x128xf32, #tpu.memory_space<vmem>> -> memref<128x128xf32, #tpu.memory_space<vmem>>
      %dma_wait3A_363 = arith.constant 0 : i32
      %dma_wait3A_364 = arith.constant 0 : i32
      %dma_wait3A_365 = tpu.memref_slice %arg2[%dma_wait3A_363, %dma_wait3A_364] : memref<20480x128xf32, #tpu.memory_space<hbm>> -> memref<20480x128xf32, #tpu.memory_space<hbm>>
      tpu.wait_indirect_dma semaphore(%arg18 : memref<!tpu.dma_semaphore, #tpu.memory_space<semaphore_mem>>) src(%dma_wait3A_365 : memref<20480x128xf32, #tpu.memory_space<hbm>>) dst(%dma_wait3A_362 : memref<128x128xf32, #tpu.memory_space<vmem>>)
      %dma_start3A_366 = arith.constant 0 : i32
      %dma_start3A_367 = arith.constant 0 : i32
      %dma_start3A_368 = tpu.memref_slice %arg15[%dma_start3A_366, %dma_start3A_367] : memref<256x128xf32, #tpu.memory_space<vmem>> -> memref<128x128xf32, #tpu.memory_space<vmem>>
      %dma_start3A_369 = arith.constant 0 : i32
      %dma_start3A_370 = arith.constant 0 : i32
      %dma_start3A_371 = tpu.memref_slice %arg17[%dma_start3A_369, %dma_start3A_370] : memref<10240x128xf32, #tpu.memory_space<vmem_shared>> -> memref<10240x128xf32, #tpu.memory_space<vmem_shared>>
      tpu.enqueue_indirect_dma source(%dma_start3A_368 : memref<128x128xf32, #tpu.memory_space<vmem>>) target(%dma_start3A_371 : memref<10240x128xf32, #tpu.memory_space<vmem_shared>>) offsets(%arg13 : memref<128xi32, #tpu.memory_space<vmem>>) semaphore(%arg20 : memref<!tpu.dma_semaphore, #tpu.memory_space<semaphore_mem>>) {add = true}
      %dma_wait3A_372 = arith.constant 128 : i32
      %dma_wait3A_373 = arith.constant 0 : i32
      %dma_wait3A_374 = tpu.memref_slice %arg15[%dma_wait3A_372, %dma_wait3A_373] : memref<256x128xf32, #tpu.memory_space<vmem>> -> memref<128x128xf32, #tpu.memory_space<vmem>>
      %dma_wait3A_375 = arith.constant 0 : i32
      %dma_wait3A_376 = arith.constant 0 : i32
      %dma_wait3A_377 = tpu.memref_slice %arg2[%dma_wait3A_375, %dma_wait3A_376] : memref<20480x128xf32, #tpu.memory_space<hbm>> -> memref<20480x128xf32, #tpu.memory_space<hbm>>
      tpu.wait_indirect_dma semaphore(%arg19 : memref<!tpu.dma_semaphore, #tpu.memory_space<semaphore_mem>>) src(%dma_wait3A_377 : memref<20480x128xf32, #tpu.memory_space<hbm>>) dst(%dma_wait3A_374 : memref<128x128xf32, #tpu.memory_space<vmem>>)
      %dma_start3A_378 = arith.constant 128 : i32
      %dma_start3A_379 = arith.constant 0 : i32
      %dma_start3A_380 = tpu.memref_slice %arg15[%dma_start3A_378, %dma_start3A_379] : memref<256x128xf32, #tpu.memory_space<vmem>> -> memref<128x128xf32, #tpu.memory_space<vmem>>
      %dma_start3A_381 = arith.constant 0 : i32
      %dma_start3A_382 = arith.constant 0 : i32
      %dma_start3A_383 = tpu.memref_slice %arg17[%dma_start3A_381, %dma_start3A_382] : memref<10240x128xf32, #tpu.memory_space<vmem_shared>> -> memref<10240x128xf32, #tpu.memory_space<vmem_shared>>
      tpu.enqueue_indirect_dma source(%dma_start3A_380 : memref<128x128xf32, #tpu.memory_space<vmem>>) target(%dma_start3A_383 : memref<10240x128xf32, #tpu.memory_space<vmem_shared>>) offsets(%arg14 : memref<128xi32, #tpu.memory_space<vmem>>) semaphore(%arg20 : memref<!tpu.dma_semaphore, #tpu.memory_space<semaphore_mem>>) {add = true}
      %eq3A_384 = arith.constant 0 : i32
      %eq3A_385 = arith.cmpi eq, %arg0, %eq3A_384 : i32
      %convert_element_type3A_386 = arith.extui %eq3A_385 : i1 to i32
      %cond3A_387 = arith.constant 0 : i32
      %cond3A_388 = arith.cmpi ne, %convert_element_type3A_386, %cond3A_387 : i32
      scf.if %cond3A_388 {
        %get3A_409 = arith.constant 0 : index
        %get3A_410 = tpu.vector_load %arg13[%get3A_409] {strides = array<i32>} : memref<128xi32, #tpu.memory_space<vmem>>, vector<16xi32>,
        tpu.vector_store_idx %arg16[%get3A_410], %broadcast_in_dim3A_2 {add = true} : memref<10240xf32, #tpu.memory_space<vmem>>[vector<16xi32>], vector<16xf32>,
        %get3A_411 = arith.constant 16 : index
        %get3A_412 = tpu.vector_load %arg13[%get3A_411] {strides = array<i32>} : memref<128xi32, #tpu.memory_space<vmem>>, vector<16xi32>,
        tpu.vector_store_idx %arg16[%get3A_412], %broadcast_in_dim3A_2 {add = true} : memref<10240xf32, #tpu.memory_space<vmem>>[vector<16xi32>], vector<16xf32>,
        %get3A_413 = arith.constant 32 : index
        %get3A_414 = tpu.vector_load %arg13[%get3A_413] {strides = array<i32>} : memref<128xi32, #tpu.memory_space<vmem>>, vector<16xi32>,
        tpu.vector_store_idx %arg16[%get3A_414], %broadcast_in_dim3A_2 {add = true} : memref<10240xf32, #tpu.memory_space<vmem>>[vector<16xi32>], vector<16xf32>,
        %get3A_415 = arith.constant 48 : index
        %get3A_416 = tpu.vector_load %arg13[%get3A_415] {strides = array<i32>} : memref<128xi32, #tpu.memory_space<vmem>>, vector<16xi32>,
        tpu.vector_store_idx %arg16[%get3A_416], %broadcast_in_dim3A_2 {add = true} : memref<10240xf32, #tpu.memory_space<vmem>>[vector<16xi32>], vector<16xf32>,
        %get3A_417 = arith.constant 64 : index
        %get3A_418 = tpu.vector_load %arg13[%get3A_417] {strides = array<i32>} : memref<128xi32, #tpu.memory_space<vmem>>, vector<16xi32>,
        tpu.vector_store_idx %arg16[%get3A_418], %broadcast_in_dim3A_2 {add = true} : memref<10240xf32, #tpu.memory_space<vmem>>[vector<16xi32>], vector<16xf32>,
        %get3A_419 = arith.constant 80 : index
        %get3A_420 = tpu.vector_load %arg13[%get3A_419] {strides = array<i32>} : memref<128xi32, #tpu.memory_space<vmem>>, vector<16xi32>,
        tpu.vector_store_idx %arg16[%get3A_420], %broadcast_in_dim3A_2 {add = true} : memref<10240xf32, #tpu.memory_space<vmem>>[vector<16xi32>], vector<16xf32>,
        %get3A_421 = arith.constant 96 : index
        %get3A_422 = tpu.vector_load %arg13[%get3A_421] {strides = array<i32>} : memref<128xi32, #tpu.memory_space<vmem>>, vector<16xi32>,
        tpu.vector_store_idx %arg16[%get3A_422], %broadcast_in_dim3A_2 {add = true} : memref<10240xf32, #tpu.memory_space<vmem>>[vector<16xi32>], vector<16xf32>,
        %get3A_423 = arith.constant 112 : index
        %get3A_424 = tpu.vector_load %arg13[%get3A_423] {strides = array<i32>} : memref<128xi32, #tpu.memory_space<vmem>>, vector<16xi32>,
        tpu.vector_store_idx %arg16[%get3A_424], %broadcast_in_dim3A_2 {add = true} : memref<10240xf32, #tpu.memory_space<vmem>>[vector<16xi32>], vector<16xf32>,
        %get3A_425 = arith.constant 0 : index
        %get3A_426 = tpu.vector_load %arg14[%get3A_425] {strides = array<i32>} : memref<128xi32, #tpu.memory_space<vmem>>, vector<16xi32>,
        tpu.vector_store_idx %arg16[%get3A_426], %broadcast_in_dim3A_2 {add = true} : memref<10240xf32, #tpu.memory_space<vmem>>[vector<16xi32>], vector<16xf32>,
        %get3A_427 = arith.constant 16 : index
        %get3A_428 = tpu.vector_load %arg14[%get3A_427] {strides = array<i32>} : memref<128xi32, #tpu.memory_space<vmem>>, vector<16xi32>,
        tpu.vector_store_idx %arg16[%get3A_428], %broadcast_in_dim3A_2 {add = true} : memref<10240xf32, #tpu.memory_space<vmem>>[vector<16xi32>], vector<16xf32>,
        %get3A_429 = arith.constant 32 : index
        %get3A_430 = tpu.vector_load %arg14[%get3A_429] {strides = array<i32>} : memref<128xi32, #tpu.memory_space<vmem>>, vector<16xi32>,
        tpu.vector_store_idx %arg16[%get3A_430], %broadcast_in_dim3A_2 {add = true} : memref<10240xf32, #tpu.memory_space<vmem>>[vector<16xi32>], vector<16xf32>,
        %get3A_431 = arith.constant 48 : index
        %get3A_432 = tpu.vector_load %arg14[%get3A_431] {strides = array<i32>} : memref<128xi32, #tpu.memory_space<vmem>>, vector<16xi32>,
        tpu.vector_store_idx %arg16[%get3A_432], %broadcast_in_dim3A_2 {add = true} : memref<10240xf32, #tpu.memory_space<vmem>>[vector<16xi32>], vector<16xf32>,
        %get3A_433 = arith.constant 64 : index
        %get3A_434 = tpu.vector_load %arg14[%get3A_433] {strides = array<i32>} : memref<128xi32, #tpu.memory_space<vmem>>, vector<16xi32>,
        tpu.vector_store_idx %arg16[%get3A_434], %broadcast_in_dim3A_2 {add = true} : memref<10240xf32, #tpu.memory_space<vmem>>[vector<16xi32>], vector<16xf32>,
        %get3A_435 = arith.constant 80 : index
        %get3A_436 = tpu.vector_load %arg14[%get3A_435] {strides = array<i32>} : memref<128xi32, #tpu.memory_space<vmem>>, vector<16xi32>,
        tpu.vector_store_idx %arg16[%get3A_436], %broadcast_in_dim3A_2 {add = true} : memref<10240xf32, #tpu.memory_space<vmem>>[vector<16xi32>], vector<16xf32>,
        %get3A_437 = arith.constant 96 : index
        %get3A_438 = tpu.vector_load %arg14[%get3A_437] {strides = array<i32>} : memref<128xi32, #tpu.memory_space<vmem>>, vector<16xi32>,
        tpu.vector_store_idx %arg16[%get3A_438], %broadcast_in_dim3A_2 {add = true} : memref<10240xf32, #tpu.memory_space<vmem>>[vector<16xi32>], vector<16xf32>,
        %get3A_439 = arith.constant 112 : index
        %get3A_440 = tpu.vector_load %arg14[%get3A_439] {strides = array<i32>} : memref<128xi32, #tpu.memory_space<vmem>>, vector<16xi32>,
        tpu.vector_store_idx %arg16[%get3A_440], %broadcast_in_dim3A_2 {add = true} : memref<10240xf32, #tpu.memory_space<vmem>>[vector<16xi32>], vector<16xf32>,
      } else {
      }
      %dma_wait3A_389 = arith.constant 0 : i32
      %dma_wait3A_390 = arith.constant 0 : i32
      %dma_wait3A_391 = tpu.memref_slice %arg15[%dma_wait3A_389, %dma_wait3A_390] : memref<256x128xf32, #tpu.memory_space<vmem>> -> memref<128x128xf32, #tpu.memory_space<vmem>>
      %dma_wait3A_392 = arith.constant 0 : i32
      %dma_wait3A_393 = arith.constant 0 : i32
      %dma_wait3A_394 = tpu.memref_slice %arg17[%dma_wait3A_392, %dma_wait3A_393] : memref<10240x128xf32, #tpu.memory_space<vmem_shared>> -> memref<10240x128xf32, #tpu.memory_space<vmem_shared>>
      tpu.wait_indirect_dma semaphore(%arg20 : memref<!tpu.dma_semaphore, #tpu.memory_space<semaphore_mem>>) src(%dma_wait3A_391 : memref<128x128xf32, #tpu.memory_space<vmem>>) dst(%dma_wait3A_394 : memref<10240x128xf32, #tpu.memory_space<vmem_shared>>)
      %dma_wait3A_395 = arith.constant 128 : i32
      %dma_wait3A_396 = arith.constant 0 : i32
      %dma_wait3A_397 = tpu.memref_slice %arg15[%dma_wait3A_395, %dma_wait3A_396] : memref<256x128xf32, #tpu.memory_space<vmem>> -> memref<128x128xf32, #tpu.memory_space<vmem>>
      %dma_wait3A_398 = arith.constant 0 : i32
      %dma_wait3A_399 = arith.constant 0 : i32
      %dma_wait3A_400 = tpu.memref_slice %arg17[%dma_wait3A_398, %dma_wait3A_399] : memref<10240x128xf32, #tpu.memory_space<vmem_shared>> -> memref<10240x128xf32, #tpu.memory_space<vmem_shared>>
      tpu.wait_indirect_dma semaphore(%arg20 : memref<!tpu.dma_semaphore, #tpu.memory_space<semaphore_mem>>) src(%dma_wait3A_397 : memref<128x128xf32, #tpu.memory_space<vmem>>) dst(%dma_wait3A_400 : memref<10240x128xf32, #tpu.memory_space<vmem_shared>>)
      %dma_wait3A_401 = tpu.memref_slice %arg3[%mul3A_239] : memref<163840xi32, #tpu.memory_space<hbm>> -> memref<128xi32, #tpu.memory_space<hbm>>
      %dma_wait3A_402 = tpu.memref_slice %arg3[%mul3A_239] : memref<163840xi32, #tpu.memory_space<hbm>> -> memref<128xi32, #tpu.memory_space<hbm>>
      tpu.wait_dma2 semaphore(%arg21 : memref<!tpu.dma_semaphore, #tpu.memory_space<semaphore_mem>>) src(%dma_wait3A_402 : memref<128xi32, #tpu.memory_space<hbm>>) dst(%arg7 : memref<128xi32, #tpu.memory_space<vmem>>)
      %dma_wait3A_403 = tpu.memref_slice %arg3[%add3A_243] : memref<163840xi32, #tpu.memory_space<hbm>> -> memref<128xi32, #tpu.memory_space<hbm>>
      %dma_wait3A_404 = tpu.memref_slice %arg3[%add3A_243] : memref<163840xi32, #tpu.memory_space<hbm>> -> memref<128xi32, #tpu.memory_space<hbm>>
      tpu.wait_dma2 semaphore(%arg21 : memref<!tpu.dma_semaphore, #tpu.memory_space<semaphore_mem>>) src(%dma_wait3A_404 : memref<128xi32, #tpu.memory_space<hbm>>) dst(%arg8 : memref<128xi32, #tpu.memory_space<vmem>>)
      %dma_wait3A_405 = tpu.memref_slice %arg4[%mul3A_239] : memref<163840xi32, #tpu.memory_space<hbm>> -> memref<128xi32, #tpu.memory_space<hbm>>
      %dma_wait3A_406 = tpu.memref_slice %arg4[%mul3A_239] : memref<163840xi32, #tpu.memory_space<hbm>> -> memref<128xi32, #tpu.memory_space<hbm>>
      tpu.wait_dma2 semaphore(%arg21 : memref<!tpu.dma_semaphore, #tpu.memory_space<semaphore_mem>>) src(%dma_wait3A_406 : memref<128xi32, #tpu.memory_space<hbm>>) dst(%arg9 : memref<128xi32, #tpu.memory_space<vmem>>)
      %dma_wait3A_407 = tpu.memref_slice %arg4[%add3A_249] : memref<163840xi32, #tpu.memory_space<hbm>> -> memref<128xi32, #tpu.memory_space<hbm>>
      %dma_wait3A_408 = tpu.memref_slice %arg4[%add3A_249] : memref<163840xi32, #tpu.memory_space<hbm>> -> memref<128xi32, #tpu.memory_space<hbm>>
      tpu.wait_dma2 semaphore(%arg21 : memref<!tpu.dma_semaphore, #tpu.memory_space<semaphore_mem>>) src(%dma_wait3A_408 : memref<128xi32, #tpu.memory_space<hbm>>) dst(%arg10 : memref<128xi32, #tpu.memory_space<vmem>>)
    }
    %scan3A_48 = arith.constant 20 : i32
    %barrier3A_49 = arith.constant 0 : index
    tpu.barrier barrier_id(%barrier3A_49)
    %add3A_50 = arith.addi %mul3A_3, %mul3A_16 : i32
    "tpu.region"() ({
      %run_scoped3A = tpu.sem_alloc : memref<!tpu.dma_semaphore, #tpu.memory_space<semaphore_mem>>
      %dma_start3A_53 = arith.constant 0 : i32
      %dma_start3A_54 = tpu.memref_slice %arg5[%add3A_50, %dma_start3A_53] : memref<20480x128xf32, #tpu.memory_space<hbm>> -> memref<640x128xf32, #tpu.memory_space<hbm>>
      %dma_start3A_55 = arith.constant 0 : i32
      %dma_start3A_56 = tpu.memref_slice %arg17[%mul3A_16, %dma_start3A_55] : memref<10240x128xf32, #tpu.memory_space<vmem_shared>> -> memref<640x128xf32, #tpu.memory_space<vmem_shared>>
      tpu.enqueue_dma source(%dma_start3A_56 : memref<640x128xf32, #tpu.memory_space<vmem_shared>>) target(%dma_start3A_54 : memref<640x128xf32, #tpu.memory_space<hbm>>) target_semaphore(%run_scoped3A : memref<!tpu.dma_semaphore, #tpu.memory_space<semaphore_mem>>)
      %dma_wait3A_57 = arith.constant 0 : i32
      %dma_wait3A_58 = tpu.memref_slice %arg5[%add3A_50, %dma_wait3A_57] : memref<20480x128xf32, #tpu.memory_space<hbm>> -> memref<640x128xf32, #tpu.memory_space<hbm>>
      %dma_wait3A_59 = arith.constant 0 : i32
      %dma_wait3A_60 = tpu.memref_slice %arg17[%mul3A_16, %dma_wait3A_59] : memref<10240x128xf32, #tpu.memory_space<vmem_shared>> -> memref<640x128xf32, #tpu.memory_space<vmem_shared>>
      tpu.wait_dma2 semaphore(%run_scoped3A : memref<!tpu.dma_semaphore, #tpu.memory_space<semaphore_mem>>) src(%dma_wait3A_60 : memref<640x128xf32, #tpu.memory_space<vmem_shared>>) dst(%dma_wait3A_58 : memref<640x128xf32, #tpu.memory_space<hbm>>)
      tpu.yield
    }) : () -> ()
    %eq3A = arith.constant 0 : i32
    %eq3A_51 = arith.cmpi eq, %arg0, %eq3A : i32
    %convert_element_type3A = arith.extui %eq3A_51 : i1 to i32
    %cond3A = arith.constant 0 : i32
    %cond3A_52 = arith.cmpi ne, %convert_element_type3A, %cond3A : i32
    scf.if %cond3A_52 {
      "tpu.region"() ({
        %run_scoped3A = tpu.sem_alloc : memref<!tpu.dma_semaphore, #tpu.memory_space<semaphore_mem>>
        %dma_start3A_53 = arith.constant 0 : i32
        %dma_start3A_54 = tpu.memref_slice %arg6[%arg1, %dma_start3A_53] : memref<16x10240xf32, #tpu.memory_space<hbm>> -> memref<1x10240xf32, #tpu.memory_space<hbm>>
        %dma_start3A_55 = tpu.memref_squeeze %dma_start3A_54 : memref<1x10240xf32, #tpu.memory_space<hbm>> -> memref<10240xf32, #tpu.memory_space<hbm>>
        %dma_start3A_56 = arith.constant 0 : i32
        %dma_start3A_57 = tpu.memref_slice %arg6[%arg1, %dma_start3A_56] : memref<16x10240xf32, #tpu.memory_space<hbm>> -> memref<1x10240xf32, #tpu.memory_space<hbm>>
        %dma_start3A_58 = tpu.memref_squeeze %dma_start3A_57 : memref<1x10240xf32, #tpu.memory_space<hbm>> -> memref<10240xf32, #tpu.memory_space<hbm>>
        tpu.enqueue_dma source(%arg16 : memref<10240xf32, #tpu.memory_space<vmem>>) target(%dma_start3A_58 : memref<10240xf32, #tpu.memory_space<hbm>>) target_semaphore(%run_scoped3A : memref<!tpu.dma_semaphore, #tpu.memory_space<semaphore_mem>>)
        %dma_wait3A_59 = arith.constant 0 : i32
        %dma_wait3A_60 = tpu.memref_slice %arg6[%arg1, %dma_wait3A_59] : memref<16x10240xf32, #tpu.memory_space<hbm>> -> memref<1x10240xf32, #tpu.memory_space<hbm>>
        %dma_wait3A_61 = tpu.memref_squeeze %dma_wait3A_60 : memref<1x10240xf32, #tpu.memory_space<hbm>> -> memref<10240xf32, #tpu.memory_space<hbm>>
        %dma_wait3A_62 = arith.constant 0 : i32
        %dma_wait3A_63 = tpu.memref_slice %arg6[%arg1, %dma_wait3A_62] : memref<16x10240xf32, #tpu.memory_space<hbm>> -> memref<1x10240xf32, #tpu.memory_space<hbm>>
        %dma_wait3A_64 = tpu.memref_squeeze %dma_wait3A_63 : memref<1x10240xf32, #tpu.memory_space<hbm>> -> memref<10240xf32, #tpu.memory_space<hbm>>
        tpu.wait_dma2 semaphore(%run_scoped3A : memref<!tpu.dma_semaphore, #tpu.memory_space<semaphore_mem>>) src(%arg16 : memref<10240xf32, #tpu.memory_space<vmem>>) dst(%dma_wait3A_64 : memref<10240xf32, #tpu.memory_space<hbm>>)
        tpu.yield
      }) : () -> ()
    } else {
    }
    return
  }
}

module attributes {stable_mosaic.version = 14 : i64} {
  func.func @body(%arg0: i32, %arg1: memref<1024x128xf32, #tpu.memory_space<vmem>>, %arg2: memref<1024x128xf32, #tpu.memory_space<vmem>>, %arg3: memref<2x128x256xf32, #tpu.memory_space<vmem>>, %arg4: memref<1x256xf32, #tpu.memory_space<vmem>>, %arg5: memref<1024x256xf32, #tpu.memory_space<vmem>>) attributes {dimension_semantics = [#tpu.dimension_semantics<arbitrary>], iteration_bounds = array<i64: 10>, scalar_prefetch = 0 : i64, scratch_operands = 0 : i64, tpu.core_type = #tpu.core_type<tc>, window_params = [{transform_indices = @transform_0, window_bounds = array<i64: 1024, 128>}, {transform_indices = @transform_1, window_bounds = array<i64: 1024, 128>}, {pipeline_mode = #tpu.pipeline_mode<synchronous>, transform_indices = @transform_2, window_bounds = array<i64: 2, 128, 256>}, {pipeline_mode = #tpu.pipeline_mode<synchronous>, transform_indices = @transform_3, window_bounds = array<i64: 1, 256>}, {transform_indices = @transform_4, window_bounds = array<i64: 1024, 256>}]} {
    %get3A = arith.constant 0 : index
    %get3A_0 = arith.constant 0 : index
    %get3A_1 = vector.load %arg1[%get3A, %get3A_0] : memref<1024x128xf32, #tpu.memory_space<vmem>>, vector<1024x128xf32>
    %get3A_2 = arith.constant 0 : index
    %get3A_3 = arith.constant 0 : index
    %get3A_4 = arith.constant 0 : index
    %get3A_5 = vector.load %arg3[%get3A_2, %get3A_3, %get3A_4] : memref<2x128x256xf32, #tpu.memory_space<vmem>>, vector<1x128x256xf32>
    %get3A_6 = vector.shape_cast %get3A_5 : vector<1x128x256xf32> to vector<128x256xf32>
    %dot_general3A = arith.constant dense<0.000000e+00> : vector<1024x256xf32>
    %dot_general3A_7 = tpu.matmul %get3A_1, %get3A_6, %dot_general3A {dimension_numbers = #tpu.dot_dimension_numbers<[1], [0], [0], [1], [0, 0, 1, 1], [], []>, transpose_lhs_hint = false} : vector<1024x128xf32>, vector<128x256xf32>, vector<1024x256xf32> -> vector<1024x256xf32>
    %get3A_8 = arith.constant 0 : index
    %get3A_9 = arith.constant 0 : index
    %get3A_10 = vector.load %arg2[%get3A_8, %get3A_9] : memref<1024x128xf32, #tpu.memory_space<vmem>>, vector<1024x128xf32>
    %get3A_11 = arith.constant 1 : index
    %get3A_12 = arith.constant 0 : index
    %get3A_13 = arith.constant 0 : index
    %get3A_14 = vector.load %arg3[%get3A_11, %get3A_12, %get3A_13] : memref<2x128x256xf32, #tpu.memory_space<vmem>>, vector<1x128x256xf32>
    %get3A_15 = vector.shape_cast %get3A_14 : vector<1x128x256xf32> to vector<128x256xf32>
    %dot_general3A_16 = arith.constant dense<0.000000e+00> : vector<1024x256xf32>
    %dot_general3A_17 = tpu.matmul %get3A_10, %get3A_15, %dot_general3A_16 {dimension_numbers = #tpu.dot_dimension_numbers<[1], [0], [0], [1], [0, 0, 1, 1], [], []>, transpose_lhs_hint = false} : vector<1024x128xf32>, vector<128x256xf32>, vector<1024x256xf32> -> vector<1024x256xf32>
    %add3A = arith.addf %dot_general3A_7, %dot_general3A_17 : vector<1024x256xf32>
    %get3A_18 = arith.constant 0 : index
    %get3A_19 = arith.constant 0 : index
    %get3A_20 = vector.load %arg4[%get3A_18, %get3A_19] : memref<1x256xf32, #tpu.memory_space<vmem>>, vector<1x256xf32>
    %add3A_21 = vector.broadcast %get3A_20 : vector<1x256xf32> to vector<1024x256xf32>
    %add3A_22 = arith.addf %add3A, %add3A_21 : vector<1024x256xf32>
    %swap3A = arith.constant 0 : index
    %swap3A_23 = arith.constant 0 : index
    %swap3A_24 = vector.load %arg5[%swap3A, %swap3A_23] : memref<1024x256xf32, #tpu.memory_space<vmem>>, vector<1024x256xf32>
    tpu.vector_store %arg5[%swap3A, %swap3A_23], %add3A_22 {strides = array<i32>} : memref<1024x256xf32, #tpu.memory_space<vmem>>, vector<1024x256xf32>,
    return
  }
  func.func @transform_0(%arg0: i32) -> (i32, i32) {
    %c0_i32 = arith.constant 0 : i32
    %c0_i32_0 = arith.constant 0 : i32
    return %arg0, %c0_i32 : i32, i32
  }
  func.func @transform_1(%arg0: i32) -> (i32, i32) {
    %add3A = arith.constant 10 : i32
    %add3A_0 = arith.addi %arg0, %add3A : i32
    %c0_i32 = arith.constant 0 : i32
    %c0_i32_1 = arith.constant 0 : i32
    return %add3A_0, %c0_i32 : i32, i32
  }
  func.func @transform_2(%arg0: i32) -> (i32, i32, i32) {
    %c0_i32 = arith.constant 0 : i32
    %c0_i32_0 = arith.constant 0 : i32
    %c0_i32_1 = arith.constant 0 : i32
    %c0_i32_2 = arith.constant 0 : i32
    return %c0_i32, %c0_i32_0, %c0_i32_1 : i32, i32, i32
  }
  func.func @transform_3(%arg0: i32) -> (i32, i32) {
    %c0_i32 = arith.constant 0 : i32
    %c0_i32_0 = arith.constant 0 : i32
    %c0_i32_1 = arith.constant 0 : i32
    return %c0_i32, %c0_i32_0 : i32, i32
  }
  func.func @transform_4(%arg0: i32) -> (i32, i32) {
    %c0_i32 = arith.constant 0 : i32
    %c0_i32_0 = arith.constant 0 : i32
    return %arg0, %c0_i32 : i32, i32
  }
}

module attributes {stable_mosaic.version = 14 : i64} {
  func.func @body(%arg0: i32, %arg1: memref<16x1024xf32, #tpu.memory_space<vmem>>, %arg2: memref<1024x128xf32, #tpu.memory_space<vmem>>, %arg3: memref<1024x128xf32, #tpu.memory_space<vmem>>, %arg4: memref<1024x256xf32, #tpu.memory_space<vmem>>, %arg5: memref<2x128x256xf32, #tpu.memory_space<vmem>>, %arg6: memref<2x1024x128xf32, #tpu.memory_space<vmem>>) attributes {dimension_semantics = [#tpu.dimension_semantics<arbitrary>], iteration_bounds = array<i64: 10>, scalar_prefetch = 0 : i64, scratch_operands = 0 : i64, tpu.core_type = #tpu.core_type<tc>, window_params = [{transform_indices = @transform_0, window_bounds = array<i64: 16, 1024>}, {transform_indices = @transform_1, window_bounds = array<i64: 1024, 128>}, {transform_indices = @transform_2, window_bounds = array<i64: 1024, 128>}, {transform_indices = @transform_3, window_bounds = array<i64: 1024, 256>}, {pipeline_mode = #tpu.pipeline_mode<synchronous>, transform_indices = @transform_4, window_bounds = array<i64: 2, 128, 256>}, {transform_indices = @transform_5, window_bounds = array<i64: 2, 1024, 128>}]} {
    %get3A = arith.constant 0 : index
    %get3A_0 = arith.constant 0 : index
    %get3A_1 = vector.load %arg1[%get3A, %get3A_0] : memref<16x1024xf32, #tpu.memory_space<vmem>>, vector<16x1024xf32>
    %reduce_sum3A = arith.constant dense<0.000000e+00> : vector<1024xf32>
    %reduce_sum3A_2 = vector.multi_reduction <add>, %get3A_1, %reduce_sum3A [0] : vector<16x1024xf32> to vector<1024xf32>
    %max3A = arith.constant 1.000000e+00 : f32
    %max3A_3 = vector.broadcast %max3A : f32 to vector<1024xf32>
    %max3A_4 = arith.maximumf %reduce_sum3A_2, %max3A_3 : vector<1024xf32>
    %div3A = arith.constant 1.000000e+00 : f32
    %div3A_5 = vector.broadcast %div3A : f32 to vector<1024xf32>
    %div3A_6 = arith.divf %div3A_5, %max3A_4 : vector<1024xf32>
    %get3A_7 = arith.constant 0 : index
    %get3A_8 = arith.constant 0 : index
    %get3A_9 = vector.load %arg2[%get3A_7, %get3A_8] : memref<1024x128xf32, #tpu.memory_space<vmem>>, vector<1024x128xf32>
    %broadcast_in_dim3A = vector.shape_cast %div3A_6 : vector<1024xf32> to vector<1024x1xf32>
    %mul3A = vector.broadcast %broadcast_in_dim3A : vector<1024x1xf32> to vector<1024x128xf32>
    %mul3A_10 = arith.mulf %get3A_9, %mul3A : vector<1024x128xf32>
    %get3A_11 = arith.constant 0 : index
    %get3A_12 = arith.constant 0 : index
    %get3A_13 = arith.constant 0 : index
    %get3A_14 = vector.load %arg5[%get3A_11, %get3A_12, %get3A_13] : memref<2x128x256xf32, #tpu.memory_space<vmem>>, vector<1x128x256xf32>
    %get3A_15 = vector.shape_cast %get3A_14 : vector<1x128x256xf32> to vector<128x256xf32>
    %dot_general3A = arith.constant dense<0.000000e+00> : vector<1024x256xf32>
    %dot_general3A_16 = tpu.matmul %mul3A_10, %get3A_15, %dot_general3A {dimension_numbers = #tpu.dot_dimension_numbers<[1], [0], [0], [1], [0, 0, 1, 1], [], []>, transpose_lhs_hint = false} : vector<1024x128xf32>, vector<128x256xf32>, vector<1024x256xf32> -> vector<1024x256xf32>
    %get3A_17 = arith.constant 0 : index
    %get3A_18 = arith.constant 0 : index
    %get3A_19 = vector.load %arg3[%get3A_17, %get3A_18] : memref<1024x128xf32, #tpu.memory_space<vmem>>, vector<1024x128xf32>
    %broadcast_in_dim3A_20 = vector.shape_cast %div3A_6 : vector<1024xf32> to vector<1024x1xf32>
    %mul3A_21 = vector.broadcast %broadcast_in_dim3A_20 : vector<1024x1xf32> to vector<1024x128xf32>
    %mul3A_22 = arith.mulf %get3A_19, %mul3A_21 : vector<1024x128xf32>
    %get3A_23 = arith.constant 1 : index
    %get3A_24 = arith.constant 0 : index
    %get3A_25 = arith.constant 0 : index
    %get3A_26 = vector.load %arg5[%get3A_23, %get3A_24, %get3A_25] : memref<2x128x256xf32, #tpu.memory_space<vmem>>, vector<1x128x256xf32>
    %get3A_27 = vector.shape_cast %get3A_26 : vector<1x128x256xf32> to vector<128x256xf32>
    %dot_general3A_28 = arith.constant dense<0.000000e+00> : vector<1024x256xf32>
    %dot_general3A_29 = tpu.matmul %mul3A_22, %get3A_27, %dot_general3A_28 {dimension_numbers = #tpu.dot_dimension_numbers<[1], [0], [0], [1], [0, 0, 1, 1], [], []>, transpose_lhs_hint = false} : vector<1024x128xf32>, vector<128x256xf32>, vector<1024x256xf32> -> vector<1024x256xf32>
    %add3A = arith.addf %dot_general3A_16, %dot_general3A_29 : vector<1024x256xf32>
    %get3A_30 = arith.constant 0 : index
    %get3A_31 = arith.constant 0 : index
    %get3A_32 = vector.load %arg4[%get3A_30, %get3A_31] : memref<1024x256xf32, #tpu.memory_space<vmem>>, vector<1024x256xf32>
    %add3A_33 = arith.addf %add3A, %get3A_32 : vector<1024x256xf32>
    %mul3A_34 = arith.mulf %add3A_33, %add3A_33 : vector<1024x256xf32>
    %reduce_sum3A_35 = arith.constant dense<0.000000e+00> : vector<1024xf32>
    %reduce_sum3A_36 = vector.multi_reduction <add>, %mul3A_34, %reduce_sum3A_35 [1] : vector<1024x256xf32> to vector<1024xf32>
    %broadcast_in_dim3A_37 = vector.shape_cast %reduce_sum3A_36 : vector<1024xf32> to vector<1024x1xf32>
    %sqrt3A = math.sqrt %broadcast_in_dim3A_37 : vector<1024x1xf32>
    %max3A_38 = arith.constant 9.99999996E-13 : f32
    %max3A_39 = vector.broadcast %max3A_38 : f32 to vector<1024x1xf32>
    %max3A_40 = arith.maximumf %sqrt3A, %max3A_39 : vector<1024x1xf32>
    %div3A_41 = vector.broadcast %max3A_40 : vector<1024x1xf32> to vector<1024x256xf32>
    %div3A_42 = arith.divf %add3A_33, %div3A_41 : vector<1024x256xf32>
    %max3A_43 = arith.constant 0.000000e+00 : f32
    %max3A_44 = vector.broadcast %max3A_43 : f32 to vector<1024x256xf32>
    %max3A_45 = arith.maximumf %div3A_42, %max3A_44 : vector<1024x256xf32>
    %slice3A = vector.extract_strided_slice %max3A_45 {offsets = [0, 0], sizes = [1024, 128], strides = [1, 1]} : vector<1024x256xf32> to vector<1024x128xf32>
    %swap3A = arith.constant 0 : index
    %swap3A_46 = arith.constant 0 : index
    %swap3A_47 = arith.constant 0 : index
    %swap3A_48 = vector.load %arg6[%swap3A, %swap3A_46, %swap3A_47] : memref<2x1024x128xf32, #tpu.memory_space<vmem>>, vector<1x1024x128xf32>
    %swap3A_49 = vector.shape_cast %swap3A_48 : vector<1x1024x128xf32> to vector<1024x128xf32>
    %swap3A_50 = vector.shape_cast %slice3A : vector<1024x128xf32> to vector<1x1024x128xf32>
    tpu.vector_store %arg6[%swap3A, %swap3A_46, %swap3A_47], %swap3A_50 {strides = array<i32>} : memref<2x1024x128xf32, #tpu.memory_space<vmem>>, vector<1x1024x128xf32>,
    %slice3A_51 = vector.extract_strided_slice %max3A_45 {offsets = [0, 128], sizes = [1024, 128], strides = [1, 1]} : vector<1024x256xf32> to vector<1024x128xf32>
    %swap3A_52 = arith.constant 1 : index
    %swap3A_53 = arith.constant 0 : index
    %swap3A_54 = arith.constant 0 : index
    %swap3A_55 = vector.load %arg6[%swap3A_52, %swap3A_53, %swap3A_54] : memref<2x1024x128xf32, #tpu.memory_space<vmem>>, vector<1x1024x128xf32>
    %swap3A_56 = vector.shape_cast %swap3A_55 : vector<1x1024x128xf32> to vector<1024x128xf32>
    %swap3A_57 = vector.shape_cast %slice3A_51 : vector<1024x128xf32> to vector<1x1024x128xf32>
    tpu.vector_store %arg6[%swap3A_52, %swap3A_53, %swap3A_54], %swap3A_57 {strides = array<i32>} : memref<2x1024x128xf32, #tpu.memory_space<vmem>>, vector<1x1024x128xf32>,
    return
  }
  func.func @transform_0(%arg0: i32) -> (i32, i32) {
    %c0_i32 = arith.constant 0 : i32
    %c0_i32_0 = arith.constant 0 : i32
    return %c0_i32, %arg0 : i32, i32
  }
  func.func @transform_1(%arg0: i32) -> (i32, i32) {
    %c0_i32 = arith.constant 0 : i32
    %c0_i32_0 = arith.constant 0 : i32
    return %arg0, %c0_i32 : i32, i32
  }
  func.func @transform_2(%arg0: i32) -> (i32, i32) {
    %add3A = arith.constant 10 : i32
    %add3A_0 = arith.addi %arg0, %add3A : i32
    %c0_i32 = arith.constant 0 : i32
    %c0_i32_1 = arith.constant 0 : i32
    return %add3A_0, %c0_i32 : i32, i32
  }
  func.func @transform_3(%arg0: i32) -> (i32, i32) {
    %c0_i32 = arith.constant 0 : i32
    %c0_i32_0 = arith.constant 0 : i32
    return %arg0, %c0_i32 : i32, i32
  }
  func.func @transform_4(%arg0: i32) -> (i32, i32, i32) {
    %c0_i32 = arith.constant 0 : i32
    %c0_i32_0 = arith.constant 0 : i32
    %c0_i32_1 = arith.constant 0 : i32
    %c0_i32_2 = arith.constant 0 : i32
    return %c0_i32, %c0_i32_0, %c0_i32_1 : i32, i32, i32
  }
  func.func @transform_5(%arg0: i32) -> (i32, i32, i32) {
    %c0_i32 = arith.constant 0 : i32
    %c0_i32_0 = arith.constant 0 : i32
    %c0_i32_1 = arith.constant 0 : i32
    return %c0_i32, %arg0, %c0_i32_0 : i32, i32, i32
  }
}

module attributes {stable_mosaic.version = 14 : i64} {
  func.func @body(%arg0: i32, %arg1: memref<16x1024xf32, #tpu.memory_space<vmem>>, %arg2: memref<1024x128xf32, #tpu.memory_space<vmem>>, %arg3: memref<1024x128xf32, #tpu.memory_space<vmem>>, %arg4: memref<1024x256xf32, #tpu.memory_space<vmem>>, %arg5: memref<2x128x256xf32, #tpu.memory_space<vmem>>, %arg6: memref<1024x256xf32, #tpu.memory_space<vmem>>) attributes {dimension_semantics = [#tpu.dimension_semantics<arbitrary>], iteration_bounds = array<i64: 10>, scalar_prefetch = 0 : i64, scratch_operands = 0 : i64, tpu.core_type = #tpu.core_type<tc>, window_params = [{transform_indices = @transform_0, window_bounds = array<i64: 16, 1024>}, {transform_indices = @transform_1, window_bounds = array<i64: 1024, 128>}, {transform_indices = @transform_2, window_bounds = array<i64: 1024, 128>}, {transform_indices = @transform_3, window_bounds = array<i64: 1024, 256>}, {pipeline_mode = #tpu.pipeline_mode<synchronous>, transform_indices = @transform_4, window_bounds = array<i64: 2, 128, 256>}, {transform_indices = @transform_5, window_bounds = array<i64: 1024, 256>}]} {
    %get3A = arith.constant 0 : index
    %get3A_0 = arith.constant 0 : index
    %get3A_1 = vector.load %arg1[%get3A, %get3A_0] : memref<16x1024xf32, #tpu.memory_space<vmem>>, vector<16x1024xf32>
    %reduce_sum3A = arith.constant dense<0.000000e+00> : vector<1024xf32>
    %reduce_sum3A_2 = vector.multi_reduction <add>, %get3A_1, %reduce_sum3A [0] : vector<16x1024xf32> to vector<1024xf32>
    %max3A = arith.constant 1.000000e+00 : f32
    %max3A_3 = vector.broadcast %max3A : f32 to vector<1024xf32>
    %max3A_4 = arith.maximumf %reduce_sum3A_2, %max3A_3 : vector<1024xf32>
    %div3A = arith.constant 1.000000e+00 : f32
    %div3A_5 = vector.broadcast %div3A : f32 to vector<1024xf32>
    %div3A_6 = arith.divf %div3A_5, %max3A_4 : vector<1024xf32>
    %get3A_7 = arith.constant 0 : index
    %get3A_8 = arith.constant 0 : index
    %get3A_9 = vector.load %arg2[%get3A_7, %get3A_8] : memref<1024x128xf32, #tpu.memory_space<vmem>>, vector<1024x128xf32>
    %broadcast_in_dim3A = vector.shape_cast %div3A_6 : vector<1024xf32> to vector<1024x1xf32>
    %mul3A = vector.broadcast %broadcast_in_dim3A : vector<1024x1xf32> to vector<1024x128xf32>
    %mul3A_10 = arith.mulf %get3A_9, %mul3A : vector<1024x128xf32>
    %get3A_11 = arith.constant 0 : index
    %get3A_12 = arith.constant 0 : index
    %get3A_13 = arith.constant 0 : index
    %get3A_14 = vector.load %arg5[%get3A_11, %get3A_12, %get3A_13] : memref<2x128x256xf32, #tpu.memory_space<vmem>>, vector<1x128x256xf32>
    %get3A_15 = vector.shape_cast %get3A_14 : vector<1x128x256xf32> to vector<128x256xf32>
    %dot_general3A = arith.constant dense<0.000000e+00> : vector<1024x256xf32>
    %dot_general3A_16 = tpu.matmul %mul3A_10, %get3A_15, %dot_general3A {dimension_numbers = #tpu.dot_dimension_numbers<[1], [0], [0], [1], [0, 0, 1, 1], [], []>, transpose_lhs_hint = false} : vector<1024x128xf32>, vector<128x256xf32>, vector<1024x256xf32> -> vector<1024x256xf32>
    %get3A_17 = arith.constant 0 : index
    %get3A_18 = arith.constant 0 : index
    %get3A_19 = vector.load %arg3[%get3A_17, %get3A_18] : memref<1024x128xf32, #tpu.memory_space<vmem>>, vector<1024x128xf32>
    %broadcast_in_dim3A_20 = vector.shape_cast %div3A_6 : vector<1024xf32> to vector<1024x1xf32>
    %mul3A_21 = vector.broadcast %broadcast_in_dim3A_20 : vector<1024x1xf32> to vector<1024x128xf32>
    %mul3A_22 = arith.mulf %get3A_19, %mul3A_21 : vector<1024x128xf32>
    %get3A_23 = arith.constant 1 : index
    %get3A_24 = arith.constant 0 : index
    %get3A_25 = arith.constant 0 : index
    %get3A_26 = vector.load %arg5[%get3A_23, %get3A_24, %get3A_25] : memref<2x128x256xf32, #tpu.memory_space<vmem>>, vector<1x128x256xf32>
    %get3A_27 = vector.shape_cast %get3A_26 : vector<1x128x256xf32> to vector<128x256xf32>
    %dot_general3A_28 = arith.constant dense<0.000000e+00> : vector<1024x256xf32>
    %dot_general3A_29 = tpu.matmul %mul3A_22, %get3A_27, %dot_general3A_28 {dimension_numbers = #tpu.dot_dimension_numbers<[1], [0], [0], [1], [0, 0, 1, 1], [], []>, transpose_lhs_hint = false} : vector<1024x128xf32>, vector<128x256xf32>, vector<1024x256xf32> -> vector<1024x256xf32>
    %add3A = arith.addf %dot_general3A_16, %dot_general3A_29 : vector<1024x256xf32>
    %get3A_30 = arith.constant 0 : index
    %get3A_31 = arith.constant 0 : index
    %get3A_32 = vector.load %arg4[%get3A_30, %get3A_31] : memref<1024x256xf32, #tpu.memory_space<vmem>>, vector<1024x256xf32>
    %add3A_33 = arith.addf %add3A, %get3A_32 : vector<1024x256xf32>
    %swap3A = arith.constant 0 : index
    %swap3A_34 = arith.constant 0 : index
    %swap3A_35 = vector.load %arg6[%swap3A, %swap3A_34] : memref<1024x256xf32, #tpu.memory_space<vmem>>, vector<1024x256xf32>
    tpu.vector_store %arg6[%swap3A, %swap3A_34], %add3A_33 {strides = array<i32>} : memref<1024x256xf32, #tpu.memory_space<vmem>>, vector<1024x256xf32>,
    return
  }
  func.func @transform_0(%arg0: i32) -> (i32, i32) {
    %c0_i32 = arith.constant 0 : i32
    %c0_i32_0 = arith.constant 0 : i32
    return %c0_i32, %arg0 : i32, i32
  }
  func.func @transform_1(%arg0: i32) -> (i32, i32) {
    %c0_i32 = arith.constant 0 : i32
    %c0_i32_0 = arith.constant 0 : i32
    return %arg0, %c0_i32 : i32, i32
  }
  func.func @transform_2(%arg0: i32) -> (i32, i32) {
    %add3A = arith.constant 10 : i32
    %add3A_0 = arith.addi %arg0, %add3A : i32
    %c0_i32 = arith.constant 0 : i32
    %c0_i32_1 = arith.constant 0 : i32
    return %add3A_0, %c0_i32 : i32, i32
  }
  func.func @transform_3(%arg0: i32) -> (i32, i32) {
    %c0_i32 = arith.constant 0 : i32
    %c0_i32_0 = arith.constant 0 : i32
    return %arg0, %c0_i32 : i32, i32
  }
  func.func @transform_4(%arg0: i32) -> (i32, i32, i32) {
    %c0_i32 = arith.constant 0 : i32
    %c0_i32_0 = arith.constant 0 : i32
    %c0_i32_1 = arith.constant 0 : i32
    %c0_i32_2 = arith.constant 0 : i32
    return %c0_i32, %c0_i32_0, %c0_i32_1 : i32, i32, i32
  }
  func.func @transform_5(%arg0: i32) -> (i32, i32) {
    %c0_i32 = arith.constant 0 : i32
    %c0_i32_0 = arith.constant 0 : i32
    return %arg0, %c0_i32 : i32, i32
  }
}

</mosaic_0001>

<sc_bundles>
// kernel: kernel.11.cloned.1.call-start
scs
__scs_entry_jumppad:
0x0: {  	(pc) =	sbr.rel $0x88, $3  }
0x1: {  	(tag) =	ssettag $0x0;
	lr =	simm.s32 $0x1  }
0x2: {  	[smem:$0x3F96] =	sst lr;
	_ =	strace $0xD0000000  }
0x3: {  	_ = 	snop  }
0x4: {  	_ = 	snop  }
0x5: {  	_ = 	snop  }
0x6: {  	_ = 	snop  }
0x7: {  	_ = 	snop  }
__scs_overlays_trampoline_lowered:
0x8: {  	[smem:$0x3FA5] =	sst s0  }
0x9: {  	[smem:$0x3FA6] =	sst s1  }
0xa: {  	[smem:$0x3FA7] =	sst s2  }
0xb: {  	[smem:$0x3FA8] =	sst s3  }
0xc: {  	[smem:$0x3FA9] =	sst s4  }
0xd: {  	[smem:$0x3FAA] =	sst s5  }
0xe: {  	[smem:$0x3FAB] =	sst s6  }
0xf: {  	[smem:$0x3FAC] =	sst s7  }
0x10: {  	[smem:$0x3FAD] =	sst s8  }
0x11: {  	[smem:$0x3FAE] =	sst s9;
	s0 =	simm.s32 @!p0 $0x0  }
0x12: {  	s1 =	sld [smem:$0x3F94];
	s0 =	simm.s32 @p0 $0x1  }
0x13: {  	[smem:$0x3FAF] =	sst s0;
	s0 =	simm.s32 @!p1 $0x0  }
0x14: {  	s2 =	sld [smem:$0x3F93];
	s0 =	simm.s32 @p1 $0x1  }
0x15: {  	[smem:$0x3FB0] =	sst s0;
	s0 =	simm.s32 @!p2 $0x0  }
0x16: {  	s3 =	sld [smem:$0x3FDB];
	s0 =	simm.s32 @p2 $0x1  }
0x17: {  	s4 =	simm.s32 $0x1BF5;
	[smem:$0x3FB2] =	sst s0  }
0x18: {  	s0 =	sld [smem:$0x3F95];
	_ =	swait.ge [sflag:s4], $0x0  }
0x19: {  	s7 =	sld [smem:$0x3F96]  }
0x1a: {  	s8 =	sadd.s32 $0xFFFFE003, lr  }
0x1b: {  	s9 =	sadd.s32 $0xFFFFFEF7, lr;
	s5 =	simm.s32 $0xFFFFFFFF;
	p2 =	slt.u32 s8, $0xFFFFF086  }
0x1c: {  	p1 =	slt.u32 s9, $0xF7A;
	s5 =	simm.s32 @!p2 $0x0  }
0x1d: {  	s5 =	simm.s32 @p1 $0x1;
	p0 =	seq.s32 s7, s2  }
0x1e: {  	s7 =	smul.u32 @!p0 $0xF7A, s2;
	p2 =	seq.s32 @!p0 s5, $0x0  }
0x1f: {  	s9 =	smul.u32 $0xF7A, s1;
	s8 =	simm.s32 @!p0 $0x1BF5;
	p2 =	por !p2, p0  }
0x20: {  	[sflag:s8] =	ssyncset.s32 @!p0 $0xFFFFF086;
	s6 =	sadd.s32 @!p0 s3, s7;
	s7 =	simm.s32 @!p0 $0x108  }
0x21: {  	s3 =	sadd.s32 s3, s9;
	s6 =	sadd.s32 @!p0 $0x88, s6;
	s7 =	simm.s32 @p2 $0x1082  }
0x22: {  	[simem:s7], [sflag:s8] =	dma.local @!p0 [hbm:s6], $0xF7A  }
0x23: {  	s9 =	sor.u32 $0xD0000000, s2;
	s6 =	simm.s32 $0x108;
	_ =	swait.ge @!p0 [sflag:s8], $0x0  }
0x24: {  	s3 =	sadd.s32 $0x88, s3;
	s6 =	simm.s32 @!p1 $0x1082;
	[sflag:s4] =	ssyncset.s32 $0xFFFFF086  }
0x25: {  	[simem:s6], [sflag:s4] =	dma.local [hbm:s3], $0xF7A  }
0x26: {  	[smem:$0x3F96] =	sst s1;
	(tag) =	ssettag s2;
	_ =	strace s9  }
0x27: {  	s1 =	sld [smem:$0x3FA6]  }
0x28: {  	s2 =	sld [smem:$0x3FA7]  }
0x29: {  	s4 =	sld [smem:$0x3FA9]  }
0x2a: {  	p0 =	seq.s32 s5, $0x0;
	s5 =	sld [smem:$0x3FAA]  }
0x2b: {  	s6 =	sld [smem:$0x3FAB]  }
0x2c: {  	s7 =	sld [smem:$0x3FAC]  }
0x2d: {  	s3 =	simm.s32 $0x108;
	s8 =	sld [smem:$0x3FAD]  }
0x2e: {  	s3 =	simm.s32 @!p0 $0x1082;
	s9 =	sld [smem:$0x3FAE]  }
0x2f: {  	lr =	sadd.s32 s0, s3;
	s0 =	sld [smem:$0x3FA5]  }
0x30: {  	s3 =	sld [smem:$0x3FA8]  }
0x31: {  	[smem:$0x3FB1] =	sst s10  }
0x32: {  	s10 =	sld [smem:$0x3FAF];
	_ =	sdelay $0x3  }
0x33: {  	p0 =	seq.s32 s10, $0x1;
	s10 =	sld [smem:$0x3FB1];
	_ =	sdelay $0x3  }
0x34: {  	[smem:$0x3FB1] =	sst s10  }
0x35: {  	s10 =	sld [smem:$0x3FB0];
	_ =	sdelay $0x3  }
0x36: {  	p1 =	seq.s32 s10, $0x1;
	s10 =	sld [smem:$0x3FB1];
	_ =	sdelay $0x3  }
0x37: {  	[smem:$0x3FB1] =	sst s10  }
0x38: {  	s10 =	sld [smem:$0x3FB2]  }
0x39: {  	_ = 	snop;
	(pc) =	sbr.ind lr, $3  }
0x3a: {  	_ = 	snop  }
0x3b: {  	_ = 	snop  }
0x3c: {  	p2 =	seq.s32 s10, $0x1;
	s10 =	sld [smem:$0x3FB1]  }
0x3d: {  	_ =	shalt  }
0x3e: {  	_ =	shalt  }
0x3f: {  	_ =	shalt  }
0x40: {  	_ =	shalt  }
0x41: {  	_ =	shalt  }
0x42: {  	_ =	shalt  }
0x43: {  	_ =	shalt  }
0x44: {  	_ =	shalt  }
0x45: {  	_ =	shalt  }
0x46: {  	_ =	shalt  }
0x47: {  	_ =	shalt  }
0x48: {  	_ =	shalt  }
0x49: {  	_ =	shalt  }
0x4a: {  	_ =	shalt  }
0x4b: {  	_ =	shalt  }
0x4c: {  	_ =	shalt  }
0x4d: {  	_ =	shalt  }
0x4e: {  	_ =	shalt  }
0x4f: {  	_ =	shalt  }
0x50: {  	_ =	shalt  }
0x51: {  	_ =	shalt  }
0x52: {  	_ =	shalt  }
0x53: {  	_ =	shalt  }
0x54: {  	_ =	shalt  }
0x55: {  	_ =	shalt  }
0x56: {  	_ =	shalt  }
0x57: {  	_ =	shalt  }
0x58: {  	_ =	shalt  }
0x59: {  	_ =	shalt  }
0x5a: {  	_ =	shalt  }
0x5b: {  	_ =	shalt  }
0x5c: {  	_ =	shalt  }
0x5d: {  	_ =	shalt  }
0x5e: {  	_ =	shalt  }
0x5f: {  	_ =	shalt  }
0x60: {  	_ =	shalt  }
0x61: {  	_ =	shalt  }
0x62: {  	_ =	shalt  }
0x63: {  	_ =	shalt  }
0x64: {  	_ =	shalt  }
0x65: {  	_ =	shalt  }
0x66: {  	_ =	shalt  }
0x67: {  	_ =	shalt  }
0x68: {  	_ =	shalt  }
0x69: {  	_ =	shalt  }
0x6a: {  	_ =	shalt  }
0x6b: {  	_ =	shalt  }
0x6c: {  	_ =	shalt  }
0x6d: {  	_ =	shalt  }
0x6e: {  	_ =	shalt  }
0x6f: {  	_ =	shalt  }
0x70: {  	_ =	shalt  }
0x71: {  	_ =	shalt  }
0x72: {  	_ =	shalt  }
0x73: {  	_ =	shalt  }
0x74: {  	_ =	shalt  }
0x75: {  	_ =	shalt  }
0x76: {  	_ =	shalt  }
0x77: {  	_ =	shalt  }
0x78: {  	_ =	shalt  }
0x79: {  	_ =	shalt  }
0x7a: {  	_ =	shalt  }
0x7b: {  	_ =	shalt  }
0x7c: {  	_ =	shalt  }
0x7d: {  	_ =	shalt  }
0x7e: {  	_ =	shalt  }
0x7f: {  	_ =	shalt  }
0x80: {  	_ =	shalt  }
0x81: {  	_ =	shalt  }
0x82: {  	_ =	shalt  }
0x83: {  	_ =	shalt  }
0x84: {  	_ =	shalt  }
0x85: {  	_ =	shalt  }
0x86: {  	_ =	shalt  }
0x87: {  	_ =	shalt  }
.Lfunc_end0:
.L_simem_size_0:
called_computation_lowered:
.L_overlay_start_0:
0x88: {  	s2 =	sld [smem:$0x3FD9]  }
0x89: {  	s3 =	sld [smem:$0x3FFE];
	_ =	sdelay $0x1  }
0x8a: {  	s1 =	srdreg.scid  }
0x8b: {  	s0 =	sand.u32 $0x1, s1  }
0x8c: {  	s16 =	sshll.u32 s0, $0xA;
	s2 =	sadd.s32 s3, s2  }
0x8d: {  	s2 =	sadd.s32 s2, s16  }
0x8e: {  	[smem:$0x3FBD] =	sst s2  }
0x8f: {  	_ = 	snop  }
0x90: {  	(tm) =	ssettm $0x1  }
0x91: {  	s17 =	sld [smem:$0x3FFB];
	_ =	sdelay $0x3  }
0x92: {  	_ =	strace s17  }
0x93: {  	s2 =	sld [smem:$0x3FFC];
	_ =	sdelay $0x3  }
0x94: {  	_ =	strace s2  }
0x95: {  	s2 =	sld [smem:$0x3FFD];
	_ =	sdelay $0x3  }
0x96: {  	_ =	strace s2  }
0x97: {  	_ =	strace $0x8FFFFFFF  }
0x98: {  	s18 =	sld [smem:$0x3FDB];
	_ =	sdelay $0x1  }
0x99: {  	s19 =	simm.s32 $_scs_section_size  }
0x9a: {  	s4 =	simm.s32 $_size__tile_overlayer_lowered;
	s5 =	simm.s32 $_tile_overlayer_lowered  }
0x9b: {  	s22 =	simm.s32 $0x1BFF;
	s21 =	sshll.u32 s5, $0x1;
	s2 =	sadd.s32 s19, s18  }
0x9c: {  	s6 =	simm.s32 $0x0;
	s20 =	sshll.u32 s4, $0x1;
	s4 =	sadd.s32 s21, s2  }
0x9d: {  	[timem:s6], [sflag:s22] =	dma.local [hbm:s4], s20  }
0x9e: {  	_ =	swait.ge [sflag:s22], s20  }
0x9f: {  	s3 =	ssub.s32 $0x0, s20;
	[sflag:s22] =	ssyncset.done $0x0  }
0xa0: {  	[sflag:s22] =	ssyncadd.s32 s3;
	_ =	sdelay $0x1  }
0xa1: {  	s23 =	simm.s32 $0x1B8B  }
0xa2: {  	_ =	swait.ge [sflag:s23], $0x1  }
0xa3: {  	[sflag:s23] =	ssyncset.done $0x0  }
0xa4: {  	s25 =	simm.s32 $0x1B8E;
	s24 =	sld [smem:$0x3FFE];
	[sflag:s23] =	ssyncadd.s32 $0xFFFFFFFF  }
0xa5: {  	s26 =	simm.s32 $execute0_lowered;
	[smem:$0x3FD2] =	sst s25  }
0xa6: {  	s4 =	sshll.u32 s26, $0x1;
	_ =	strace $0x80000046;
	[dreg:$0x1] =	wrdreg $0xFFFFFFFF  }
0xa7: {  	s28 =	simm.s32 $_size_execute0_lowered;
	s2 =	sadd.s32 s2, s4;
	[dreg:$0x0] =	wrdreg $0x0  }
0xa8: {  	s4 =	sshll.u32 s28, $0x1;
	[dreg:$0x2] =	wrdreg s2  }
0xa9: {  	[dreg:$0x3] =	wrdreg s4  }
0xaa: {  	[dreg:$0x4] =	wrdreg $0xC0  }
0xab: {  	_ =	task [dreg:s6], $0x5FFFF  }
0xac: {  	[dreg:$0x1] =	wrdreg $0xFFFFFFFF  }
0xad: {  	[dreg:$0x0] =	wrdreg $0x60  }
0xae: {  	[dreg:$0x2] =	wrdreg s24  }
0xaf: {  	[dreg:$0x3] =	wrdreg $0xAC000  }
0xb0: {  	[dreg:$0x4] =	wrdreg $0x9  }
0xb1: {  	_ =	task.clear_ibuf [dreg:s6], $0x5FFFF;
	_ =	strace $0x90000046  }
0xb2: {  	s29 =	simm.s32 $0x9;
	_ =	strace $0x80000048  }
0xb3: {  	_ =	swait.ge [sflag:s29], $0x1  }
0xb4: {  	[sflag:s29] =	ssyncadd.s32 $0xFFFFFFFF  }
0xb5: {  	_ =	strace $0x90000048  }
0xb6: {  	_ =	sfence  }
0xb7: {  	s30 =	sld [smem:$0x0];
	_ =	sdelay $0x2  }
0xb8: {  	s31 =	sshll.u32 s1, $0xD;
	s1 =	sshrl.u32 s1, $0x2  }
0xb9: {  	s3 =	sand.u32 $0x4000, s31;
	s1 =	sadd.s32 s1, s30  }
0xba: {  	s0 =	sor.u32 s3, s0;
	s1 =	sshll.u32 s1, $0x11  }
0xbb: {  	s0 =	sor.u32 s1, s0  }
0xbc: {  	s0 =	sadd.s32 $0x8F2B, s0  }
0xbd: {  	[sflag:s0] =	ssyncadd.remote.s32 $0x1  }
0xbe: {  	_ =	sfence.sel $0xFFFF  }
0xbf: {  	[dreg:$0x0] =	wrdreg $0xFFFFFFFF;
	(pc) =	sbr.abs _section_cstart, $3  }
0xc0: {  	[dreg:$0x1] =	wrdreg $0xFFFFFFFF  }
0xc1: {  	_ =	task.clear_ibuf [dreg:s6], $0x2FFFF;
	_ =	strace $0x9FFFFFFF  }
0xc2: {  	(tm) =	ssettm $0x7FFFFFFF  }
0xc3: {  	_ =	shalt  }
tec
execute0_lowered:
.L_overlay_start_1:
0x0: {  	(tag) =	ssettag $0x1  }
0x1: {  	s0 =	rddreg [dreg:$0x0]  }
0x2: {  	s1 =	rddreg [dreg:$0x1];
	s3 =	simm.s32 $0x0  }
0x3: {  	s2 =	srdreg.scid;
	s12 =	stileid.u32;
	s17 =	simm.s32 $0x400  }
0x4: {  	s18 =	simm.s32 $0x5;
	s19 =	simm.s32 $0x80;
	s28 =	simm.s32 $0x4400  }
0x5: {  	s29 =	simm.s32 $0x1;
	s30 =	simm.s32 $0x2;
	s31 =	simm.s32 $0x3  }
0x6: {  	[smem:$0x7FF] =	sst s3;
	s2 =	sand.u32 $0x1, s2;
	s6 =	smul.u32 $0x280, s12  }
0x7: {  	s4 =	sadd.s32 $0x3200, s0;
	s5 =	sadd.s32 $0x58200, s0;
	s11 =	smul.u32 $0x50000, s12  }
0x8: {  	s7 =	sshrl.u32 s12, $0x3;
	s9 =	sshll.u32 s12, $0x7;
	s8 =	smul.u32 $0x2800, s2  }
0x9: {  	s13 =	sshll.u32 s12, $0x5;
	_ =	strace $0x80000047;
	s7 =	smul.u32 $0x14000, s7  }
0xa: {  	s9 =	sand.u32 $0x380, s9;
	s20 =	ssub.s32 $0x2, s2;
	s15 =	sor.u32 $0x10, s13  }
0xb: {  	s16 =	sor.u32 $0x400, s13;
	p0 =	sne.s32 s2, $0x0;
	s21 =	sshrl.u32 s11, $0x2  }
0xc: {  	s22 =	sshrl.u32 s20, $0x1;
	s24 =	sadd.s32 s5, s15;
	[dreg:$0x3] =	wrdreg s16  }
0xd: {  	s6 =	sadd.s32 s6, s8;
	s7 =	sor.u32 s9, s7;
	s9 =	ssub.s32 s20, s22  }
0xe: {  	[dreg:$0x6] =	wrdreg s24;
	s20 =	simm.s32 $0x100;
	s22 =	simm.s32 $0x4  }
0xf: {  	s24 =	simm.s32 $0x280;
	s10 =	sshll.u32 s6, $0x4;
	s6 =	sadd.s32 $0x53200, s0  }
0x10: {  	s7 =	sshrl.u32 s7, $0x3;
	s16 =	smax.u32 s9, $0x1;
	s14 =	sadd.s32 s10, s0  }
0x11: {  	s0 =	sadd.s32 s7, s0;
	s7 =	sadd.s32 s21, s1;
	s12 =	sadd.s32 s6, s13  }
0x12: {  	s25 =	sadd.s32 s6, s15;
	s21 =	simm.s32 $0x180;
	s10 =	sadd.s32 $0x8000, s7  }
0x13: {  	s23 =	sadd.s32 $0x10000, s7;
	[dreg:$0x7] =	wrdreg s25;
	s26 =	sadd.s32 $0x6C200, s14  }
0x14: {  	s15 =	sadd.s32 $0xBC200, s0;
	s25 =	simm.s32 $0x300;
	[dreg:$0x4] =	wrdreg s10  }
0x15: {  	s0 =	simm.s32 $0x0;
	[dreg:$0x5] =	wrdreg s23;
	s10 =	sadd.s32 s5, s13  }
0x16: {  	v1 =	vimm.f32 $0.0e+00;
	v0 =	vmov s8;
	[dreg:$0x8] =	wrdreg s26;
	s23 =	simm.s32 $0x200;
	s26 =	simm.s32 $0x380  }
.LBB2_1:
0x17: {  	s2 =	simm.s32 $0x0;
	s8 =	simm.s32 $0x200  }
.LBB2_2:
0x18: {  	p1 =	sne.s32 s8, $0x1FE00;
	[tilespmem:s2+$0x470] =	vst v1  }
0x19: {  	[tilespmem:s2+$0x400] =	vst v1  }
0x1a: {  	[tilespmem:s2+$0x410] =	vst v1  }
.Ltmp0:
0x1b: {  	[tilespmem:s2+$0x420] =	vst v1;
	(pc) =	sbr.rel @p1 .LBB2_2-.Ltmp0, $4  }
0x1c: {  	[tilespmem:s2+$0x430] =	vst v1  }
0x1d: {  	[tilespmem:s2+$0x440] =	vst v1  }
0x1e: {  	[tilespmem:s2+$0x450] =	vst v1  }
0x1f: {  	[tilespmem:s2+$0x460] =	vst v1;
	s2 =	sshra.s32 s8, $0x2;
	s8 =	sadd.s32 $0x200, s8  }
0x20: {  	[tilespmem:s2+$0x470] =	vst v1  }
0x21: {  	[tilespmem:s2+$0x400] =	vst v1  }
0x22: {  	[tilespmem:s2+$0x410] =	vst v1  }
0x23: {  	[tilespmem:s2+$0x420] =	vst v1  }
0x24: {  	[tilespmem:s2+$0x430] =	vst v1  }
0x25: {  	[tilespmem:s2+$0x440] =	vst v1  }
0x26: {  	[tilespmem:s2+$0x450] =	vst v1  }
0x27: {  	[tilespmem:s2+$0x460] =	vst v1;
	s2 =	simm.s32 $0x40;
	s8 =	simm.s32 $0x0  }
.LBB2_4:
0x28: {  	p1 =	sne.s32 s2, $0x9FC0;
	[tilespmem:s8+$0x8400] =	vst v1;
	s8 =	smov.u32 s2;
	s2 =	sadd.s32 $0x40, s2  }
.Ltmp1:
0x29: {  	(pc) =	sbr.rel @p1 .LBB2_4-.Ltmp1, $2  }
0x2a: {  	_ =	sdelay $0x2  }
0x2b: {  	s8 =	sshra.s32 s8, $0x2  }
0x2c: {  	[tilespmem:s8+$0x8400] =	vst v1  }
0x2d: {  	[spmem:s7] =	stream.linear.scatter [tilespmem:s17], [sflag:$0x5], $0x8000, $0x38;
	[tilespmem:$0x1EC00] =	vst v63  }
0x2e: {  	_ =	swait.ge [sflag:s18], $0x8000  }
0x2f: {  	[sflag:s18] =	ssyncset.done $0x0  }
0x30: {  	s2 =	rddreg [dreg:$0x4];
	[sflag:s18] =	ssyncadd.s32 $0xFFFF8000  }
0x31: {  	[spmem:s2] =	stream.linear.scatter [tilespmem:s17], [sflag:$0x5], $0x8000, $0x38;
	[tilespmem:$0x1EC00] =	vst v63  }
0x32: {  	_ =	swait.ge [sflag:s18], $0x8000  }
0x33: {  	[sflag:s18] =	ssyncset.done $0x0  }
0x34: {  	s11 =	rddreg [dreg:$0x5];
	[sflag:s18] =	ssyncadd.s32 $0xFFFF8000  }
0x35: {  	[spmem:s11] =	stream.linear.scatter [tilespmem:s17], [sflag:$0x5], $0x4000, $0x38;
	[tilespmem:$0x1EC00] =	vst v63  }
0x36: {  	_ =	swait.ge [sflag:s18], $0x4000  }
0x37: {  	[sflag:s18] =	ssyncset.done $0x0  }
0x38: {  	s2 =	simm.s32 $0x0;
	[sflag:s18] =	ssyncadd.s32 $0xFFFFC000  }
0x39: {  	[tilespmem:s2], [sflag:$0x4] =	stream.linear.gather [hbm4b:s10+s2], $0x80, $0x38;
	[tilespmem:$0x1EC00] =	vst v63  }
0x3a: {  	s13 =	rddreg [dreg:$0x6]  }
0x3b: {  	[tilespmem:s19], [sflag:$0x4] =	stream.linear.gather [hbm4b:s13+s2], $0x80, $0x38;
	[tilespmem:$0x1EC00] =	vst v63  }
0x3c: {  	_ = 	snop  }
0x3d: {  	[tilespmem:s20], [sflag:$0x4] =	stream.linear.gather [hbm4b:s12+s2], $0x80, $0x38;
	[tilespmem:$0x1EC00] =	vst v63  }
0x3e: {  	s14 =	rddreg [dreg:$0x7]  }
0x3f: {  	[tilespmem:s21], [sflag:$0x4] =	stream.linear.gather [hbm4b:s14+s2], $0x80, $0x38;
	[tilespmem:$0x1EC00] =	vst v63  }
0x40: {  	_ =	swait.ge [sflag:s22], $0x80  }
0x41: {  	[sflag:s22] =	ssyncset.done $0x0  }
0x42: {  	[sflag:s22] =	ssyncadd.s32 $0xFFFFFF80  }
0x43: {  	_ =	swait.ge [sflag:s22], $0x80  }
0x44: {  	[sflag:s22] =	ssyncset.done $0x0  }
0x45: {  	[sflag:s22] =	ssyncadd.s32 $0xFFFFFF80  }
0x46: {  	_ =	swait.ge [sflag:s22], $0x80  }
0x47: {  	[sflag:s22] =	ssyncset.done $0x0  }
0x48: {  	[sflag:s22] =	ssyncadd.s32 $0xFFFFFF80  }
0x49: {  	_ =	swait.ge [sflag:s22], $0x80  }
0x4a: {  	[sflag:s22] =	ssyncset.done $0x0  }
0x4b: {  	[sflag:s22] =	ssyncadd.s32 $0xFFFFFF80  }
0x4c: {  	s8 =	simm.s32 $0x0;
	[bflag:$0x0] =	sbarrier.arrive $0xFFFF  }
.LBB2_6:
0x4d: {  	s9 =	sadd.s32 s8, s10  }
0x4e: {  	s11 =	sadd.s32 $0x200, s9  }
0x4f: {  	[tilespmem:s23], [sflag:$0x4] =	stream.linear.gather [hbm4b:s11+s3], $0x80, $0x38;
	[tilespmem:$0x1EC00] =	vst v63  }
0x50: {  	s14 =	sadd.s32 s8, s12;
	s9 =	sadd.s32 $0x210, s9  }
0x51: {  	[tilespmem:s24], [sflag:$0x4] =	stream.linear.gather [hbm4b:s9+s3], $0x80, $0x38;
	[tilespmem:$0x1EC00] =	vst v63  }
0x52: {  	s13 =	sadd.s32 $0x200, s14  }
0x53: {  	[tilespmem:s25], [sflag:$0x4] =	stream.linear.gather [hbm4b:s13+s3], $0x80, $0x38;
	[tilespmem:$0x1EC00] =	vst v63  }
0x54: {  	s9 =	sadd.s32 $0x210, s14  }
0x55: {  	[tilespmem:s26], [sflag:$0x4] =	stream.linear.gather [hbm4b:s9+s3], $0x80, $0x38;
	[tilespmem:$0x1EC00] =	vst v63  }
0x56: {  	v2 =	vld [tilespmem:$0x0]  }
0x57: {  	v3 =	vld [tilespmem:$0x10]  }
0x58: {  	v4 =	vld [tilespmem:$0x20]  }
0x59: {  	v5 =	vld [tilespmem:$0x30]  }
0x5a: {  	v6 =	vld [tilespmem:$0x40]  }
0x5b: {  	v7 =	vld [tilespmem:$0x50];
	v2 =	vadd.s32 v0, v2  }
0x5c: {  	[tilespmem:$0x0] =	vst v2;
	v2 =	vadd.s32 v0, v3;
	v3 =	vld [tilespmem:$0x60]  }
0x5d: {  	v42 =	vld [tilespmem:$0x70];
	[tilespmem:$0x10] =	vst v2;
	v2 =	vadd.s32 v0, v4  }
0x5e: {  	v43 =	vld [tilespmem:$0x80];
	[tilespmem:$0x20] =	vst v2;
	v2 =	vadd.s32 v0, v5  }
0x5f: {  	v44 =	vld [tilespmem:$0x90];
	[tilespmem:$0x30] =	vst v2;
	v2 =	vadd.s32 v0, v6  }
0x60: {  	v45 =	vld [tilespmem:$0xA0];
	[tilespmem:$0x40] =	vst v2;
	v2 =	vadd.s32 v0, v7  }
0x61: {  	[tilespmem:$0x50] =	vst v2;
	v2 =	vadd.s32 v0, v3;
	v3 =	vld [tilespmem:$0xB0]  }
0x62: {  	v46 =	vld [tilespmem:$0xC0];
	[tilespmem:$0x60] =	vst v2;
	v2 =	vadd.s32 v0, v42  }
0x63: {  	v47 =	vld [tilespmem:$0xD0];
	[tilespmem:$0x70] =	vst v2;
	v2 =	vadd.s32 v0, v43  }
0x64: {  	v48 =	vld [tilespmem:$0xE0];
	[tilespmem:$0x80] =	vst v2;
	v2 =	vadd.s32 v0, v44  }
0x65: {  	v49 =	vld [tilespmem:$0xF0];
	[tilespmem:$0x90] =	vst v2;
	v2 =	vadd.s32 v0, v45  }
0x66: {  	[tilespmem:$0xA0] =	vst v2;
	v2 =	vadd.s32 v0, v3  }
0x67: {  	[tilespmem:$0xB0] =	vst v2;
	v2 =	vadd.s32 v0, v46  }
0x68: {  	[tilespmem:$0xC0] =	vst v2;
	v2 =	vadd.s32 v0, v47  }
0x69: {  	[tilespmem:$0xD0] =	vst v2;
	v2 =	vadd.s32 v0, v48  }
0x6a: {  	[tilespmem:$0xE0] =	vst v2;
	v2 =	vadd.s32 v0, v49  }
0x6b: {  	[tilespmem:$0xF0] =	vst v2  }
0x6c: {  	[tilespmem:s17], [sflag:$0x1] =	stream.indirect.gather [hbm4b:s4+s19], $0x80, s3, s19, $0xb8;
	[tilespmem:$0x1EC00] =	vst v63  }
0x6d: {  	_ = 	snop  }
0x6e: {  	[tilespmem:s28], [sflag:$0x2] =	stream.indirect.gather [hbm4b:s4+s19], $0x80, s19, s19, $0xb8;
	[tilespmem:$0x1EC00] =	vst v63  }
0x6f: {  	_ =	swait.ge [sflag:s29], $0x4000  }
0x70: {  	[sflag:s29] =	ssyncset.done $0x0  }
0x71: {  	[sflag:s29] =	ssyncadd.s32 $0xFFFFC000  }
0x72: {  	[spmem:s1] =	stream.indirect.scatter.add.f32 [tilespmem:s17], [sflag:$0x3], $0x80, s20, s19, $0xb8;
	[tilespmem:$0x1EC00] =	vst v63  }
0x73: {  	_ =	swait.ge [sflag:s30], $0x4000  }
0x74: {  	[sflag:s30] =	ssyncset.done $0x0  }
0x75: {  	[sflag:s30] =	ssyncadd.s32 $0xFFFFC000  }
0x76: {  	[spmem:s1] =	stream.indirect.scatter.add.f32 [tilespmem:s28], [sflag:$0x3], $0x80, s21, s19, $0xb8;
	[tilespmem:$0x1EC00] =	vst v63  }
0x77: {  	v3 =	vld @!p0 [tilespmem:$0x100];
	_ =	sdelay $0x6  }
0x78: {  	s9 =	simm.s32 @!p0 $0x8400;
	v2 =	vimm.f32 @!p0 $1.000000000e+00  }
0x79: {  	[tilespmem:v3+s9+$0x0] =	vst.idx.add.f32.msk @!p0 $0xffff, v2  }
0x7a: {  	v3 =	vld @!p0 [tilespmem:$0x110];
	_ =	sdelay $0x7  }
0x7b: {  	[tilespmem:v3+s9+$0x0] =	vst.idx.add.f32.msk @!p0 $0xffff, v2  }
0x7c: {  	v3 =	vld @!p0 [tilespmem:$0x120];
	_ =	sdelay $0x7  }
0x7d: {  	[tilespmem:v3+s9+$0x0] =	vst.idx.add.f32.msk @!p0 $0xffff, v2  }
0x7e: {  	v3 =	vld @!p0 [tilespmem:$0x130];
	_ =	sdelay $0x7  }
0x7f: {  	[tilespmem:v3+s9+$0x0] =	vst.idx.add.f32.msk @!p0 $0xffff, v2  }
0x80: {  	v3 =	vld @!p0 [tilespmem:$0x140];
	_ =	sdelay $0x7  }
0x81: {  	[tilespmem:v3+s9+$0x0] =	vst.idx.add.f32.msk @!p0 $0xffff, v2  }
0x82: {  	v3 =	vld @!p0 [tilespmem:$0x150];
	_ =	sdelay $0x7  }
0x83: {  	[tilespmem:v3+s9+$0x0] =	vst.idx.add.f32.msk @!p0 $0xffff, v2  }
0x84: {  	v3 =	vld @!p0 [tilespmem:$0x160];
	_ =	sdelay $0x7  }
0x85: {  	[tilespmem:v3+s9+$0x0] =	vst.idx.add.f32.msk @!p0 $0xffff, v2  }
0x86: {  	v3 =	vld @!p0 [tilespmem:$0x170];
	_ =	sdelay $0x7  }
0x87: {  	[tilespmem:v3+s9+$0x0] =	vst.idx.add.f32.msk @!p0 $0xffff, v2  }
0x88: {  	v3 =	vld @!p0 [tilespmem:$0x180];
	_ =	sdelay $0x7  }
0x89: {  	[tilespmem:v3+s9+$0x0] =	vst.idx.add.f32.msk @!p0 $0xffff, v2  }
0x8a: {  	v3 =	vld @!p0 [tilespmem:$0x190];
	_ =	sdelay $0x7  }
0x8b: {  	[tilespmem:v3+s9+$0x0] =	vst.idx.add.f32.msk @!p0 $0xffff, v2  }
0x8c: {  	v3 =	vld @!p0 [tilespmem:$0x1A0];
	_ =	sdelay $0x7  }
0x8d: {  	[tilespmem:v3+s9+$0x0] =	vst.idx.add.f32.msk @!p0 $0xffff, v2  }
0x8e: {  	v3 =	vld @!p0 [tilespmem:$0x1B0];
	_ =	sdelay $0x7  }
0x8f: {  	[tilespmem:v3+s9+$0x0] =	vst.idx.add.f32.msk @!p0 $0xffff, v2  }
0x90: {  	v3 =	vld @!p0 [tilespmem:$0x1C0];
	_ =	sdelay $0x7  }
0x91: {  	[tilespmem:v3+s9+$0x0] =	vst.idx.add.f32.msk @!p0 $0xffff, v2  }
0x92: {  	v3 =	vld @!p0 [tilespmem:$0x1D0];
	_ =	sdelay $0x7  }
0x93: {  	[tilespmem:v3+s9+$0x0] =	vst.idx.add.f32.msk @!p0 $0xffff, v2  }
0x94: {  	v3 =	vld @!p0 [tilespmem:$0x1E0];
	_ =	sdelay $0x7  }
0x95: {  	[tilespmem:v3+s9+$0x0] =	vst.idx.add.f32.msk @!p0 $0xffff, v2  }
0x96: {  	v3 =	vld @!p0 [tilespmem:$0x1F0];
	_ =	sdelay $0x7  }
0x97: {  	[tilespmem:v3+s9+$0x0] =	vst.idx.add.f32.msk @!p0 $0xffff, v2  }
0x98: {  	_ =	swait.ge [sflag:s31], $0x4000  }
0x99: {  	[sflag:s31] =	ssyncset.done $0x0  }
0x9a: {  	[sflag:s31] =	ssyncadd.s32 $0xFFFFC000  }
0x9b: {  	_ =	swait.ge [sflag:s31], $0x4000  }
0x9c: {  	[sflag:s31] =	ssyncset.done $0x0  }
0x9d: {  	[sflag:s31] =	ssyncadd.s32 $0xFFFFC000  }
0x9e: {  	_ =	swait.ge [sflag:s22], $0x80  }
0x9f: {  	[sflag:s22] =	ssyncset.done $0x0  }
0xa0: {  	[sflag:s22] =	ssyncadd.s32 $0xFFFFFF80  }
0xa1: {  	_ =	swait.ge [sflag:s22], $0x80  }
0xa2: {  	[sflag:s22] =	ssyncset.done $0x0  }
0xa3: {  	[sflag:s22] =	ssyncadd.s32 $0xFFFFFF80  }
0xa4: {  	_ =	swait.ge [sflag:s22], $0x80  }
0xa5: {  	[sflag:s22] =	ssyncset.done $0x0  }
0xa6: {  	[sflag:s22] =	ssyncadd.s32 $0xFFFFFF80  }
0xa7: {  	s13 =	smin.u32 s2, $0x25;
	_ =	swait.ge [sflag:s22], $0x80  }
0xa8: {  	s13 =	sshll.u32 s13, $0x9;
	s14 =	rddreg [dreg:$0x3]  }
0xa9: {  	[sflag:s22] =	ssyncset.done $0x0;
	s11 =	sadd.s32 s14, s13  }
0xaa: {  	[sflag:s22] =	ssyncadd.s32 $0xFFFFFF80;
	s13 =	sadd.s32 s5, s11  }
0xab: {  	[tilespmem:s3], [sflag:$0x4] =	stream.linear.gather [hbm4b:s13+s3], $0x80, $0x38;
	[tilespmem:$0x1EC00] =	vst v63  }
0xac: {  	s13 =	sor.u32 $0x10, s11  }
0xad: {  	s14 =	sadd.s32 s5, s13  }
0xae: {  	[tilespmem:s19], [sflag:$0x4] =	stream.linear.gather [hbm4b:s14+s3], $0x80, $0x38;
	[tilespmem:$0x1EC00] =	vst v63  }
0xaf: {  	s11 =	sadd.s32 s6, s11  }
0xb0: {  	[tilespmem:s20], [sflag:$0x4] =	stream.linear.gather [hbm4b:s11+s3], $0x80, $0x38;
	[tilespmem:$0x1EC00] =	vst v63  }
0xb1: {  	s14 =	sadd.s32 s6, s13  }
0xb2: {  	[tilespmem:s21], [sflag:$0x4] =	stream.linear.gather [hbm4b:s14+s3], $0x80, $0x38;
	[tilespmem:$0x1EC00] =	vst v63  }
0xb3: {  	v3 =	vld [tilespmem:$0x200]  }
0xb4: {  	v50 =	vld [tilespmem:$0x210]  }
0xb5: {  	v51 =	vld [tilespmem:$0x220]  }
0xb6: {  	v52 =	vld [tilespmem:$0x230]  }
0xb7: {  	v53 =	vld [tilespmem:$0x240]  }
0xb8: {  	v8 =	vld [tilespmem:$0x250];
	v3 =	vadd.s32 v0, v3  }
0xb9: {  	v54 =	vld [tilespmem:$0x260];
	[tilespmem:$0x200] =	vst v3;
	v3 =	vadd.s32 v0, v50  }
0xba: {  	v55 =	vld [tilespmem:$0x270];
	[tilespmem:$0x210] =	vst v3;
	v3 =	vadd.s32 v0, v51  }
0xbb: {  	v56 =	vld [tilespmem:$0x280];
	[tilespmem:$0x220] =	vst v3;
	v3 =	vadd.s32 v0, v52  }
0xbc: {  	v57 =	vld [tilespmem:$0x290];
	[tilespmem:$0x230] =	vst v3;
	v3 =	vadd.s32 v0, v53  }
0xbd: {  	v58 =	vld [tilespmem:$0x2A0];
	[tilespmem:$0x240] =	vst v3;
	v3 =	vadd.s32 v0, v8  }
0xbe: {  	v59 =	vld [tilespmem:$0x2B0];
	[tilespmem:$0x250] =	vst v3;
	v3 =	vadd.s32 v0, v54  }
0xbf: {  	v60 =	vld [tilespmem:$0x2C0];
	[tilespmem:$0x260] =	vst v3;
	v3 =	vadd.s32 v0, v55  }
0xc0: {  	v61 =	vld [tilespmem:$0x2D0];
	[tilespmem:$0x270] =	vst v3;
	v3 =	vadd.s32 v0, v56  }
0xc1: {  	v62 =	vld [tilespmem:$0x2E0];
	[tilespmem:$0x280] =	vst v3;
	v3 =	vadd.s32 v0, v57  }
0xc2: {  	v63 =	vld [tilespmem:$0x2F0];
	[tilespmem:$0x290] =	vst v3;
	v3 =	vadd.s32 v0, v58  }
0xc3: {  	[tilespmem:$0x2A0] =	vst v3;
	v3 =	vadd.s32 v0, v59  }
0xc4: {  	[tilespmem:$0x2B0] =	vst v3;
	v3 =	vadd.s32 v0, v60  }
0xc5: {  	[tilespmem:$0x2C0] =	vst v3;
	v3 =	vadd.s32 v0, v61  }
0xc6: {  	[tilespmem:$0x2D0] =	vst v3;
	v3 =	vadd.s32 v0, v62  }
0xc7: {  	[tilespmem:$0x2E0] =	vst v3;
	v3 =	vadd.s32 v0, v63  }
0xc8: {  	[tilespmem:$0x2F0] =	vst v3  }
0xc9: {  	[tilespmem:s17], [sflag:$0x1] =	stream.indirect.gather [hbm4b:s4+s19], $0x80, s23, s19, $0xb8;
	[tilespmem:$0x1EC00] =	vst v63  }
0xca: {  	_ = 	snop  }
0xcb: {  	[tilespmem:s28], [sflag:$0x2] =	stream.indirect.gather [hbm4b:s4+s19], $0x80, s24, s19, $0xb8;
	[tilespmem:$0x1EC00] =	vst v63  }
0xcc: {  	_ =	swait.ge [sflag:s29], $0x4000  }
0xcd: {  	[sflag:s29] =	ssyncset.done $0x0  }
0xce: {  	[sflag:s29] =	ssyncadd.s32 $0xFFFFC000  }
0xcf: {  	[spmem:s1] =	stream.indirect.scatter.add.f32 [tilespmem:s17], [sflag:$0x3], $0x80, s25, s19, $0xb8;
	[tilespmem:$0x1EC00] =	vst v63  }
0xd0: {  	_ =	swait.ge [sflag:s30], $0x4000  }
0xd1: {  	[sflag:s30] =	ssyncset.done $0x0  }
0xd2: {  	[sflag:s30] =	ssyncadd.s32 $0xFFFFC000  }
0xd3: {  	[spmem:s1] =	stream.indirect.scatter.add.f32 [tilespmem:s28], [sflag:$0x3], $0x80, s26, s19, $0xb8;
	[tilespmem:$0x1EC00] =	vst v63  }
0xd4: {  	v3 =	vld @!p0 [tilespmem:$0x300];
	_ =	sdelay $0x7  }
0xd5: {  	[tilespmem:v3+s9+$0x0] =	vst.idx.add.f32.msk @!p0 $0xffff, v2  }
0xd6: {  	v3 =	vld @!p0 [tilespmem:$0x310];
	_ =	sdelay $0x7  }
0xd7: {  	[tilespmem:v3+s9+$0x0] =	vst.idx.add.f32.msk @!p0 $0xffff, v2  }
0xd8: {  	v3 =	vld @!p0 [tilespmem:$0x320];
	_ =	sdelay $0x7  }
0xd9: {  	[tilespmem:v3+s9+$0x0] =	vst.idx.add.f32.msk @!p0 $0xffff, v2  }
0xda: {  	v3 =	vld @!p0 [tilespmem:$0x330];
	_ =	sdelay $0x7  }
0xdb: {  	[tilespmem:v3+s9+$0x0] =	vst.idx.add.f32.msk @!p0 $0xffff, v2  }
0xdc: {  	v3 =	vld @!p0 [tilespmem:$0x340];
	_ =	sdelay $0x7  }
0xdd: {  	[tilespmem:v3+s9+$0x0] =	vst.idx.add.f32.msk @!p0 $0xffff, v2  }
0xde: {  	v3 =	vld @!p0 [tilespmem:$0x350];
	_ =	sdelay $0x7  }
0xdf: {  	[tilespmem:v3+s9+$0x0] =	vst.idx.add.f32.msk @!p0 $0xffff, v2  }
0xe0: {  	v3 =	vld @!p0 [tilespmem:$0x360];
	_ =	sdelay $0x7  }
0xe1: {  	[tilespmem:v3+s9+$0x0] =	vst.idx.add.f32.msk @!p0 $0xffff, v2  }
0xe2: {  	v3 =	vld @!p0 [tilespmem:$0x370];
	_ =	sdelay $0x7  }
0xe3: {  	[tilespmem:v3+s9+$0x0] =	vst.idx.add.f32.msk @!p0 $0xffff, v2  }
0xe4: {  	v3 =	vld @!p0 [tilespmem:$0x380];
	_ =	sdelay $0x7  }
0xe5: {  	[tilespmem:v3+s9+$0x0] =	vst.idx.add.f32.msk @!p0 $0xffff, v2  }
0xe6: {  	v3 =	vld @!p0 [tilespmem:$0x390];
	_ =	sdelay $0x7  }
0xe7: {  	[tilespmem:v3+s9+$0x0] =	vst.idx.add.f32.msk @!p0 $0xffff, v2  }
0xe8: {  	v3 =	vld @!p0 [tilespmem:$0x3A0];
	_ =	sdelay $0x7  }
0xe9: {  	[tilespmem:v3+s9+$0x0] =	vst.idx.add.f32.msk @!p0 $0xffff, v2  }
0xea: {  	v3 =	vld @!p0 [tilespmem:$0x3B0];
	_ =	sdelay $0x7  }
0xeb: {  	[tilespmem:v3+s9+$0x0] =	vst.idx.add.f32.msk @!p0 $0xffff, v2  }
0xec: {  	v3 =	vld @!p0 [tilespmem:$0x3C0];
	_ =	sdelay $0x7  }
0xed: {  	[tilespmem:v3+s9+$0x0] =	vst.idx.add.f32.msk @!p0 $0xffff, v2  }
0xee: {  	v3 =	vld @!p0 [tilespmem:$0x3D0];
	_ =	sdelay $0x7  }
0xef: {  	[tilespmem:v3+s9+$0x0] =	vst.idx.add.f32.msk @!p0 $0xffff, v2  }
0xf0: {  	v3 =	vld @!p0 [tilespmem:$0x3E0];
	_ =	sdelay $0x7  }
0xf1: {  	[tilespmem:v3+s9+$0x0] =	vst.idx.add.f32.msk @!p0 $0xffff, v2  }
0xf2: {  	v3 =	vld @!p0 [tilespmem:$0x3F0];
	_ =	sdelay $0x7  }
0xf3: {  	[tilespmem:v3+s9+$0x0] =	vst.idx.add.f32.msk @!p0 $0xffff, v2  }
0xf4: {  	_ =	swait.ge [sflag:s31], $0x4000  }
0xf5: {  	[sflag:s31] =	ssyncset.done $0x0  }
0xf6: {  	[sflag:s31] =	ssyncadd.s32 $0xFFFFC000  }
0xf7: {  	_ =	swait.ge [sflag:s31], $0x4000  }
0xf8: {  	[sflag:s31] =	ssyncset.done $0x0  }
0xf9: {  	[sflag:s31] =	ssyncadd.s32 $0xFFFFC000  }
0xfa: {  	_ =	swait.ge [sflag:s22], $0x80  }
0xfb: {  	[sflag:s22] =	ssyncset.done $0x0  }
0xfc: {  	[sflag:s22] =	ssyncadd.s32 $0xFFFFFF80  }
0xfd: {  	_ =	swait.ge [sflag:s22], $0x80  }
0xfe: {  	[sflag:s22] =	ssyncset.done $0x0  }
0xff: {  	s8 =	sadd.s32 $0x400, s8;
	[sflag:s22] =	ssyncadd.s32 $0xFFFFFF80  }
0x100: {  	p1 =	sne.s32 s8, $0x5000;
	_ =	swait.ge [sflag:s22], $0x80  }
.Ltmp2:
0x101: {  	[sflag:s22] =	ssyncset.done $0x0;
	(pc) =	sbr.rel @p1 .LBB2_6-.Ltmp2, $4  }
0x102: {  	[sflag:s22] =	ssyncadd.s32 $0xFFFFFF80  }
0x103: {  	_ =	swait.ge [sflag:s22], $0x80  }
0x104: {  	[sflag:s22] =	ssyncset.done $0x0  }
0x105: {  	s2 =	sadd.s32 $0x2, s2;
	[sflag:s22] =	ssyncadd.s32 $0xFFFFFF80  }
0x106: {  	s2 =	stileid.u32  }
0x107: {  	[bflag:$0x0] =	sbarrier.arrive $0xFFFF;
	s2 =	sshll.u32 s2, $0x6  }
0x108: {  	s8 =	sshrl.u32 s7, $0x3;
	s11 =	rddreg [dreg:$0x8];
	s2 =	sor.u32 $0x1C05, s2  }
0x109: {  	[hbm:s11], [sflag:s2] =	dma.local [spmem:s8], $0x2800  }
0x10a: {  	s0 =	sadd.s32 $0x1, s0;
	_ =	swait.ge [sflag:s18], $0x2800  }
0x10b: {  	p1 =	sne.s32 s0, s16;
	[sflag:s18] =	ssyncset.done $0x0  }
0x10c: {  	s2 =	simm.s32 @!p0 $0x80;
	s8 =	simm.s32 @!p0 $0x400;
	[sflag:s18] =	ssyncadd.s32 $0xFFFFD800  }
0x10d: {  	[hbm4b:s15+s2] =	stream.strided.scatter @!p0 [tilespmem:s9], [sflag:$0x5], $0x2800, s8, s2, $0x38;
	[tilespmem:$0x1EC00] =	vst v63  }
.Ltmp3:
0x10e: {  	_ = 	snop;
	(pc) =	sbr.rel @p1 .LBB2_1-.Ltmp3, $4  }
0x10f: {  	s2 =	simm.s32 @!p0 $0x5  }
0x110: {  	_ =	swait.ge @!p0 [sflag:s2], $0x2800  }
0x111: {  	[sflag:s2] =	ssyncset.done @!p0 $0x0  }
0x112: {  	[sflag:s2] =	ssyncadd.s32 @!p0 $0xFFFFD800  }
0x113: {  	_ =	sfence.sel $0x180000  }
0x114: {  	[bflag:$0x0] =	sbarrier.arrive $0xFFFF  }
0x115: {  	_ =	strace $0x90000047  }
0x116: {  	s0 =	stileid.u32;
	[bflag:$0x2] =	sbarrier.arrive $0xFFFF  }
0x117: {  	p0 =	sne.s32 s0, $0x0;
	s0 =	rddreg [dreg:$0x2]  }
0x118: {  	s0 =	sadd.s32 @!p0 $0x100000, s0  }
0x119: {  	[sflag:s0] =	ssyncadd.tile.s32 @!p0 $0x1;
	_ =	shalt  }
.Lfunc_end2:
_tile_overlayer_lowered:
.L_overlay_start_2:
0x11a: {  	(tag) =	ssettag $0x2  }
0x11b: {  	s0 =	rddreg [dreg:$0x0];
	s2 =	stileid.u32  }
0x11c: {  	s1 =	rddreg [dreg:$0x1];
	p0 =	sne.s32 s2, $0x0  }
0x11d: {  	s3 =	rddreg [dreg:$0x2];
	[bflag:$0x3] =	sbarrier.arrive $0xFFFF;
	s2 =	simm.s32 @!p0 $0x1C05  }
0x11e: {  	[timem:s3], [sflag:s2] =	dma.local @!p0 [hbm:s0], s1  }
0x11f: {  	s0 =	simm.s32 @!p0 $0x5  }
0x120: {  	_ =	swait.ge @!p0 [sflag:s0], s1  }
0x121: {  	s1 =	ssub.s32 @!p0 $0x0, s1;
	[sflag:s0] =	ssyncset.done @!p0 $0x0  }
0x122: {  	[sflag:s0] =	ssyncadd.s32 @!p0 s1  }
0x123: {  	[bflag:$0x3] =	sbarrier.arrive $0xFFFF  }
0x124: {  	_ =	shalt  }

// kernel: kernel.14.cloned.1.call-start
scs
__scs_entry_jumppad:
0x0: {  	(pc) =	sbr.rel $0x88, $3  }
0x1: {  	(tag) =	ssettag $0x0;
	lr =	simm.s32 $0x1  }
0x2: {  	[smem:$0x3F96] =	sst lr;
	_ =	strace $0xD0000000  }
0x3: {  	_ = 	snop  }
0x4: {  	_ = 	snop  }
0x5: {  	_ = 	snop  }
0x6: {  	_ = 	snop  }
0x7: {  	_ = 	snop  }
__scs_overlays_trampoline_lowered:
0x8: {  	[smem:$0x3FA5] =	sst s0  }
0x9: {  	[smem:$0x3FA6] =	sst s1  }
0xa: {  	[smem:$0x3FA7] =	sst s2  }
0xb: {  	[smem:$0x3FA8] =	sst s3  }
0xc: {  	[smem:$0x3FA9] =	sst s4  }
0xd: {  	[smem:$0x3FAA] =	sst s5  }
0xe: {  	[smem:$0x3FAB] =	sst s6  }
0xf: {  	[smem:$0x3FAC] =	sst s7  }
0x10: {  	[smem:$0x3FAD] =	sst s8  }
0x11: {  	[smem:$0x3FAE] =	sst s9;
	s0 =	simm.s32 @!p0 $0x0  }
0x12: {  	s1 =	sld [smem:$0x3F94];
	s0 =	simm.s32 @p0 $0x1  }
0x13: {  	[smem:$0x3FAF] =	sst s0;
	s0 =	simm.s32 @!p1 $0x0  }
0x14: {  	s2 =	sld [smem:$0x3F93];
	s0 =	simm.s32 @p1 $0x1  }
0x15: {  	[smem:$0x3FB0] =	sst s0;
	s0 =	simm.s32 @!p2 $0x0  }
0x16: {  	s3 =	sld [smem:$0x3FDB];
	s0 =	simm.s32 @p2 $0x1  }
0x17: {  	s4 =	simm.s32 $0x1BF5;
	[smem:$0x3FB2] =	sst s0  }
0x18: {  	s0 =	sld [smem:$0x3F95];
	_ =	swait.ge [sflag:s4], $0x0  }
0x19: {  	s7 =	sld [smem:$0x3F96]  }
0x1a: {  	s8 =	sadd.s32 $0xFFFFE003, lr  }
0x1b: {  	s9 =	sadd.s32 $0xFFFFFEF7, lr;
	s5 =	simm.s32 $0xFFFFFFFF;
	p2 =	slt.u32 s8, $0xFFFFF086  }
0x1c: {  	p1 =	slt.u32 s9, $0xF7A;
	s5 =	simm.s32 @!p2 $0x0  }
0x1d: {  	s5 =	simm.s32 @p1 $0x1;
	p0 =	seq.s32 s7, s2  }
0x1e: {  	s7 =	smul.u32 @!p0 $0xF7A, s2;
	p2 =	seq.s32 @!p0 s5, $0x0  }
0x1f: {  	s9 =	smul.u32 $0xF7A, s1;
	s8 =	simm.s32 @!p0 $0x1BF5;
	p2 =	por !p2, p0  }
0x20: {  	[sflag:s8] =	ssyncset.s32 @!p0 $0xFFFFF086;
	s6 =	sadd.s32 @!p0 s3, s7;
	s7 =	simm.s32 @!p0 $0x108  }
0x21: {  	s3 =	sadd.s32 s3, s9;
	s6 =	sadd.s32 @!p0 $0x88, s6;
	s7 =	simm.s32 @p2 $0x1082  }
0x22: {  	[simem:s7], [sflag:s8] =	dma.local @!p0 [hbm:s6], $0xF7A  }
0x23: {  	s9 =	sor.u32 $0xD0000000, s2;
	s6 =	simm.s32 $0x108;
	_ =	swait.ge @!p0 [sflag:s8], $0x0  }
0x24: {  	s3 =	sadd.s32 $0x88, s3;
	s6 =	simm.s32 @!p1 $0x1082;
	[sflag:s4] =	ssyncset.s32 $0xFFFFF086  }
0x25: {  	[simem:s6], [sflag:s4] =	dma.local [hbm:s3], $0xF7A  }
0x26: {  	[smem:$0x3F96] =	sst s1;
	(tag) =	ssettag s2;
	_ =	strace s9  }
0x27: {  	s1 =	sld [smem:$0x3FA6]  }
0x28: {  	s2 =	sld [smem:$0x3FA7]  }
0x29: {  	s4 =	sld [smem:$0x3FA9]  }
0x2a: {  	p0 =	seq.s32 s5, $0x0;
	s5 =	sld [smem:$0x3FAA]  }
0x2b: {  	s6 =	sld [smem:$0x3FAB]  }
0x2c: {  	s7 =	sld [smem:$0x3FAC]  }
0x2d: {  	s3 =	simm.s32 $0x108;
	s8 =	sld [smem:$0x3FAD]  }
0x2e: {  	s3 =	simm.s32 @!p0 $0x1082;
	s9 =	sld [smem:$0x3FAE]  }
0x2f: {  	lr =	sadd.s32 s0, s3;
	s0 =	sld [smem:$0x3FA5]  }
0x30: {  	s3 =	sld [smem:$0x3FA8]  }
0x31: {  	[smem:$0x3FB1] =	sst s10  }
0x32: {  	s10 =	sld [smem:$0x3FAF];
	_ =	sdelay $0x3  }
0x33: {  	p0 =	seq.s32 s10, $0x1;
	s10 =	sld [smem:$0x3FB1];
	_ =	sdelay $0x3  }
0x34: {  	[smem:$0x3FB1] =	sst s10  }
0x35: {  	s10 =	sld [smem:$0x3FB0];
	_ =	sdelay $0x3  }
0x36: {  	p1 =	seq.s32 s10, $0x1;
	s10 =	sld [smem:$0x3FB1];
	_ =	sdelay $0x3  }
0x37: {  	[smem:$0x3FB1] =	sst s10  }
0x38: {  	s10 =	sld [smem:$0x3FB2]  }
0x39: {  	_ = 	snop;
	(pc) =	sbr.ind lr, $3  }
0x3a: {  	_ = 	snop  }
0x3b: {  	_ = 	snop  }
0x3c: {  	p2 =	seq.s32 s10, $0x1;
	s10 =	sld [smem:$0x3FB1]  }
0x3d: {  	_ =	shalt  }
0x3e: {  	_ =	shalt  }
0x3f: {  	_ =	shalt  }
0x40: {  	_ =	shalt  }
0x41: {  	_ =	shalt  }
0x42: {  	_ =	shalt  }
0x43: {  	_ =	shalt  }
0x44: {  	_ =	shalt  }
0x45: {  	_ =	shalt  }
0x46: {  	_ =	shalt  }
0x47: {  	_ =	shalt  }
0x48: {  	_ =	shalt  }
0x49: {  	_ =	shalt  }
0x4a: {  	_ =	shalt  }
0x4b: {  	_ =	shalt  }
0x4c: {  	_ =	shalt  }
0x4d: {  	_ =	shalt  }
0x4e: {  	_ =	shalt  }
0x4f: {  	_ =	shalt  }
0x50: {  	_ =	shalt  }
0x51: {  	_ =	shalt  }
0x52: {  	_ =	shalt  }
0x53: {  	_ =	shalt  }
0x54: {  	_ =	shalt  }
0x55: {  	_ =	shalt  }
0x56: {  	_ =	shalt  }
0x57: {  	_ =	shalt  }
0x58: {  	_ =	shalt  }
0x59: {  	_ =	shalt  }
0x5a: {  	_ =	shalt  }
0x5b: {  	_ =	shalt  }
0x5c: {  	_ =	shalt  }
0x5d: {  	_ =	shalt  }
0x5e: {  	_ =	shalt  }
0x5f: {  	_ =	shalt  }
0x60: {  	_ =	shalt  }
0x61: {  	_ =	shalt  }
0x62: {  	_ =	shalt  }
0x63: {  	_ =	shalt  }
0x64: {  	_ =	shalt  }
0x65: {  	_ =	shalt  }
0x66: {  	_ =	shalt  }
0x67: {  	_ =	shalt  }
0x68: {  	_ =	shalt  }
0x69: {  	_ =	shalt  }
0x6a: {  	_ =	shalt  }
0x6b: {  	_ =	shalt  }
0x6c: {  	_ =	shalt  }
0x6d: {  	_ =	shalt  }
0x6e: {  	_ =	shalt  }
0x6f: {  	_ =	shalt  }
0x70: {  	_ =	shalt  }
0x71: {  	_ =	shalt  }
0x72: {  	_ =	shalt  }
0x73: {  	_ =	shalt  }
0x74: {  	_ =	shalt  }
0x75: {  	_ =	shalt  }
0x76: {  	_ =	shalt  }
0x77: {  	_ =	shalt  }
0x78: {  	_ =	shalt  }
0x79: {  	_ =	shalt  }
0x7a: {  	_ =	shalt  }
0x7b: {  	_ =	shalt  }
0x7c: {  	_ =	shalt  }
0x7d: {  	_ =	shalt  }
0x7e: {  	_ =	shalt  }
0x7f: {  	_ =	shalt  }
0x80: {  	_ =	shalt  }
0x81: {  	_ =	shalt  }
0x82: {  	_ =	shalt  }
0x83: {  	_ =	shalt  }
0x84: {  	_ =	shalt  }
0x85: {  	_ =	shalt  }
0x86: {  	_ =	shalt  }
0x87: {  	_ =	shalt  }
.Lfunc_end0:
.L_simem_size_0:
called_computation.1_lowered:
.L_overlay_start_0:
0x88: {  	s2 =	sld [smem:$0x3FD9]  }
0x89: {  	s3 =	sld [smem:$0x3FFE];
	_ =	sdelay $0x1  }
0x8a: {  	s1 =	srdreg.scid  }
0x8b: {  	s0 =	sand.u32 $0x1, s1  }
0x8c: {  	s16 =	sshll.u32 s0, $0xA;
	s2 =	sadd.s32 s3, s2  }
0x8d: {  	s2 =	sadd.s32 s2, s16  }
0x8e: {  	[smem:$0x3FBD] =	sst s2  }
0x8f: {  	_ = 	snop  }
0x90: {  	(tm) =	ssettm $0x1  }
0x91: {  	s17 =	sld [smem:$0x3FFB];
	_ =	sdelay $0x3  }
0x92: {  	_ =	strace s17  }
0x93: {  	s2 =	sld [smem:$0x3FFC];
	_ =	sdelay $0x3  }
0x94: {  	_ =	strace s2  }
0x95: {  	s2 =	sld [smem:$0x3FFD];
	_ =	sdelay $0x3  }
0x96: {  	_ =	strace s2  }
0x97: {  	_ =	strace $0x8FFFFFFF  }
0x98: {  	s18 =	sld [smem:$0x3FDB];
	_ =	sdelay $0x1  }
0x99: {  	s19 =	simm.s32 $_scs_section_size  }
0x9a: {  	s4 =	simm.s32 $_size__tile_overlayer_lowered;
	s5 =	simm.s32 $_tile_overlayer_lowered  }
0x9b: {  	s22 =	simm.s32 $0x1BFF;
	s21 =	sshll.u32 s5, $0x1;
	s2 =	sadd.s32 s19, s18  }
0x9c: {  	s6 =	simm.s32 $0x0;
	s20 =	sshll.u32 s4, $0x1;
	s4 =	sadd.s32 s21, s2  }
0x9d: {  	[timem:s6], [sflag:s22] =	dma.local [hbm:s4], s20  }
0x9e: {  	_ =	swait.ge [sflag:s22], s20  }
0x9f: {  	s3 =	ssub.s32 $0x0, s20;
	[sflag:s22] =	ssyncset.done $0x0  }
0xa0: {  	[sflag:s22] =	ssyncadd.s32 s3;
	_ =	sdelay $0x1  }
0xa1: {  	s23 =	simm.s32 $0x1B8B  }
0xa2: {  	_ =	swait.ge [sflag:s23], $0x1  }
0xa3: {  	[sflag:s23] =	ssyncset.done $0x0  }
0xa4: {  	s25 =	simm.s32 $0x1B8E;
	s24 =	sld [smem:$0x3FFE];
	[sflag:s23] =	ssyncadd.s32 $0xFFFFFFFF  }
0xa5: {  	s26 =	simm.s32 $execute0_lowered;
	[smem:$0x3FD2] =	sst s25  }
0xa6: {  	s4 =	sshll.u32 s26, $0x1;
	_ =	strace $0x80000049;
	[dreg:$0x1] =	wrdreg $0xFFFFFFFF  }
0xa7: {  	s28 =	simm.s32 $_size_execute0_lowered;
	s2 =	sadd.s32 s2, s4;
	[dreg:$0x0] =	wrdreg $0x0  }
0xa8: {  	s4 =	sshll.u32 s28, $0x1;
	[dreg:$0x2] =	wrdreg s2  }
0xa9: {  	[dreg:$0x3] =	wrdreg s4  }
0xaa: {  	[dreg:$0x4] =	wrdreg $0xC0  }
0xab: {  	_ =	task [dreg:s6], $0x5FFFF  }
0xac: {  	[dreg:$0x1] =	wrdreg $0xFFFFFFFF  }
0xad: {  	[dreg:$0x0] =	wrdreg $0x60  }
0xae: {  	[dreg:$0x2] =	wrdreg s24  }
0xaf: {  	[dreg:$0x3] =	wrdreg $0xAC000  }
0xb0: {  	[dreg:$0x4] =	wrdreg $0x9  }
0xb1: {  	_ =	task.clear_ibuf [dreg:s6], $0x5FFFF;
	_ =	strace $0x90000049  }
0xb2: {  	s29 =	simm.s32 $0x9;
	_ =	strace $0x8000004B  }
0xb3: {  	_ =	swait.ge [sflag:s29], $0x1  }
0xb4: {  	[sflag:s29] =	ssyncadd.s32 $0xFFFFFFFF  }
0xb5: {  	_ =	strace $0x9000004B  }
0xb6: {  	_ =	sfence  }
0xb7: {  	s30 =	sld [smem:$0x0];
	_ =	sdelay $0x2  }
0xb8: {  	s31 =	sshll.u32 s1, $0xD;
	s1 =	sshrl.u32 s1, $0x2  }
0xb9: {  	s3 =	sand.u32 $0x4000, s31;
	s1 =	sadd.s32 s1, s30  }
0xba: {  	s0 =	sor.u32 s3, s0;
	s1 =	sshll.u32 s1, $0x11  }
0xbb: {  	s0 =	sor.u32 s1, s0  }
0xbc: {  	s0 =	sadd.s32 $0x8F2B, s0  }
0xbd: {  	[sflag:s0] =	ssyncadd.remote.s32 $0x1  }
0xbe: {  	_ =	sfence.sel $0xFFFF  }
0xbf: {  	[dreg:$0x0] =	wrdreg $0xFFFFFFFF;
	(pc) =	sbr.abs _section_cstart, $3  }
0xc0: {  	[dreg:$0x1] =	wrdreg $0xFFFFFFFF  }
0xc1: {  	_ =	task.clear_ibuf [dreg:s6], $0x2FFFF;
	_ =	strace $0x9FFFFFFF  }
0xc2: {  	(tm) =	ssettm $0x7FFFFFFF  }
0xc3: {  	_ =	shalt  }
tec
execute0_lowered:
.L_overlay_start_1:
0x0: {  	(tag) =	ssettag $0x1  }
0x1: {  	s0 =	rddreg [dreg:$0x0]  }
0x2: {  	s1 =	rddreg [dreg:$0x1];
	s3 =	simm.s32 $0x0  }
0x3: {  	s2 =	srdreg.scid;
	s12 =	stileid.u32;
	s17 =	simm.s32 $0x400  }
0x4: {  	s18 =	simm.s32 $0x5;
	s19 =	simm.s32 $0x80;
	s28 =	simm.s32 $0x4400  }
0x5: {  	s29 =	simm.s32 $0x1;
	s30 =	simm.s32 $0x2;
	s31 =	simm.s32 $0x3  }
0x6: {  	[smem:$0x7FF] =	sst s3;
	s2 =	sand.u32 $0x1, s2;
	s6 =	smul.u32 $0x280, s12  }
0x7: {  	s4 =	sadd.s32 $0x3200, s0;
	s5 =	sadd.s32 $0x5D200, s0;
	s11 =	smul.u32 $0x50000, s12  }
0x8: {  	s7 =	sshrl.u32 s12, $0x3;
	s9 =	sshll.u32 s12, $0x7;
	s8 =	smul.u32 $0x2800, s2  }
0x9: {  	s13 =	sshll.u32 s12, $0x5;
	_ =	strace $0x8000004A;
	s7 =	smul.u32 $0x14000, s7  }
0xa: {  	s9 =	sand.u32 $0x380, s9;
	s20 =	ssub.s32 $0x2, s2;
	s15 =	sor.u32 $0x10, s13  }
0xb: {  	s16 =	sor.u32 $0x400, s13;
	p0 =	sne.s32 s2, $0x0;
	s21 =	sshrl.u32 s11, $0x2  }
0xc: {  	s22 =	sshrl.u32 s20, $0x1;
	s24 =	sadd.s32 s5, s15;
	[dreg:$0x3] =	wrdreg s16  }
0xd: {  	s6 =	sadd.s32 s6, s8;
	s7 =	sor.u32 s9, s7;
	s9 =	ssub.s32 s20, s22  }
0xe: {  	[dreg:$0x6] =	wrdreg s24;
	s20 =	simm.s32 $0x100;
	s22 =	simm.s32 $0x4  }
0xf: {  	s24 =	simm.s32 $0x280;
	s10 =	sshll.u32 s6, $0x4;
	s6 =	sadd.s32 $0x62200, s0  }
0x10: {  	s7 =	sshrl.u32 s7, $0x3;
	s16 =	smax.u32 s9, $0x1;
	s14 =	sadd.s32 s10, s0  }
0x11: {  	s0 =	sadd.s32 s7, s0;
	s7 =	sadd.s32 s21, s1;
	s12 =	sadd.s32 s6, s13  }
0x12: {  	s25 =	sadd.s32 s6, s15;
	s21 =	simm.s32 $0x180;
	s10 =	sadd.s32 $0x8000, s7  }
0x13: {  	s23 =	sadd.s32 $0x10000, s7;
	[dreg:$0x7] =	wrdreg s25;
	s26 =	sadd.s32 $0x6C200, s14  }
0x14: {  	s15 =	sadd.s32 $0x53200, s0;
	s25 =	simm.s32 $0x300;
	[dreg:$0x4] =	wrdreg s10  }
0x15: {  	s0 =	simm.s32 $0x0;
	[dreg:$0x5] =	wrdreg s23;
	s10 =	sadd.s32 s5, s13  }
0x16: {  	v1 =	vimm.f32 $0.0e+00;
	v0 =	vmov s8;
	[dreg:$0x8] =	wrdreg s26;
	s23 =	simm.s32 $0x200;
	s26 =	simm.s32 $0x380  }
.LBB2_1:
0x17: {  	s2 =	simm.s32 $0x0;
	s8 =	simm.s32 $0x200  }
.LBB2_2:
0x18: {  	p1 =	sne.s32 s8, $0x1FE00;
	[tilespmem:s2+$0x470] =	vst v1  }
0x19: {  	[tilespmem:s2+$0x400] =	vst v1  }
0x1a: {  	[tilespmem:s2+$0x410] =	vst v1  }
.Ltmp0:
0x1b: {  	[tilespmem:s2+$0x420] =	vst v1;
	(pc) =	sbr.rel @p1 .LBB2_2-.Ltmp0, $4  }
0x1c: {  	[tilespmem:s2+$0x430] =	vst v1  }
0x1d: {  	[tilespmem:s2+$0x440] =	vst v1  }
0x1e: {  	[tilespmem:s2+$0x450] =	vst v1  }
0x1f: {  	[tilespmem:s2+$0x460] =	vst v1;
	s2 =	sshra.s32 s8, $0x2;
	s8 =	sadd.s32 $0x200, s8  }
0x20: {  	[tilespmem:s2+$0x470] =	vst v1  }
0x21: {  	[tilespmem:s2+$0x400] =	vst v1  }
0x22: {  	[tilespmem:s2+$0x410] =	vst v1  }
0x23: {  	[tilespmem:s2+$0x420] =	vst v1  }
0x24: {  	[tilespmem:s2+$0x430] =	vst v1  }
0x25: {  	[tilespmem:s2+$0x440] =	vst v1  }
0x26: {  	[tilespmem:s2+$0x450] =	vst v1  }
0x27: {  	[tilespmem:s2+$0x460] =	vst v1;
	s2 =	simm.s32 $0x40;
	s8 =	simm.s32 $0x0  }
.LBB2_4:
0x28: {  	p1 =	sne.s32 s2, $0x9FC0;
	[tilespmem:s8+$0x8400] =	vst v1;
	s8 =	smov.u32 s2;
	s2 =	sadd.s32 $0x40, s2  }
.Ltmp1:
0x29: {  	(pc) =	sbr.rel @p1 .LBB2_4-.Ltmp1, $2  }
0x2a: {  	_ =	sdelay $0x2  }
0x2b: {  	s8 =	sshra.s32 s8, $0x2  }
0x2c: {  	[tilespmem:s8+$0x8400] =	vst v1  }
0x2d: {  	[spmem:s7] =	stream.linear.scatter [tilespmem:s17], [sflag:$0x5], $0x8000, $0x38;
	[tilespmem:$0x1EC00] =	vst v63  }
0x2e: {  	_ =	swait.ge [sflag:s18], $0x8000  }
0x2f: {  	[sflag:s18] =	ssyncset.done $0x0  }
0x30: {  	s2 =	rddreg [dreg:$0x4];
	[sflag:s18] =	ssyncadd.s32 $0xFFFF8000  }
0x31: {  	[spmem:s2] =	stream.linear.scatter [tilespmem:s17], [sflag:$0x5], $0x8000, $0x38;
	[tilespmem:$0x1EC00] =	vst v63  }
0x32: {  	_ =	swait.ge [sflag:s18], $0x8000  }
0x33: {  	[sflag:s18] =	ssyncset.done $0x0  }
0x34: {  	s11 =	rddreg [dreg:$0x5];
	[sflag:s18] =	ssyncadd.s32 $0xFFFF8000  }
0x35: {  	[spmem:s11] =	stream.linear.scatter [tilespmem:s17], [sflag:$0x5], $0x4000, $0x38;
	[tilespmem:$0x1EC00] =	vst v63  }
0x36: {  	_ =	swait.ge [sflag:s18], $0x4000  }
0x37: {  	[sflag:s18] =	ssyncset.done $0x0  }
0x38: {  	s2 =	simm.s32 $0x0;
	[sflag:s18] =	ssyncadd.s32 $0xFFFFC000  }
0x39: {  	[tilespmem:s2], [sflag:$0x4] =	stream.linear.gather [hbm4b:s10+s2], $0x80, $0x38;
	[tilespmem:$0x1EC00] =	vst v63  }
0x3a: {  	s13 =	rddreg [dreg:$0x6]  }
0x3b: {  	[tilespmem:s19], [sflag:$0x4] =	stream.linear.gather [hbm4b:s13+s2], $0x80, $0x38;
	[tilespmem:$0x1EC00] =	vst v63  }
0x3c: {  	_ = 	snop  }
0x3d: {  	[tilespmem:s20], [sflag:$0x4] =	stream.linear.gather [hbm4b:s12+s2], $0x80, $0x38;
	[tilespmem:$0x1EC00] =	vst v63  }
0x3e: {  	s14 =	rddreg [dreg:$0x7]  }
0x3f: {  	[tilespmem:s21], [sflag:$0x4] =	stream.linear.gather [hbm4b:s14+s2], $0x80, $0x38;
	[tilespmem:$0x1EC00] =	vst v63  }
0x40: {  	_ =	swait.ge [sflag:s22], $0x80  }
0x41: {  	[sflag:s22] =	ssyncset.done $0x0  }
0x42: {  	[sflag:s22] =	ssyncadd.s32 $0xFFFFFF80  }
0x43: {  	_ =	swait.ge [sflag:s22], $0x80  }
0x44: {  	[sflag:s22] =	ssyncset.done $0x0  }
0x45: {  	[sflag:s22] =	ssyncadd.s32 $0xFFFFFF80  }
0x46: {  	_ =	swait.ge [sflag:s22], $0x80  }
0x47: {  	[sflag:s22] =	ssyncset.done $0x0  }
0x48: {  	[sflag:s22] =	ssyncadd.s32 $0xFFFFFF80  }
0x49: {  	_ =	swait.ge [sflag:s22], $0x80  }
0x4a: {  	[sflag:s22] =	ssyncset.done $0x0  }
0x4b: {  	[sflag:s22] =	ssyncadd.s32 $0xFFFFFF80  }
0x4c: {  	s8 =	simm.s32 $0x0;
	[bflag:$0x0] =	sbarrier.arrive $0xFFFF  }
.LBB2_6:
0x4d: {  	s9 =	sadd.s32 s8, s10  }
0x4e: {  	s11 =	sadd.s32 $0x200, s9  }
0x4f: {  	[tilespmem:s23], [sflag:$0x4] =	stream.linear.gather [hbm4b:s11+s3], $0x80, $0x38;
	[tilespmem:$0x1EC00] =	vst v63  }
0x50: {  	s14 =	sadd.s32 s8, s12;
	s9 =	sadd.s32 $0x210, s9  }
0x51: {  	[tilespmem:s24], [sflag:$0x4] =	stream.linear.gather [hbm4b:s9+s3], $0x80, $0x38;
	[tilespmem:$0x1EC00] =	vst v63  }
0x52: {  	s13 =	sadd.s32 $0x200, s14  }
0x53: {  	[tilespmem:s25], [sflag:$0x4] =	stream.linear.gather [hbm4b:s13+s3], $0x80, $0x38;
	[tilespmem:$0x1EC00] =	vst v63  }
0x54: {  	s9 =	sadd.s32 $0x210, s14  }
0x55: {  	[tilespmem:s26], [sflag:$0x4] =	stream.linear.gather [hbm4b:s9+s3], $0x80, $0x38;
	[tilespmem:$0x1EC00] =	vst v63  }
0x56: {  	v2 =	vld [tilespmem:$0x0]  }
0x57: {  	v3 =	vld [tilespmem:$0x10]  }
0x58: {  	v4 =	vld [tilespmem:$0x20]  }
0x59: {  	v5 =	vld [tilespmem:$0x30]  }
0x5a: {  	v6 =	vld [tilespmem:$0x40]  }
0x5b: {  	v7 =	vld [tilespmem:$0x50];
	v2 =	vadd.s32 v0, v2  }
0x5c: {  	[tilespmem:$0x0] =	vst v2;
	v2 =	vadd.s32 v0, v3;
	v3 =	vld [tilespmem:$0x60]  }
0x5d: {  	v42 =	vld [tilespmem:$0x70];
	[tilespmem:$0x10] =	vst v2;
	v2 =	vadd.s32 v0, v4  }
0x5e: {  	v43 =	vld [tilespmem:$0x80];
	[tilespmem:$0x20] =	vst v2;
	v2 =	vadd.s32 v0, v5  }
0x5f: {  	v44 =	vld [tilespmem:$0x90];
	[tilespmem:$0x30] =	vst v2;
	v2 =	vadd.s32 v0, v6  }
0x60: {  	v45 =	vld [tilespmem:$0xA0];
	[tilespmem:$0x40] =	vst v2;
	v2 =	vadd.s32 v0, v7  }
0x61: {  	[tilespmem:$0x50] =	vst v2;
	v2 =	vadd.s32 v0, v3;
	v3 =	vld [tilespmem:$0xB0]  }
0x62: {  	v46 =	vld [tilespmem:$0xC0];
	[tilespmem:$0x60] =	vst v2;
	v2 =	vadd.s32 v0, v42  }
0x63: {  	v47 =	vld [tilespmem:$0xD0];
	[tilespmem:$0x70] =	vst v2;
	v2 =	vadd.s32 v0, v43  }
0x64: {  	v48 =	vld [tilespmem:$0xE0];
	[tilespmem:$0x80] =	vst v2;
	v2 =	vadd.s32 v0, v44  }
0x65: {  	v49 =	vld [tilespmem:$0xF0];
	[tilespmem:$0x90] =	vst v2;
	v2 =	vadd.s32 v0, v45  }
0x66: {  	[tilespmem:$0xA0] =	vst v2;
	v2 =	vadd.s32 v0, v3  }
0x67: {  	[tilespmem:$0xB0] =	vst v2;
	v2 =	vadd.s32 v0, v46  }
0x68: {  	[tilespmem:$0xC0] =	vst v2;
	v2 =	vadd.s32 v0, v47  }
0x69: {  	[tilespmem:$0xD0] =	vst v2;
	v2 =	vadd.s32 v0, v48  }
0x6a: {  	[tilespmem:$0xE0] =	vst v2;
	v2 =	vadd.s32 v0, v49  }
0x6b: {  	[tilespmem:$0xF0] =	vst v2  }
0x6c: {  	[tilespmem:s17], [sflag:$0x1] =	stream.indirect.gather [hbm4b:s4+s19], $0x80, s3, s19, $0xb8;
	[tilespmem:$0x1EC00] =	vst v63  }
0x6d: {  	_ = 	snop  }
0x6e: {  	[tilespmem:s28], [sflag:$0x2] =	stream.indirect.gather [hbm4b:s4+s19], $0x80, s19, s19, $0xb8;
	[tilespmem:$0x1EC00] =	vst v63  }
0x6f: {  	_ =	swait.ge [sflag:s29], $0x4000  }
0x70: {  	[sflag:s29] =	ssyncset.done $0x0  }
0x71: {  	[sflag:s29] =	ssyncadd.s32 $0xFFFFC000  }
0x72: {  	[spmem:s1] =	stream.indirect.scatter.add.f32 [tilespmem:s17], [sflag:$0x3], $0x80, s20, s19, $0xb8;
	[tilespmem:$0x1EC00] =	vst v63  }
0x73: {  	_ =	swait.ge [sflag:s30], $0x4000  }
0x74: {  	[sflag:s30] =	ssyncset.done $0x0  }
0x75: {  	[sflag:s30] =	ssyncadd.s32 $0xFFFFC000  }
0x76: {  	[spmem:s1] =	stream.indirect.scatter.add.f32 [tilespmem:s28], [sflag:$0x3], $0x80, s21, s19, $0xb8;
	[tilespmem:$0x1EC00] =	vst v63  }
0x77: {  	v3 =	vld @!p0 [tilespmem:$0x100];
	_ =	sdelay $0x6  }
0x78: {  	s9 =	simm.s32 @!p0 $0x8400;
	v2 =	vimm.f32 @!p0 $1.000000000e+00  }
0x79: {  	[tilespmem:v3+s9+$0x0] =	vst.idx.add.f32.msk @!p0 $0xffff, v2  }
0x7a: {  	v3 =	vld @!p0 [tilespmem:$0x110];
	_ =	sdelay $0x7  }
0x7b: {  	[tilespmem:v3+s9+$0x0] =	vst.idx.add.f32.msk @!p0 $0xffff, v2  }
0x7c: {  	v3 =	vld @!p0 [tilespmem:$0x120];
	_ =	sdelay $0x7  }
0x7d: {  	[tilespmem:v3+s9+$0x0] =	vst.idx.add.f32.msk @!p0 $0xffff, v2  }
0x7e: {  	v3 =	vld @!p0 [tilespmem:$0x130];
	_ =	sdelay $0x7  }
0x7f: {  	[tilespmem:v3+s9+$0x0] =	vst.idx.add.f32.msk @!p0 $0xffff, v2  }
0x80: {  	v3 =	vld @!p0 [tilespmem:$0x140];
	_ =	sdelay $0x7  }
0x81: {  	[tilespmem:v3+s9+$0x0] =	vst.idx.add.f32.msk @!p0 $0xffff, v2  }
0x82: {  	v3 =	vld @!p0 [tilespmem:$0x150];
	_ =	sdelay $0x7  }
0x83: {  	[tilespmem:v3+s9+$0x0] =	vst.idx.add.f32.msk @!p0 $0xffff, v2  }
0x84: {  	v3 =	vld @!p0 [tilespmem:$0x160];
	_ =	sdelay $0x7  }
0x85: {  	[tilespmem:v3+s9+$0x0] =	vst.idx.add.f32.msk @!p0 $0xffff, v2  }
0x86: {  	v3 =	vld @!p0 [tilespmem:$0x170];
	_ =	sdelay $0x7  }
0x87: {  	[tilespmem:v3+s9+$0x0] =	vst.idx.add.f32.msk @!p0 $0xffff, v2  }
0x88: {  	v3 =	vld @!p0 [tilespmem:$0x180];
	_ =	sdelay $0x7  }
0x89: {  	[tilespmem:v3+s9+$0x0] =	vst.idx.add.f32.msk @!p0 $0xffff, v2  }
0x8a: {  	v3 =	vld @!p0 [tilespmem:$0x190];
	_ =	sdelay $0x7  }
0x8b: {  	[tilespmem:v3+s9+$0x0] =	vst.idx.add.f32.msk @!p0 $0xffff, v2  }
0x8c: {  	v3 =	vld @!p0 [tilespmem:$0x1A0];
	_ =	sdelay $0x7  }
0x8d: {  	[tilespmem:v3+s9+$0x0] =	vst.idx.add.f32.msk @!p0 $0xffff, v2  }
0x8e: {  	v3 =	vld @!p0 [tilespmem:$0x1B0];
	_ =	sdelay $0x7  }
0x8f: {  	[tilespmem:v3+s9+$0x0] =	vst.idx.add.f32.msk @!p0 $0xffff, v2  }
0x90: {  	v3 =	vld @!p0 [tilespmem:$0x1C0];
	_ =	sdelay $0x7  }
0x91: {  	[tilespmem:v3+s9+$0x0] =	vst.idx.add.f32.msk @!p0 $0xffff, v2  }
0x92: {  	v3 =	vld @!p0 [tilespmem:$0x1D0];
	_ =	sdelay $0x7  }
0x93: {  	[tilespmem:v3+s9+$0x0] =	vst.idx.add.f32.msk @!p0 $0xffff, v2  }
0x94: {  	v3 =	vld @!p0 [tilespmem:$0x1E0];
	_ =	sdelay $0x7  }
0x95: {  	[tilespmem:v3+s9+$0x0] =	vst.idx.add.f32.msk @!p0 $0xffff, v2  }
0x96: {  	v3 =	vld @!p0 [tilespmem:$0x1F0];
	_ =	sdelay $0x7  }
0x97: {  	[tilespmem:v3+s9+$0x0] =	vst.idx.add.f32.msk @!p0 $0xffff, v2  }
0x98: {  	_ =	swait.ge [sflag:s31], $0x4000  }
0x99: {  	[sflag:s31] =	ssyncset.done $0x0  }
0x9a: {  	[sflag:s31] =	ssyncadd.s32 $0xFFFFC000  }
0x9b: {  	_ =	swait.ge [sflag:s31], $0x4000  }
0x9c: {  	[sflag:s31] =	ssyncset.done $0x0  }
0x9d: {  	[sflag:s31] =	ssyncadd.s32 $0xFFFFC000  }
0x9e: {  	_ =	swait.ge [sflag:s22], $0x80  }
0x9f: {  	[sflag:s22] =	ssyncset.done $0x0  }
0xa0: {  	[sflag:s22] =	ssyncadd.s32 $0xFFFFFF80  }
0xa1: {  	_ =	swait.ge [sflag:s22], $0x80  }
0xa2: {  	[sflag:s22] =	ssyncset.done $0x0  }
0xa3: {  	[sflag:s22] =	ssyncadd.s32 $0xFFFFFF80  }
0xa4: {  	_ =	swait.ge [sflag:s22], $0x80  }
0xa5: {  	[sflag:s22] =	ssyncset.done $0x0  }
0xa6: {  	[sflag:s22] =	ssyncadd.s32 $0xFFFFFF80  }
0xa7: {  	s13 =	smin.u32 s2, $0x25;
	_ =	swait.ge [sflag:s22], $0x80  }
0xa8: {  	s13 =	sshll.u32 s13, $0x9;
	s14 =	rddreg [dreg:$0x3]  }
0xa9: {  	[sflag:s22] =	ssyncset.done $0x0;
	s11 =	sadd.s32 s14, s13  }
0xaa: {  	[sflag:s22] =	ssyncadd.s32 $0xFFFFFF80;
	s13 =	sadd.s32 s5, s11  }
0xab: {  	[tilespmem:s3], [sflag:$0x4] =	stream.linear.gather [hbm4b:s13+s3], $0x80, $0x38;
	[tilespmem:$0x1EC00] =	vst v63  }
0xac: {  	s13 =	sor.u32 $0x10, s11  }
0xad: {  	s14 =	sadd.s32 s5, s13  }
0xae: {  	[tilespmem:s19], [sflag:$0x4] =	stream.linear.gather [hbm4b:s14+s3], $0x80, $0x38;
	[tilespmem:$0x1EC00] =	vst v63  }
0xaf: {  	s11 =	sadd.s32 s6, s11  }
0xb0: {  	[tilespmem:s20], [sflag:$0x4] =	stream.linear.gather [hbm4b:s11+s3], $0x80, $0x38;
	[tilespmem:$0x1EC00] =	vst v63  }
0xb1: {  	s14 =	sadd.s32 s6, s13  }
0xb2: {  	[tilespmem:s21], [sflag:$0x4] =	stream.linear.gather [hbm4b:s14+s3], $0x80, $0x38;
	[tilespmem:$0x1EC00] =	vst v63  }
0xb3: {  	v3 =	vld [tilespmem:$0x200]  }
0xb4: {  	v50 =	vld [tilespmem:$0x210]  }
0xb5: {  	v51 =	vld [tilespmem:$0x220]  }
0xb6: {  	v52 =	vld [tilespmem:$0x230]  }
0xb7: {  	v53 =	vld [tilespmem:$0x240]  }
0xb8: {  	v8 =	vld [tilespmem:$0x250];
	v3 =	vadd.s32 v0, v3  }
0xb9: {  	v54 =	vld [tilespmem:$0x260];
	[tilespmem:$0x200] =	vst v3;
	v3 =	vadd.s32 v0, v50  }
0xba: {  	v55 =	vld [tilespmem:$0x270];
	[tilespmem:$0x210] =	vst v3;
	v3 =	vadd.s32 v0, v51  }
0xbb: {  	v56 =	vld [tilespmem:$0x280];
	[tilespmem:$0x220] =	vst v3;
	v3 =	vadd.s32 v0, v52  }
0xbc: {  	v57 =	vld [tilespmem:$0x290];
	[tilespmem:$0x230] =	vst v3;
	v3 =	vadd.s32 v0, v53  }
0xbd: {  	v58 =	vld [tilespmem:$0x2A0];
	[tilespmem:$0x240] =	vst v3;
	v3 =	vadd.s32 v0, v8  }
0xbe: {  	v59 =	vld [tilespmem:$0x2B0];
	[tilespmem:$0x250] =	vst v3;
	v3 =	vadd.s32 v0, v54  }
0xbf: {  	v60 =	vld [tilespmem:$0x2C0];
	[tilespmem:$0x260] =	vst v3;
	v3 =	vadd.s32 v0, v55  }
0xc0: {  	v61 =	vld [tilespmem:$0x2D0];
	[tilespmem:$0x270] =	vst v3;
	v3 =	vadd.s32 v0, v56  }
0xc1: {  	v62 =	vld [tilespmem:$0x2E0];
	[tilespmem:$0x280] =	vst v3;
	v3 =	vadd.s32 v0, v57  }
0xc2: {  	v63 =	vld [tilespmem:$0x2F0];
	[tilespmem:$0x290] =	vst v3;
	v3 =	vadd.s32 v0, v58  }
0xc3: {  	[tilespmem:$0x2A0] =	vst v3;
	v3 =	vadd.s32 v0, v59  }
0xc4: {  	[tilespmem:$0x2B0] =	vst v3;
	v3 =	vadd.s32 v0, v60  }
0xc5: {  	[tilespmem:$0x2C0] =	vst v3;
	v3 =	vadd.s32 v0, v61  }
0xc6: {  	[tilespmem:$0x2D0] =	vst v3;
	v3 =	vadd.s32 v0, v62  }
0xc7: {  	[tilespmem:$0x2E0] =	vst v3;
	v3 =	vadd.s32 v0, v63  }
0xc8: {  	[tilespmem:$0x2F0] =	vst v3  }
0xc9: {  	[tilespmem:s17], [sflag:$0x1] =	stream.indirect.gather [hbm4b:s4+s19], $0x80, s23, s19, $0xb8;
	[tilespmem:$0x1EC00] =	vst v63  }
0xca: {  	_ = 	snop  }
0xcb: {  	[tilespmem:s28], [sflag:$0x2] =	stream.indirect.gather [hbm4b:s4+s19], $0x80, s24, s19, $0xb8;
	[tilespmem:$0x1EC00] =	vst v63  }
0xcc: {  	_ =	swait.ge [sflag:s29], $0x4000  }
0xcd: {  	[sflag:s29] =	ssyncset.done $0x0  }
0xce: {  	[sflag:s29] =	ssyncadd.s32 $0xFFFFC000  }
0xcf: {  	[spmem:s1] =	stream.indirect.scatter.add.f32 [tilespmem:s17], [sflag:$0x3], $0x80, s25, s19, $0xb8;
	[tilespmem:$0x1EC00] =	vst v63  }
0xd0: {  	_ =	swait.ge [sflag:s30], $0x4000  }
0xd1: {  	[sflag:s30] =	ssyncset.done $0x0  }
0xd2: {  	[sflag:s30] =	ssyncadd.s32 $0xFFFFC000  }
0xd3: {  	[spmem:s1] =	stream.indirect.scatter.add.f32 [tilespmem:s28], [sflag:$0x3], $0x80, s26, s19, $0xb8;
	[tilespmem:$0x1EC00] =	vst v63  }
0xd4: {  	v3 =	vld @!p0 [tilespmem:$0x300];
	_ =	sdelay $0x7  }
0xd5: {  	[tilespmem:v3+s9+$0x0] =	vst.idx.add.f32.msk @!p0 $0xffff, v2  }
0xd6: {  	v3 =	vld @!p0 [tilespmem:$0x310];
	_ =	sdelay $0x7  }
0xd7: {  	[tilespmem:v3+s9+$0x0] =	vst.idx.add.f32.msk @!p0 $0xffff, v2  }
0xd8: {  	v3 =	vld @!p0 [tilespmem:$0x320];
	_ =	sdelay $0x7  }
0xd9: {  	[tilespmem:v3+s9+$0x0] =	vst.idx.add.f32.msk @!p0 $0xffff, v2  }
0xda: {  	v3 =	vld @!p0 [tilespmem:$0x330];
	_ =	sdelay $0x7  }
0xdb: {  	[tilespmem:v3+s9+$0x0] =	vst.idx.add.f32.msk @!p0 $0xffff, v2  }
0xdc: {  	v3 =	vld @!p0 [tilespmem:$0x340];
	_ =	sdelay $0x7  }
0xdd: {  	[tilespmem:v3+s9+$0x0] =	vst.idx.add.f32.msk @!p0 $0xffff, v2  }
0xde: {  	v3 =	vld @!p0 [tilespmem:$0x350];
	_ =	sdelay $0x7  }
0xdf: {  	[tilespmem:v3+s9+$0x0] =	vst.idx.add.f32.msk @!p0 $0xffff, v2  }
0xe0: {  	v3 =	vld @!p0 [tilespmem:$0x360];
	_ =	sdelay $0x7  }
0xe1: {  	[tilespmem:v3+s9+$0x0] =	vst.idx.add.f32.msk @!p0 $0xffff, v2  }
0xe2: {  	v3 =	vld @!p0 [tilespmem:$0x370];
	_ =	sdelay $0x7  }
0xe3: {  	[tilespmem:v3+s9+$0x0] =	vst.idx.add.f32.msk @!p0 $0xffff, v2  }
0xe4: {  	v3 =	vld @!p0 [tilespmem:$0x380];
	_ =	sdelay $0x7  }
0xe5: {  	[tilespmem:v3+s9+$0x0] =	vst.idx.add.f32.msk @!p0 $0xffff, v2  }
0xe6: {  	v3 =	vld @!p0 [tilespmem:$0x390];
	_ =	sdelay $0x7  }
0xe7: {  	[tilespmem:v3+s9+$0x0] =	vst.idx.add.f32.msk @!p0 $0xffff, v2  }
0xe8: {  	v3 =	vld @!p0 [tilespmem:$0x3A0];
	_ =	sdelay $0x7  }
0xe9: {  	[tilespmem:v3+s9+$0x0] =	vst.idx.add.f32.msk @!p0 $0xffff, v2  }
0xea: {  	v3 =	vld @!p0 [tilespmem:$0x3B0];
	_ =	sdelay $0x7  }
0xeb: {  	[tilespmem:v3+s9+$0x0] =	vst.idx.add.f32.msk @!p0 $0xffff, v2  }
0xec: {  	v3 =	vld @!p0 [tilespmem:$0x3C0];
	_ =	sdelay $0x7  }
0xed: {  	[tilespmem:v3+s9+$0x0] =	vst.idx.add.f32.msk @!p0 $0xffff, v2  }
0xee: {  	v3 =	vld @!p0 [tilespmem:$0x3D0];
	_ =	sdelay $0x7  }
0xef: {  	[tilespmem:v3+s9+$0x0] =	vst.idx.add.f32.msk @!p0 $0xffff, v2  }
0xf0: {  	v3 =	vld @!p0 [tilespmem:$0x3E0];
	_ =	sdelay $0x7  }
0xf1: {  	[tilespmem:v3+s9+$0x0] =	vst.idx.add.f32.msk @!p0 $0xffff, v2  }
0xf2: {  	v3 =	vld @!p0 [tilespmem:$0x3F0];
	_ =	sdelay $0x7  }
0xf3: {  	[tilespmem:v3+s9+$0x0] =	vst.idx.add.f32.msk @!p0 $0xffff, v2  }
0xf4: {  	_ =	swait.ge [sflag:s31], $0x4000  }
0xf5: {  	[sflag:s31] =	ssyncset.done $0x0  }
0xf6: {  	[sflag:s31] =	ssyncadd.s32 $0xFFFFC000  }
0xf7: {  	_ =	swait.ge [sflag:s31], $0x4000  }
0xf8: {  	[sflag:s31] =	ssyncset.done $0x0  }
0xf9: {  	[sflag:s31] =	ssyncadd.s32 $0xFFFFC000  }
0xfa: {  	_ =	swait.ge [sflag:s22], $0x80  }
0xfb: {  	[sflag:s22] =	ssyncset.done $0x0  }
0xfc: {  	[sflag:s22] =	ssyncadd.s32 $0xFFFFFF80  }
0xfd: {  	_ =	swait.ge [sflag:s22], $0x80  }
0xfe: {  	[sflag:s22] =	ssyncset.done $0x0  }
0xff: {  	s8 =	sadd.s32 $0x400, s8;
	[sflag:s22] =	ssyncadd.s32 $0xFFFFFF80  }
0x100: {  	p1 =	sne.s32 s8, $0x5000;
	_ =	swait.ge [sflag:s22], $0x80  }
.Ltmp2:
0x101: {  	[sflag:s22] =	ssyncset.done $0x0;
	(pc) =	sbr.rel @p1 .LBB2_6-.Ltmp2, $4  }
0x102: {  	[sflag:s22] =	ssyncadd.s32 $0xFFFFFF80  }
0x103: {  	_ =	swait.ge [sflag:s22], $0x80  }
0x104: {  	[sflag:s22] =	ssyncset.done $0x0  }
0x105: {  	s2 =	sadd.s32 $0x2, s2;
	[sflag:s22] =	ssyncadd.s32 $0xFFFFFF80  }
0x106: {  	s2 =	stileid.u32  }
0x107: {  	[bflag:$0x0] =	sbarrier.arrive $0xFFFF;
	s2 =	sshll.u32 s2, $0x6  }
0x108: {  	s8 =	sshrl.u32 s7, $0x3;
	s11 =	rddreg [dreg:$0x8];
	s2 =	sor.u32 $0x1C05, s2  }
0x109: {  	[hbm:s11], [sflag:s2] =	dma.local [spmem:s8], $0x2800  }
0x10a: {  	s0 =	sadd.s32 $0x1, s0;
	_ =	swait.ge [sflag:s18], $0x2800  }
0x10b: {  	p1 =	sne.s32 s0, s16;
	[sflag:s18] =	ssyncset.done $0x0  }
0x10c: {  	s2 =	simm.s32 @!p0 $0x80;
	s8 =	simm.s32 @!p0 $0x400;
	[sflag:s18] =	ssyncadd.s32 $0xFFFFD800  }
0x10d: {  	[hbm4b:s15+s2] =	stream.strided.scatter @!p0 [tilespmem:s9], [sflag:$0x5], $0x2800, s8, s2, $0x38;
	[tilespmem:$0x1EC00] =	vst v63  }
.Ltmp3:
0x10e: {  	_ = 	snop;
	(pc) =	sbr.rel @p1 .LBB2_1-.Ltmp3, $4  }
0x10f: {  	s2 =	simm.s32 @!p0 $0x5  }
0x110: {  	_ =	swait.ge @!p0 [sflag:s2], $0x2800  }
0x111: {  	[sflag:s2] =	ssyncset.done @!p0 $0x0  }
0x112: {  	[sflag:s2] =	ssyncadd.s32 @!p0 $0xFFFFD800  }
0x113: {  	_ =	sfence.sel $0x180000  }
0x114: {  	[bflag:$0x0] =	sbarrier.arrive $0xFFFF  }
0x115: {  	_ =	strace $0x9000004A  }
0x116: {  	s0 =	stileid.u32;
	[bflag:$0x2] =	sbarrier.arrive $0xFFFF  }
0x117: {  	p0 =	sne.s32 s0, $0x0;
	s0 =	rddreg [dreg:$0x2]  }
0x118: {  	s0 =	sadd.s32 @!p0 $0x100000, s0  }
0x119: {  	[sflag:s0] =	ssyncadd.tile.s32 @!p0 $0x1;
	_ =	shalt  }
.Lfunc_end2:
_tile_overlayer_lowered:
.L_overlay_start_2:
0x11a: {  	(tag) =	ssettag $0x2  }
0x11b: {  	s0 =	rddreg [dreg:$0x0];
	s2 =	stileid.u32  }
0x11c: {  	s1 =	rddreg [dreg:$0x1];
	p0 =	sne.s32 s2, $0x0  }
0x11d: {  	s3 =	rddreg [dreg:$0x2];
	[bflag:$0x3] =	sbarrier.arrive $0xFFFF;
	s2 =	simm.s32 @!p0 $0x1C05  }
0x11e: {  	[timem:s3], [sflag:s2] =	dma.local @!p0 [hbm:s0], s1  }
0x11f: {  	s0 =	simm.s32 @!p0 $0x5  }
0x120: {  	_ =	swait.ge @!p0 [sflag:s0], s1  }
0x121: {  	s1 =	ssub.s32 @!p0 $0x0, s1;
	[sflag:s0] =	ssyncset.done @!p0 $0x0  }
0x122: {  	[sflag:s0] =	ssyncadd.s32 @!p0 s1  }
0x123: {  	[bflag:$0x3] =	sbarrier.arrive $0xFFFF  }
0x124: {  	_ =	shalt  }

// kernel: kernel.17.cloned.1.call-start
scs
__scs_entry_jumppad:
0x0: {  	(pc) =	sbr.rel $0x88, $3  }
0x1: {  	(tag) =	ssettag $0x0;
	lr =	simm.s32 $0x1  }
0x2: {  	[smem:$0x3F96] =	sst lr;
	_ =	strace $0xD0000000  }
0x3: {  	_ = 	snop  }
0x4: {  	_ = 	snop  }
0x5: {  	_ = 	snop  }
0x6: {  	_ = 	snop  }
0x7: {  	_ = 	snop  }
__scs_overlays_trampoline_lowered:
0x8: {  	[smem:$0x3FA5] =	sst s0  }
0x9: {  	[smem:$0x3FA6] =	sst s1  }
0xa: {  	[smem:$0x3FA7] =	sst s2  }
0xb: {  	[smem:$0x3FA8] =	sst s3  }
0xc: {  	[smem:$0x3FA9] =	sst s4  }
0xd: {  	[smem:$0x3FAA] =	sst s5  }
0xe: {  	[smem:$0x3FAB] =	sst s6  }
0xf: {  	[smem:$0x3FAC] =	sst s7  }
0x10: {  	[smem:$0x3FAD] =	sst s8  }
0x11: {  	[smem:$0x3FAE] =	sst s9;
	s0 =	simm.s32 @!p0 $0x0  }
0x12: {  	s1 =	sld [smem:$0x3F94];
	s0 =	simm.s32 @p0 $0x1  }
0x13: {  	[smem:$0x3FAF] =	sst s0;
	s0 =	simm.s32 @!p1 $0x0  }
0x14: {  	s2 =	sld [smem:$0x3F93];
	s0 =	simm.s32 @p1 $0x1  }
0x15: {  	[smem:$0x3FB0] =	sst s0;
	s0 =	simm.s32 @!p2 $0x0  }
0x16: {  	s3 =	sld [smem:$0x3FDB];
	s0 =	simm.s32 @p2 $0x1  }
0x17: {  	s4 =	simm.s32 $0x1BF5;
	[smem:$0x3FB2] =	sst s0  }
0x18: {  	s0 =	sld [smem:$0x3F95];
	_ =	swait.ge [sflag:s4], $0x0  }
0x19: {  	s7 =	sld [smem:$0x3F96]  }
0x1a: {  	s8 =	sadd.s32 $0xFFFFE003, lr  }
0x1b: {  	s9 =	sadd.s32 $0xFFFFFEF7, lr;
	s5 =	simm.s32 $0xFFFFFFFF;
	p2 =	slt.u32 s8, $0xFFFFF086  }
0x1c: {  	p1 =	slt.u32 s9, $0xF7A;
	s5 =	simm.s32 @!p2 $0x0  }
0x1d: {  	s5 =	simm.s32 @p1 $0x1;
	p0 =	seq.s32 s7, s2  }
0x1e: {  	s7 =	smul.u32 @!p0 $0xF7A, s2;
	p2 =	seq.s32 @!p0 s5, $0x0  }
0x1f: {  	s9 =	smul.u32 $0xF7A, s1;
	s8 =	simm.s32 @!p0 $0x1BF5;
	p2 =	por !p2, p0  }
0x20: {  	[sflag:s8] =	ssyncset.s32 @!p0 $0xFFFFF086;
	s6 =	sadd.s32 @!p0 s3, s7;
	s7 =	simm.s32 @!p0 $0x108  }
0x21: {  	s3 =	sadd.s32 s3, s9;
	s6 =	sadd.s32 @!p0 $0x88, s6;
	s7 =	simm.s32 @p2 $0x1082  }
0x22: {  	[simem:s7], [sflag:s8] =	dma.local @!p0 [hbm:s6], $0xF7A  }
0x23: {  	s9 =	sor.u32 $0xD0000000, s2;
	s6 =	simm.s32 $0x108;
	_ =	swait.ge @!p0 [sflag:s8], $0x0  }
0x24: {  	s3 =	sadd.s32 $0x88, s3;
	s6 =	simm.s32 @!p1 $0x1082;
	[sflag:s4] =	ssyncset.s32 $0xFFFFF086  }
0x25: {  	[simem:s6], [sflag:s4] =	dma.local [hbm:s3], $0xF7A  }
0x26: {  	[smem:$0x3F96] =	sst s1;
	(tag) =	ssettag s2;
	_ =	strace s9  }
0x27: {  	s1 =	sld [smem:$0x3FA6]  }
0x28: {  	s2 =	sld [smem:$0x3FA7]  }
0x29: {  	s4 =	sld [smem:$0x3FA9]  }
0x2a: {  	p0 =	seq.s32 s5, $0x0;
	s5 =	sld [smem:$0x3FAA]  }
0x2b: {  	s6 =	sld [smem:$0x3FAB]  }
0x2c: {  	s7 =	sld [smem:$0x3FAC]  }
0x2d: {  	s3 =	simm.s32 $0x108;
	s8 =	sld [smem:$0x3FAD]  }
0x2e: {  	s3 =	simm.s32 @!p0 $0x1082;
	s9 =	sld [smem:$0x3FAE]  }
0x2f: {  	lr =	sadd.s32 s0, s3;
	s0 =	sld [smem:$0x3FA5]  }
0x30: {  	s3 =	sld [smem:$0x3FA8]  }
0x31: {  	[smem:$0x3FB1] =	sst s10  }
0x32: {  	s10 =	sld [smem:$0x3FAF];
	_ =	sdelay $0x3  }
0x33: {  	p0 =	seq.s32 s10, $0x1;
	s10 =	sld [smem:$0x3FB1];
	_ =	sdelay $0x3  }
0x34: {  	[smem:$0x3FB1] =	sst s10  }
0x35: {  	s10 =	sld [smem:$0x3FB0];
	_ =	sdelay $0x3  }
0x36: {  	p1 =	seq.s32 s10, $0x1;
	s10 =	sld [smem:$0x3FB1];
	_ =	sdelay $0x3  }
0x37: {  	[smem:$0x3FB1] =	sst s10  }
0x38: {  	s10 =	sld [smem:$0x3FB2]  }
0x39: {  	_ = 	snop;
	(pc) =	sbr.ind lr, $3  }
0x3a: {  	_ = 	snop  }
0x3b: {  	_ = 	snop  }
0x3c: {  	p2 =	seq.s32 s10, $0x1;
	s10 =	sld [smem:$0x3FB1]  }
0x3d: {  	_ =	shalt  }
0x3e: {  	_ =	shalt  }
0x3f: {  	_ =	shalt  }
0x40: {  	_ =	shalt  }
0x41: {  	_ =	shalt  }
0x42: {  	_ =	shalt  }
0x43: {  	_ =	shalt  }
0x44: {  	_ =	shalt  }
0x45: {  	_ =	shalt  }
0x46: {  	_ =	shalt  }
0x47: {  	_ =	shalt  }
0x48: {  	_ =	shalt  }
0x49: {  	_ =	shalt  }
0x4a: {  	_ =	shalt  }
0x4b: {  	_ =	shalt  }
0x4c: {  	_ =	shalt  }
0x4d: {  	_ =	shalt  }
0x4e: {  	_ =	shalt  }
0x4f: {  	_ =	shalt  }
0x50: {  	_ =	shalt  }
0x51: {  	_ =	shalt  }
0x52: {  	_ =	shalt  }
0x53: {  	_ =	shalt  }
0x54: {  	_ =	shalt  }
0x55: {  	_ =	shalt  }
0x56: {  	_ =	shalt  }
0x57: {  	_ =	shalt  }
0x58: {  	_ =	shalt  }
0x59: {  	_ =	shalt  }
0x5a: {  	_ =	shalt  }
0x5b: {  	_ =	shalt  }
0x5c: {  	_ =	shalt  }
0x5d: {  	_ =	shalt  }
0x5e: {  	_ =	shalt  }
0x5f: {  	_ =	shalt  }
0x60: {  	_ =	shalt  }
0x61: {  	_ =	shalt  }
0x62: {  	_ =	shalt  }
0x63: {  	_ =	shalt  }
0x64: {  	_ =	shalt  }
0x65: {  	_ =	shalt  }
0x66: {  	_ =	shalt  }
0x67: {  	_ =	shalt  }
0x68: {  	_ =	shalt  }
0x69: {  	_ =	shalt  }
0x6a: {  	_ =	shalt  }
0x6b: {  	_ =	shalt  }
0x6c: {  	_ =	shalt  }
0x6d: {  	_ =	shalt  }
0x6e: {  	_ =	shalt  }
0x6f: {  	_ =	shalt  }
0x70: {  	_ =	shalt  }
0x71: {  	_ =	shalt  }
0x72: {  	_ =	shalt  }
0x73: {  	_ =	shalt  }
0x74: {  	_ =	shalt  }
0x75: {  	_ =	shalt  }
0x76: {  	_ =	shalt  }
0x77: {  	_ =	shalt  }
0x78: {  	_ =	shalt  }
0x79: {  	_ =	shalt  }
0x7a: {  	_ =	shalt  }
0x7b: {  	_ =	shalt  }
0x7c: {  	_ =	shalt  }
0x7d: {  	_ =	shalt  }
0x7e: {  	_ =	shalt  }
0x7f: {  	_ =	shalt  }
0x80: {  	_ =	shalt  }
0x81: {  	_ =	shalt  }
0x82: {  	_ =	shalt  }
0x83: {  	_ =	shalt  }
0x84: {  	_ =	shalt  }
0x85: {  	_ =	shalt  }
0x86: {  	_ =	shalt  }
0x87: {  	_ =	shalt  }
.Lfunc_end0:
.L_simem_size_0:
called_computation.2_lowered:
.L_overlay_start_0:
0x88: {  	s2 =	sld [smem:$0x3FD9]  }
0x89: {  	s3 =	sld [smem:$0x3FFE];
	_ =	sdelay $0x1  }
0x8a: {  	s1 =	srdreg.scid  }
0x8b: {  	s0 =	sand.u32 $0x1, s1  }
0x8c: {  	s17 =	sshll.u32 s0, $0xA;
	s2 =	sadd.s32 s3, s2  }
0x8d: {  	s2 =	sadd.s32 s2, s17  }
0x8e: {  	[smem:$0x3FBD] =	sst s2  }
0x8f: {  	_ = 	snop  }
0x90: {  	s2 =	sld [smem:$0x3FD0];
	(tm) =	ssettm $0x1  }
0x91: {  	s18 =	sld [smem:$0x3FFB];
	_ =	sdelay $0x3  }
0x92: {  	_ =	strace s18  }
0x93: {  	s3 =	sld [smem:$0x3FFC];
	_ =	sdelay $0x3  }
0x94: {  	_ =	strace s3  }
0x95: {  	s3 =	sld [smem:$0x3FFD];
	_ =	sdelay $0x3  }
0x96: {  	_ =	strace s3  }
0x97: {  	_ =	strace $0x8FFFFFFF  }
0x98: {  	s19 =	sld [smem:$0x3FDB];
	_ =	sdelay $0x1  }
0x99: {  	s4 =	simm.s32 $_scs_section_size  }
0x9a: {  	s5 =	simm.s32 $_size__tile_overlayer_lowered;
	s6 =	simm.s32 $_tile_overlayer_lowered  }
0x9b: {  	s22 =	simm.s32 $0x1BFF;
	s21 =	sshll.u32 s6, $0x1;
	s3 =	sadd.s32 s4, s19  }
0x9c: {  	s7 =	simm.s32 $0x0;
	s20 =	sshll.u32 s5, $0x1;
	s5 =	sadd.s32 s21, s3  }
0x9d: {  	[timem:s7], [sflag:s22] =	dma.local [hbm:s5], s20  }
0x9e: {  	_ =	swait.ge [sflag:s22], s20  }
0x9f: {  	s4 =	ssub.s32 $0x0, s20;
	[sflag:s22] =	ssyncset.done $0x0  }
0xa0: {  	[sflag:s22] =	ssyncadd.s32 s4;
	_ =	sdelay $0x1  }
0xa1: {  	s23 =	simm.s32 $0x1B8B  }
0xa2: {  	_ =	swait.ge [sflag:s23], $0x1  }
0xa3: {  	[sflag:s23] =	ssyncset.done $0x0  }
0xa4: {  	s25 =	simm.s32 $0x1B8E;
	s24 =	sld [smem:$0x3FFE];
	[sflag:s23] =	ssyncadd.s32 $0xFFFFFFFF  }
0xa5: {  	s26 =	simm.s32 $execute0_lowered;
	[smem:$0x3FD2] =	sst s25  }
0xa6: {  	s5 =	sshll.u32 s26, $0x1;
	_ =	strace $0x8000004C;
	[dreg:$0x1] =	wrdreg $0xFFFFFFFF  }
0xa7: {  	s28 =	simm.s32 $_size_execute0_lowered;
	s3 =	sadd.s32 s3, s5;
	[dreg:$0x0] =	wrdreg $0x0  }
0xa8: {  	s5 =	sshll.u32 s28, $0x1;
	[dreg:$0x2] =	wrdreg s3  }
0xa9: {  	[dreg:$0x3] =	wrdreg s5  }
0xaa: {  	[dreg:$0x4] =	wrdreg $0xC0  }
0xab: {  	_ =	task [dreg:s7], $0x5FFFF  }
0xac: {  	[dreg:$0x1] =	wrdreg $0xFFFFFFFF  }
0xad: {  	[dreg:$0x0] =	wrdreg $0x60  }
0xae: {  	[dreg:$0x2] =	wrdreg s24  }
0xaf: {  	[dreg:$0x3] =	wrdreg s2  }
0xb0: {  	[dreg:$0x4] =	wrdreg $0xAC000  }
0xb1: {  	[dreg:$0x5] =	wrdreg $0x9  }
0xb2: {  	_ =	task.clear_ibuf [dreg:s7], $0x6FFFF;
	_ =	strace $0x9000004C  }
0xb3: {  	s29 =	simm.s32 $0x9;
	_ =	strace $0x8000004E  }
0xb4: {  	_ =	swait.ge [sflag:s29], $0x1  }
0xb5: {  	[sflag:s29] =	ssyncadd.s32 $0xFFFFFFFF  }
0xb6: {  	_ =	strace $0x9000004E  }
0xb7: {  	_ =	sfence  }
0xb8: {  	s30 =	sld [smem:$0x0];
	_ =	sdelay $0x2  }
0xb9: {  	s31 =	sshll.u32 s1, $0xD;
	s1 =	sshrl.u32 s1, $0x2  }
0xba: {  	s3 =	sand.u32 $0x4000, s31;
	s1 =	sadd.s32 s1, s30  }
0xbb: {  	s0 =	sor.u32 s3, s0;
	s1 =	sshll.u32 s1, $0x11  }
0xbc: {  	s0 =	sor.u32 s1, s0  }
0xbd: {  	s0 =	sadd.s32 $0x8F2B, s0  }
0xbe: {  	[sflag:s0] =	ssyncadd.remote.s32 $0x1  }
0xbf: {  	_ =	sfence.sel $0xFFFF  }
0xc0: {  	[dreg:$0x0] =	wrdreg $0xFFFFFFFF;
	(pc) =	sbr.abs _section_cstart, $3  }
0xc1: {  	[dreg:$0x1] =	wrdreg $0xFFFFFFFF  }
0xc2: {  	_ =	task.clear_ibuf [dreg:s7], $0x2FFFF;
	_ =	strace $0x9FFFFFFF  }
0xc3: {  	(tm) =	ssettm $0x7FFFFFFF  }
tec
execute0_lowered:
.L_overlay_start_1:
0x0: {  	(tag) =	ssettag $0x1  }
0x1: {  	s0 =	rddreg [dreg:$0x0]  }
0x2: {  	s1 =	rddreg [dreg:$0x1]  }
0x3: {  	s2 =	rddreg [dreg:$0x2]  }
0x4: {  	s3 =	srdreg.scid;
	s4 =	simm.s32 $0x0;
	s12 =	stileid.u32  }
0x5: {  	s17 =	simm.s32 $0x400;
	s18 =	simm.s32 $0x5;
	s19 =	simm.s32 $0x80  }
0x6: {  	s28 =	simm.s32 $0x4400;
	s29 =	simm.s32 $0x1;
	s30 =	simm.s32 $0x2  }
0x7: {  	s31 =	simm.s32 $0x3;
	s3 =	sand.u32 $0x1, s3;
	s6 =	smul.u32 $0x280, s12  }
0x8: {  	[smem:$0x7FF] =	sst s4;
	s5 =	sadd.s32 $0x3200, s0;
	s11 =	smul.u32 $0x50000, s12  }
0x9: {  	s7 =	sshrl.u32 s12, $0x3;
	s9 =	sshll.u32 s12, $0x7;
	s8 =	smul.u32 $0x2800, s3  }
0xa: {  	s13 =	sshll.u32 s12, $0x5;
	_ =	strace $0x8000004D;
	s7 =	smul.u32 $0x14000, s7  }
0xb: {  	s9 =	sand.u32 $0x380, s9;
	s20 =	ssub.s32 $0x2, s3;
	s15 =	sor.u32 $0x10, s13  }
0xc: {  	s12 =	sadd.s32 s1, s13;
	s16 =	sor.u32 $0x400, s13;
	p0 =	sne.s32 s3, $0x0  }
0xd: {  	s21 =	sshrl.u32 s11, $0x2;
	s22 =	sshrl.u32 s20, $0x1;
	s25 =	sadd.s32 s1, s15  }
0xe: {  	[dreg:$0x4] =	wrdreg s16;
	s6 =	sadd.s32 s6, s8;
	s7 =	sor.u32 s9, s7  }
0xf: {  	s9 =	ssub.s32 s20, s22;
	[dreg:$0x8] =	wrdreg s25;
	s20 =	simm.s32 $0x100  }
0x10: {  	s22 =	simm.s32 $0x4;
	s25 =	simm.s32 $0x300;
	s10 =	sshll.u32 s6, $0x4  }
0x11: {  	s6 =	sadd.s32 $0x67200, s0;
	s7 =	sshrl.u32 s7, $0x3;
	s16 =	smax.u32 s9, $0x1  }
0x12: {  	s14 =	sadd.s32 s10, s0;
	s0 =	sadd.s32 s7, s0;
	s7 =	sadd.s32 s21, s2  }
0x13: {  	s24 =	sadd.s32 s6, s15;
	s21 =	simm.s32 $0x180;
	s10 =	sadd.s32 $0x8000, s7  }
0x14: {  	s23 =	sadd.s32 $0x10000, s7;
	[dreg:$0x7] =	wrdreg s24;
	s26 =	sadd.s32 $0x6C200, s14  }
0x15: {  	s15 =	sadd.s32 $0x53200, s0;
	s24 =	simm.s32 $0x280;
	[dreg:$0x5] =	wrdreg s10  }
0x16: {  	s0 =	simm.s32 $0x0;
	[dreg:$0x6] =	wrdreg s23;
	s10 =	sadd.s32 s6, s13  }
0x17: {  	v1 =	vimm.f32 $0.0e+00;
	v0 =	vmov s8;
	[dreg:$0x9] =	wrdreg s26;
	s23 =	simm.s32 $0x200;
	s26 =	simm.s32 $0x380  }
.LBB2_1:
0x18: {  	s3 =	simm.s32 $0x0;
	s8 =	simm.s32 $0x200  }
.LBB2_2:
0x19: {  	p1 =	sne.s32 s8, $0x1FE00;
	[tilespmem:s3+$0x470] =	vst v1  }
0x1a: {  	[tilespmem:s3+$0x400] =	vst v1  }
0x1b: {  	[tilespmem:s3+$0x410] =	vst v1  }
.Ltmp0:
0x1c: {  	[tilespmem:s3+$0x420] =	vst v1;
	(pc) =	sbr.rel @p1 .LBB2_2-.Ltmp0, $4  }
0x1d: {  	[tilespmem:s3+$0x430] =	vst v1  }
0x1e: {  	[tilespmem:s3+$0x440] =	vst v1  }
0x1f: {  	[tilespmem:s3+$0x450] =	vst v1  }
0x20: {  	[tilespmem:s3+$0x460] =	vst v1;
	s3 =	sshra.s32 s8, $0x2;
	s8 =	sadd.s32 $0x200, s8  }
0x21: {  	[tilespmem:s3+$0x470] =	vst v1  }
0x22: {  	[tilespmem:s3+$0x400] =	vst v1  }
0x23: {  	[tilespmem:s3+$0x410] =	vst v1  }
0x24: {  	[tilespmem:s3+$0x420] =	vst v1  }
0x25: {  	[tilespmem:s3+$0x430] =	vst v1  }
0x26: {  	[tilespmem:s3+$0x440] =	vst v1  }
0x27: {  	[tilespmem:s3+$0x450] =	vst v1  }
0x28: {  	[tilespmem:s3+$0x460] =	vst v1;
	s3 =	simm.s32 $0x40;
	s8 =	simm.s32 $0x0  }
.LBB2_4:
0x29: {  	p1 =	sne.s32 s3, $0x9FC0;
	[tilespmem:s8+$0x8400] =	vst v1;
	s8 =	smov.u32 s3;
	s3 =	sadd.s32 $0x40, s3  }
.Ltmp1:
0x2a: {  	(pc) =	sbr.rel @p1 .LBB2_4-.Ltmp1, $2  }
0x2b: {  	_ =	sdelay $0x2  }
0x2c: {  	s8 =	sshra.s32 s8, $0x2  }
0x2d: {  	[tilespmem:s8+$0x8400] =	vst v1  }
0x2e: {  	[spmem:s7] =	stream.linear.scatter [tilespmem:s17], [sflag:$0x5], $0x8000, $0x38;
	[tilespmem:$0x1EC00] =	vst v63  }
0x2f: {  	_ =	swait.ge [sflag:s18], $0x8000  }
0x30: {  	[sflag:s18] =	ssyncset.done $0x0  }
0x31: {  	s3 =	rddreg [dreg:$0x5];
	[sflag:s18] =	ssyncadd.s32 $0xFFFF8000  }
0x32: {  	[spmem:s3] =	stream.linear.scatter [tilespmem:s17], [sflag:$0x5], $0x8000, $0x38;
	[tilespmem:$0x1EC00] =	vst v63  }
0x33: {  	_ =	swait.ge [sflag:s18], $0x8000  }
0x34: {  	[sflag:s18] =	ssyncset.done $0x0  }
0x35: {  	s11 =	rddreg [dreg:$0x6];
	[sflag:s18] =	ssyncadd.s32 $0xFFFF8000  }
0x36: {  	[spmem:s11] =	stream.linear.scatter [tilespmem:s17], [sflag:$0x5], $0x4000, $0x38;
	[tilespmem:$0x1EC00] =	vst v63  }
0x37: {  	_ =	swait.ge [sflag:s18], $0x4000  }
0x38: {  	[sflag:s18] =	ssyncset.done $0x0  }
0x39: {  	s3 =	simm.s32 $0x0;
	[sflag:s18] =	ssyncadd.s32 $0xFFFFC000  }
0x3a: {  	[tilespmem:s3], [sflag:$0x4] =	stream.linear.gather [hbm4b:s10+s3], $0x80, $0x38;
	[tilespmem:$0x1EC00] =	vst v63  }
0x3b: {  	s13 =	rddreg [dreg:$0x7]  }
0x3c: {  	[tilespmem:s19], [sflag:$0x4] =	stream.linear.gather [hbm4b:s13+s3], $0x80, $0x38;
	[tilespmem:$0x1EC00] =	vst v63  }
0x3d: {  	_ = 	snop  }
0x3e: {  	[tilespmem:s20], [sflag:$0x4] =	stream.linear.gather [hbm4b:s12+s3], $0x80, $0x38;
	[tilespmem:$0x1EC00] =	vst v63  }
0x3f: {  	s14 =	rddreg [dreg:$0x8]  }
0x40: {  	[tilespmem:s21], [sflag:$0x4] =	stream.linear.gather [hbm4b:s14+s3], $0x80, $0x38;
	[tilespmem:$0x1EC00] =	vst v63  }
0x41: {  	_ =	swait.ge [sflag:s22], $0x80  }
0x42: {  	[sflag:s22] =	ssyncset.done $0x0  }
0x43: {  	[sflag:s22] =	ssyncadd.s32 $0xFFFFFF80  }
0x44: {  	_ =	swait.ge [sflag:s22], $0x80  }
0x45: {  	[sflag:s22] =	ssyncset.done $0x0  }
0x46: {  	[sflag:s22] =	ssyncadd.s32 $0xFFFFFF80  }
0x47: {  	_ =	swait.ge [sflag:s22], $0x80  }
0x48: {  	[sflag:s22] =	ssyncset.done $0x0  }
0x49: {  	[sflag:s22] =	ssyncadd.s32 $0xFFFFFF80  }
0x4a: {  	_ =	swait.ge [sflag:s22], $0x80  }
0x4b: {  	[sflag:s22] =	ssyncset.done $0x0  }
0x4c: {  	[sflag:s22] =	ssyncadd.s32 $0xFFFFFF80  }
0x4d: {  	s8 =	simm.s32 $0x0;
	[bflag:$0x0] =	sbarrier.arrive $0xFFFF  }
.LBB2_6:
0x4e: {  	s9 =	sadd.s32 s8, s10  }
0x4f: {  	s11 =	sadd.s32 $0x200, s9  }
0x50: {  	[tilespmem:s23], [sflag:$0x4] =	stream.linear.gather [hbm4b:s11+s4], $0x80, $0x38;
	[tilespmem:$0x1EC00] =	vst v63  }
0x51: {  	s14 =	sadd.s32 s8, s12;
	s9 =	sadd.s32 $0x210, s9  }
0x52: {  	[tilespmem:s24], [sflag:$0x4] =	stream.linear.gather [hbm4b:s9+s4], $0x80, $0x38;
	[tilespmem:$0x1EC00] =	vst v63  }
0x53: {  	s13 =	sadd.s32 $0x200, s14  }
0x54: {  	[tilespmem:s25], [sflag:$0x4] =	stream.linear.gather [hbm4b:s13+s4], $0x80, $0x38;
	[tilespmem:$0x1EC00] =	vst v63  }
0x55: {  	s9 =	sadd.s32 $0x210, s14  }
0x56: {  	[tilespmem:s26], [sflag:$0x4] =	stream.linear.gather [hbm4b:s9+s4], $0x80, $0x38;
	[tilespmem:$0x1EC00] =	vst v63  }
0x57: {  	v2 =	vld [tilespmem:$0x0]  }
0x58: {  	v3 =	vld [tilespmem:$0x10]  }
0x59: {  	v4 =	vld [tilespmem:$0x20]  }
0x5a: {  	v5 =	vld [tilespmem:$0x30]  }
0x5b: {  	v6 =	vld [tilespmem:$0x40]  }
0x5c: {  	v7 =	vld [tilespmem:$0x50];
	v2 =	vadd.s32 v0, v2  }
0x5d: {  	[tilespmem:$0x0] =	vst v2;
	v2 =	vadd.s32 v0, v3;
	v3 =	vld [tilespmem:$0x60]  }
0x5e: {  	v42 =	vld [tilespmem:$0x70];
	[tilespmem:$0x10] =	vst v2;
	v2 =	vadd.s32 v0, v4  }
0x5f: {  	v43 =	vld [tilespmem:$0x80];
	[tilespmem:$0x20] =	vst v2;
	v2 =	vadd.s32 v0, v5  }
0x60: {  	v44 =	vld [tilespmem:$0x90];
	[tilespmem:$0x30] =	vst v2;
	v2 =	vadd.s32 v0, v6  }
0x61: {  	v45 =	vld [tilespmem:$0xA0];
	[tilespmem:$0x40] =	vst v2;
	v2 =	vadd.s32 v0, v7  }
0x62: {  	[tilespmem:$0x50] =	vst v2;
	v2 =	vadd.s32 v0, v3;
	v3 =	vld [tilespmem:$0xB0]  }
0x63: {  	v46 =	vld [tilespmem:$0xC0];
	[tilespmem:$0x60] =	vst v2;
	v2 =	vadd.s32 v0, v42  }
0x64: {  	v47 =	vld [tilespmem:$0xD0];
	[tilespmem:$0x70] =	vst v2;
	v2 =	vadd.s32 v0, v43  }
0x65: {  	v48 =	vld [tilespmem:$0xE0];
	[tilespmem:$0x80] =	vst v2;
	v2 =	vadd.s32 v0, v44  }
0x66: {  	v49 =	vld [tilespmem:$0xF0];
	[tilespmem:$0x90] =	vst v2;
	v2 =	vadd.s32 v0, v45  }
0x67: {  	[tilespmem:$0xA0] =	vst v2;
	v2 =	vadd.s32 v0, v3  }
0x68: {  	[tilespmem:$0xB0] =	vst v2;
	v2 =	vadd.s32 v0, v46  }
0x69: {  	[tilespmem:$0xC0] =	vst v2;
	v2 =	vadd.s32 v0, v47  }
0x6a: {  	[tilespmem:$0xD0] =	vst v2;
	v2 =	vadd.s32 v0, v48  }
0x6b: {  	[tilespmem:$0xE0] =	vst v2;
	v2 =	vadd.s32 v0, v49  }
0x6c: {  	[tilespmem:$0xF0] =	vst v2  }
0x6d: {  	[tilespmem:s17], [sflag:$0x1] =	stream.indirect.gather [hbm4b:s5+s19], $0x80, s4, s19, $0xb8;
	[tilespmem:$0x1EC00] =	vst v63  }
0x6e: {  	_ = 	snop  }
0x6f: {  	[tilespmem:s28], [sflag:$0x2] =	stream.indirect.gather [hbm4b:s5+s19], $0x80, s19, s19, $0xb8;
	[tilespmem:$0x1EC00] =	vst v63  }
0x70: {  	_ =	swait.ge [sflag:s29], $0x4000  }
0x71: {  	[sflag:s29] =	ssyncset.done $0x0  }
0x72: {  	[sflag:s29] =	ssyncadd.s32 $0xFFFFC000  }
0x73: {  	[spmem:s2] =	stream.indirect.scatter.add.f32 [tilespmem:s17], [sflag:$0x3], $0x80, s20, s19, $0xb8;
	[tilespmem:$0x1EC00] =	vst v63  }
0x74: {  	_ =	swait.ge [sflag:s30], $0x4000  }
0x75: {  	[sflag:s30] =	ssyncset.done $0x0  }
0x76: {  	[sflag:s30] =	ssyncadd.s32 $0xFFFFC000  }
0x77: {  	[spmem:s2] =	stream.indirect.scatter.add.f32 [tilespmem:s28], [sflag:$0x3], $0x80, s21, s19, $0xb8;
	[tilespmem:$0x1EC00] =	vst v63  }
0x78: {  	v3 =	vld @!p0 [tilespmem:$0x100];
	_ =	sdelay $0x6  }
0x79: {  	s9 =	simm.s32 @!p0 $0x8400;
	v2 =	vimm.f32 @!p0 $1.000000000e+00  }
0x7a: {  	[tilespmem:v3+s9+$0x0] =	vst.idx.add.f32.msk @!p0 $0xffff, v2  }
0x7b: {  	v3 =	vld @!p0 [tilespmem:$0x110];
	_ =	sdelay $0x7  }
0x7c: {  	[tilespmem:v3+s9+$0x0] =	vst.idx.add.f32.msk @!p0 $0xffff, v2  }
0x7d: {  	v3 =	vld @!p0 [tilespmem:$0x120];
	_ =	sdelay $0x7  }
0x7e: {  	[tilespmem:v3+s9+$0x0] =	vst.idx.add.f32.msk @!p0 $0xffff, v2  }
0x7f: {  	v3 =	vld @!p0 [tilespmem:$0x130];
	_ =	sdelay $0x7  }
0x80: {  	[tilespmem:v3+s9+$0x0] =	vst.idx.add.f32.msk @!p0 $0xffff, v2  }
0x81: {  	v3 =	vld @!p0 [tilespmem:$0x140];
	_ =	sdelay $0x7  }
0x82: {  	[tilespmem:v3+s9+$0x0] =	vst.idx.add.f32.msk @!p0 $0xffff, v2  }
0x83: {  	v3 =	vld @!p0 [tilespmem:$0x150];
	_ =	sdelay $0x7  }
0x84: {  	[tilespmem:v3+s9+$0x0] =	vst.idx.add.f32.msk @!p0 $0xffff, v2  }
0x85: {  	v3 =	vld @!p0 [tilespmem:$0x160];
	_ =	sdelay $0x7  }
0x86: {  	[tilespmem:v3+s9+$0x0] =	vst.idx.add.f32.msk @!p0 $0xffff, v2  }
0x87: {  	v3 =	vld @!p0 [tilespmem:$0x170];
	_ =	sdelay $0x7  }
0x88: {  	[tilespmem:v3+s9+$0x0] =	vst.idx.add.f32.msk @!p0 $0xffff, v2  }
0x89: {  	v3 =	vld @!p0 [tilespmem:$0x180];
	_ =	sdelay $0x7  }
0x8a: {  	[tilespmem:v3+s9+$0x0] =	vst.idx.add.f32.msk @!p0 $0xffff, v2  }
0x8b: {  	v3 =	vld @!p0 [tilespmem:$0x190];
	_ =	sdelay $0x7  }
0x8c: {  	[tilespmem:v3+s9+$0x0] =	vst.idx.add.f32.msk @!p0 $0xffff, v2  }
0x8d: {  	v3 =	vld @!p0 [tilespmem:$0x1A0];
	_ =	sdelay $0x7  }
0x8e: {  	[tilespmem:v3+s9+$0x0] =	vst.idx.add.f32.msk @!p0 $0xffff, v2  }
0x8f: {  	v3 =	vld @!p0 [tilespmem:$0x1B0];
	_ =	sdelay $0x7  }
0x90: {  	[tilespmem:v3+s9+$0x0] =	vst.idx.add.f32.msk @!p0 $0xffff, v2  }
0x91: {  	v3 =	vld @!p0 [tilespmem:$0x1C0];
	_ =	sdelay $0x7  }
0x92: {  	[tilespmem:v3+s9+$0x0] =	vst.idx.add.f32.msk @!p0 $0xffff, v2  }
0x93: {  	v3 =	vld @!p0 [tilespmem:$0x1D0];
	_ =	sdelay $0x7  }
0x94: {  	[tilespmem:v3+s9+$0x0] =	vst.idx.add.f32.msk @!p0 $0xffff, v2  }
0x95: {  	v3 =	vld @!p0 [tilespmem:$0x1E0];
	_ =	sdelay $0x7  }
0x96: {  	[tilespmem:v3+s9+$0x0] =	vst.idx.add.f32.msk @!p0 $0xffff, v2  }
0x97: {  	v3 =	vld @!p0 [tilespmem:$0x1F0];
	_ =	sdelay $0x7  }
0x98: {  	[tilespmem:v3+s9+$0x0] =	vst.idx.add.f32.msk @!p0 $0xffff, v2  }
0x99: {  	_ =	swait.ge [sflag:s31], $0x4000  }
0x9a: {  	[sflag:s31] =	ssyncset.done $0x0  }
0x9b: {  	[sflag:s31] =	ssyncadd.s32 $0xFFFFC000  }
0x9c: {  	_ =	swait.ge [sflag:s31], $0x4000  }
0x9d: {  	[sflag:s31] =	ssyncset.done $0x0  }
0x9e: {  	[sflag:s31] =	ssyncadd.s32 $0xFFFFC000  }
0x9f: {  	_ =	swait.ge [sflag:s22], $0x80  }
0xa0: {  	[sflag:s22] =	ssyncset.done $0x0  }
0xa1: {  	[sflag:s22] =	ssyncadd.s32 $0xFFFFFF80  }
0xa2: {  	_ =	swait.ge [sflag:s22], $0x80  }
0xa3: {  	[sflag:s22] =	ssyncset.done $0x0  }
0xa4: {  	[sflag:s22] =	ssyncadd.s32 $0xFFFFFF80  }
0xa5: {  	_ =	swait.ge [sflag:s22], $0x80  }
0xa6: {  	[sflag:s22] =	ssyncset.done $0x0  }
0xa7: {  	[sflag:s22] =	ssyncadd.s32 $0xFFFFFF80  }
0xa8: {  	s13 =	smin.u32 s3, $0x25;
	_ =	swait.ge [sflag:s22], $0x80  }
0xa9: {  	s13 =	sshll.u32 s13, $0x9;
	s14 =	rddreg [dreg:$0x4]  }
0xaa: {  	[sflag:s22] =	ssyncset.done $0x0;
	s11 =	sadd.s32 s14, s13  }
0xab: {  	[sflag:s22] =	ssyncadd.s32 $0xFFFFFF80;
	s13 =	sadd.s32 s6, s11  }
0xac: {  	[tilespmem:s4], [sflag:$0x4] =	stream.linear.gather [hbm4b:s13+s4], $0x80, $0x38;
	[tilespmem:$0x1EC00] =	vst v63  }
0xad: {  	s13 =	sor.u32 $0x10, s11  }
0xae: {  	s14 =	sadd.s32 s6, s13  }
0xaf: {  	[tilespmem:s19], [sflag:$0x4] =	stream.linear.gather [hbm4b:s14+s4], $0x80, $0x38;
	[tilespmem:$0x1EC00] =	vst v63  }
0xb0: {  	s11 =	sadd.s32 s1, s11  }
0xb1: {  	[tilespmem:s20], [sflag:$0x4] =	stream.linear.gather [hbm4b:s11+s4], $0x80, $0x38;
	[tilespmem:$0x1EC00] =	vst v63  }
0xb2: {  	s14 =	sadd.s32 s1, s13  }
0xb3: {  	[tilespmem:s21], [sflag:$0x4] =	stream.linear.gather [hbm4b:s14+s4], $0x80, $0x38;
	[tilespmem:$0x1EC00] =	vst v63  }
0xb4: {  	v3 =	vld [tilespmem:$0x200]  }
0xb5: {  	v50 =	vld [tilespmem:$0x210]  }
0xb6: {  	v51 =	vld [tilespmem:$0x220]  }
0xb7: {  	v52 =	vld [tilespmem:$0x230]  }
0xb8: {  	v53 =	vld [tilespmem:$0x240]  }
0xb9: {  	v8 =	vld [tilespmem:$0x250];
	v3 =	vadd.s32 v0, v3  }
0xba: {  	v54 =	vld [tilespmem:$0x260];
	[tilespmem:$0x200] =	vst v3;
	v3 =	vadd.s32 v0, v50  }
0xbb: {  	v55 =	vld [tilespmem:$0x270];
	[tilespmem:$0x210] =	vst v3;
	v3 =	vadd.s32 v0, v51  }
0xbc: {  	v56 =	vld [tilespmem:$0x280];
	[tilespmem:$0x220] =	vst v3;
	v3 =	vadd.s32 v0, v52  }
0xbd: {  	v57 =	vld [tilespmem:$0x290];
	[tilespmem:$0x230] =	vst v3;
	v3 =	vadd.s32 v0, v53  }
0xbe: {  	v58 =	vld [tilespmem:$0x2A0];
	[tilespmem:$0x240] =	vst v3;
	v3 =	vadd.s32 v0, v8  }
0xbf: {  	v59 =	vld [tilespmem:$0x2B0];
	[tilespmem:$0x250] =	vst v3;
	v3 =	vadd.s32 v0, v54  }
0xc0: {  	v60 =	vld [tilespmem:$0x2C0];
	[tilespmem:$0x260] =	vst v3;
	v3 =	vadd.s32 v0, v55  }
0xc1: {  	v61 =	vld [tilespmem:$0x2D0];
	[tilespmem:$0x270] =	vst v3;
	v3 =	vadd.s32 v0, v56  }
0xc2: {  	v62 =	vld [tilespmem:$0x2E0];
	[tilespmem:$0x280] =	vst v3;
	v3 =	vadd.s32 v0, v57  }
0xc3: {  	v63 =	vld [tilespmem:$0x2F0];
	[tilespmem:$0x290] =	vst v3;
	v3 =	vadd.s32 v0, v58  }
0xc4: {  	[tilespmem:$0x2A0] =	vst v3;
	v3 =	vadd.s32 v0, v59  }
0xc5: {  	[tilespmem:$0x2B0] =	vst v3;
	v3 =	vadd.s32 v0, v60  }
0xc6: {  	[tilespmem:$0x2C0] =	vst v3;
	v3 =	vadd.s32 v0, v61  }
0xc7: {  	[tilespmem:$0x2D0] =	vst v3;
	v3 =	vadd.s32 v0, v62  }
0xc8: {  	[tilespmem:$0x2E0] =	vst v3;
	v3 =	vadd.s32 v0, v63  }
0xc9: {  	[tilespmem:$0x2F0] =	vst v3  }
0xca: {  	[tilespmem:s17], [sflag:$0x1] =	stream.indirect.gather [hbm4b:s5+s19], $0x80, s23, s19, $0xb8;
	[tilespmem:$0x1EC00] =	vst v63  }
0xcb: {  	_ = 	snop  }
0xcc: {  	[tilespmem:s28], [sflag:$0x2] =	stream.indirect.gather [hbm4b:s5+s19], $0x80, s24, s19, $0xb8;
	[tilespmem:$0x1EC00] =	vst v63  }
0xcd: {  	_ =	swait.ge [sflag:s29], $0x4000  }
0xce: {  	[sflag:s29] =	ssyncset.done $0x0  }
0xcf: {  	[sflag:s29] =	ssyncadd.s32 $0xFFFFC000  }
0xd0: {  	[spmem:s2] =	stream.indirect.scatter.add.f32 [tilespmem:s17], [sflag:$0x3], $0x80, s25, s19, $0xb8;
	[tilespmem:$0x1EC00] =	vst v63  }
0xd1: {  	_ =	swait.ge [sflag:s30], $0x4000  }
0xd2: {  	[sflag:s30] =	ssyncset.done $0x0  }
0xd3: {  	[sflag:s30] =	ssyncadd.s32 $0xFFFFC000  }
0xd4: {  	[spmem:s2] =	stream.indirect.scatter.add.f32 [tilespmem:s28], [sflag:$0x3], $0x80, s26, s19, $0xb8;
	[tilespmem:$0x1EC00] =	vst v63  }
0xd5: {  	v3 =	vld @!p0 [tilespmem:$0x300];
	_ =	sdelay $0x7  }
0xd6: {  	[tilespmem:v3+s9+$0x0] =	vst.idx.add.f32.msk @!p0 $0xffff, v2  }
0xd7: {  	v3 =	vld @!p0 [tilespmem:$0x310];
	_ =	sdelay $0x7  }
0xd8: {  	[tilespmem:v3+s9+$0x0] =	vst.idx.add.f32.msk @!p0 $0xffff, v2  }
0xd9: {  	v3 =	vld @!p0 [tilespmem:$0x320];
	_ =	sdelay $0x7  }
0xda: {  	[tilespmem:v3+s9+$0x0] =	vst.idx.add.f32.msk @!p0 $0xffff, v2  }
0xdb: {  	v3 =	vld @!p0 [tilespmem:$0x330];
	_ =	sdelay $0x7  }
0xdc: {  	[tilespmem:v3+s9+$0x0] =	vst.idx.add.f32.msk @!p0 $0xffff, v2  }
0xdd: {  	v3 =	vld @!p0 [tilespmem:$0x340];
	_ =	sdelay $0x7  }
0xde: {  	[tilespmem:v3+s9+$0x0] =	vst.idx.add.f32.msk @!p0 $0xffff, v2  }
0xdf: {  	v3 =	vld @!p0 [tilespmem:$0x350];
	_ =	sdelay $0x7  }
0xe0: {  	[tilespmem:v3+s9+$0x0] =	vst.idx.add.f32.msk @!p0 $0xffff, v2  }
0xe1: {  	v3 =	vld @!p0 [tilespmem:$0x360];
	_ =	sdelay $0x7  }
0xe2: {  	[tilespmem:v3+s9+$0x0] =	vst.idx.add.f32.msk @!p0 $0xffff, v2  }
0xe3: {  	v3 =	vld @!p0 [tilespmem:$0x370];
	_ =	sdelay $0x7  }
0xe4: {  	[tilespmem:v3+s9+$0x0] =	vst.idx.add.f32.msk @!p0 $0xffff, v2  }
0xe5: {  	v3 =	vld @!p0 [tilespmem:$0x380];
	_ =	sdelay $0x7  }
0xe6: {  	[tilespmem:v3+s9+$0x0] =	vst.idx.add.f32.msk @!p0 $0xffff, v2  }
0xe7: {  	v3 =	vld @!p0 [tilespmem:$0x390];
	_ =	sdelay $0x7  }
0xe8: {  	[tilespmem:v3+s9+$0x0] =	vst.idx.add.f32.msk @!p0 $0xffff, v2  }
0xe9: {  	v3 =	vld @!p0 [tilespmem:$0x3A0];
	_ =	sdelay $0x7  }
0xea: {  	[tilespmem:v3+s9+$0x0] =	vst.idx.add.f32.msk @!p0 $0xffff, v2  }
0xeb: {  	v3 =	vld @!p0 [tilespmem:$0x3B0];
	_ =	sdelay $0x7  }
0xec: {  	[tilespmem:v3+s9+$0x0] =	vst.idx.add.f32.msk @!p0 $0xffff, v2  }
0xed: {  	v3 =	vld @!p0 [tilespmem:$0x3C0];
	_ =	sdelay $0x7  }
0xee: {  	[tilespmem:v3+s9+$0x0] =	vst.idx.add.f32.msk @!p0 $0xffff, v2  }
0xef: {  	v3 =	vld @!p0 [tilespmem:$0x3D0];
	_ =	sdelay $0x7  }
0xf0: {  	[tilespmem:v3+s9+$0x0] =	vst.idx.add.f32.msk @!p0 $0xffff, v2  }
0xf1: {  	v3 =	vld @!p0 [tilespmem:$0x3E0];
	_ =	sdelay $0x7  }
0xf2: {  	[tilespmem:v3+s9+$0x0] =	vst.idx.add.f32.msk @!p0 $0xffff, v2  }
0xf3: {  	v3 =	vld @!p0 [tilespmem:$0x3F0];
	_ =	sdelay $0x7  }
0xf4: {  	[tilespmem:v3+s9+$0x0] =	vst.idx.add.f32.msk @!p0 $0xffff, v2  }
0xf5: {  	_ =	swait.ge [sflag:s31], $0x4000  }
0xf6: {  	[sflag:s31] =	ssyncset.done $0x0  }
0xf7: {  	[sflag:s31] =	ssyncadd.s32 $0xFFFFC000  }
0xf8: {  	_ =	swait.ge [sflag:s31], $0x4000  }
0xf9: {  	[sflag:s31] =	ssyncset.done $0x0  }
0xfa: {  	[sflag:s31] =	ssyncadd.s32 $0xFFFFC000  }
0xfb: {  	_ =	swait.ge [sflag:s22], $0x80  }
0xfc: {  	[sflag:s22] =	ssyncset.done $0x0  }
0xfd: {  	[sflag:s22] =	ssyncadd.s32 $0xFFFFFF80  }
0xfe: {  	_ =	swait.ge [sflag:s22], $0x80  }
0xff: {  	[sflag:s22] =	ssyncset.done $0x0  }
0x100: {  	s8 =	sadd.s32 $0x400, s8;
	[sflag:s22] =	ssyncadd.s32 $0xFFFFFF80  }
0x101: {  	p1 =	sne.s32 s8, $0x5000;
	_ =	swait.ge [sflag:s22], $0x80  }
.Ltmp2:
0x102: {  	[sflag:s22] =	ssyncset.done $0x0;
	(pc) =	sbr.rel @p1 .LBB2_6-.Ltmp2, $4  }
0x103: {  	[sflag:s22] =	ssyncadd.s32 $0xFFFFFF80  }
0x104: {  	_ =	swait.ge [sflag:s22], $0x80  }
0x105: {  	[sflag:s22] =	ssyncset.done $0x0  }
0x106: {  	s3 =	sadd.s32 $0x2, s3;
	[sflag:s22] =	ssyncadd.s32 $0xFFFFFF80  }
0x107: {  	s3 =	stileid.u32  }
0x108: {  	[bflag:$0x0] =	sbarrier.arrive $0xFFFF;
	s3 =	sshll.u32 s3, $0x6  }
0x109: {  	s8 =	sshrl.u32 s7, $0x3;
	s11 =	rddreg [dreg:$0x9];
	s3 =	sor.u32 $0x1C05, s3  }
0x10a: {  	[hbm:s11], [sflag:s3] =	dma.local [spmem:s8], $0x2800  }
0x10b: {  	s0 =	sadd.s32 $0x1, s0;
	_ =	swait.ge [sflag:s18], $0x2800  }
0x10c: {  	p1 =	sne.s32 s0, s16;
	[sflag:s18] =	ssyncset.done $0x0  }
0x10d: {  	s3 =	simm.s32 @!p0 $0x80;
	s8 =	simm.s32 @!p0 $0x400;
	[sflag:s18] =	ssyncadd.s32 $0xFFFFD800  }
0x10e: {  	[hbm4b:s15+s3] =	stream.strided.scatter @!p0 [tilespmem:s9], [sflag:$0x5], $0x2800, s8, s3, $0x38;
	[tilespmem:$0x1EC00] =	vst v63  }
.Ltmp3:
0x10f: {  	_ = 	snop;
	(pc) =	sbr.rel @p1 .LBB2_1-.Ltmp3, $4  }
0x110: {  	s3 =	simm.s32 @!p0 $0x5  }
0x111: {  	_ =	swait.ge @!p0 [sflag:s3], $0x2800  }
0x112: {  	[sflag:s3] =	ssyncset.done @!p0 $0x0  }
0x113: {  	[sflag:s3] =	ssyncadd.s32 @!p0 $0xFFFFD800  }
0x114: {  	_ =	sfence.sel $0x180000  }
0x115: {  	[bflag:$0x0] =	sbarrier.arrive $0xFFFF  }
0x116: {  	_ =	strace $0x9000004D  }
0x117: {  	s0 =	stileid.u32;
	[bflag:$0x2] =	sbarrier.arrive $0xFFFF  }
0x118: {  	p0 =	sne.s32 s0, $0x0;
	s0 =	rddreg [dreg:$0x3]  }
0x119: {  	s0 =	sadd.s32 @!p0 $0x100000, s0  }
0x11a: {  	[sflag:s0] =	ssyncadd.tile.s32 @!p0 $0x1;
	_ =	shalt  }
.Lfunc_end2:
_tile_overlayer_lowered:
.L_overlay_start_2:
0x11b: {  	(tag) =	ssettag $0x2  }
0x11c: {  	s0 =	rddreg [dreg:$0x0];
	s2 =	stileid.u32  }
0x11d: {  	s1 =	rddreg [dreg:$0x1];
	p0 =	sne.s32 s2, $0x0  }
0x11e: {  	s3 =	rddreg [dreg:$0x2];
	[bflag:$0x3] =	sbarrier.arrive $0xFFFF;
	s2 =	simm.s32 @!p0 $0x1C05  }
0x11f: {  	[timem:s3], [sflag:s2] =	dma.local @!p0 [hbm:s0], s1  }
0x120: {  	s0 =	simm.s32 @!p0 $0x5  }
0x121: {  	_ =	swait.ge @!p0 [sflag:s0], s1  }
0x122: {  	s1 =	ssub.s32 @!p0 $0x0, s1;
	[sflag:s0] =	ssyncset.done @!p0 $0x0  }
0x123: {  	[sflag:s0] =	ssyncadd.s32 @!p0 s1  }
0x124: {  	[bflag:$0x3] =	sbarrier.arrive $0xFFFF  }
0x125: {  	_ =	shalt  }

</sc_bundles>
